<compile_context>
chip_gen: v7x
topology: tpu7x:2x2x1
jax: 0.10.2.dev20260603
libtpu: 0.0.44.dev20260713+nightly
codegen_flags: <defaults>
</compile_context>

<pallas_src>
import functools

import numpy as np
import jax
import jax.numpy as jnp
from jax import lax
from jax.experimental import pallas as pl
from jax.experimental.pallas import tpu as pltpu
from jax.experimental.pallas import tpu_sc as plsc

NUM_LEVELS = 12
TABLE_SIZE = 1 << 17
BOUND = 0.15
BASE_RES = 64
DESIRED_RES = 384 * 0.15
N_PTS = 500000
SEQ_LEN = 8

_scale = 2.0 ** (np.log2(DESIRED_RES / BASE_RES) / (NUM_LEVELS - 1))
RES = [int(np.ceil(BASE_RES * _scale ** l)) for l in range(NUM_LEVELS)]
OFF = np.cumsum([0] + [r * r for r in RES]).astype(np.int64)
E = int(OFF[-1])

CHUNK = 128
WAVE = 16
NCHUNKS = -(-E // CHUNK)
NWAVES = NCHUNKS // WAVE
WAVE_REM = NCHUNKS - NWAVES * WAVE
E_PAD = NCHUNKS * CHUNK

BATCH = 2048
N_PAD = 512000
NTILES_PER_PLANE = 10
NACTIVE = 3 * NTILES_PER_PLANE
CHUNK_PTS = N_PAD // NTILES_PER_PLANE
NBATCH = CHUNK_PTS // BATCH
NGRP = BATCH // 16
NBLK = N_PAD // BATCH
BLKW = 36 * BATCH


def _build_gidx():
    base = np.zeros((E_PAD,), np.int64)
    for l, r in enumerate(RES):
        ys, xs = np.meshgrid(np.arange(r, dtype=np.uint32),
                             np.arange(r, dtype=np.uint32), indexing='ij')
        h = (xs ^ (ys * np.uint32(2654435761))) & np.uint32(TABLE_SIZE - 1)
        base[OFF[l]:OFF[l + 1]] = (l * TABLE_SIZE + h.astype(np.int64)).reshape(-1)
    return np.concatenate([(base + p * NUM_LEVELS * TABLE_SIZE).astype(np.int32)
                           for p in range(3)])


_GIDX3 = _build_gidx()



def _sc_encode_body(tbl_hbm, cAB_hbm, gidx_hbm, out_hbm,
                    gidx_v, ctab_v, cab_v, stage_v, sem, sem_in, sem_out):
    c = lax.axis_index("c")
    s = lax.axis_index("s")
    wid = s * 2 + c

    @pl.when(wid < NACTIVE)
    def _():
        p = wid // NTILES_PER_PLANE
        base = (wid % NTILES_PER_PLANE) * CHUNK_PTS
        pstart = p * N_PAD + base
        inv2b = float(2.0 * BOUND)

        def fire_in(ib, slot):
            off = pstart + ib * BATCH
            pltpu.async_copy(cAB_hbm.at[pl.ds(off, BATCH)],
                             cab_v.at[slot, 0], sem_in)
            pltpu.async_copy(cAB_hbm.at[pl.ds(3 * N_PAD + off, BATCH)],
                             cab_v.at[slot, 1], sem_in)

        def drain_in():
            for _i in range(2):
                pltpu.make_async_copy(cAB_hbm.at[pl.ds(0, BATCH)],
                                      cab_v.at[0, 0], sem_in).wait()

        fire_in(0, 0)

        pltpu.sync_copy(gidx_hbm.at[pl.ds(p * E_PAD, E_PAD)], gidx_v)

        def fire_wave(wv, carry):
            def fire(j, carry2):
                k = wv * WAVE + j
                pltpu.async_copy(
                    tbl_hbm.at[gidx_v.at[pl.ds(k * CHUNK, CHUNK)]],
                    ctab_v.at[pl.ds(k * CHUNK, CHUNK)], sem)
                return carry2
            lax.fori_loop(0, WAVE, fire, 0)
            return carry

        def drain_wave():
            pltpu.make_async_copy(
                tbl_hbm.at[pl.ds(0, WAVE * CHUNK)],
                ctab_v.at[pl.ds(0, WAVE * CHUNK)], sem).wait()

        fire_wave(0, 0)

        def wave_body(wv, carry):
            fire_wave(wv + 1, 0)
            drain_wave()
            return carry
        lax.fori_loop(0, NWAVES - 1, wave_body, 0)
        for k in range(NWAVES * WAVE, NCHUNKS):
            pltpu.async_copy(
                tbl_hbm.at[gidx_v.at[pl.ds(k * CHUNK, CHUNK)]],
                ctab_v.at[pl.ds(k * CHUNK, CHUNK)], sem)
        drain_wave()
        for k in range(NWAVES * WAVE, NCHUNKS):
            pltpu.make_async_copy(
                tbl_hbm.at[pl.ds(0, CHUNK)],
                ctab_v.at[pl.ds(0, CHUNK)], sem).wait()

        def batch_body(ib, carry):
            slot = lax.rem(ib, 2)

            @pl.when(ib + 1 < NBATCH)
            def _():
                fire_in(ib + 1, lax.rem(ib + 1, 2))

            drain_in()

            @pl.when(ib > 0)
            def _():
                pltpu.make_async_copy(tbl_hbm.at[pl.ds(0, NUM_LEVELS * BATCH)],
                                      stage_v, sem_out).wait()

            @plsc.parallel_loop(0, NGRP, 1, unroll=8)
            def grp(i):
                ar = cab_v[slot, 0, pl.ds(i * 16, 16)]
                br = cab_v[slot, 1, pl.ds(i * 16, 16)]
                ua = jnp.clip((ar + BOUND) / inv2b, 0.0, 1.0)
                ub = jnp.clip((br + BOUND) / inv2b, 0.0, 1.0)
                for l in range(NUM_LEVELS):
                    r = RES[l]
                    posa = ua * np.float32(r - 1)
                    posb = ub * np.float32(r - 1)
                    p0a = jnp.clip(posa.astype(jnp.int32), 0, r - 2)
                    p0b = jnp.clip(posb.astype(jnp.int32), 0, r - 2)
                    fa = posa - p0a.astype(jnp.float32)
                    fb = posb - p0b.astype(jnp.float32)
                    b00 = p0b * r + p0a + int(OFF[l])
                    t00 = plsc.load_gather(ctab_v, [b00])
                    t01 = plsc.load_gather(ctab_v, [b00 + r])
                    t10 = plsc.load_gather(ctab_v, [b00 + 1])
                    t11 = plsc.load_gather(ctab_v, [b00 + (r + 1)])
                    wa1 = 1.0 - fa
                    wb1 = 1.0 - fb
                    acc = (wa1 * wb1) * t00 + (wa1 * fb) * t01 \
                        + (fa * wb1) * t10 + (fa * fb) * t11
                    stage_v[pl.ds(l * BATCH + i * 16, 16)] = acc

            obase = ((base // BATCH + ib) * 36 + p * NUM_LEVELS) * BATCH
            pltpu.async_copy(stage_v, out_hbm.at[pl.ds(obase, NUM_LEVELS * BATCH)],
                             sem_out)
            return carry
        lax.fori_loop(0, NBATCH, batch_body, 0)
        pltpu.make_async_copy(tbl_hbm.at[pl.ds(0, NUM_LEVELS * BATCH)],
                              stage_v, sem_out).wait()


_sc_encode = functools.partial(
    pl.kernel,
    out_type=jax.ShapeDtypeStruct((36 * N_PAD,), jnp.float32),
    mesh=plsc.VectorSubcoreMesh(core_axis_name="c", subcore_axis_name="s"),
    scratch_types=[
        pltpu.VMEM((E_PAD,), jnp.int32),
        pltpu.VMEM((E_PAD,), jnp.float32),
        pltpu.VMEM((2, 2, BATCH), jnp.float32),
        pltpu.VMEM((NUM_LEVELS * BATCH,), jnp.float32),
        pltpu.SemaphoreType.DMA,
        pltpu.SemaphoreType.DMA,
        pltpu.SemaphoreType.DMA,
    ],
    compiler_params=pltpu.CompilerParams(needs_layout_passes=False,
                                         use_tc_tiling_on_sc=False),
)(_sc_encode_body)



def _leaky(v):
    return jnp.where(v >= 0, v, 0.02 * v)


def _audio_body(a2, aW1T, ab1, aW2T, ab2, aW3T, ab3,
                w10, w11, w12, b1r, w20, w21, w22, b2r,
                w30, w31, w32, b3r, w40, w41, w42, b4r,
                w50, w51, w52, b5r, attW, attb,
                o_enca):
    dot = functools.partial(jnp.dot, preferred_element_type=jnp.float32)
    hdot = functools.partial(jnp.dot, preferred_element_type=jnp.float32,
                             precision=lax.Precision.HIGHEST)
    e = _leaky(dot(a2[...], aW1T[...]) + ab1[...])
    e = _leaky(dot(e, aW2T[...]) + ab2[...])
    e3 = dot(e, aW3T[...]) + ab3[...]
    y = e3
    for w0, w1, w2, br in ((w10, w11, w12, b1r), (w20, w21, w22, b2r),
                           (w30, w31, w32, b3r), (w40, w41, w42, b4r),
                           (w50, w51, w52, b5r)):
        z = jnp.zeros((1, y.shape[1]), jnp.float32)
        yp = jnp.concatenate([z, y, z], axis=0)
        y = _leaky(dot(yp[0:8], w0[...]) + dot(yp[1:9], w1[...])
                   + dot(yp[2:10], w2[...]) + br[...])
    lg = hdot(attW[...], y) + attb[...]
    ew = jnp.exp(lg - jnp.max(lg))
    wat = ew / jnp.sum(ew)
    o_enca[...] = jnp.sum(wat * e3, axis=0, keepdims=True)


_audio_call = pl.pallas_call(
    _audio_body,
    out_shape=jax.ShapeDtypeStruct((1, 32), jnp.float32),
)



NSUB = 5
BN = NSUB * BATCH
NBLK_MLP = N_PAD // BN


def _mlp_body(enc, S1f, S2, S3, Sc1f, Sc2, Sc3, enca, mvc, o_xyz, o_rot):
    dot = functools.partial(jnp.dot, preferred_element_type=jnp.float32)
    e5 = enc[...].reshape(NSUB, 36, BATCH)
    eb = jnp.concatenate([e5[k] for k in range(NSUB)], axis=1)
    ew = jnp.broadcast_to(enca[...], (32, BN))
    mv = jnp.broadcast_to(mvc[...], (3, BN))
    h_in = jnp.concatenate([eb, ew, mv], axis=0)
    h = jnp.maximum(dot(S1f[...], h_in), 0.0)
    h = jnp.maximum(dot(S2[...], h), 0.0)
    h = dot(S3[...], h)
    g_in = jnp.concatenate([eb, mv], axis=0)
    g = jnp.maximum(dot(Sc1f[...], g_in), 0.0)
    g = jnp.maximum(dot(Sc2[...], g), 0.0)
    g = dot(Sc3[...], g)
    sg = 1.0 / (1.0 + jnp.exp(-g))
    hx = jnp.concatenate([h[0:1] * 0.002, h[1:2] * 0.01, h[2:3] * 0.002], axis=0)
    o_xyz[...] = hx * (sg * 2.0)
    o_rot[...] = h[3:]


def _full(shape):
    return pl.BlockSpec(shape, lambda i: (0, 0))


_mlp_call = pl.pallas_call(
    _mlp_body,
    grid=(NBLK_MLP,),
    in_specs=[
        pl.BlockSpec((NSUB * BLKW,), lambda i: (i,)),
        _full((32, 71)), _full((32, 32)), _full((7, 32)),
        _full((16, 39)), _full((16, 16)), _full((1, 16)),
        _full((32, 1)), _full((3, 1)),
    ],
    out_specs=(pl.BlockSpec((3, BN), lambda i: (0, i)),
               pl.BlockSpec((4, BN), lambda i: (0, i))),
    out_shape=(jax.ShapeDtypeStruct((3, N_PAD), jnp.float32),
               jax.ShapeDtypeStruct((4, N_PAD), jnp.float32)),
)


def kernel(x, a, move, table_xy, table_yz, table_xz, aW1, ab1, aW2, ab2, aW3, ab3,
           c1w, c1b, c2w, c2b, c3w, c3b, c4w, c4b, c5w, c5b, attW, attb,
           S1, S2, S3, Sc1, Sc2, Sc3):
    tbl = jnp.concatenate([table_xy.reshape(-1), table_yz.reshape(-1),
                           table_xz.reshape(-1)])
    z = jnp.zeros((N_PAD - N_PTS,), jnp.float32)
    cAB = jnp.concatenate([x[:, 0], z, x[:, 1], z, x[:, 0], z,
                           x[:, 1], z, x[:, 2], z, x[:, 2], z])
    enc = _sc_encode(tbl, cAB, jnp.asarray(_GIDX3))

    a2 = a.reshape(SEQ_LEN, 512)
    row = lambda v: v.reshape(1, -1)
    conv_args = []
    for w, b in ((c1w, c1b), (c2w, c2b), (c3w, c3b), (c4w, c4b), (c5w, c5b)):
        conv_args += [w[:, :, 0].T, w[:, :, 1].T, w[:, :, 2].T, row(b)]
    enca = _audio_call(a2, aW1.T, row(ab1), aW2.T, row(ab2), aW3.T, row(ab3),
                       *conv_args, attW, attb.reshape(-1, 1))

    o_xyzT, o_rotT = _mlp_call(enc, S1, S2, S3, Sc1, Sc2, Sc3,
                               enca.reshape(32, 1), move.reshape(3, 1))
    return o_xyzT[:, :N_PTS].T, o_rotT[:, :N_PTS].T

# --- scband reference (transcript-rebuilt; emitter-appended) ---
"""Pipeline reference for scband-mouth-motion-network-44375602103169 (READ-ONLY COPY).

The authoritative reference and input builder live on the scoring server;
editing this copy changes nothing except your own understanding.
"""

import jax, jax.numpy as jnp
import numpy as np

NUM_LEVELS = 12
TABLE_SIZE = 1 << 17
BOUND = 0.15
BASE_RES = 64
DESIRED_RES = 384 * 0.15
N_PTS = 500000
SEQ_LEN = 8


def setup_inputs(seed: int = 0):
    key = jax.random.key(seed)
    ks = jax.random.split(key, 40)

    def lin(k, o, i):
        return jax.random.normal(k, (o, i), jnp.float32) / np.sqrt(i)

    def vec(k, o):
        return jax.random.normal(k, (o,), jnp.float32) * 0.01

    def conv(k, o, i):
        return jax.random.normal(k, (o, i, 3), jnp.float32) / np.sqrt(i * 3)

    inp = {}
    inp['x'] = (jax.random.uniform(ks[0], (N_PTS, 3), jnp.float32) * 2.0 - 1.0) * BOUND
    inp['a'] = jax.random.normal(ks[1], (SEQ_LEN, 1, 512), jnp.float32)
    inp['move'] = jax.random.normal(ks[2], (1, 3), jnp.float32)
    inp['table_xy'] = jax.random.normal(ks[3], (NUM_LEVELS, TABLE_SIZE, 1), jnp.float32) * 0.01
    inp['table_yz'] = jax.random.normal(ks[4], (NUM_LEVELS, TABLE_SIZE, 1), jnp.float32) * 0.01
    inp['table_xz'] = jax.random.normal(ks[5], (NUM_LEVELS, TABLE_SIZE, 1), jnp.float32) * 0.01
    inp['aW1'] = lin(ks[6], 256, 512); inp['ab1'] = vec(ks[7], 256)
    inp['aW2'] = lin(ks[8], 128, 256); inp['ab2'] = vec(ks[9], 128)
    inp['aW3'] = lin(ks[10], 32, 128); inp['ab3'] = vec(ks[11], 32)
    inp['c1w'] = conv(ks[12], 16, 32); inp['c1b'] = vec(ks[13], 16)
    inp['c2w'] = conv(ks[14], 8, 16); inp['c2b'] = vec(ks[15], 8)
    inp['c3w'] = conv(ks[16], 4, 8); inp['c3b'] = vec(ks[17], 4)
    inp['c4w'] = conv(ks[18], 2, 4); inp['c4b'] = vec(ks[19], 2)
    inp['c5w'] = conv(ks[20], 1, 2); inp['c5b'] = vec(ks[21], 1)
    inp['attW'] = lin(ks[22], 8, 8); inp['attb'] = vec(ks[23], 8)
    inp['S1'] = lin(ks[24], 32, 71); inp['S2'] = lin(ks[25], 32, 32); inp['S3'] = lin(ks[26], 7, 32)
    inp['Sc1'] = lin(ks[27], 16, 39); inp['Sc2'] = lin(ks[28], 16, 16); inp['Sc3'] = lin(ks[29], 1, 16)
    return inp


def _hash2(xi, yi):
    h = xi.astype(jnp.uint32) ^ (yi.astype(jnp.uint32) * jnp.uint32(2654435761))
    return (h & jnp.uint32(TABLE_SIZE - 1)).astype(jnp.int32)


def _grid_encode(x2, table):
    u = jnp.clip((x2 + BOUND) / (2.0 * BOUND), 0.0, 1.0)
    scale = 2.0 ** (np.log2(DESIRED_RES / BASE_RES) / (NUM_LEVELS - 1))
    feats = []
    for l in range(NUM_LEVELS):
        res = int(np.ceil(BASE_RES * scale ** l))
        pos = u * (res - 1)
        p0 = jnp.clip(jnp.floor(pos).astype(jnp.int32), 0, res - 2)
        f = pos - p0.astype(jnp.float32)
        acc = jnp.zeros((x2.shape[0], table.shape[-1]), jnp.float32)
        for dx in (0, 1):
            for dy in (0, 1):
                idx = _hash2(p0[:, 0] + dx, p0[:, 1] + dy)
                w = (f[:, 0] if dx else 1.0 - f[:, 0]) * (f[:, 1] if dy else 1.0 - f[:, 1])
                acc = acc + w[:, None] * table[l][idx]
        feats.append(acc)
    return jnp.concatenate(feats, axis=-1)


def _leaky(x):
    return jnp.where(x >= 0, x, 0.02 * x)


def _conv1d(x, w, b):
    y = jax.lax.conv_general_dilated(x, w, (1,), ((1, 1),), dimension_numbers=('NCH', 'OIH', 'NCH'))
    return y + b[None, :, None]


def _forward(x, a, move, table_xy, table_yz, table_xz, aW1, ab1, aW2, ab2, aW3, ab3,
             c1w, c1b, c2w, c2b, c3w, c3b, c4w, c4b, c5w, c5b, attW, attb,
             S1, S2, S3, Sc1, Sc2, Sc3):
    # split_xyz
    xy = x[:, :2]
    yz = x[:, 1:]
    xz = jnp.concatenate([x[:, :1], x[:, 2:3]], axis=-1)
    enc_x = jnp.concatenate([
        _grid_encode(xy, table_xy),
        _grid_encode(yz, table_yz),
        _grid_encode(xz, table_xz)], axis=-1)  # [N, 36]
    # AudioNet_ave
    e = _leaky(a @ aW1.T + ab1)
    e = _leaky(e @ aW2.T + ab2)
    e = e @ aW3.T + ab3                      # [8, 1, 32]
    enc_a = jnp.transpose(e, (1, 0, 2))[0]   # [8, 32]
    # AudioAttNet
    xa = enc_a[None]                          # [1, 8, 32]
    y = jnp.transpose(xa, (0, 2, 1))          # [1, 32, 8]
    y = _leaky(_conv1d(y, c1w, c1b))
    y = _leaky(_conv1d(y, c2w, c2b))
    y = _leaky(_conv1d(y, c3w, c3b))
    y = _leaky(_conv1d(y, c4w, c4b))
    y = _leaky(_conv1d(y, c5w, c5b))          # [1, 1, 8]
    y = y.reshape(1, SEQ_LEN) @ attW.T + attb
    y = jax.nn.softmax(y, axis=1).reshape(1, SEQ_LEN, 1)
    enc_a = jnp.sum(y * xa, axis=1)           # [1, 32]
    N = enc_x.shape[0]
    enc_w = jnp.broadcast_to(enc_a, (N, enc_a.shape[-1]))
    mv = jnp.broadcast_to(move, (N, move.shape[-1]))
    h = jnp.concatenate([enc_x, enc_w, mv], axis=-1)  # [N, 71]
    h = jax.nn.relu(h @ S1.T)
    h = jax.nn.relu(h @ S2.T)
    h = h @ S3.T                               # [N, 7]
    hs = jnp.concatenate([enc_x, mv], axis=-1) # [N, 39]
    hs = jax.nn.relu(hs @ Sc1.T)
    hs = jax.nn.relu(hs @ Sc2.T)
    hs = hs @ Sc3.T                            # [N, 1]
    d_xyz = h[:, :3] * 0.01 * jnp.array([0.2, 1.0, 0.2], jnp.float32)
    d_rot = h[:, 3:]
    d_xyz = d_xyz * jax.nn.sigmoid(hs) * 2.0
    return d_xyz, d_rot


def reference(x, a, move, table_xy, table_yz, table_xz, aW1, ab1, aW2, ab2, aW3, ab3,
              c1w, c1b, c2w, c2b, c3w, c3b, c4w, c4b, c5w, c5b, attW, attb,
              S1, S2, S3, Sc1, Sc2, Sc3):
    return _forward(x=x, a=a, move=move, table_xy=table_xy, table_yz=table_yz, table_xz=table_xz,
                    aW1=aW1, ab1=ab1, aW2=aW2, ab2=ab2, aW3=aW3, ab3=ab3,
                    c1w=c1w, c1b=c1b, c2w=c2w, c2b=c2b, c3w=c3w, c3b=c3b,
                    c4w=c4w, c4b=c4b, c5w=c5w, c5b=c5b, attW=attW, attb=attb,
                    S1=S1, S2=S2, S3=S3, Sc1=Sc1, Sc2=Sc2, Sc3=Sc3)

if __name__ == "__main__":
    import jax
    _d = setup_inputs()
    print(jax.jit(kernel)(*tuple(_d.values())))

</pallas_src>

<mosaic_0001>
#map = affine_map<(d0, d1) -> (0)>
module attributes {stable_mosaic.version = 14 : i64} {
  func.func @_sc_encode_body(%arg0: i32, %arg1: i32, %arg2: memref<4718592xf32, #tpu.memory_space<hbm>>, %arg3: memref<3072000xf32, #tpu.memory_space<hbm>>, %arg4: memref<135552xi32, #tpu.memory_space<hbm>>, %arg5: memref<18432000xf32, #tpu.memory_space<hbm>>, %arg6: memref<45184xi32, #tpu.memory_space<vmem>>, %arg7: memref<45184xf32, #tpu.memory_space<vmem>>, %arg8: memref<2x2x2048xf32, #tpu.memory_space<vmem>>, %arg9: memref<24576xf32, #tpu.memory_space<vmem>>, %arg10: memref<!tpu.dma_semaphore, #tpu.memory_space<semaphore_mem>>, %arg11: memref<!tpu.dma_semaphore, #tpu.memory_space<semaphore_mem>>, %arg12: memref<!tpu.dma_semaphore, #tpu.memory_space<semaphore_mem>>) attributes {dimension_semantics = [#tpu.dimension_semantics<core_parallel>, #tpu.dimension_semantics<subcore_parallel>], iteration_bounds = array<i64: 2, 16>, scalar_prefetch = 0 : i64, scratch_operands = 7 : i64, tpu.core_type = #tpu.core_type<sc_vector_subcore>, window_params = [{transform_indices = #map}, {transform_indices = #map}, {transform_indices = #map}, {transform_indices = #map}]} {
    %mul3A = arith.constant 2 : i32
    %mul3A_0 = arith.muli %arg1, %mul3A : i32
    %add3A = arith.addi %mul3A_0, %arg0 : i32
    %lt3A = arith.constant 30 : i32
    %lt3A_1 = arith.cmpi slt, %add3A, %lt3A : i32
    %convert_element_type3A = arith.extui %lt3A_1 : i1 to i32
    %cond3A = arith.constant 0 : i32
    %cond3A_2 = arith.cmpi ne, %convert_element_type3A, %cond3A : i32
    scf.if %cond3A_2 {
      %jit3A = arith.constant 10 : i32
      %div3A = arith.divsi %add3A, %jit3A : i32
      %sign3A = arith.constant 0 : i32
      %sign3A_3 = arith.cmpi sgt, %add3A, %sign3A : i32
      %sign3A_4 = arith.extui %sign3A_3 : i1 to i32
      %sign3A_5 = arith.constant 0 : i32
      %sign3A_6 = arith.cmpi slt, %add3A, %sign3A_5 : i32
      %sign3A_7 = arith.extui %sign3A_6 : i1 to i32
      %sign3A_8 = arith.subi %sign3A_4, %sign3A_7 : i32
      %sign3A_9 = arith.constant 0 : i32
      %sign3A_10 = arith.cmpi sgt, %jit3A, %sign3A_9 : i32
      %sign3A_11 = arith.extui %sign3A_10 : i1 to i32
      %sign3A_12 = arith.constant 0 : i32
      %sign3A_13 = arith.cmpi slt, %jit3A, %sign3A_12 : i32
      %sign3A_14 = arith.extui %sign3A_13 : i1 to i32
      %sign3A_15 = arith.subi %sign3A_11, %sign3A_14 : i32
      %ne3A = arith.cmpi ne, %sign3A_8, %sign3A_15 : i32
      %rem3A = arith.remsi %add3A, %jit3A : i32
      %ne3A_16 = arith.constant 0 : i32
      %ne3A_17 = arith.cmpi ne, %rem3A, %ne3A_16 : i32
      %and3A = arith.andi %ne3A, %ne3A_17 : i1
      %sub3A = arith.constant 1 : i32
      %sub3A_18 = arith.subi %div3A, %sub3A : i32
      %select_n3A = arith.select %and3A, %sub3A_18, %div3A : i32
      %jit3A_19 = arith.constant 10 : i32
      %eq3A = arith.constant 0 : i32
      %eq3A_20 = arith.cmpi eq, %jit3A_19, %eq3A : i32
      %jit3A_21 = arith.constant 1 : i32
      %select_n3A_22 = arith.select %eq3A_20, %jit3A_21, %jit3A_19 : i32
      %rem3A_23 = arith.remsi %add3A, %select_n3A_22 : i32
      %ne3A_24 = arith.constant 0 : i32
      %ne3A_25 = arith.cmpi ne, %rem3A_23, %ne3A_24 : i32
      %lt3A_26 = arith.constant 0 : i32
      %lt3A_27 = arith.cmpi slt, %rem3A_23, %lt3A_26 : i32
      %lt3A_28 = arith.constant 0 : i32
      %lt3A_29 = arith.cmpi slt, %select_n3A_22, %lt3A_28 : i32
      %ne3A_30 = arith.xori %lt3A_27, %lt3A_29 : i1
      %and3A_31 = arith.andi %ne3A_30, %ne3A_25 : i1
      %add3A_32 = arith.addi %rem3A_23, %select_n3A_22 : i32
      %select_n3A_33 = arith.select %and3A_31, %add3A_32, %rem3A_23 : i32
      %mul3A_34 = arith.constant 51200 : i32
      %mul3A_35 = arith.muli %select_n3A_33, %mul3A_34 : i32
      %mul3A_36 = arith.constant 512000 : i32
      %mul3A_37 = arith.muli %select_n3A, %mul3A_36 : i32
      %add3A_38 = arith.addi %mul3A_37, %mul3A_35 : i32
      %add3A_39 = arith.constant 0 : i32
      %add3A_40 = arith.addi %add3A_38, %add3A_39 : i32
      %dma_start3A = arith.constant 0 : i32
      %dma_start3A_41 = arith.constant 0 : i32
      %dma_start3A_42 = arith.constant 0 : i32
      %dma_start3A_43 = tpu.memref_slice %arg8[%dma_start3A, %dma_start3A_41, %dma_start3A_42] : memref<2x2x2048xf32, #tpu.memory_space<vmem>> -> memref<1x1x2048xf32, #tpu.memory_space<vmem>>
      %dma_start3A_44 = tpu.memref_squeeze %dma_start3A_43 : memref<1x1x2048xf32, #tpu.memory_space<vmem>> -> memref<2048xf32, #tpu.memory_space<vmem>>
      %dma_start3A_45 = tpu.memref_slice %arg3[%add3A_40] : memref<3072000xf32, #tpu.memory_space<hbm>> -> memref<2048xf32, #tpu.memory_space<hbm>>
      %dma_start3A_46 = arith.constant 0 : i32
      %dma_start3A_47 = tpu.memref_slice %arg8[%dma_start3A, %dma_start3A_41, %dma_start3A_46] : memref<2x2x2048xf32, #tpu.memory_space<vmem>> -> memref<1x1x2048xf32, #tpu.memory_space<vmem>>
      %dma_start3A_48 = tpu.memref_squeeze %dma_start3A_47 : memref<1x1x2048xf32, #tpu.memory_space<vmem>> -> memref<2048xf32, #tpu.memory_space<vmem>>
      %dma_start3A_49 = tpu.memref_slice %arg3[%add3A_40] : memref<3072000xf32, #tpu.memory_space<hbm>> -> memref<2048xf32, #tpu.memory_space<hbm>>
      tpu.enqueue_dma source(%dma_start3A_49 : memref<2048xf32, #tpu.memory_space<hbm>>) target(%dma_start3A_48 : memref<2048xf32, #tpu.memory_space<vmem>>) target_semaphore(%arg11 : memref<!tpu.dma_semaphore, #tpu.memory_space<semaphore_mem>>)
      %add3A_50 = arith.constant 1536000 : i32
      %add3A_51 = arith.addi %add3A_50, %add3A_40 : i32
      %dma_start3A_52 = arith.constant 0 : i32
      %dma_start3A_53 = arith.constant 1 : i32
      %dma_start3A_54 = arith.constant 0 : i32
      %dma_start3A_55 = tpu.memref_slice %arg8[%dma_start3A_52, %dma_start3A_53, %dma_start3A_54] : memref<2x2x2048xf32, #tpu.memory_space<vmem>> -> memref<1x1x2048xf32, #tpu.memory_space<vmem>>
      %dma_start3A_56 = tpu.memref_squeeze %dma_start3A_55 : memref<1x1x2048xf32, #tpu.memory_space<vmem>> -> memref<2048xf32, #tpu.memory_space<vmem>>
      %dma_start3A_57 = tpu.memref_slice %arg3[%add3A_51] : memref<3072000xf32, #tpu.memory_space<hbm>> -> memref<2048xf32, #tpu.memory_space<hbm>>
      %dma_start3A_58 = arith.constant 0 : i32
      %dma_start3A_59 = tpu.memref_slice %arg8[%dma_start3A_52, %dma_start3A_53, %dma_start3A_58] : memref<2x2x2048xf32, #tpu.memory_space<vmem>> -> memref<1x1x2048xf32, #tpu.memory_space<vmem>>
      %dma_start3A_60 = tpu.memref_squeeze %dma_start3A_59 : memref<1x1x2048xf32, #tpu.memory_space<vmem>> -> memref<2048xf32, #tpu.memory_space<vmem>>
      %dma_start3A_61 = tpu.memref_slice %arg3[%add3A_51] : memref<3072000xf32, #tpu.memory_space<hbm>> -> memref<2048xf32, #tpu.memory_space<hbm>>
      tpu.enqueue_dma source(%dma_start3A_61 : memref<2048xf32, #tpu.memory_space<hbm>>) target(%dma_start3A_60 : memref<2048xf32, #tpu.memory_space<vmem>>) target_semaphore(%arg11 : memref<!tpu.dma_semaphore, #tpu.memory_space<semaphore_mem>>)
      %mul3A_62 = arith.constant 45184 : i32
      %mul3A_63 = arith.muli %select_n3A, %mul3A_62 : i32
      "tpu.region"() ({
        %run_scoped3A = tpu.sem_alloc : memref<!tpu.dma_semaphore, #tpu.memory_space<semaphore_mem>>
        %dma_start3A_106 = tpu.memref_slice %arg4[%mul3A_63] : memref<135552xi32, #tpu.memory_space<hbm>> -> memref<45184xi32, #tpu.memory_space<hbm>>
        %dma_start3A_107 = tpu.memref_slice %arg4[%mul3A_63] : memref<135552xi32, #tpu.memory_space<hbm>> -> memref<45184xi32, #tpu.memory_space<hbm>>
        tpu.enqueue_dma source(%dma_start3A_107 : memref<45184xi32, #tpu.memory_space<hbm>>) target(%arg6 : memref<45184xi32, #tpu.memory_space<vmem>>) target_semaphore(%run_scoped3A : memref<!tpu.dma_semaphore, #tpu.memory_space<semaphore_mem>>)
        %dma_wait3A_108 = tpu.memref_slice %arg4[%mul3A_63] : memref<135552xi32, #tpu.memory_space<hbm>> -> memref<45184xi32, #tpu.memory_space<hbm>>
        %dma_wait3A_109 = tpu.memref_slice %arg4[%mul3A_63] : memref<135552xi32, #tpu.memory_space<hbm>> -> memref<45184xi32, #tpu.memory_space<hbm>>
        tpu.wait_dma2 semaphore(%run_scoped3A : memref<!tpu.dma_semaphore, #tpu.memory_space<semaphore_mem>>) src(%dma_wait3A_109 : memref<45184xi32, #tpu.memory_space<hbm>>) dst(%arg6 : memref<45184xi32, #tpu.memory_space<vmem>>)
        tpu.yield
      }) : () -> ()
      %scan3A = arith.constant 0 : i32
      %scan3A_64 = arith.constant 0 : i32
      %scan3A_65 = arith.constant 16 : i32
      %scan3A_66 = arith.addi %scan3A_64, %scan3A_65 : i32
      %scan3A_67 = arith.constant 1 : i32
      scf.for %scan3A_106 = %scan3A_64 to %scan3A_66 step %scan3A_67  : i32 {
        %add3A_107 = arith.constant 0 : i32
        %add3A_108 = arith.addi %add3A_107, %scan3A_106 : i32
        %mul3A_109 = arith.constant 128 : i32
        %mul3A_110 = arith.muli %add3A_108, %mul3A_109 : i32
        %mul3A_111 = arith.constant 128 : i32
        %mul3A_112 = arith.muli %add3A_108, %mul3A_111 : i32
        %dma_start3A_113 = tpu.memref_slice %arg7[%mul3A_112] : memref<45184xf32, #tpu.memory_space<vmem>> -> memref<128xf32, #tpu.memory_space<vmem>>
        %dma_start3A_114 = tpu.memref_slice %arg6[%mul3A_110] : memref<45184xi32, #tpu.memory_space<vmem>> -> memref<128xi32, #tpu.memory_space<vmem>>
        %dma_start3A_115 = arith.constant 0 : i32
        %dma_start3A_116 = tpu.memref_slice %arg2[%dma_start3A_115] : memref<4718592xf32, #tpu.memory_space<hbm>> -> memref<4718592xf32, #tpu.memory_space<hbm>>
        tpu.enqueue_indirect_dma source(%dma_start3A_116 : memref<4718592xf32, #tpu.memory_space<hbm>>) target(%dma_start3A_113 : memref<128xf32, #tpu.memory_space<vmem>>) offsets(%dma_start3A_114 : memref<128xi32, #tpu.memory_space<vmem>>) semaphore(%arg10 : memref<!tpu.dma_semaphore, #tpu.memory_space<semaphore_mem>>)
      }
      %scan3A_68 = arith.constant 16 : i32
      %scan3A_69 = arith.constant 0 : i32
      %scan3A_70 = arith.constant 0 : i32
      %scan3A_71 = arith.constant 21 : i32
      %scan3A_72 = arith.addi %scan3A_70, %scan3A_71 : i32
      %scan3A_73 = arith.constant 1 : i32
      scf.for %scan3A_106 = %scan3A_70 to %scan3A_72 step %scan3A_73  : i32 {
        %add3A_107 = arith.constant 1 : i32
        %add3A_108 = arith.addi %scan3A_106, %add3A_107 : i32
        %scan3A_109 = arith.constant 0 : i32
        %scan3A_110 = arith.constant 0 : i32
        %scan3A_111 = arith.constant 16 : i32
        %scan3A_112 = arith.addi %scan3A_110, %scan3A_111 : i32
        %scan3A_113 = arith.constant 1 : i32
        scf.for %scan3A_123 = %scan3A_110 to %scan3A_112 step %scan3A_113  : i32 {
          %mul3A_124 = arith.constant 16 : i32
          %mul3A_125 = arith.muli %add3A_108, %mul3A_124 : i32
          %add3A_126 = arith.addi %mul3A_125, %scan3A_123 : i32
          %mul3A_127 = arith.constant 128 : i32
          %mul3A_128 = arith.muli %add3A_126, %mul3A_127 : i32
          %mul3A_129 = arith.constant 128 : i32
          %mul3A_130 = arith.muli %add3A_126, %mul3A_129 : i32
          %dma_start3A_131 = tpu.memref_slice %arg7[%mul3A_130] : memref<45184xf32, #tpu.memory_space<vmem>> -> memref<128xf32, #tpu.memory_space<vmem>>
          %dma_start3A_132 = tpu.memref_slice %arg6[%mul3A_128] : memref<45184xi32, #tpu.memory_space<vmem>> -> memref<128xi32, #tpu.memory_space<vmem>>
          %dma_start3A_133 = arith.constant 0 : i32
          %dma_start3A_134 = tpu.memref_slice %arg2[%dma_start3A_133] : memref<4718592xf32, #tpu.memory_space<hbm>> -> memref<4718592xf32, #tpu.memory_space<hbm>>
          tpu.enqueue_indirect_dma source(%dma_start3A_134 : memref<4718592xf32, #tpu.memory_space<hbm>>) target(%dma_start3A_131 : memref<128xf32, #tpu.memory_space<vmem>>) offsets(%dma_start3A_132 : memref<128xi32, #tpu.memory_space<vmem>>) semaphore(%arg10 : memref<!tpu.dma_semaphore, #tpu.memory_space<semaphore_mem>>)
        }
        %scan3A_114 = arith.constant 16 : i32
        %dma_wait3A_115 = arith.constant 0 : i32
        %dma_wait3A_116 = tpu.memref_slice %arg7[%dma_wait3A_115] : memref<45184xf32, #tpu.memory_space<vmem>> -> memref<2048xf32, #tpu.memory_space<vmem>>
        %dma_wait3A_117 = arith.constant 0 : i32
        %dma_wait3A_118 = tpu.memref_slice %arg2[%dma_wait3A_117] : memref<4718592xf32, #tpu.memory_space<hbm>> -> memref<2048xf32, #tpu.memory_space<hbm>>
        %dma_wait3A_119 = arith.constant 0 : i32
        %dma_wait3A_120 = tpu.memref_slice %arg7[%dma_wait3A_119] : memref<45184xf32, #tpu.memory_space<vmem>> -> memref<2048xf32, #tpu.memory_space<vmem>>
        %dma_wait3A_121 = arith.constant 0 : i32
        %dma_wait3A_122 = tpu.memref_slice %arg2[%dma_wait3A_121] : memref<4718592xf32, #tpu.memory_space<hbm>> -> memref<2048xf32, #tpu.memory_space<hbm>>
        tpu.wait_dma2 semaphore(%arg10 : memref<!tpu.dma_semaphore, #tpu.memory_space<semaphore_mem>>) src(%dma_wait3A_122 : memref<2048xf32, #tpu.memory_space<hbm>>) dst(%dma_wait3A_120 : memref<2048xf32, #tpu.memory_space<vmem>>)
      }
      %scan3A_74 = arith.constant 21 : i32
      %dma_start3A_75 = arith.constant 45056 : i32
      %dma_start3A_76 = tpu.memref_slice %arg7[%dma_start3A_75] : memref<45184xf32, #tpu.memory_space<vmem>> -> memref<128xf32, #tpu.memory_space<vmem>>
      %dma_start3A_77 = arith.constant 45056 : i32
      %dma_start3A_78 = tpu.memref_slice %arg6[%dma_start3A_77] : memref<45184xi32, #tpu.memory_space<vmem>> -> memref<128xi32, #tpu.memory_space<vmem>>
      %dma_start3A_79 = arith.constant 0 : i32
      %dma_start3A_80 = tpu.memref_slice %arg2[%dma_start3A_79] : memref<4718592xf32, #tpu.memory_space<hbm>> -> memref<4718592xf32, #tpu.memory_space<hbm>>
      tpu.enqueue_indirect_dma source(%dma_start3A_80 : memref<4718592xf32, #tpu.memory_space<hbm>>) target(%dma_start3A_76 : memref<128xf32, #tpu.memory_space<vmem>>) offsets(%dma_start3A_78 : memref<128xi32, #tpu.memory_space<vmem>>) semaphore(%arg10 : memref<!tpu.dma_semaphore, #tpu.memory_space<semaphore_mem>>)
      %dma_wait3A = arith.constant 0 : i32
      %dma_wait3A_81 = tpu.memref_slice %arg7[%dma_wait3A] : memref<45184xf32, #tpu.memory_space<vmem>> -> memref<2048xf32, #tpu.memory_space<vmem>>
      %dma_wait3A_82 = arith.constant 0 : i32
      %dma_wait3A_83 = tpu.memref_slice %arg2[%dma_wait3A_82] : memref<4718592xf32, #tpu.memory_space<hbm>> -> memref<2048xf32, #tpu.memory_space<hbm>>
      %dma_wait3A_84 = arith.constant 0 : i32
      %dma_wait3A_85 = tpu.memref_slice %arg7[%dma_wait3A_84] : memref<45184xf32, #tpu.memory_space<vmem>> -> memref<2048xf32, #tpu.memory_space<vmem>>
      %dma_wait3A_86 = arith.constant 0 : i32
      %dma_wait3A_87 = tpu.memref_slice %arg2[%dma_wait3A_86] : memref<4718592xf32, #tpu.memory_space<hbm>> -> memref<2048xf32, #tpu.memory_space<hbm>>
      tpu.wait_dma2 semaphore(%arg10 : memref<!tpu.dma_semaphore, #tpu.memory_space<semaphore_mem>>) src(%dma_wait3A_87 : memref<2048xf32, #tpu.memory_space<hbm>>) dst(%dma_wait3A_85 : memref<2048xf32, #tpu.memory_space<vmem>>)
      %dma_wait3A_88 = arith.constant 0 : i32
      %dma_wait3A_89 = tpu.memref_slice %arg7[%dma_wait3A_88] : memref<45184xf32, #tpu.memory_space<vmem>> -> memref<128xf32, #tpu.memory_space<vmem>>
      %dma_wait3A_90 = arith.constant 0 : i32
      %dma_wait3A_91 = tpu.memref_slice %arg2[%dma_wait3A_90] : memref<4718592xf32, #tpu.memory_space<hbm>> -> memref<128xf32, #tpu.memory_space<hbm>>
      %dma_wait3A_92 = arith.constant 0 : i32
      %dma_wait3A_93 = tpu.memref_slice %arg7[%dma_wait3A_92] : memref<45184xf32, #tpu.memory_space<vmem>> -> memref<128xf32, #tpu.memory_space<vmem>>
      %dma_wait3A_94 = arith.constant 0 : i32
      %dma_wait3A_95 = tpu.memref_slice %arg2[%dma_wait3A_94] : memref<4718592xf32, #tpu.memory_space<hbm>> -> memref<128xf32, #tpu.memory_space<hbm>>
      tpu.wait_dma2 semaphore(%arg10 : memref<!tpu.dma_semaphore, #tpu.memory_space<semaphore_mem>>) src(%dma_wait3A_95 : memref<128xf32, #tpu.memory_space<hbm>>) dst(%dma_wait3A_93 : memref<128xf32, #tpu.memory_space<vmem>>)
      %scan3A_96 = arith.constant 0 : i32
      %scan3A_97 = arith.constant 0 : i32
      %scan3A_98 = arith.constant 25 : i32
      %scan3A_99 = arith.addi %scan3A_97, %scan3A_98 : i32
      %scan3A_100 = arith.constant 1 : i32
      scf.for %scan3A_106 = %scan3A_97 to %scan3A_99 step %scan3A_100  : i32 {
        %rem3A_107 = arith.constant 2 : i32
        %rem3A_108 = arith.remsi %scan3A_106, %rem3A_107 : i32
        %add3A_109 = arith.constant 1 : i32
        %add3A_110 = arith.addi %scan3A_106, %add3A_109 : i32
        %lt3A_111 = arith.constant 25 : i32
        %lt3A_112 = arith.cmpi slt, %add3A_110, %lt3A_111 : i32
        %convert_element_type3A_113 = arith.extui %lt3A_112 : i1 to i32
        %cond3A_114 = arith.constant 0 : i32
        %cond3A_115 = arith.cmpi ne, %convert_element_type3A_113, %cond3A_114 : i32
        scf.if %cond3A_115 {
          %add3A_180 = arith.constant 1 : i32
          %add3A_181 = arith.addi %scan3A_106, %add3A_180 : i32
          %add3A_182 = arith.constant 1 : i32
          %add3A_183 = arith.addi %scan3A_106, %add3A_182 : i32
          %rem3A_184 = arith.constant 2 : i32
          %rem3A_185 = arith.remsi %add3A_183, %rem3A_184 : i32
          %mul3A_186 = arith.constant 2048 : i32
          %mul3A_187 = arith.muli %add3A_181, %mul3A_186 : i32
          %add3A_188 = arith.addi %add3A_38, %mul3A_187 : i32
          %dma_start3A_189 = arith.constant 0 : i32
          %dma_start3A_190 = arith.constant 0 : i32
          %dma_start3A_191 = tpu.memref_slice %arg8[%rem3A_185, %dma_start3A_189, %dma_start3A_190] : memref<2x2x2048xf32, #tpu.memory_space<vmem>> -> memref<1x1x2048xf32, #tpu.memory_space<vmem>>
          %dma_start3A_192 = tpu.memref_squeeze %dma_start3A_191 : memref<1x1x2048xf32, #tpu.memory_space<vmem>> -> memref<2048xf32, #tpu.memory_space<vmem>>
          %dma_start3A_193 = tpu.memref_slice %arg3[%add3A_188] : memref<3072000xf32, #tpu.memory_space<hbm>> -> memref<2048xf32, #tpu.memory_space<hbm>>
          %dma_start3A_194 = arith.constant 0 : i32
          %dma_start3A_195 = tpu.memref_slice %arg8[%rem3A_185, %dma_start3A_189, %dma_start3A_194] : memref<2x2x2048xf32, #tpu.memory_space<vmem>> -> memref<1x1x2048xf32, #tpu.memory_space<vmem>>
          %dma_start3A_196 = tpu.memref_squeeze %dma_start3A_195 : memref<1x1x2048xf32, #tpu.memory_space<vmem>> -> memref<2048xf32, #tpu.memory_space<vmem>>
          %dma_start3A_197 = tpu.memref_slice %arg3[%add3A_188] : memref<3072000xf32, #tpu.memory_space<hbm>> -> memref<2048xf32, #tpu.memory_space<hbm>>
          tpu.enqueue_dma source(%dma_start3A_197 : memref<2048xf32, #tpu.memory_space<hbm>>) target(%dma_start3A_196 : memref<2048xf32, #tpu.memory_space<vmem>>) target_semaphore(%arg11 : memref<!tpu.dma_semaphore, #tpu.memory_space<semaphore_mem>>)
          %add3A_198 = arith.constant 1536000 : i32
          %add3A_199 = arith.addi %add3A_198, %add3A_188 : i32
          %dma_start3A_200 = arith.constant 1 : i32
          %dma_start3A_201 = arith.constant 0 : i32
          %dma_start3A_202 = tpu.memref_slice %arg8[%rem3A_185, %dma_start3A_200, %dma_start3A_201] : memref<2x2x2048xf32, #tpu.memory_space<vmem>> -> memref<1x1x2048xf32, #tpu.memory_space<vmem>>
          %dma_start3A_203 = tpu.memref_squeeze %dma_start3A_202 : memref<1x1x2048xf32, #tpu.memory_space<vmem>> -> memref<2048xf32, #tpu.memory_space<vmem>>
          %dma_start3A_204 = tpu.memref_slice %arg3[%add3A_199] : memref<3072000xf32, #tpu.memory_space<hbm>> -> memref<2048xf32, #tpu.memory_space<hbm>>
          %dma_start3A_205 = arith.constant 0 : i32
          %dma_start3A_206 = tpu.memref_slice %arg8[%rem3A_185, %dma_start3A_200, %dma_start3A_205] : memref<2x2x2048xf32, #tpu.memory_space<vmem>> -> memref<1x1x2048xf32, #tpu.memory_space<vmem>>
          %dma_start3A_207 = tpu.memref_squeeze %dma_start3A_206 : memref<1x1x2048xf32, #tpu.memory_space<vmem>> -> memref<2048xf32, #tpu.memory_space<vmem>>
          %dma_start3A_208 = tpu.memref_slice %arg3[%add3A_199] : memref<3072000xf32, #tpu.memory_space<hbm>> -> memref<2048xf32, #tpu.memory_space<hbm>>
          tpu.enqueue_dma source(%dma_start3A_208 : memref<2048xf32, #tpu.memory_space<hbm>>) target(%dma_start3A_207 : memref<2048xf32, #tpu.memory_space<vmem>>) target_semaphore(%arg11 : memref<!tpu.dma_semaphore, #tpu.memory_space<semaphore_mem>>)
        } else {
        }
        %dma_wait3A_116 = arith.constant 0 : i32
        %dma_wait3A_117 = arith.constant 0 : i32
        %dma_wait3A_118 = arith.constant 0 : i32
        %dma_wait3A_119 = tpu.memref_slice %arg8[%dma_wait3A_116, %dma_wait3A_117, %dma_wait3A_118] : memref<2x2x2048xf32, #tpu.memory_space<vmem>> -> memref<1x1x2048xf32, #tpu.memory_space<vmem>>
        %dma_wait3A_120 = tpu.memref_squeeze %dma_wait3A_119 : memref<1x1x2048xf32, #tpu.memory_space<vmem>> -> memref<2048xf32, #tpu.memory_space<vmem>>
        %dma_wait3A_121 = arith.constant 0 : i32
        %dma_wait3A_122 = tpu.memref_slice %arg3[%dma_wait3A_121] : memref<3072000xf32, #tpu.memory_space<hbm>> -> memref<2048xf32, #tpu.memory_space<hbm>>
        %dma_wait3A_123 = arith.constant 0 : i32
        %dma_wait3A_124 = tpu.memref_slice %arg8[%dma_wait3A_116, %dma_wait3A_117, %dma_wait3A_123] : memref<2x2x2048xf32, #tpu.memory_space<vmem>> -> memref<1x1x2048xf32, #tpu.memory_space<vmem>>
        %dma_wait3A_125 = tpu.memref_squeeze %dma_wait3A_124 : memref<1x1x2048xf32, #tpu.memory_space<vmem>> -> memref<2048xf32, #tpu.memory_space<vmem>>
        %dma_wait3A_126 = arith.constant 0 : i32
        %dma_wait3A_127 = tpu.memref_slice %arg3[%dma_wait3A_126] : memref<3072000xf32, #tpu.memory_space<hbm>> -> memref<2048xf32, #tpu.memory_space<hbm>>
        tpu.wait_dma2 semaphore(%arg11 : memref<!tpu.dma_semaphore, #tpu.memory_space<semaphore_mem>>) src(%dma_wait3A_127 : memref<2048xf32, #tpu.memory_space<hbm>>) dst(%dma_wait3A_125 : memref<2048xf32, #tpu.memory_space<vmem>>)
        %dma_wait3A_128 = arith.constant 0 : i32
        %dma_wait3A_129 = arith.constant 0 : i32
        %dma_wait3A_130 = arith.constant 0 : i32
        %dma_wait3A_131 = tpu.memref_slice %arg8[%dma_wait3A_128, %dma_wait3A_129, %dma_wait3A_130] : memref<2x2x2048xf32, #tpu.memory_space<vmem>> -> memref<1x1x2048xf32, #tpu.memory_space<vmem>>
        %dma_wait3A_132 = tpu.memref_squeeze %dma_wait3A_131 : memref<1x1x2048xf32, #tpu.memory_space<vmem>> -> memref<2048xf32, #tpu.memory_space<vmem>>
        %dma_wait3A_133 = arith.constant 0 : i32
        %dma_wait3A_134 = tpu.memref_slice %arg3[%dma_wait3A_133] : memref<3072000xf32, #tpu.memory_space<hbm>> -> memref<2048xf32, #tpu.memory_space<hbm>>
        %dma_wait3A_135 = arith.constant 0 : i32
        %dma_wait3A_136 = tpu.memref_slice %arg8[%dma_wait3A_128, %dma_wait3A_129, %dma_wait3A_135] : memref<2x2x2048xf32, #tpu.memory_space<vmem>> -> memref<1x1x2048xf32, #tpu.memory_space<vmem>>
        %dma_wait3A_137 = tpu.memref_squeeze %dma_wait3A_136 : memref<1x1x2048xf32, #tpu.memory_space<vmem>> -> memref<2048xf32, #tpu.memory_space<vmem>>
        %dma_wait3A_138 = arith.constant 0 : i32
        %dma_wait3A_139 = tpu.memref_slice %arg3[%dma_wait3A_138] : memref<3072000xf32, #tpu.memory_space<hbm>> -> memref<2048xf32, #tpu.memory_space<hbm>>
        tpu.wait_dma2 semaphore(%arg11 : memref<!tpu.dma_semaphore, #tpu.memory_space<semaphore_mem>>) src(%dma_wait3A_139 : memref<2048xf32, #tpu.memory_space<hbm>>) dst(%dma_wait3A_137 : memref<2048xf32, #tpu.memory_space<vmem>>)
        %gt3A = arith.constant 0 : i32
        %gt3A_140 = arith.cmpi sgt, %scan3A_106, %gt3A : i32
        %convert_element_type3A_141 = arith.extui %gt3A_140 : i1 to i32
        %cond3A_142 = arith.constant 0 : i32
        %cond3A_143 = arith.cmpi ne, %convert_element_type3A_141, %cond3A_142 : i32
        scf.if %cond3A_143 {
          %dma_wait3A_180 = arith.constant 0 : i32
          %dma_wait3A_181 = tpu.memref_slice %arg2[%dma_wait3A_180] : memref<4718592xf32, #tpu.memory_space<hbm>> -> memref<24576xf32, #tpu.memory_space<hbm>>
          %dma_wait3A_182 = arith.constant 0 : i32
          %dma_wait3A_183 = tpu.memref_slice %arg2[%dma_wait3A_182] : memref<4718592xf32, #tpu.memory_space<hbm>> -> memref<24576xf32, #tpu.memory_space<hbm>>
          tpu.wait_dma2 semaphore(%arg12 : memref<!tpu.dma_semaphore, #tpu.memory_space<semaphore_mem>>) src(%dma_wait3A_183 : memref<24576xf32, #tpu.memory_space<hbm>>) dst(%arg9 : memref<24576xf32, #tpu.memory_space<vmem>>)
        } else {
        }
        %parallel_loop3A = arith.constant 0 : i32
        %parallel_loop3A_144 = arith.constant 128 : i32
        %parallel_loop3A_145 = arith.constant 1 : i32
        scf.for %parallel_loop3A_180 = %parallel_loop3A to %parallel_loop3A_144 step %parallel_loop3A_145  : i32 {
          %parallel_loop3A_181 = arith.constant 16 : i32
          %parallel_loop3A_182 = arith.muli %parallel_loop3A_180, %parallel_loop3A_181 : i32
          %parallel_loop3A_183 = arith.constant 0 : i32
          %parallel_loop3A_184 = arith.index_cast %rem3A_108 : i32 to index
          %parallel_loop3A_185 = arith.index_cast %parallel_loop3A_183 : i32 to index
          %parallel_loop3A_186 = arith.index_cast %parallel_loop3A_182 : i32 to index
          %parallel_loop3A_187 = tpu.vector_load %arg8[%parallel_loop3A_184, %parallel_loop3A_185, %parallel_loop3A_186] {strides = array<i32>} : memref<2x2x2048xf32, #tpu.memory_space<vmem>>, vector<16xf32>,
          %parallel_loop3A_188 = arith.constant 16 : i32
          %parallel_loop3A_189 = arith.muli %parallel_loop3A_180, %parallel_loop3A_188 : i32
          %parallel_loop3A_190 = arith.constant 1 : i32
          %parallel_loop3A_191 = arith.index_cast %rem3A_108 : i32 to index
          %parallel_loop3A_192 = arith.index_cast %parallel_loop3A_190 : i32 to index
          %parallel_loop3A_193 = arith.index_cast %parallel_loop3A_189 : i32 to index
          %parallel_loop3A_194 = tpu.vector_load %arg8[%parallel_loop3A_191, %parallel_loop3A_192, %parallel_loop3A_193] {strides = array<i32>} : memref<2x2x2048xf32, #tpu.memory_space<vmem>>, vector<16xf32>,
          %parallel_loop3A_195 = arith.constant 1.500000e-01 : f32
          %parallel_loop3A_196 = vector.broadcast %parallel_loop3A_195 : f32 to vector<16xf32>
          %parallel_loop3A_197 = arith.addf %parallel_loop3A_187, %parallel_loop3A_196 : vector<16xf32>
          %parallel_loop3A_198 = arith.constant 3.000000e-01 : f32
          %parallel_loop3A_199 = vector.broadcast %parallel_loop3A_198 : f32 to vector<16xf32>
          %parallel_loop3A_200 = arith.divf %parallel_loop3A_197, %parallel_loop3A_199 : vector<16xf32>
          %parallel_loop3A_201 = arith.constant 0.000000e+00 : f32
          %parallel_loop3A_202 = arith.constant 1.000000e+00 : f32
          %parallel_loop3A_203 = vector.broadcast %parallel_loop3A_201 : f32 to vector<16xf32>
          %parallel_loop3A_204 = arith.maximumf %parallel_loop3A_203, %parallel_loop3A_200 : vector<16xf32>
          %parallel_loop3A_205 = vector.broadcast %parallel_loop3A_202 : f32 to vector<16xf32>
          %parallel_loop3A_206 = arith.minimumf %parallel_loop3A_205, %parallel_loop3A_204 : vector<16xf32>
          %parallel_loop3A_207 = arith.constant 1.500000e-01 : f32
          %parallel_loop3A_208 = vector.broadcast %parallel_loop3A_207 : f32 to vector<16xf32>
          %parallel_loop3A_209 = arith.addf %parallel_loop3A_194, %parallel_loop3A_208 : vector<16xf32>
          %parallel_loop3A_210 = arith.constant 3.000000e-01 : f32
          %parallel_loop3A_211 = vector.broadcast %parallel_loop3A_210 : f32 to vector<16xf32>
          %parallel_loop3A_212 = arith.divf %parallel_loop3A_209, %parallel_loop3A_211 : vector<16xf32>
          %parallel_loop3A_213 = arith.constant 0.000000e+00 : f32
          %parallel_loop3A_214 = arith.constant 1.000000e+00 : f32
          %parallel_loop3A_215 = vector.broadcast %parallel_loop3A_213 : f32 to vector<16xf32>
          %parallel_loop3A_216 = arith.maximumf %parallel_loop3A_215, %parallel_loop3A_212 : vector<16xf32>
          %parallel_loop3A_217 = vector.broadcast %parallel_loop3A_214 : f32 to vector<16xf32>
          %parallel_loop3A_218 = arith.minimumf %parallel_loop3A_217, %parallel_loop3A_216 : vector<16xf32>
          %parallel_loop3A_219 = arith.constant 6.300000e+01 : f32
          %parallel_loop3A_220 = vector.broadcast %parallel_loop3A_219 : f32 to vector<16xf32>
          %parallel_loop3A_221 = arith.mulf %parallel_loop3A_206, %parallel_loop3A_220 : vector<16xf32>
          %parallel_loop3A_222 = arith.constant 6.300000e+01 : f32
          %parallel_loop3A_223 = vector.broadcast %parallel_loop3A_222 : f32 to vector<16xf32>
          %parallel_loop3A_224 = arith.mulf %parallel_loop3A_218, %parallel_loop3A_223 : vector<16xf32>
          %parallel_loop3A_225 = arith.fptosi %parallel_loop3A_221 : vector<16xf32> to vector<16xi32>
          %parallel_loop3A_226 = arith.constant 0 : i32
          %parallel_loop3A_227 = arith.constant 62 : i32
          %parallel_loop3A_228 = vector.broadcast %parallel_loop3A_226 : i32 to vector<16xi32>
          %parallel_loop3A_229 = arith.maxsi %parallel_loop3A_228, %parallel_loop3A_225 : vector<16xi32>
          %parallel_loop3A_230 = vector.broadcast %parallel_loop3A_227 : i32 to vector<16xi32>
          %parallel_loop3A_231 = arith.minsi %parallel_loop3A_230, %parallel_loop3A_229 : vector<16xi32>
          %parallel_loop3A_232 = arith.fptosi %parallel_loop3A_224 : vector<16xf32> to vector<16xi32>
          %parallel_loop3A_233 = arith.constant 0 : i32
          %parallel_loop3A_234 = arith.constant 62 : i32
          %parallel_loop3A_235 = vector.broadcast %parallel_loop3A_233 : i32 to vector<16xi32>
          %parallel_loop3A_236 = arith.maxsi %parallel_loop3A_235, %parallel_loop3A_232 : vector<16xi32>
          %parallel_loop3A_237 = vector.broadcast %parallel_loop3A_234 : i32 to vector<16xi32>
          %parallel_loop3A_238 = arith.minsi %parallel_loop3A_237, %parallel_loop3A_236 : vector<16xi32>
          %parallel_loop3A_239 = arith.sitofp %parallel_loop3A_231 : vector<16xi32> to vector<16xf32>
          %parallel_loop3A_240 = arith.subf %parallel_loop3A_221, %parallel_loop3A_239 : vector<16xf32>
          %parallel_loop3A_241 = arith.sitofp %parallel_loop3A_238 : vector<16xi32> to vector<16xf32>
          %parallel_loop3A_242 = arith.subf %parallel_loop3A_224, %parallel_loop3A_241 : vector<16xf32>
          %parallel_loop3A_243 = arith.constant 64 : i32
          %parallel_loop3A_244 = vector.broadcast %parallel_loop3A_243 : i32 to vector<16xi32>
          %parallel_loop3A_245 = arith.muli %parallel_loop3A_238, %parallel_loop3A_244 : vector<16xi32>
          %parallel_loop3A_246 = arith.addi %parallel_loop3A_245, %parallel_loop3A_231 : vector<16xi32>
          %parallel_loop3A_247 = arith.constant 0 : i32
          %parallel_loop3A_248 = vector.broadcast %parallel_loop3A_247 : i32 to vector<16xi32>
          %parallel_loop3A_249 = arith.addi %parallel_loop3A_246, %parallel_loop3A_248 : vector<16xi32>
          %parallel_loop3A_250 = tpu.vector_load_idx %arg7[%parallel_loop3A_249] : memref<45184xf32, #tpu.memory_space<vmem>>[vector<16xi32>], vector<16xf32>,
          %parallel_loop3A_251 = arith.constant 64 : i32
          %parallel_loop3A_252 = vector.broadcast %parallel_loop3A_251 : i32 to vector<16xi32>
          %parallel_loop3A_253 = arith.addi %parallel_loop3A_249, %parallel_loop3A_252 : vector<16xi32>
          %parallel_loop3A_254 = tpu.vector_load_idx %arg7[%parallel_loop3A_253] : memref<45184xf32, #tpu.memory_space<vmem>>[vector<16xi32>], vector<16xf32>,
          %parallel_loop3A_255 = arith.constant 1 : i32
          %parallel_loop3A_256 = vector.broadcast %parallel_loop3A_255 : i32 to vector<16xi32>
          %parallel_loop3A_257 = arith.addi %parallel_loop3A_249, %parallel_loop3A_256 : vector<16xi32>
          %parallel_loop3A_258 = tpu.vector_load_idx %arg7[%parallel_loop3A_257] : memref<45184xf32, #tpu.memory_space<vmem>>[vector<16xi32>], vector<16xf32>,
          %parallel_loop3A_259 = arith.constant 65 : i32
          %parallel_loop3A_260 = vector.broadcast %parallel_loop3A_259 : i32 to vector<16xi32>
          %parallel_loop3A_261 = arith.addi %parallel_loop3A_249, %parallel_loop3A_260 : vector<16xi32>
          %parallel_loop3A_262 = tpu.vector_load_idx %arg7[%parallel_loop3A_261] : memref<45184xf32, #tpu.memory_space<vmem>>[vector<16xi32>], vector<16xf32>,
          %parallel_loop3A_263 = arith.constant 1.000000e+00 : f32
          %parallel_loop3A_264 = vector.broadcast %parallel_loop3A_263 : f32 to vector<16xf32>
          %parallel_loop3A_265 = arith.subf %parallel_loop3A_264, %parallel_loop3A_240 : vector<16xf32>
          %parallel_loop3A_266 = arith.constant 1.000000e+00 : f32
          %parallel_loop3A_267 = vector.broadcast %parallel_loop3A_266 : f32 to vector<16xf32>
          %parallel_loop3A_268 = arith.subf %parallel_loop3A_267, %parallel_loop3A_242 : vector<16xf32>
          %parallel_loop3A_269 = arith.mulf %parallel_loop3A_265, %parallel_loop3A_268 : vector<16xf32>
          %parallel_loop3A_270 = arith.mulf %parallel_loop3A_269, %parallel_loop3A_250 : vector<16xf32>
          %parallel_loop3A_271 = arith.mulf %parallel_loop3A_265, %parallel_loop3A_242 : vector<16xf32>
          %parallel_loop3A_272 = arith.mulf %parallel_loop3A_271, %parallel_loop3A_254 : vector<16xf32>
          %parallel_loop3A_273 = arith.addf %parallel_loop3A_270, %parallel_loop3A_272 : vector<16xf32>
          %parallel_loop3A_274 = arith.mulf %parallel_loop3A_240, %parallel_loop3A_268 : vector<16xf32>
          %parallel_loop3A_275 = arith.mulf %parallel_loop3A_274, %parallel_loop3A_258 : vector<16xf32>
          %parallel_loop3A_276 = arith.addf %parallel_loop3A_273, %parallel_loop3A_275 : vector<16xf32>
          %parallel_loop3A_277 = arith.mulf %parallel_loop3A_240, %parallel_loop3A_242 : vector<16xf32>
          %parallel_loop3A_278 = arith.mulf %parallel_loop3A_277, %parallel_loop3A_262 : vector<16xf32>
          %parallel_loop3A_279 = arith.addf %parallel_loop3A_276, %parallel_loop3A_278 : vector<16xf32>
          %parallel_loop3A_280 = arith.constant 16 : i32
          %parallel_loop3A_281 = arith.muli %parallel_loop3A_180, %parallel_loop3A_280 : i32
          %parallel_loop3A_282 = arith.constant 0 : i32
          %parallel_loop3A_283 = arith.addi %parallel_loop3A_282, %parallel_loop3A_281 : i32
          %parallel_loop3A_284 = arith.index_cast %parallel_loop3A_283 : i32 to index
          %parallel_loop3A_285 = tpu.vector_load %arg9[%parallel_loop3A_284] {strides = array<i32>} : memref<24576xf32, #tpu.memory_space<vmem>>, vector<16xf32>,
          tpu.vector_store %arg9[%parallel_loop3A_284], %parallel_loop3A_279 {strides = array<i32>} : memref<24576xf32, #tpu.memory_space<vmem>>, vector<16xf32>,
          %parallel_loop3A_286 = arith.constant 6.300000e+01 : f32
          %parallel_loop3A_287 = vector.broadcast %parallel_loop3A_286 : f32 to vector<16xf32>
          %parallel_loop3A_288 = arith.mulf %parallel_loop3A_206, %parallel_loop3A_287 : vector<16xf32>
          %parallel_loop3A_289 = arith.constant 6.300000e+01 : f32
          %parallel_loop3A_290 = vector.broadcast %parallel_loop3A_289 : f32 to vector<16xf32>
          %parallel_loop3A_291 = arith.mulf %parallel_loop3A_218, %parallel_loop3A_290 : vector<16xf32>
          %parallel_loop3A_292 = arith.fptosi %parallel_loop3A_288 : vector<16xf32> to vector<16xi32>
          %parallel_loop3A_293 = arith.constant 0 : i32
          %parallel_loop3A_294 = arith.constant 62 : i32
          %parallel_loop3A_295 = vector.broadcast %parallel_loop3A_293 : i32 to vector<16xi32>
          %parallel_loop3A_296 = arith.maxsi %parallel_loop3A_295, %parallel_loop3A_292 : vector<16xi32>
          %parallel_loop3A_297 = vector.broadcast %parallel_loop3A_294 : i32 to vector<16xi32>
          %parallel_loop3A_298 = arith.minsi %parallel_loop3A_297, %parallel_loop3A_296 : vector<16xi32>
          %parallel_loop3A_299 = arith.fptosi %parallel_loop3A_291 : vector<16xf32> to vector<16xi32>
          %parallel_loop3A_300 = arith.constant 0 : i32
          %parallel_loop3A_301 = arith.constant 62 : i32
          %parallel_loop3A_302 = vector.broadcast %parallel_loop3A_300 : i32 to vector<16xi32>
          %parallel_loop3A_303 = arith.maxsi %parallel_loop3A_302, %parallel_loop3A_299 : vector<16xi32>
          %parallel_loop3A_304 = vector.broadcast %parallel_loop3A_301 : i32 to vector<16xi32>
          %parallel_loop3A_305 = arith.minsi %parallel_loop3A_304, %parallel_loop3A_303 : vector<16xi32>
          %parallel_loop3A_306 = arith.sitofp %parallel_loop3A_298 : vector<16xi32> to vector<16xf32>
          %parallel_loop3A_307 = arith.subf %parallel_loop3A_288, %parallel_loop3A_306 : vector<16xf32>
          %parallel_loop3A_308 = arith.sitofp %parallel_loop3A_305 : vector<16xi32> to vector<16xf32>
          %parallel_loop3A_309 = arith.subf %parallel_loop3A_291, %parallel_loop3A_308 : vector<16xf32>
          %parallel_loop3A_310 = arith.constant 64 : i32
          %parallel_loop3A_311 = vector.broadcast %parallel_loop3A_310 : i32 to vector<16xi32>
          %parallel_loop3A_312 = arith.muli %parallel_loop3A_305, %parallel_loop3A_311 : vector<16xi32>
          %parallel_loop3A_313 = arith.addi %parallel_loop3A_312, %parallel_loop3A_298 : vector<16xi32>
          %parallel_loop3A_314 = arith.constant 4096 : i32
          %parallel_loop3A_315 = vector.broadcast %parallel_loop3A_314 : i32 to vector<16xi32>
          %parallel_loop3A_316 = arith.addi %parallel_loop3A_313, %parallel_loop3A_315 : vector<16xi32>
          %parallel_loop3A_317 = tpu.vector_load_idx %arg7[%parallel_loop3A_316] : memref<45184xf32, #tpu.memory_space<vmem>>[vector<16xi32>], vector<16xf32>,
          %parallel_loop3A_318 = arith.constant 64 : i32
          %parallel_loop3A_319 = vector.broadcast %parallel_loop3A_318 : i32 to vector<16xi32>
          %parallel_loop3A_320 = arith.addi %parallel_loop3A_316, %parallel_loop3A_319 : vector<16xi32>
          %parallel_loop3A_321 = tpu.vector_load_idx %arg7[%parallel_loop3A_320] : memref<45184xf32, #tpu.memory_space<vmem>>[vector<16xi32>], vector<16xf32>,
          %parallel_loop3A_322 = arith.constant 1 : i32
          %parallel_loop3A_323 = vector.broadcast %parallel_loop3A_322 : i32 to vector<16xi32>
          %parallel_loop3A_324 = arith.addi %parallel_loop3A_316, %parallel_loop3A_323 : vector<16xi32>
          %parallel_loop3A_325 = tpu.vector_load_idx %arg7[%parallel_loop3A_324] : memref<45184xf32, #tpu.memory_space<vmem>>[vector<16xi32>], vector<16xf32>,
          %parallel_loop3A_326 = arith.constant 65 : i32
          %parallel_loop3A_327 = vector.broadcast %parallel_loop3A_326 : i32 to vector<16xi32>
          %parallel_loop3A_328 = arith.addi %parallel_loop3A_316, %parallel_loop3A_327 : vector<16xi32>
          %parallel_loop3A_329 = tpu.vector_load_idx %arg7[%parallel_loop3A_328] : memref<45184xf32, #tpu.memory_space<vmem>>[vector<16xi32>], vector<16xf32>,
          %parallel_loop3A_330 = arith.constant 1.000000e+00 : f32
          %parallel_loop3A_331 = vector.broadcast %parallel_loop3A_330 : f32 to vector<16xf32>
          %parallel_loop3A_332 = arith.subf %parallel_loop3A_331, %parallel_loop3A_307 : vector<16xf32>
          %parallel_loop3A_333 = arith.constant 1.000000e+00 : f32
          %parallel_loop3A_334 = vector.broadcast %parallel_loop3A_333 : f32 to vector<16xf32>
          %parallel_loop3A_335 = arith.subf %parallel_loop3A_334, %parallel_loop3A_309 : vector<16xf32>
          %parallel_loop3A_336 = arith.mulf %parallel_loop3A_332, %parallel_loop3A_335 : vector<16xf32>
          %parallel_loop3A_337 = arith.mulf %parallel_loop3A_336, %parallel_loop3A_317 : vector<16xf32>
          %parallel_loop3A_338 = arith.mulf %parallel_loop3A_332, %parallel_loop3A_309 : vector<16xf32>
          %parallel_loop3A_339 = arith.mulf %parallel_loop3A_338, %parallel_loop3A_321 : vector<16xf32>
          %parallel_loop3A_340 = arith.addf %parallel_loop3A_337, %parallel_loop3A_339 : vector<16xf32>
          %parallel_loop3A_341 = arith.mulf %parallel_loop3A_307, %parallel_loop3A_335 : vector<16xf32>
          %parallel_loop3A_342 = arith.mulf %parallel_loop3A_341, %parallel_loop3A_325 : vector<16xf32>
          %parallel_loop3A_343 = arith.addf %parallel_loop3A_340, %parallel_loop3A_342 : vector<16xf32>
          %parallel_loop3A_344 = arith.mulf %parallel_loop3A_307, %parallel_loop3A_309 : vector<16xf32>
          %parallel_loop3A_345 = arith.mulf %parallel_loop3A_344, %parallel_loop3A_329 : vector<16xf32>
          %parallel_loop3A_346 = arith.addf %parallel_loop3A_343, %parallel_loop3A_345 : vector<16xf32>
          %parallel_loop3A_347 = arith.constant 16 : i32
          %parallel_loop3A_348 = arith.muli %parallel_loop3A_180, %parallel_loop3A_347 : i32
          %parallel_loop3A_349 = arith.constant 2048 : i32
          %parallel_loop3A_350 = arith.addi %parallel_loop3A_349, %parallel_loop3A_348 : i32
          %parallel_loop3A_351 = arith.index_cast %parallel_loop3A_350 : i32 to index
          %parallel_loop3A_352 = tpu.vector_load %arg9[%parallel_loop3A_351] {strides = array<i32>} : memref<24576xf32, #tpu.memory_space<vmem>>, vector<16xf32>,
          tpu.vector_store %arg9[%parallel_loop3A_351], %parallel_loop3A_346 {strides = array<i32>} : memref<24576xf32, #tpu.memory_space<vmem>>, vector<16xf32>,
          %parallel_loop3A_353 = arith.constant 6.200000e+01 : f32
          %parallel_loop3A_354 = vector.broadcast %parallel_loop3A_353 : f32 to vector<16xf32>
          %parallel_loop3A_355 = arith.mulf %parallel_loop3A_206, %parallel_loop3A_354 : vector<16xf32>
          %parallel_loop3A_356 = arith.constant 6.200000e+01 : f32
          %parallel_loop3A_357 = vector.broadcast %parallel_loop3A_356 : f32 to vector<16xf32>
          %parallel_loop3A_358 = arith.mulf %parallel_loop3A_218, %parallel_loop3A_357 : vector<16xf32>
          %parallel_loop3A_359 = arith.fptosi %parallel_loop3A_355 : vector<16xf32> to vector<16xi32>
          %parallel_loop3A_360 = arith.constant 0 : i32
          %parallel_loop3A_361 = arith.constant 61 : i32
          %parallel_loop3A_362 = vector.broadcast %parallel_loop3A_360 : i32 to vector<16xi32>
          %parallel_loop3A_363 = arith.maxsi %parallel_loop3A_362, %parallel_loop3A_359 : vector<16xi32>
          %parallel_loop3A_364 = vector.broadcast %parallel_loop3A_361 : i32 to vector<16xi32>
          %parallel_loop3A_365 = arith.minsi %parallel_loop3A_364, %parallel_loop3A_363 : vector<16xi32>
          %parallel_loop3A_366 = arith.fptosi %parallel_loop3A_358 : vector<16xf32> to vector<16xi32>
          %parallel_loop3A_367 = arith.constant 0 : i32
          %parallel_loop3A_368 = arith.constant 61 : i32
          %parallel_loop3A_369 = vector.broadcast %parallel_loop3A_367 : i32 to vector<16xi32>
          %parallel_loop3A_370 = arith.maxsi %parallel_loop3A_369, %parallel_loop3A_366 : vector<16xi32>
          %parallel_loop3A_371 = vector.broadcast %parallel_loop3A_368 : i32 to vector<16xi32>
          %parallel_loop3A_372 = arith.minsi %parallel_loop3A_371, %parallel_loop3A_370 : vector<16xi32>
          %parallel_loop3A_373 = arith.sitofp %parallel_loop3A_365 : vector<16xi32> to vector<16xf32>
          %parallel_loop3A_374 = arith.subf %parallel_loop3A_355, %parallel_loop3A_373 : vector<16xf32>
          %parallel_loop3A_375 = arith.sitofp %parallel_loop3A_372 : vector<16xi32> to vector<16xf32>
          %parallel_loop3A_376 = arith.subf %parallel_loop3A_358, %parallel_loop3A_375 : vector<16xf32>
          %parallel_loop3A_377 = arith.constant 63 : i32
          %parallel_loop3A_378 = vector.broadcast %parallel_loop3A_377 : i32 to vector<16xi32>
          %parallel_loop3A_379 = arith.muli %parallel_loop3A_372, %parallel_loop3A_378 : vector<16xi32>
          %parallel_loop3A_380 = arith.addi %parallel_loop3A_379, %parallel_loop3A_365 : vector<16xi32>
          %parallel_loop3A_381 = arith.constant 8192 : i32
          %parallel_loop3A_382 = vector.broadcast %parallel_loop3A_381 : i32 to vector<16xi32>
          %parallel_loop3A_383 = arith.addi %parallel_loop3A_380, %parallel_loop3A_382 : vector<16xi32>
          %parallel_loop3A_384 = tpu.vector_load_idx %arg7[%parallel_loop3A_383] : memref<45184xf32, #tpu.memory_space<vmem>>[vector<16xi32>], vector<16xf32>,
          %parallel_loop3A_385 = arith.constant 63 : i32
          %parallel_loop3A_386 = vector.broadcast %parallel_loop3A_385 : i32 to vector<16xi32>
          %parallel_loop3A_387 = arith.addi %parallel_loop3A_383, %parallel_loop3A_386 : vector<16xi32>
          %parallel_loop3A_388 = tpu.vector_load_idx %arg7[%parallel_loop3A_387] : memref<45184xf32, #tpu.memory_space<vmem>>[vector<16xi32>], vector<16xf32>,
          %parallel_loop3A_389 = arith.constant 1 : i32
          %parallel_loop3A_390 = vector.broadcast %parallel_loop3A_389 : i32 to vector<16xi32>
          %parallel_loop3A_391 = arith.addi %parallel_loop3A_383, %parallel_loop3A_390 : vector<16xi32>
          %parallel_loop3A_392 = tpu.vector_load_idx %arg7[%parallel_loop3A_391] : memref<45184xf32, #tpu.memory_space<vmem>>[vector<16xi32>], vector<16xf32>,
          %parallel_loop3A_393 = arith.constant 64 : i32
          %parallel_loop3A_394 = vector.broadcast %parallel_loop3A_393 : i32 to vector<16xi32>
          %parallel_loop3A_395 = arith.addi %parallel_loop3A_383, %parallel_loop3A_394 : vector<16xi32>
          %parallel_loop3A_396 = tpu.vector_load_idx %arg7[%parallel_loop3A_395] : memref<45184xf32, #tpu.memory_space<vmem>>[vector<16xi32>], vector<16xf32>,
          %parallel_loop3A_397 = arith.constant 1.000000e+00 : f32
          %parallel_loop3A_398 = vector.broadcast %parallel_loop3A_397 : f32 to vector<16xf32>
          %parallel_loop3A_399 = arith.subf %parallel_loop3A_398, %parallel_loop3A_374 : vector<16xf32>
          %parallel_loop3A_400 = arith.constant 1.000000e+00 : f32
          %parallel_loop3A_401 = vector.broadcast %parallel_loop3A_400 : f32 to vector<16xf32>
          %parallel_loop3A_402 = arith.subf %parallel_loop3A_401, %parallel_loop3A_376 : vector<16xf32>
          %parallel_loop3A_403 = arith.mulf %parallel_loop3A_399, %parallel_loop3A_402 : vector<16xf32>
          %parallel_loop3A_404 = arith.mulf %parallel_loop3A_403, %parallel_loop3A_384 : vector<16xf32>
          %parallel_loop3A_405 = arith.mulf %parallel_loop3A_399, %parallel_loop3A_376 : vector<16xf32>
          %parallel_loop3A_406 = arith.mulf %parallel_loop3A_405, %parallel_loop3A_388 : vector<16xf32>
          %parallel_loop3A_407 = arith.addf %parallel_loop3A_404, %parallel_loop3A_406 : vector<16xf32>
          %parallel_loop3A_408 = arith.mulf %parallel_loop3A_374, %parallel_loop3A_402 : vector<16xf32>
          %parallel_loop3A_409 = arith.mulf %parallel_loop3A_408, %parallel_loop3A_392 : vector<16xf32>
          %parallel_loop3A_410 = arith.addf %parallel_loop3A_407, %parallel_loop3A_409 : vector<16xf32>
          %parallel_loop3A_411 = arith.mulf %parallel_loop3A_374, %parallel_loop3A_376 : vector<16xf32>
          %parallel_loop3A_412 = arith.mulf %parallel_loop3A_411, %parallel_loop3A_396 : vector<16xf32>
          %parallel_loop3A_413 = arith.addf %parallel_loop3A_410, %parallel_loop3A_412 : vector<16xf32>
          %parallel_loop3A_414 = arith.constant 16 : i32
          %parallel_loop3A_415 = arith.muli %parallel_loop3A_180, %parallel_loop3A_414 : i32
          %parallel_loop3A_416 = arith.constant 4096 : i32
          %parallel_loop3A_417 = arith.addi %parallel_loop3A_416, %parallel_loop3A_415 : i32
          %parallel_loop3A_418 = arith.index_cast %parallel_loop3A_417 : i32 to index
          %parallel_loop3A_419 = tpu.vector_load %arg9[%parallel_loop3A_418] {strides = array<i32>} : memref<24576xf32, #tpu.memory_space<vmem>>, vector<16xf32>,
          tpu.vector_store %arg9[%parallel_loop3A_418], %parallel_loop3A_413 {strides = array<i32>} : memref<24576xf32, #tpu.memory_space<vmem>>, vector<16xf32>,
          %parallel_loop3A_420 = arith.constant 6.200000e+01 : f32
          %parallel_loop3A_421 = vector.broadcast %parallel_loop3A_420 : f32 to vector<16xf32>
          %parallel_loop3A_422 = arith.mulf %parallel_loop3A_206, %parallel_loop3A_421 : vector<16xf32>
          %parallel_loop3A_423 = arith.constant 6.200000e+01 : f32
          %parallel_loop3A_424 = vector.broadcast %parallel_loop3A_423 : f32 to vector<16xf32>
          %parallel_loop3A_425 = arith.mulf %parallel_loop3A_218, %parallel_loop3A_424 : vector<16xf32>
          %parallel_loop3A_426 = arith.fptosi %parallel_loop3A_422 : vector<16xf32> to vector<16xi32>
          %parallel_loop3A_427 = arith.constant 0 : i32
          %parallel_loop3A_428 = arith.constant 61 : i32
          %parallel_loop3A_429 = vector.broadcast %parallel_loop3A_427 : i32 to vector<16xi32>
          %parallel_loop3A_430 = arith.maxsi %parallel_loop3A_429, %parallel_loop3A_426 : vector<16xi32>
          %parallel_loop3A_431 = vector.broadcast %parallel_loop3A_428 : i32 to vector<16xi32>
          %parallel_loop3A_432 = arith.minsi %parallel_loop3A_431, %parallel_loop3A_430 : vector<16xi32>
          %parallel_loop3A_433 = arith.fptosi %parallel_loop3A_425 : vector<16xf32> to vector<16xi32>
          %parallel_loop3A_434 = arith.constant 0 : i32
          %parallel_loop3A_435 = arith.constant 61 : i32
          %parallel_loop3A_436 = vector.broadcast %parallel_loop3A_434 : i32 to vector<16xi32>
          %parallel_loop3A_437 = arith.maxsi %parallel_loop3A_436, %parallel_loop3A_433 : vector<16xi32>
          %parallel_loop3A_438 = vector.broadcast %parallel_loop3A_435 : i32 to vector<16xi32>
          %parallel_loop3A_439 = arith.minsi %parallel_loop3A_438, %parallel_loop3A_437 : vector<16xi32>
          %parallel_loop3A_440 = arith.sitofp %parallel_loop3A_432 : vector<16xi32> to vector<16xf32>
          %parallel_loop3A_441 = arith.subf %parallel_loop3A_422, %parallel_loop3A_440 : vector<16xf32>
          %parallel_loop3A_442 = arith.sitofp %parallel_loop3A_439 : vector<16xi32> to vector<16xf32>
          %parallel_loop3A_443 = arith.subf %parallel_loop3A_425, %parallel_loop3A_442 : vector<16xf32>
          %parallel_loop3A_444 = arith.constant 63 : i32
          %parallel_loop3A_445 = vector.broadcast %parallel_loop3A_444 : i32 to vector<16xi32>
          %parallel_loop3A_446 = arith.muli %parallel_loop3A_439, %parallel_loop3A_445 : vector<16xi32>
          %parallel_loop3A_447 = arith.addi %parallel_loop3A_446, %parallel_loop3A_432 : vector<16xi32>
          %parallel_loop3A_448 = arith.constant 12161 : i32
          %parallel_loop3A_449 = vector.broadcast %parallel_loop3A_448 : i32 to vector<16xi32>
          %parallel_loop3A_450 = arith.addi %parallel_loop3A_447, %parallel_loop3A_449 : vector<16xi32>
          %parallel_loop3A_451 = tpu.vector_load_idx %arg7[%parallel_loop3A_450] : memref<45184xf32, #tpu.memory_space<vmem>>[vector<16xi32>], vector<16xf32>,
          %parallel_loop3A_452 = arith.constant 63 : i32
          %parallel_loop3A_453 = vector.broadcast %parallel_loop3A_452 : i32 to vector<16xi32>
          %parallel_loop3A_454 = arith.addi %parallel_loop3A_450, %parallel_loop3A_453 : vector<16xi32>
          %parallel_loop3A_455 = tpu.vector_load_idx %arg7[%parallel_loop3A_454] : memref<45184xf32, #tpu.memory_space<vmem>>[vector<16xi32>], vector<16xf32>,
          %parallel_loop3A_456 = arith.constant 1 : i32
          %parallel_loop3A_457 = vector.broadcast %parallel_loop3A_456 : i32 to vector<16xi32>
          %parallel_loop3A_458 = arith.addi %parallel_loop3A_450, %parallel_loop3A_457 : vector<16xi32>
          %parallel_loop3A_459 = tpu.vector_load_idx %arg7[%parallel_loop3A_458] : memref<45184xf32, #tpu.memory_space<vmem>>[vector<16xi32>], vector<16xf32>,
          %parallel_loop3A_460 = arith.constant 64 : i32
          %parallel_loop3A_461 = vector.broadcast %parallel_loop3A_460 : i32 to vector<16xi32>
          %parallel_loop3A_462 = arith.addi %parallel_loop3A_450, %parallel_loop3A_461 : vector<16xi32>
          %parallel_loop3A_463 = tpu.vector_load_idx %arg7[%parallel_loop3A_462] : memref<45184xf32, #tpu.memory_space<vmem>>[vector<16xi32>], vector<16xf32>,
          %parallel_loop3A_464 = arith.constant 1.000000e+00 : f32
          %parallel_loop3A_465 = vector.broadcast %parallel_loop3A_464 : f32 to vector<16xf32>
          %parallel_loop3A_466 = arith.subf %parallel_loop3A_465, %parallel_loop3A_441 : vector<16xf32>
          %parallel_loop3A_467 = arith.constant 1.000000e+00 : f32
          %parallel_loop3A_468 = vector.broadcast %parallel_loop3A_467 : f32 to vector<16xf32>
          %parallel_loop3A_469 = arith.subf %parallel_loop3A_468, %parallel_loop3A_443 : vector<16xf32>
          %parallel_loop3A_470 = arith.mulf %parallel_loop3A_466, %parallel_loop3A_469 : vector<16xf32>
          %parallel_loop3A_471 = arith.mulf %parallel_loop3A_470, %parallel_loop3A_451 : vector<16xf32>
          %parallel_loop3A_472 = arith.mulf %parallel_loop3A_466, %parallel_loop3A_443 : vector<16xf32>
          %parallel_loop3A_473 = arith.mulf %parallel_loop3A_472, %parallel_loop3A_455 : vector<16xf32>
          %parallel_loop3A_474 = arith.addf %parallel_loop3A_471, %parallel_loop3A_473 : vector<16xf32>
          %parallel_loop3A_475 = arith.mulf %parallel_loop3A_441, %parallel_loop3A_469 : vector<16xf32>
          %parallel_loop3A_476 = arith.mulf %parallel_loop3A_475, %parallel_loop3A_459 : vector<16xf32>
          %parallel_loop3A_477 = arith.addf %parallel_loop3A_474, %parallel_loop3A_476 : vector<16xf32>
          %parallel_loop3A_478 = arith.mulf %parallel_loop3A_441, %parallel_loop3A_443 : vector<16xf32>
          %parallel_loop3A_479 = arith.mulf %parallel_loop3A_478, %parallel_loop3A_463 : vector<16xf32>
          %parallel_loop3A_480 = arith.addf %parallel_loop3A_477, %parallel_loop3A_479 : vector<16xf32>
          %parallel_loop3A_481 = arith.constant 16 : i32
          %parallel_loop3A_482 = arith.muli %parallel_loop3A_180, %parallel_loop3A_481 : i32
          %parallel_loop3A_483 = arith.constant 6144 : i32
          %parallel_loop3A_484 = arith.addi %parallel_loop3A_483, %parallel_loop3A_482 : i32
          %parallel_loop3A_485 = arith.index_cast %parallel_loop3A_484 : i32 to index
          %parallel_loop3A_486 = tpu.vector_load %arg9[%parallel_loop3A_485] {strides = array<i32>} : memref<24576xf32, #tpu.memory_space<vmem>>, vector<16xf32>,
          tpu.vector_store %arg9[%parallel_loop3A_485], %parallel_loop3A_480 {strides = array<i32>} : memref<24576xf32, #tpu.memory_space<vmem>>, vector<16xf32>,
          %parallel_loop3A_487 = arith.constant 6.100000e+01 : f32
          %parallel_loop3A_488 = vector.broadcast %parallel_loop3A_487 : f32 to vector<16xf32>
          %parallel_loop3A_489 = arith.mulf %parallel_loop3A_206, %parallel_loop3A_488 : vector<16xf32>
          %parallel_loop3A_490 = arith.constant 6.100000e+01 : f32
          %parallel_loop3A_491 = vector.broadcast %parallel_loop3A_490 : f32 to vector<16xf32>
          %parallel_loop3A_492 = arith.mulf %parallel_loop3A_218, %parallel_loop3A_491 : vector<16xf32>
          %parallel_loop3A_493 = arith.fptosi %parallel_loop3A_489 : vector<16xf32> to vector<16xi32>
          %parallel_loop3A_494 = arith.constant 0 : i32
          %parallel_loop3A_495 = arith.constant 60 : i32
          %parallel_loop3A_496 = vector.broadcast %parallel_loop3A_494 : i32 to vector<16xi32>
          %parallel_loop3A_497 = arith.maxsi %parallel_loop3A_496, %parallel_loop3A_493 : vector<16xi32>
          %parallel_loop3A_498 = vector.broadcast %parallel_loop3A_495 : i32 to vector<16xi32>
          %parallel_loop3A_499 = arith.minsi %parallel_loop3A_498, %parallel_loop3A_497 : vector<16xi32>
          %parallel_loop3A_500 = arith.fptosi %parallel_loop3A_492 : vector<16xf32> to vector<16xi32>
          %parallel_loop3A_501 = arith.constant 0 : i32
          %parallel_loop3A_502 = arith.constant 60 : i32
          %parallel_loop3A_503 = vector.broadcast %parallel_loop3A_501 : i32 to vector<16xi32>
          %parallel_loop3A_504 = arith.maxsi %parallel_loop3A_503, %parallel_loop3A_500 : vector<16xi32>
          %parallel_loop3A_505 = vector.broadcast %parallel_loop3A_502 : i32 to vector<16xi32>
          %parallel_loop3A_506 = arith.minsi %parallel_loop3A_505, %parallel_loop3A_504 : vector<16xi32>
          %parallel_loop3A_507 = arith.sitofp %parallel_loop3A_499 : vector<16xi32> to vector<16xf32>
          %parallel_loop3A_508 = arith.subf %parallel_loop3A_489, %parallel_loop3A_507 : vector<16xf32>
          %parallel_loop3A_509 = arith.sitofp %parallel_loop3A_506 : vector<16xi32> to vector<16xf32>
          %parallel_loop3A_510 = arith.subf %parallel_loop3A_492, %parallel_loop3A_509 : vector<16xf32>
          %parallel_loop3A_511 = arith.constant 62 : i32
          %parallel_loop3A_512 = vector.broadcast %parallel_loop3A_511 : i32 to vector<16xi32>
          %parallel_loop3A_513 = arith.muli %parallel_loop3A_506, %parallel_loop3A_512 : vector<16xi32>
          %parallel_loop3A_514 = arith.addi %parallel_loop3A_513, %parallel_loop3A_499 : vector<16xi32>
          %parallel_loop3A_515 = arith.constant 16130 : i32
          %parallel_loop3A_516 = vector.broadcast %parallel_loop3A_515 : i32 to vector<16xi32>
          %parallel_loop3A_517 = arith.addi %parallel_loop3A_514, %parallel_loop3A_516 : vector<16xi32>
          %parallel_loop3A_518 = tpu.vector_load_idx %arg7[%parallel_loop3A_517] : memref<45184xf32, #tpu.memory_space<vmem>>[vector<16xi32>], vector<16xf32>,
          %parallel_loop3A_519 = arith.constant 62 : i32
          %parallel_loop3A_520 = vector.broadcast %parallel_loop3A_519 : i32 to vector<16xi32>
          %parallel_loop3A_521 = arith.addi %parallel_loop3A_517, %parallel_loop3A_520 : vector<16xi32>
          %parallel_loop3A_522 = tpu.vector_load_idx %arg7[%parallel_loop3A_521] : memref<45184xf32, #tpu.memory_space<vmem>>[vector<16xi32>], vector<16xf32>,
          %parallel_loop3A_523 = arith.constant 1 : i32
          %parallel_loop3A_524 = vector.broadcast %parallel_loop3A_523 : i32 to vector<16xi32>
          %parallel_loop3A_525 = arith.addi %parallel_loop3A_517, %parallel_loop3A_524 : vector<16xi32>
          %parallel_loop3A_526 = tpu.vector_load_idx %arg7[%parallel_loop3A_525] : memref<45184xf32, #tpu.memory_space<vmem>>[vector<16xi32>], vector<16xf32>,
          %parallel_loop3A_527 = arith.constant 63 : i32
          %parallel_loop3A_528 = vector.broadcast %parallel_loop3A_527 : i32 to vector<16xi32>
          %parallel_loop3A_529 = arith.addi %parallel_loop3A_517, %parallel_loop3A_528 : vector<16xi32>
          %parallel_loop3A_530 = tpu.vector_load_idx %arg7[%parallel_loop3A_529] : memref<45184xf32, #tpu.memory_space<vmem>>[vector<16xi32>], vector<16xf32>,
          %parallel_loop3A_531 = arith.constant 1.000000e+00 : f32
          %parallel_loop3A_532 = vector.broadcast %parallel_loop3A_531 : f32 to vector<16xf32>
          %parallel_loop3A_533 = arith.subf %parallel_loop3A_532, %parallel_loop3A_508 : vector<16xf32>
          %parallel_loop3A_534 = arith.constant 1.000000e+00 : f32
          %parallel_loop3A_535 = vector.broadcast %parallel_loop3A_534 : f32 to vector<16xf32>
          %parallel_loop3A_536 = arith.subf %parallel_loop3A_535, %parallel_loop3A_510 : vector<16xf32>
          %parallel_loop3A_537 = arith.mulf %parallel_loop3A_533, %parallel_loop3A_536 : vector<16xf32>
          %parallel_loop3A_538 = arith.mulf %parallel_loop3A_537, %parallel_loop3A_518 : vector<16xf32>
          %parallel_loop3A_539 = arith.mulf %parallel_loop3A_533, %parallel_loop3A_510 : vector<16xf32>
          %parallel_loop3A_540 = arith.mulf %parallel_loop3A_539, %parallel_loop3A_522 : vector<16xf32>
          %parallel_loop3A_541 = arith.addf %parallel_loop3A_538, %parallel_loop3A_540 : vector<16xf32>
          %parallel_loop3A_542 = arith.mulf %parallel_loop3A_508, %parallel_loop3A_536 : vector<16xf32>
          %parallel_loop3A_543 = arith.mulf %parallel_loop3A_542, %parallel_loop3A_526 : vector<16xf32>
          %parallel_loop3A_544 = arith.addf %parallel_loop3A_541, %parallel_loop3A_543 : vector<16xf32>
          %parallel_loop3A_545 = arith.mulf %parallel_loop3A_508, %parallel_loop3A_510 : vector<16xf32>
          %parallel_loop3A_546 = arith.mulf %parallel_loop3A_545, %parallel_loop3A_530 : vector<16xf32>
          %parallel_loop3A_547 = arith.addf %parallel_loop3A_544, %parallel_loop3A_546 : vector<16xf32>
          %parallel_loop3A_548 = arith.constant 16 : i32
          %parallel_loop3A_549 = arith.muli %parallel_loop3A_180, %parallel_loop3A_548 : i32
          %parallel_loop3A_550 = arith.constant 8192 : i32
          %parallel_loop3A_551 = arith.addi %parallel_loop3A_550, %parallel_loop3A_549 : i32
          %parallel_loop3A_552 = arith.index_cast %parallel_loop3A_551 : i32 to index
          %parallel_loop3A_553 = tpu.vector_load %arg9[%parallel_loop3A_552] {strides = array<i32>} : memref<24576xf32, #tpu.memory_space<vmem>>, vector<16xf32>,
          tpu.vector_store %arg9[%parallel_loop3A_552], %parallel_loop3A_547 {strides = array<i32>} : memref<24576xf32, #tpu.memory_space<vmem>>, vector<16xf32>,
          %parallel_loop3A_554 = arith.constant 6.100000e+01 : f32
          %parallel_loop3A_555 = vector.broadcast %parallel_loop3A_554 : f32 to vector<16xf32>
          %parallel_loop3A_556 = arith.mulf %parallel_loop3A_206, %parallel_loop3A_555 : vector<16xf32>
          %parallel_loop3A_557 = arith.constant 6.100000e+01 : f32
          %parallel_loop3A_558 = vector.broadcast %parallel_loop3A_557 : f32 to vector<16xf32>
          %parallel_loop3A_559 = arith.mulf %parallel_loop3A_218, %parallel_loop3A_558 : vector<16xf32>
          %parallel_loop3A_560 = arith.fptosi %parallel_loop3A_556 : vector<16xf32> to vector<16xi32>
          %parallel_loop3A_561 = arith.constant 0 : i32
          %parallel_loop3A_562 = arith.constant 60 : i32
          %parallel_loop3A_563 = vector.broadcast %parallel_loop3A_561 : i32 to vector<16xi32>
          %parallel_loop3A_564 = arith.maxsi %parallel_loop3A_563, %parallel_loop3A_560 : vector<16xi32>
          %parallel_loop3A_565 = vector.broadcast %parallel_loop3A_562 : i32 to vector<16xi32>
          %parallel_loop3A_566 = arith.minsi %parallel_loop3A_565, %parallel_loop3A_564 : vector<16xi32>
          %parallel_loop3A_567 = arith.fptosi %parallel_loop3A_559 : vector<16xf32> to vector<16xi32>
          %parallel_loop3A_568 = arith.constant 0 : i32
          %parallel_loop3A_569 = arith.constant 60 : i32
          %parallel_loop3A_570 = vector.broadcast %parallel_loop3A_568 : i32 to vector<16xi32>
          %parallel_loop3A_571 = arith.maxsi %parallel_loop3A_570, %parallel_loop3A_567 : vector<16xi32>
          %parallel_loop3A_572 = vector.broadcast %parallel_loop3A_569 : i32 to vector<16xi32>
          %parallel_loop3A_573 = arith.minsi %parallel_loop3A_572, %parallel_loop3A_571 : vector<16xi32>
          %parallel_loop3A_574 = arith.sitofp %parallel_loop3A_566 : vector<16xi32> to vector<16xf32>
          %parallel_loop3A_575 = arith.subf %parallel_loop3A_556, %parallel_loop3A_574 : vector<16xf32>
          %parallel_loop3A_576 = arith.sitofp %parallel_loop3A_573 : vector<16xi32> to vector<16xf32>
          %parallel_loop3A_577 = arith.subf %parallel_loop3A_559, %parallel_loop3A_576 : vector<16xf32>
          %parallel_loop3A_578 = arith.constant 62 : i32
          %parallel_loop3A_579 = vector.broadcast %parallel_loop3A_578 : i32 to vector<16xi32>
          %parallel_loop3A_580 = arith.muli %parallel_loop3A_573, %parallel_loop3A_579 : vector<16xi32>
          %parallel_loop3A_581 = arith.addi %parallel_loop3A_580, %parallel_loop3A_566 : vector<16xi32>
          %parallel_loop3A_582 = arith.constant 19974 : i32
          %parallel_loop3A_583 = vector.broadcast %parallel_loop3A_582 : i32 to vector<16xi32>
          %parallel_loop3A_584 = arith.addi %parallel_loop3A_581, %parallel_loop3A_583 : vector<16xi32>
          %parallel_loop3A_585 = tpu.vector_load_idx %arg7[%parallel_loop3A_584] : memref<45184xf32, #tpu.memory_space<vmem>>[vector<16xi32>], vector<16xf32>,
          %parallel_loop3A_586 = arith.constant 62 : i32
          %parallel_loop3A_587 = vector.broadcast %parallel_loop3A_586 : i32 to vector<16xi32>
          %parallel_loop3A_588 = arith.addi %parallel_loop3A_584, %parallel_loop3A_587 : vector<16xi32>
          %parallel_loop3A_589 = tpu.vector_load_idx %arg7[%parallel_loop3A_588] : memref<45184xf32, #tpu.memory_space<vmem>>[vector<16xi32>], vector<16xf32>,
          %parallel_loop3A_590 = arith.constant 1 : i32
          %parallel_loop3A_591 = vector.broadcast %parallel_loop3A_590 : i32 to vector<16xi32>
          %parallel_loop3A_592 = arith.addi %parallel_loop3A_584, %parallel_loop3A_591 : vector<16xi32>
          %parallel_loop3A_593 = tpu.vector_load_idx %arg7[%parallel_loop3A_592] : memref<45184xf32, #tpu.memory_space<vmem>>[vector<16xi32>], vector<16xf32>,
          %parallel_loop3A_594 = arith.constant 63 : i32
          %parallel_loop3A_595 = vector.broadcast %parallel_loop3A_594 : i32 to vector<16xi32>
          %parallel_loop3A_596 = arith.addi %parallel_loop3A_584, %parallel_loop3A_595 : vector<16xi32>
          %parallel_loop3A_597 = tpu.vector_load_idx %arg7[%parallel_loop3A_596] : memref<45184xf32, #tpu.memory_space<vmem>>[vector<16xi32>], vector<16xf32>,
          %parallel_loop3A_598 = arith.constant 1.000000e+00 : f32
          %parallel_loop3A_599 = vector.broadcast %parallel_loop3A_598 : f32 to vector<16xf32>
          %parallel_loop3A_600 = arith.subf %parallel_loop3A_599, %parallel_loop3A_575 : vector<16xf32>
          %parallel_loop3A_601 = arith.constant 1.000000e+00 : f32
          %parallel_loop3A_602 = vector.broadcast %parallel_loop3A_601 : f32 to vector<16xf32>
          %parallel_loop3A_603 = arith.subf %parallel_loop3A_602, %parallel_loop3A_577 : vector<16xf32>
          %parallel_loop3A_604 = arith.mulf %parallel_loop3A_600, %parallel_loop3A_603 : vector<16xf32>
          %parallel_loop3A_605 = arith.mulf %parallel_loop3A_604, %parallel_loop3A_585 : vector<16xf32>
          %parallel_loop3A_606 = arith.mulf %parallel_loop3A_600, %parallel_loop3A_577 : vector<16xf32>
          %parallel_loop3A_607 = arith.mulf %parallel_loop3A_606, %parallel_loop3A_589 : vector<16xf32>
          %parallel_loop3A_608 = arith.addf %parallel_loop3A_605, %parallel_loop3A_607 : vector<16xf32>
          %parallel_loop3A_609 = arith.mulf %parallel_loop3A_575, %parallel_loop3A_603 : vector<16xf32>
          %parallel_loop3A_610 = arith.mulf %parallel_loop3A_609, %parallel_loop3A_593 : vector<16xf32>
          %parallel_loop3A_611 = arith.addf %parallel_loop3A_608, %parallel_loop3A_610 : vector<16xf32>
          %parallel_loop3A_612 = arith.mulf %parallel_loop3A_575, %parallel_loop3A_577 : vector<16xf32>
          %parallel_loop3A_613 = arith.mulf %parallel_loop3A_612, %parallel_loop3A_597 : vector<16xf32>
          %parallel_loop3A_614 = arith.addf %parallel_loop3A_611, %parallel_loop3A_613 : vector<16xf32>
          %parallel_loop3A_615 = arith.constant 16 : i32
          %parallel_loop3A_616 = arith.muli %parallel_loop3A_180, %parallel_loop3A_615 : i32
          %parallel_loop3A_617 = arith.constant 10240 : i32
          %parallel_loop3A_618 = arith.addi %parallel_loop3A_617, %parallel_loop3A_616 : i32
          %parallel_loop3A_619 = arith.index_cast %parallel_loop3A_618 : i32 to index
          %parallel_loop3A_620 = tpu.vector_load %arg9[%parallel_loop3A_619] {strides = array<i32>} : memref<24576xf32, #tpu.memory_space<vmem>>, vector<16xf32>,
          tpu.vector_store %arg9[%parallel_loop3A_619], %parallel_loop3A_614 {strides = array<i32>} : memref<24576xf32, #tpu.memory_space<vmem>>, vector<16xf32>,
          %parallel_loop3A_621 = arith.constant 6.000000e+01 : f32
          %parallel_loop3A_622 = vector.broadcast %parallel_loop3A_621 : f32 to vector<16xf32>
          %parallel_loop3A_623 = arith.mulf %parallel_loop3A_206, %parallel_loop3A_622 : vector<16xf32>
          %parallel_loop3A_624 = arith.constant 6.000000e+01 : f32
          %parallel_loop3A_625 = vector.broadcast %parallel_loop3A_624 : f32 to vector<16xf32>
          %parallel_loop3A_626 = arith.mulf %parallel_loop3A_218, %parallel_loop3A_625 : vector<16xf32>
          %parallel_loop3A_627 = arith.fptosi %parallel_loop3A_623 : vector<16xf32> to vector<16xi32>
          %parallel_loop3A_628 = arith.constant 0 : i32
          %parallel_loop3A_629 = arith.constant 59 : i32
          %parallel_loop3A_630 = vector.broadcast %parallel_loop3A_628 : i32 to vector<16xi32>
          %parallel_loop3A_631 = arith.maxsi %parallel_loop3A_630, %parallel_loop3A_627 : vector<16xi32>
          %parallel_loop3A_632 = vector.broadcast %parallel_loop3A_629 : i32 to vector<16xi32>
          %parallel_loop3A_633 = arith.minsi %parallel_loop3A_632, %parallel_loop3A_631 : vector<16xi32>
          %parallel_loop3A_634 = arith.fptosi %parallel_loop3A_626 : vector<16xf32> to vector<16xi32>
          %parallel_loop3A_635 = arith.constant 0 : i32
          %parallel_loop3A_636 = arith.constant 59 : i32
          %parallel_loop3A_637 = vector.broadcast %parallel_loop3A_635 : i32 to vector<16xi32>
          %parallel_loop3A_638 = arith.maxsi %parallel_loop3A_637, %parallel_loop3A_634 : vector<16xi32>
          %parallel_loop3A_639 = vector.broadcast %parallel_loop3A_636 : i32 to vector<16xi32>
          %parallel_loop3A_640 = arith.minsi %parallel_loop3A_639, %parallel_loop3A_638 : vector<16xi32>
          %parallel_loop3A_641 = arith.sitofp %parallel_loop3A_633 : vector<16xi32> to vector<16xf32>
          %parallel_loop3A_642 = arith.subf %parallel_loop3A_623, %parallel_loop3A_641 : vector<16xf32>
          %parallel_loop3A_643 = arith.sitofp %parallel_loop3A_640 : vector<16xi32> to vector<16xf32>
          %parallel_loop3A_644 = arith.subf %parallel_loop3A_626, %parallel_loop3A_643 : vector<16xf32>
          %parallel_loop3A_645 = arith.constant 61 : i32
          %parallel_loop3A_646 = vector.broadcast %parallel_loop3A_645 : i32 to vector<16xi32>
          %parallel_loop3A_647 = arith.muli %parallel_loop3A_640, %parallel_loop3A_646 : vector<16xi32>
          %parallel_loop3A_648 = arith.addi %parallel_loop3A_647, %parallel_loop3A_633 : vector<16xi32>
          %parallel_loop3A_649 = arith.constant 23818 : i32
          %parallel_loop3A_650 = vector.broadcast %parallel_loop3A_649 : i32 to vector<16xi32>
          %parallel_loop3A_651 = arith.addi %parallel_loop3A_648, %parallel_loop3A_650 : vector<16xi32>
          %parallel_loop3A_652 = tpu.vector_load_idx %arg7[%parallel_loop3A_651] : memref<45184xf32, #tpu.memory_space<vmem>>[vector<16xi32>], vector<16xf32>,
          %parallel_loop3A_653 = arith.constant 61 : i32
          %parallel_loop3A_654 = vector.broadcast %parallel_loop3A_653 : i32 to vector<16xi32>
          %parallel_loop3A_655 = arith.addi %parallel_loop3A_651, %parallel_loop3A_654 : vector<16xi32>
          %parallel_loop3A_656 = tpu.vector_load_idx %arg7[%parallel_loop3A_655] : memref<45184xf32, #tpu.memory_space<vmem>>[vector<16xi32>], vector<16xf32>,
          %parallel_loop3A_657 = arith.constant 1 : i32
          %parallel_loop3A_658 = vector.broadcast %parallel_loop3A_657 : i32 to vector<16xi32>
          %parallel_loop3A_659 = arith.addi %parallel_loop3A_651, %parallel_loop3A_658 : vector<16xi32>
          %parallel_loop3A_660 = tpu.vector_load_idx %arg7[%parallel_loop3A_659] : memref<45184xf32, #tpu.memory_space<vmem>>[vector<16xi32>], vector<16xf32>,
          %parallel_loop3A_661 = arith.constant 62 : i32
          %parallel_loop3A_662 = vector.broadcast %parallel_loop3A_661 : i32 to vector<16xi32>
          %parallel_loop3A_663 = arith.addi %parallel_loop3A_651, %parallel_loop3A_662 : vector<16xi32>
          %parallel_loop3A_664 = tpu.vector_load_idx %arg7[%parallel_loop3A_663] : memref<45184xf32, #tpu.memory_space<vmem>>[vector<16xi32>], vector<16xf32>,
          %parallel_loop3A_665 = arith.constant 1.000000e+00 : f32
          %parallel_loop3A_666 = vector.broadcast %parallel_loop3A_665 : f32 to vector<16xf32>
          %parallel_loop3A_667 = arith.subf %parallel_loop3A_666, %parallel_loop3A_642 : vector<16xf32>
          %parallel_loop3A_668 = arith.constant 1.000000e+00 : f32
          %parallel_loop3A_669 = vector.broadcast %parallel_loop3A_668 : f32 to vector<16xf32>
          %parallel_loop3A_670 = arith.subf %parallel_loop3A_669, %parallel_loop3A_644 : vector<16xf32>
          %parallel_loop3A_671 = arith.mulf %parallel_loop3A_667, %parallel_loop3A_670 : vector<16xf32>
          %parallel_loop3A_672 = arith.mulf %parallel_loop3A_671, %parallel_loop3A_652 : vector<16xf32>
          %parallel_loop3A_673 = arith.mulf %parallel_loop3A_667, %parallel_loop3A_644 : vector<16xf32>
          %parallel_loop3A_674 = arith.mulf %parallel_loop3A_673, %parallel_loop3A_656 : vector<16xf32>
          %parallel_loop3A_675 = arith.addf %parallel_loop3A_672, %parallel_loop3A_674 : vector<16xf32>
          %parallel_loop3A_676 = arith.mulf %parallel_loop3A_642, %parallel_loop3A_670 : vector<16xf32>
          %parallel_loop3A_677 = arith.mulf %parallel_loop3A_676, %parallel_loop3A_660 : vector<16xf32>
          %parallel_loop3A_678 = arith.addf %parallel_loop3A_675, %parallel_loop3A_677 : vector<16xf32>
          %parallel_loop3A_679 = arith.mulf %parallel_loop3A_642, %parallel_loop3A_644 : vector<16xf32>
          %parallel_loop3A_680 = arith.mulf %parallel_loop3A_679, %parallel_loop3A_664 : vector<16xf32>
          %parallel_loop3A_681 = arith.addf %parallel_loop3A_678, %parallel_loop3A_680 : vector<16xf32>
          %parallel_loop3A_682 = arith.constant 16 : i32
          %parallel_loop3A_683 = arith.muli %parallel_loop3A_180, %parallel_loop3A_682 : i32
          %parallel_loop3A_684 = arith.constant 12288 : i32
          %parallel_loop3A_685 = arith.addi %parallel_loop3A_684, %parallel_loop3A_683 : i32
          %parallel_loop3A_686 = arith.index_cast %parallel_loop3A_685 : i32 to index
          %parallel_loop3A_687 = tpu.vector_load %arg9[%parallel_loop3A_686] {strides = array<i32>} : memref<24576xf32, #tpu.memory_space<vmem>>, vector<16xf32>,
          tpu.vector_store %arg9[%parallel_loop3A_686], %parallel_loop3A_681 {strides = array<i32>} : memref<24576xf32, #tpu.memory_space<vmem>>, vector<16xf32>,
          %parallel_loop3A_688 = arith.constant 5.900000e+01 : f32
          %parallel_loop3A_689 = vector.broadcast %parallel_loop3A_688 : f32 to vector<16xf32>
          %parallel_loop3A_690 = arith.mulf %parallel_loop3A_206, %parallel_loop3A_689 : vector<16xf32>
          %parallel_loop3A_691 = arith.constant 5.900000e+01 : f32
          %parallel_loop3A_692 = vector.broadcast %parallel_loop3A_691 : f32 to vector<16xf32>
          %parallel_loop3A_693 = arith.mulf %parallel_loop3A_218, %parallel_loop3A_692 : vector<16xf32>
          %parallel_loop3A_694 = arith.fptosi %parallel_loop3A_690 : vector<16xf32> to vector<16xi32>
          %parallel_loop3A_695 = arith.constant 0 : i32
          %parallel_loop3A_696 = arith.constant 58 : i32
          %parallel_loop3A_697 = vector.broadcast %parallel_loop3A_695 : i32 to vector<16xi32>
          %parallel_loop3A_698 = arith.maxsi %parallel_loop3A_697, %parallel_loop3A_694 : vector<16xi32>
          %parallel_loop3A_699 = vector.broadcast %parallel_loop3A_696 : i32 to vector<16xi32>
          %parallel_loop3A_700 = arith.minsi %parallel_loop3A_699, %parallel_loop3A_698 : vector<16xi32>
          %parallel_loop3A_701 = arith.fptosi %parallel_loop3A_693 : vector<16xf32> to vector<16xi32>
          %parallel_loop3A_702 = arith.constant 0 : i32
          %parallel_loop3A_703 = arith.constant 58 : i32
          %parallel_loop3A_704 = vector.broadcast %parallel_loop3A_702 : i32 to vector<16xi32>
          %parallel_loop3A_705 = arith.maxsi %parallel_loop3A_704, %parallel_loop3A_701 : vector<16xi32>
          %parallel_loop3A_706 = vector.broadcast %parallel_loop3A_703 : i32 to vector<16xi32>
          %parallel_loop3A_707 = arith.minsi %parallel_loop3A_706, %parallel_loop3A_705 : vector<16xi32>
          %parallel_loop3A_708 = arith.sitofp %parallel_loop3A_700 : vector<16xi32> to vector<16xf32>
          %parallel_loop3A_709 = arith.subf %parallel_loop3A_690, %parallel_loop3A_708 : vector<16xf32>
          %parallel_loop3A_710 = arith.sitofp %parallel_loop3A_707 : vector<16xi32> to vector<16xf32>
          %parallel_loop3A_711 = arith.subf %parallel_loop3A_693, %parallel_loop3A_710 : vector<16xf32>
          %parallel_loop3A_712 = arith.constant 60 : i32
          %parallel_loop3A_713 = vector.broadcast %parallel_loop3A_712 : i32 to vector<16xi32>
          %parallel_loop3A_714 = arith.muli %parallel_loop3A_707, %parallel_loop3A_713 : vector<16xi32>
          %parallel_loop3A_715 = arith.addi %parallel_loop3A_714, %parallel_loop3A_700 : vector<16xi32>
          %parallel_loop3A_716 = arith.constant 27539 : i32
          %parallel_loop3A_717 = vector.broadcast %parallel_loop3A_716 : i32 to vector<16xi32>
          %parallel_loop3A_718 = arith.addi %parallel_loop3A_715, %parallel_loop3A_717 : vector<16xi32>
          %parallel_loop3A_719 = tpu.vector_load_idx %arg7[%parallel_loop3A_718] : memref<45184xf32, #tpu.memory_space<vmem>>[vector<16xi32>], vector<16xf32>,
          %parallel_loop3A_720 = arith.constant 60 : i32
          %parallel_loop3A_721 = vector.broadcast %parallel_loop3A_720 : i32 to vector<16xi32>
          %parallel_loop3A_722 = arith.addi %parallel_loop3A_718, %parallel_loop3A_721 : vector<16xi32>
          %parallel_loop3A_723 = tpu.vector_load_idx %arg7[%parallel_loop3A_722] : memref<45184xf32, #tpu.memory_space<vmem>>[vector<16xi32>], vector<16xf32>,
          %parallel_loop3A_724 = arith.constant 1 : i32
          %parallel_loop3A_725 = vector.broadcast %parallel_loop3A_724 : i32 to vector<16xi32>
          %parallel_loop3A_726 = arith.addi %parallel_loop3A_718, %parallel_loop3A_725 : vector<16xi32>
          %parallel_loop3A_727 = tpu.vector_load_idx %arg7[%parallel_loop3A_726] : memref<45184xf32, #tpu.memory_space<vmem>>[vector<16xi32>], vector<16xf32>,
          %parallel_loop3A_728 = arith.constant 61 : i32
          %parallel_loop3A_729 = vector.broadcast %parallel_loop3A_728 : i32 to vector<16xi32>
          %parallel_loop3A_730 = arith.addi %parallel_loop3A_718, %parallel_loop3A_729 : vector<16xi32>
          %parallel_loop3A_731 = tpu.vector_load_idx %arg7[%parallel_loop3A_730] : memref<45184xf32, #tpu.memory_space<vmem>>[vector<16xi32>], vector<16xf32>,
          %parallel_loop3A_732 = arith.constant 1.000000e+00 : f32
          %parallel_loop3A_733 = vector.broadcast %parallel_loop3A_732 : f32 to vector<16xf32>
          %parallel_loop3A_734 = arith.subf %parallel_loop3A_733, %parallel_loop3A_709 : vector<16xf32>
          %parallel_loop3A_735 = arith.constant 1.000000e+00 : f32
          %parallel_loop3A_736 = vector.broadcast %parallel_loop3A_735 : f32 to vector<16xf32>
          %parallel_loop3A_737 = arith.subf %parallel_loop3A_736, %parallel_loop3A_711 : vector<16xf32>
          %parallel_loop3A_738 = arith.mulf %parallel_loop3A_734, %parallel_loop3A_737 : vector<16xf32>
          %parallel_loop3A_739 = arith.mulf %parallel_loop3A_738, %parallel_loop3A_719 : vector<16xf32>
          %parallel_loop3A_740 = arith.mulf %parallel_loop3A_734, %parallel_loop3A_711 : vector<16xf32>
          %parallel_loop3A_741 = arith.mulf %parallel_loop3A_740, %parallel_loop3A_723 : vector<16xf32>
          %parallel_loop3A_742 = arith.addf %parallel_loop3A_739, %parallel_loop3A_741 : vector<16xf32>
          %parallel_loop3A_743 = arith.mulf %parallel_loop3A_709, %parallel_loop3A_737 : vector<16xf32>
          %parallel_loop3A_744 = arith.mulf %parallel_loop3A_743, %parallel_loop3A_727 : vector<16xf32>
          %parallel_loop3A_745 = arith.addf %parallel_loop3A_742, %parallel_loop3A_744 : vector<16xf32>
          %parallel_loop3A_746 = arith.mulf %parallel_loop3A_709, %parallel_loop3A_711 : vector<16xf32>
          %parallel_loop3A_747 = arith.mulf %parallel_loop3A_746, %parallel_loop3A_731 : vector<16xf32>
          %parallel_loop3A_748 = arith.addf %parallel_loop3A_745, %parallel_loop3A_747 : vector<16xf32>
          %parallel_loop3A_749 = arith.constant 16 : i32
          %parallel_loop3A_750 = arith.muli %parallel_loop3A_180, %parallel_loop3A_749 : i32
          %parallel_loop3A_751 = arith.constant 14336 : i32
          %parallel_loop3A_752 = arith.addi %parallel_loop3A_751, %parallel_loop3A_750 : i32
          %parallel_loop3A_753 = arith.index_cast %parallel_loop3A_752 : i32 to index
          %parallel_loop3A_754 = tpu.vector_load %arg9[%parallel_loop3A_753] {strides = array<i32>} : memref<24576xf32, #tpu.memory_space<vmem>>, vector<16xf32>,
          tpu.vector_store %arg9[%parallel_loop3A_753], %parallel_loop3A_748 {strides = array<i32>} : memref<24576xf32, #tpu.memory_space<vmem>>, vector<16xf32>,
          %parallel_loop3A_755 = arith.constant 5.900000e+01 : f32
          %parallel_loop3A_756 = vector.broadcast %parallel_loop3A_755 : f32 to vector<16xf32>
          %parallel_loop3A_757 = arith.mulf %parallel_loop3A_206, %parallel_loop3A_756 : vector<16xf32>
          %parallel_loop3A_758 = arith.constant 5.900000e+01 : f32
          %parallel_loop3A_759 = vector.broadcast %parallel_loop3A_758 : f32 to vector<16xf32>
          %parallel_loop3A_760 = arith.mulf %parallel_loop3A_218, %parallel_loop3A_759 : vector<16xf32>
          %parallel_loop3A_761 = arith.fptosi %parallel_loop3A_757 : vector<16xf32> to vector<16xi32>
          %parallel_loop3A_762 = arith.constant 0 : i32
          %parallel_loop3A_763 = arith.constant 58 : i32
          %parallel_loop3A_764 = vector.broadcast %parallel_loop3A_762 : i32 to vector<16xi32>
          %parallel_loop3A_765 = arith.maxsi %parallel_loop3A_764, %parallel_loop3A_761 : vector<16xi32>
          %parallel_loop3A_766 = vector.broadcast %parallel_loop3A_763 : i32 to vector<16xi32>
          %parallel_loop3A_767 = arith.minsi %parallel_loop3A_766, %parallel_loop3A_765 : vector<16xi32>
          %parallel_loop3A_768 = arith.fptosi %parallel_loop3A_760 : vector<16xf32> to vector<16xi32>
          %parallel_loop3A_769 = arith.constant 0 : i32
          %parallel_loop3A_770 = arith.constant 58 : i32
          %parallel_loop3A_771 = vector.broadcast %parallel_loop3A_769 : i32 to vector<16xi32>
          %parallel_loop3A_772 = arith.maxsi %parallel_loop3A_771, %parallel_loop3A_768 : vector<16xi32>
          %parallel_loop3A_773 = vector.broadcast %parallel_loop3A_770 : i32 to vector<16xi32>
          %parallel_loop3A_774 = arith.minsi %parallel_loop3A_773, %parallel_loop3A_772 : vector<16xi32>
          %parallel_loop3A_775 = arith.sitofp %parallel_loop3A_767 : vector<16xi32> to vector<16xf32>
          %parallel_loop3A_776 = arith.subf %parallel_loop3A_757, %parallel_loop3A_775 : vector<16xf32>
          %parallel_loop3A_777 = arith.sitofp %parallel_loop3A_774 : vector<16xi32> to vector<16xf32>
          %parallel_loop3A_778 = arith.subf %parallel_loop3A_760, %parallel_loop3A_777 : vector<16xf32>
          %parallel_loop3A_779 = arith.constant 60 : i32
          %parallel_loop3A_780 = vector.broadcast %parallel_loop3A_779 : i32 to vector<16xi32>
          %parallel_loop3A_781 = arith.muli %parallel_loop3A_774, %parallel_loop3A_780 : vector<16xi32>
          %parallel_loop3A_782 = arith.addi %parallel_loop3A_781, %parallel_loop3A_767 : vector<16xi32>
          %parallel_loop3A_783 = arith.constant 31139 : i32
          %parallel_loop3A_784 = vector.broadcast %parallel_loop3A_783 : i32 to vector<16xi32>
          %parallel_loop3A_785 = arith.addi %parallel_loop3A_782, %parallel_loop3A_784 : vector<16xi32>
          %parallel_loop3A_786 = tpu.vector_load_idx %arg7[%parallel_loop3A_785] : memref<45184xf32, #tpu.memory_space<vmem>>[vector<16xi32>], vector<16xf32>,
          %parallel_loop3A_787 = arith.constant 60 : i32
          %parallel_loop3A_788 = vector.broadcast %parallel_loop3A_787 : i32 to vector<16xi32>
          %parallel_loop3A_789 = arith.addi %parallel_loop3A_785, %parallel_loop3A_788 : vector<16xi32>
          %parallel_loop3A_790 = tpu.vector_load_idx %arg7[%parallel_loop3A_789] : memref<45184xf32, #tpu.memory_space<vmem>>[vector<16xi32>], vector<16xf32>,
          %parallel_loop3A_791 = arith.constant 1 : i32
          %parallel_loop3A_792 = vector.broadcast %parallel_loop3A_791 : i32 to vector<16xi32>
          %parallel_loop3A_793 = arith.addi %parallel_loop3A_785, %parallel_loop3A_792 : vector<16xi32>
          %parallel_loop3A_794 = tpu.vector_load_idx %arg7[%parallel_loop3A_793] : memref<45184xf32, #tpu.memory_space<vmem>>[vector<16xi32>], vector<16xf32>,
          %parallel_loop3A_795 = arith.constant 61 : i32
          %parallel_loop3A_796 = vector.broadcast %parallel_loop3A_795 : i32 to vector<16xi32>
          %parallel_loop3A_797 = arith.addi %parallel_loop3A_785, %parallel_loop3A_796 : vector<16xi32>
          %parallel_loop3A_798 = tpu.vector_load_idx %arg7[%parallel_loop3A_797] : memref<45184xf32, #tpu.memory_space<vmem>>[vector<16xi32>], vector<16xf32>,
          %parallel_loop3A_799 = arith.constant 1.000000e+00 : f32
          %parallel_loop3A_800 = vector.broadcast %parallel_loop3A_799 : f32 to vector<16xf32>
          %parallel_loop3A_801 = arith.subf %parallel_loop3A_800, %parallel_loop3A_776 : vector<16xf32>
          %parallel_loop3A_802 = arith.constant 1.000000e+00 : f32
          %parallel_loop3A_803 = vector.broadcast %parallel_loop3A_802 : f32 to vector<16xf32>
          %parallel_loop3A_804 = arith.subf %parallel_loop3A_803, %parallel_loop3A_778 : vector<16xf32>
          %parallel_loop3A_805 = arith.mulf %parallel_loop3A_801, %parallel_loop3A_804 : vector<16xf32>
          %parallel_loop3A_806 = arith.mulf %parallel_loop3A_805, %parallel_loop3A_786 : vector<16xf32>
          %parallel_loop3A_807 = arith.mulf %parallel_loop3A_801, %parallel_loop3A_778 : vector<16xf32>
          %parallel_loop3A_808 = arith.mulf %parallel_loop3A_807, %parallel_loop3A_790 : vector<16xf32>
          %parallel_loop3A_809 = arith.addf %parallel_loop3A_806, %parallel_loop3A_808 : vector<16xf32>
          %parallel_loop3A_810 = arith.mulf %parallel_loop3A_776, %parallel_loop3A_804 : vector<16xf32>
          %parallel_loop3A_811 = arith.mulf %parallel_loop3A_810, %parallel_loop3A_794 : vector<16xf32>
          %parallel_loop3A_812 = arith.addf %parallel_loop3A_809, %parallel_loop3A_811 : vector<16xf32>
          %parallel_loop3A_813 = arith.mulf %parallel_loop3A_776, %parallel_loop3A_778 : vector<16xf32>
          %parallel_loop3A_814 = arith.mulf %parallel_loop3A_813, %parallel_loop3A_798 : vector<16xf32>
          %parallel_loop3A_815 = arith.addf %parallel_loop3A_812, %parallel_loop3A_814 : vector<16xf32>
          %parallel_loop3A_816 = arith.constant 16 : i32
          %parallel_loop3A_817 = arith.muli %parallel_loop3A_180, %parallel_loop3A_816 : i32
          %parallel_loop3A_818 = arith.constant 16384 : i32
          %parallel_loop3A_819 = arith.addi %parallel_loop3A_818, %parallel_loop3A_817 : i32
          %parallel_loop3A_820 = arith.index_cast %parallel_loop3A_819 : i32 to index
          %parallel_loop3A_821 = tpu.vector_load %arg9[%parallel_loop3A_820] {strides = array<i32>} : memref<24576xf32, #tpu.memory_space<vmem>>, vector<16xf32>,
          tpu.vector_store %arg9[%parallel_loop3A_820], %parallel_loop3A_815 {strides = array<i32>} : memref<24576xf32, #tpu.memory_space<vmem>>, vector<16xf32>,
          %parallel_loop3A_822 = arith.constant 5.800000e+01 : f32
          %parallel_loop3A_823 = vector.broadcast %parallel_loop3A_822 : f32 to vector<16xf32>
          %parallel_loop3A_824 = arith.mulf %parallel_loop3A_206, %parallel_loop3A_823 : vector<16xf32>
          %parallel_loop3A_825 = arith.constant 5.800000e+01 : f32
          %parallel_loop3A_826 = vector.broadcast %parallel_loop3A_825 : f32 to vector<16xf32>
          %parallel_loop3A_827 = arith.mulf %parallel_loop3A_218, %parallel_loop3A_826 : vector<16xf32>
          %parallel_loop3A_828 = arith.fptosi %parallel_loop3A_824 : vector<16xf32> to vector<16xi32>
          %parallel_loop3A_829 = arith.constant 0 : i32
          %parallel_loop3A_830 = arith.constant 57 : i32
          %parallel_loop3A_831 = vector.broadcast %parallel_loop3A_829 : i32 to vector<16xi32>
          %parallel_loop3A_832 = arith.maxsi %parallel_loop3A_831, %parallel_loop3A_828 : vector<16xi32>
          %parallel_loop3A_833 = vector.broadcast %parallel_loop3A_830 : i32 to vector<16xi32>
          %parallel_loop3A_834 = arith.minsi %parallel_loop3A_833, %parallel_loop3A_832 : vector<16xi32>
          %parallel_loop3A_835 = arith.fptosi %parallel_loop3A_827 : vector<16xf32> to vector<16xi32>
          %parallel_loop3A_836 = arith.constant 0 : i32
          %parallel_loop3A_837 = arith.constant 57 : i32
          %parallel_loop3A_838 = vector.broadcast %parallel_loop3A_836 : i32 to vector<16xi32>
          %parallel_loop3A_839 = arith.maxsi %parallel_loop3A_838, %parallel_loop3A_835 : vector<16xi32>
          %parallel_loop3A_840 = vector.broadcast %parallel_loop3A_837 : i32 to vector<16xi32>
          %parallel_loop3A_841 = arith.minsi %parallel_loop3A_840, %parallel_loop3A_839 : vector<16xi32>
          %parallel_loop3A_842 = arith.sitofp %parallel_loop3A_834 : vector<16xi32> to vector<16xf32>
          %parallel_loop3A_843 = arith.subf %parallel_loop3A_824, %parallel_loop3A_842 : vector<16xf32>
          %parallel_loop3A_844 = arith.sitofp %parallel_loop3A_841 : vector<16xi32> to vector<16xf32>
          %parallel_loop3A_845 = arith.subf %parallel_loop3A_827, %parallel_loop3A_844 : vector<16xf32>
          %parallel_loop3A_846 = arith.constant 59 : i32
          %parallel_loop3A_847 = vector.broadcast %parallel_loop3A_846 : i32 to vector<16xi32>
          %parallel_loop3A_848 = arith.muli %parallel_loop3A_841, %parallel_loop3A_847 : vector<16xi32>
          %parallel_loop3A_849 = arith.addi %parallel_loop3A_848, %parallel_loop3A_834 : vector<16xi32>
          %parallel_loop3A_850 = arith.constant 34739 : i32
          %parallel_loop3A_851 = vector.broadcast %parallel_loop3A_850 : i32 to vector<16xi32>
          %parallel_loop3A_852 = arith.addi %parallel_loop3A_849, %parallel_loop3A_851 : vector<16xi32>
          %parallel_loop3A_853 = tpu.vector_load_idx %arg7[%parallel_loop3A_852] : memref<45184xf32, #tpu.memory_space<vmem>>[vector<16xi32>], vector<16xf32>,
          %parallel_loop3A_854 = arith.constant 59 : i32
          %parallel_loop3A_855 = vector.broadcast %parallel_loop3A_854 : i32 to vector<16xi32>
          %parallel_loop3A_856 = arith.addi %parallel_loop3A_852, %parallel_loop3A_855 : vector<16xi32>
          %parallel_loop3A_857 = tpu.vector_load_idx %arg7[%parallel_loop3A_856] : memref<45184xf32, #tpu.memory_space<vmem>>[vector<16xi32>], vector<16xf32>,
          %parallel_loop3A_858 = arith.constant 1 : i32
          %parallel_loop3A_859 = vector.broadcast %parallel_loop3A_858 : i32 to vector<16xi32>
          %parallel_loop3A_860 = arith.addi %parallel_loop3A_852, %parallel_loop3A_859 : vector<16xi32>
          %parallel_loop3A_861 = tpu.vector_load_idx %arg7[%parallel_loop3A_860] : memref<45184xf32, #tpu.memory_space<vmem>>[vector<16xi32>], vector<16xf32>,
          %parallel_loop3A_862 = arith.constant 60 : i32
          %parallel_loop3A_863 = vector.broadcast %parallel_loop3A_862 : i32 to vector<16xi32>
          %parallel_loop3A_864 = arith.addi %parallel_loop3A_852, %parallel_loop3A_863 : vector<16xi32>
          %parallel_loop3A_865 = tpu.vector_load_idx %arg7[%parallel_loop3A_864] : memref<45184xf32, #tpu.memory_space<vmem>>[vector<16xi32>], vector<16xf32>,
          %parallel_loop3A_866 = arith.constant 1.000000e+00 : f32
          %parallel_loop3A_867 = vector.broadcast %parallel_loop3A_866 : f32 to vector<16xf32>
          %parallel_loop3A_868 = arith.subf %parallel_loop3A_867, %parallel_loop3A_843 : vector<16xf32>
          %parallel_loop3A_869 = arith.constant 1.000000e+00 : f32
          %parallel_loop3A_870 = vector.broadcast %parallel_loop3A_869 : f32 to vector<16xf32>
          %parallel_loop3A_871 = arith.subf %parallel_loop3A_870, %parallel_loop3A_845 : vector<16xf32>
          %parallel_loop3A_872 = arith.mulf %parallel_loop3A_868, %parallel_loop3A_871 : vector<16xf32>
          %parallel_loop3A_873 = arith.mulf %parallel_loop3A_872, %parallel_loop3A_853 : vector<16xf32>
          %parallel_loop3A_874 = arith.mulf %parallel_loop3A_868, %parallel_loop3A_845 : vector<16xf32>
          %parallel_loop3A_875 = arith.mulf %parallel_loop3A_874, %parallel_loop3A_857 : vector<16xf32>
          %parallel_loop3A_876 = arith.addf %parallel_loop3A_873, %parallel_loop3A_875 : vector<16xf32>
          %parallel_loop3A_877 = arith.mulf %parallel_loop3A_843, %parallel_loop3A_871 : vector<16xf32>
          %parallel_loop3A_878 = arith.mulf %parallel_loop3A_877, %parallel_loop3A_861 : vector<16xf32>
          %parallel_loop3A_879 = arith.addf %parallel_loop3A_876, %parallel_loop3A_878 : vector<16xf32>
          %parallel_loop3A_880 = arith.mulf %parallel_loop3A_843, %parallel_loop3A_845 : vector<16xf32>
          %parallel_loop3A_881 = arith.mulf %parallel_loop3A_880, %parallel_loop3A_865 : vector<16xf32>
          %parallel_loop3A_882 = arith.addf %parallel_loop3A_879, %parallel_loop3A_881 : vector<16xf32>
          %parallel_loop3A_883 = arith.constant 16 : i32
          %parallel_loop3A_884 = arith.muli %parallel_loop3A_180, %parallel_loop3A_883 : i32
          %parallel_loop3A_885 = arith.constant 18432 : i32
          %parallel_loop3A_886 = arith.addi %parallel_loop3A_885, %parallel_loop3A_884 : i32
          %parallel_loop3A_887 = arith.index_cast %parallel_loop3A_886 : i32 to index
          %parallel_loop3A_888 = tpu.vector_load %arg9[%parallel_loop3A_887] {strides = array<i32>} : memref<24576xf32, #tpu.memory_space<vmem>>, vector<16xf32>,
          tpu.vector_store %arg9[%parallel_loop3A_887], %parallel_loop3A_882 {strides = array<i32>} : memref<24576xf32, #tpu.memory_space<vmem>>, vector<16xf32>,
          %parallel_loop3A_889 = arith.constant 5.800000e+01 : f32
          %parallel_loop3A_890 = vector.broadcast %parallel_loop3A_889 : f32 to vector<16xf32>
          %parallel_loop3A_891 = arith.mulf %parallel_loop3A_206, %parallel_loop3A_890 : vector<16xf32>
          %parallel_loop3A_892 = arith.constant 5.800000e+01 : f32
          %parallel_loop3A_893 = vector.broadcast %parallel_loop3A_892 : f32 to vector<16xf32>
          %parallel_loop3A_894 = arith.mulf %parallel_loop3A_218, %parallel_loop3A_893 : vector<16xf32>
          %parallel_loop3A_895 = arith.fptosi %parallel_loop3A_891 : vector<16xf32> to vector<16xi32>
          %parallel_loop3A_896 = arith.constant 0 : i32
          %parallel_loop3A_897 = arith.constant 57 : i32
          %parallel_loop3A_898 = vector.broadcast %parallel_loop3A_896 : i32 to vector<16xi32>
          %parallel_loop3A_899 = arith.maxsi %parallel_loop3A_898, %parallel_loop3A_895 : vector<16xi32>
          %parallel_loop3A_900 = vector.broadcast %parallel_loop3A_897 : i32 to vector<16xi32>
          %parallel_loop3A_901 = arith.minsi %parallel_loop3A_900, %parallel_loop3A_899 : vector<16xi32>
          %parallel_loop3A_902 = arith.fptosi %parallel_loop3A_894 : vector<16xf32> to vector<16xi32>
          %parallel_loop3A_903 = arith.constant 0 : i32
          %parallel_loop3A_904 = arith.constant 57 : i32
          %parallel_loop3A_905 = vector.broadcast %parallel_loop3A_903 : i32 to vector<16xi32>
          %parallel_loop3A_906 = arith.maxsi %parallel_loop3A_905, %parallel_loop3A_902 : vector<16xi32>
          %parallel_loop3A_907 = vector.broadcast %parallel_loop3A_904 : i32 to vector<16xi32>
          %parallel_loop3A_908 = arith.minsi %parallel_loop3A_907, %parallel_loop3A_906 : vector<16xi32>
          %parallel_loop3A_909 = arith.sitofp %parallel_loop3A_901 : vector<16xi32> to vector<16xf32>
          %parallel_loop3A_910 = arith.subf %parallel_loop3A_891, %parallel_loop3A_909 : vector<16xf32>
          %parallel_loop3A_911 = arith.sitofp %parallel_loop3A_908 : vector<16xi32> to vector<16xf32>
          %parallel_loop3A_912 = arith.subf %parallel_loop3A_894, %parallel_loop3A_911 : vector<16xf32>
          %parallel_loop3A_913 = arith.constant 59 : i32
          %parallel_loop3A_914 = vector.broadcast %parallel_loop3A_913 : i32 to vector<16xi32>
          %parallel_loop3A_915 = arith.muli %parallel_loop3A_908, %parallel_loop3A_914 : vector<16xi32>
          %parallel_loop3A_916 = arith.addi %parallel_loop3A_915, %parallel_loop3A_901 : vector<16xi32>
          %parallel_loop3A_917 = arith.constant 38220 : i32
          %parallel_loop3A_918 = vector.broadcast %parallel_loop3A_917 : i32 to vector<16xi32>
          %parallel_loop3A_919 = arith.addi %parallel_loop3A_916, %parallel_loop3A_918 : vector<16xi32>
          %parallel_loop3A_920 = tpu.vector_load_idx %arg7[%parallel_loop3A_919] : memref<45184xf32, #tpu.memory_space<vmem>>[vector<16xi32>], vector<16xf32>,
          %parallel_loop3A_921 = arith.constant 59 : i32
          %parallel_loop3A_922 = vector.broadcast %parallel_loop3A_921 : i32 to vector<16xi32>
          %parallel_loop3A_923 = arith.addi %parallel_loop3A_919, %parallel_loop3A_922 : vector<16xi32>
          %parallel_loop3A_924 = tpu.vector_load_idx %arg7[%parallel_loop3A_923] : memref<45184xf32, #tpu.memory_space<vmem>>[vector<16xi32>], vector<16xf32>,
          %parallel_loop3A_925 = arith.constant 1 : i32
          %parallel_loop3A_926 = vector.broadcast %parallel_loop3A_925 : i32 to vector<16xi32>
          %parallel_loop3A_927 = arith.addi %parallel_loop3A_919, %parallel_loop3A_926 : vector<16xi32>
          %parallel_loop3A_928 = tpu.vector_load_idx %arg7[%parallel_loop3A_927] : memref<45184xf32, #tpu.memory_space<vmem>>[vector<16xi32>], vector<16xf32>,
          %parallel_loop3A_929 = arith.constant 60 : i32
          %parallel_loop3A_930 = vector.broadcast %parallel_loop3A_929 : i32 to vector<16xi32>
          %parallel_loop3A_931 = arith.addi %parallel_loop3A_919, %parallel_loop3A_930 : vector<16xi32>
          %parallel_loop3A_932 = tpu.vector_load_idx %arg7[%parallel_loop3A_931] : memref<45184xf32, #tpu.memory_space<vmem>>[vector<16xi32>], vector<16xf32>,
          %parallel_loop3A_933 = arith.constant 1.000000e+00 : f32
          %parallel_loop3A_934 = vector.broadcast %parallel_loop3A_933 : f32 to vector<16xf32>
          %parallel_loop3A_935 = arith.subf %parallel_loop3A_934, %parallel_loop3A_910 : vector<16xf32>
          %parallel_loop3A_936 = arith.constant 1.000000e+00 : f32
          %parallel_loop3A_937 = vector.broadcast %parallel_loop3A_936 : f32 to vector<16xf32>
          %parallel_loop3A_938 = arith.subf %parallel_loop3A_937, %parallel_loop3A_912 : vector<16xf32>
          %parallel_loop3A_939 = arith.mulf %parallel_loop3A_935, %parallel_loop3A_938 : vector<16xf32>
          %parallel_loop3A_940 = arith.mulf %parallel_loop3A_939, %parallel_loop3A_920 : vector<16xf32>
          %parallel_loop3A_941 = arith.mulf %parallel_loop3A_935, %parallel_loop3A_912 : vector<16xf32>
          %parallel_loop3A_942 = arith.mulf %parallel_loop3A_941, %parallel_loop3A_924 : vector<16xf32>
          %parallel_loop3A_943 = arith.addf %parallel_loop3A_940, %parallel_loop3A_942 : vector<16xf32>
          %parallel_loop3A_944 = arith.mulf %parallel_loop3A_910, %parallel_loop3A_938 : vector<16xf32>
          %parallel_loop3A_945 = arith.mulf %parallel_loop3A_944, %parallel_loop3A_928 : vector<16xf32>
          %parallel_loop3A_946 = arith.addf %parallel_loop3A_943, %parallel_loop3A_945 : vector<16xf32>
          %parallel_loop3A_947 = arith.mulf %parallel_loop3A_910, %parallel_loop3A_912 : vector<16xf32>
          %parallel_loop3A_948 = arith.mulf %parallel_loop3A_947, %parallel_loop3A_932 : vector<16xf32>
          %parallel_loop3A_949 = arith.addf %parallel_loop3A_946, %parallel_loop3A_948 : vector<16xf32>
          %parallel_loop3A_950 = arith.constant 16 : i32
          %parallel_loop3A_951 = arith.muli %parallel_loop3A_180, %parallel_loop3A_950 : i32
          %parallel_loop3A_952 = arith.constant 20480 : i32
          %parallel_loop3A_953 = arith.addi %parallel_loop3A_952, %parallel_loop3A_951 : i32
          %parallel_loop3A_954 = arith.index_cast %parallel_loop3A_953 : i32 to index
          %parallel_loop3A_955 = tpu.vector_load %arg9[%parallel_loop3A_954] {strides = array<i32>} : memref<24576xf32, #tpu.memory_space<vmem>>, vector<16xf32>,
          tpu.vector_store %arg9[%parallel_loop3A_954], %parallel_loop3A_949 {strides = array<i32>} : memref<24576xf32, #tpu.memory_space<vmem>>, vector<16xf32>,
          %parallel_loop3A_956 = arith.constant 5.700000e+01 : f32
          %parallel_loop3A_957 = vector.broadcast %parallel_loop3A_956 : f32 to vector<16xf32>
          %parallel_loop3A_958 = arith.mulf %parallel_loop3A_206, %parallel_loop3A_957 : vector<16xf32>
          %parallel_loop3A_959 = arith.constant 5.700000e+01 : f32
          %parallel_loop3A_960 = vector.broadcast %parallel_loop3A_959 : f32 to vector<16xf32>
          %parallel_loop3A_961 = arith.mulf %parallel_loop3A_218, %parallel_loop3A_960 : vector<16xf32>
          %parallel_loop3A_962 = arith.fptosi %parallel_loop3A_958 : vector<16xf32> to vector<16xi32>
          %parallel_loop3A_963 = arith.constant 0 : i32
          %parallel_loop3A_964 = arith.constant 56 : i32
          %parallel_loop3A_965 = vector.broadcast %parallel_loop3A_963 : i32 to vector<16xi32>
          %parallel_loop3A_966 = arith.maxsi %parallel_loop3A_965, %parallel_loop3A_962 : vector<16xi32>
          %parallel_loop3A_967 = vector.broadcast %parallel_loop3A_964 : i32 to vector<16xi32>
          %parallel_loop3A_968 = arith.minsi %parallel_loop3A_967, %parallel_loop3A_966 : vector<16xi32>
          %parallel_loop3A_969 = arith.fptosi %parallel_loop3A_961 : vector<16xf32> to vector<16xi32>
          %parallel_loop3A_970 = arith.constant 0 : i32
          %parallel_loop3A_971 = arith.constant 56 : i32
          %parallel_loop3A_972 = vector.broadcast %parallel_loop3A_970 : i32 to vector<16xi32>
          %parallel_loop3A_973 = arith.maxsi %parallel_loop3A_972, %parallel_loop3A_969 : vector<16xi32>
          %parallel_loop3A_974 = vector.broadcast %parallel_loop3A_971 : i32 to vector<16xi32>
          %parallel_loop3A_975 = arith.minsi %parallel_loop3A_974, %parallel_loop3A_973 : vector<16xi32>
          %parallel_loop3A_976 = arith.sitofp %parallel_loop3A_968 : vector<16xi32> to vector<16xf32>
          %parallel_loop3A_977 = arith.subf %parallel_loop3A_958, %parallel_loop3A_976 : vector<16xf32>
          %parallel_loop3A_978 = arith.sitofp %parallel_loop3A_975 : vector<16xi32> to vector<16xf32>
          %parallel_loop3A_979 = arith.subf %parallel_loop3A_961, %parallel_loop3A_978 : vector<16xf32>
          %parallel_loop3A_980 = arith.constant 58 : i32
          %parallel_loop3A_981 = vector.broadcast %parallel_loop3A_980 : i32 to vector<16xi32>
          %parallel_loop3A_982 = arith.muli %parallel_loop3A_975, %parallel_loop3A_981 : vector<16xi32>
          %parallel_loop3A_983 = arith.addi %parallel_loop3A_982, %parallel_loop3A_968 : vector<16xi32>
          %parallel_loop3A_984 = arith.constant 41701 : i32
          %parallel_loop3A_985 = vector.broadcast %parallel_loop3A_984 : i32 to vector<16xi32>
          %parallel_loop3A_986 = arith.addi %parallel_loop3A_983, %parallel_loop3A_985 : vector<16xi32>
          %parallel_loop3A_987 = tpu.vector_load_idx %arg7[%parallel_loop3A_986] : memref<45184xf32, #tpu.memory_space<vmem>>[vector<16xi32>], vector<16xf32>,
          %parallel_loop3A_988 = arith.constant 58 : i32
          %parallel_loop3A_989 = vector.broadcast %parallel_loop3A_988 : i32 to vector<16xi32>
          %parallel_loop3A_990 = arith.addi %parallel_loop3A_986, %parallel_loop3A_989 : vector<16xi32>
          %parallel_loop3A_991 = tpu.vector_load_idx %arg7[%parallel_loop3A_990] : memref<45184xf32, #tpu.memory_space<vmem>>[vector<16xi32>], vector<16xf32>,
          %parallel_loop3A_992 = arith.constant 1 : i32
          %parallel_loop3A_993 = vector.broadcast %parallel_loop3A_992 : i32 to vector<16xi32>
          %parallel_loop3A_994 = arith.addi %parallel_loop3A_986, %parallel_loop3A_993 : vector<16xi32>
          %parallel_loop3A_995 = tpu.vector_load_idx %arg7[%parallel_loop3A_994] : memref<45184xf32, #tpu.memory_space<vmem>>[vector<16xi32>], vector<16xf32>,
          %parallel_loop3A_996 = arith.constant 59 : i32
          %parallel_loop3A_997 = vector.broadcast %parallel_loop3A_996 : i32 to vector<16xi32>
          %parallel_loop3A_998 = arith.addi %parallel_loop3A_986, %parallel_loop3A_997 : vector<16xi32>
          %parallel_loop3A_999 = tpu.vector_load_idx %arg7[%parallel_loop3A_998] : memref<45184xf32, #tpu.memory_space<vmem>>[vector<16xi32>], vector<16xf32>,
          %parallel_loop3A_1000 = arith.constant 1.000000e+00 : f32
          %parallel_loop3A_1001 = vector.broadcast %parallel_loop3A_1000 : f32 to vector<16xf32>
          %parallel_loop3A_1002 = arith.subf %parallel_loop3A_1001, %parallel_loop3A_977 : vector<16xf32>
          %parallel_loop3A_1003 = arith.constant 1.000000e+00 : f32
          %parallel_loop3A_1004 = vector.broadcast %parallel_loop3A_1003 : f32 to vector<16xf32>
          %parallel_loop3A_1005 = arith.subf %parallel_loop3A_1004, %parallel_loop3A_979 : vector<16xf32>
          %parallel_loop3A_1006 = arith.mulf %parallel_loop3A_1002, %parallel_loop3A_1005 : vector<16xf32>
          %parallel_loop3A_1007 = arith.mulf %parallel_loop3A_1006, %parallel_loop3A_987 : vector<16xf32>
          %parallel_loop3A_1008 = arith.mulf %parallel_loop3A_1002, %parallel_loop3A_979 : vector<16xf32>
          %parallel_loop3A_1009 = arith.mulf %parallel_loop3A_1008, %parallel_loop3A_991 : vector<16xf32>
          %parallel_loop3A_1010 = arith.addf %parallel_loop3A_1007, %parallel_loop3A_1009 : vector<16xf32>
          %parallel_loop3A_1011 = arith.mulf %parallel_loop3A_977, %parallel_loop3A_1005 : vector<16xf32>
          %parallel_loop3A_1012 = arith.mulf %parallel_loop3A_1011, %parallel_loop3A_995 : vector<16xf32>
          %parallel_loop3A_1013 = arith.addf %parallel_loop3A_1010, %parallel_loop3A_1012 : vector<16xf32>
          %parallel_loop3A_1014 = arith.mulf %parallel_loop3A_977, %parallel_loop3A_979 : vector<16xf32>
          %parallel_loop3A_1015 = arith.mulf %parallel_loop3A_1014, %parallel_loop3A_999 : vector<16xf32>
          %parallel_loop3A_1016 = arith.addf %parallel_loop3A_1013, %parallel_loop3A_1015 : vector<16xf32>
          %parallel_loop3A_1017 = arith.constant 16 : i32
          %parallel_loop3A_1018 = arith.muli %parallel_loop3A_180, %parallel_loop3A_1017 : i32
          %parallel_loop3A_1019 = arith.constant 22528 : i32
          %parallel_loop3A_1020 = arith.addi %parallel_loop3A_1019, %parallel_loop3A_1018 : i32
          %parallel_loop3A_1021 = arith.index_cast %parallel_loop3A_1020 : i32 to index
          %parallel_loop3A_1022 = tpu.vector_load %arg9[%parallel_loop3A_1021] {strides = array<i32>} : memref<24576xf32, #tpu.memory_space<vmem>>, vector<16xf32>,
          tpu.vector_store %arg9[%parallel_loop3A_1021], %parallel_loop3A_1016 {strides = array<i32>} : memref<24576xf32, #tpu.memory_space<vmem>>, vector<16xf32>,
        } {sc.loop_unroll_factor = 8 : i64, sc.parallel_access}
        %jit3A_146 = arith.constant 2048 : i32
        %div3A_147 = arith.divsi %mul3A_35, %jit3A_146 : i32
        %sign3A_148 = arith.constant 0 : i32
        %sign3A_149 = arith.cmpi sgt, %mul3A_35, %sign3A_148 : i32
        %sign3A_150 = arith.extui %sign3A_149 : i1 to i32
        %sign3A_151 = arith.constant 0 : i32
        %sign3A_152 = arith.cmpi slt, %mul3A_35, %sign3A_151 : i32
        %sign3A_153 = arith.extui %sign3A_152 : i1 to i32
        %sign3A_154 = arith.subi %sign3A_150, %sign3A_153 : i32
        %sign3A_155 = arith.constant 0 : i32
        %sign3A_156 = arith.cmpi sgt, %jit3A_146, %sign3A_155 : i32
        %sign3A_157 = arith.extui %sign3A_156 : i1 to i32
        %sign3A_158 = arith.constant 0 : i32
        %sign3A_159 = arith.cmpi slt, %jit3A_146, %sign3A_158 : i32
        %sign3A_160 = arith.extui %sign3A_159 : i1 to i32
        %sign3A_161 = arith.subi %sign3A_157, %sign3A_160 : i32
        %ne3A_162 = arith.cmpi ne, %sign3A_154, %sign3A_161 : i32
        %rem3A_163 = arith.remsi %mul3A_35, %jit3A_146 : i32
        %ne3A_164 = arith.constant 0 : i32
        %ne3A_165 = arith.cmpi ne, %rem3A_163, %ne3A_164 : i32
        %and3A_166 = arith.andi %ne3A_162, %ne3A_165 : i1
        %sub3A_167 = arith.constant 1 : i32
        %sub3A_168 = arith.subi %div3A_147, %sub3A_167 : i32
        %select_n3A_169 = arith.select %and3A_166, %sub3A_168, %div3A_147 : i32
        %add3A_170 = arith.addi %select_n3A_169, %scan3A_106 : i32
        %mul3A_171 = arith.constant 36 : i32
        %mul3A_172 = arith.muli %add3A_170, %mul3A_171 : i32
        %mul3A_173 = arith.constant 12 : i32
        %mul3A_174 = arith.muli %select_n3A, %mul3A_173 : i32
        %add3A_175 = arith.addi %mul3A_172, %mul3A_174 : i32
        %mul3A_176 = arith.constant 2048 : i32
        %mul3A_177 = arith.muli %add3A_175, %mul3A_176 : i32
        %dma_start3A_178 = tpu.memref_slice %arg5[%mul3A_177] : memref<18432000xf32, #tpu.memory_space<hbm>> -> memref<24576xf32, #tpu.memory_space<hbm>>
        %dma_start3A_179 = tpu.memref_slice %arg5[%mul3A_177] : memref<18432000xf32, #tpu.memory_space<hbm>> -> memref<24576xf32, #tpu.memory_space<hbm>>
        tpu.enqueue_dma source(%arg9 : memref<24576xf32, #tpu.memory_space<vmem>>) target(%dma_start3A_179 : memref<24576xf32, #tpu.memory_space<hbm>>) target_semaphore(%arg12 : memref<!tpu.dma_semaphore, #tpu.memory_space<semaphore_mem>>)
      }
      %scan3A_101 = arith.constant 25 : i32
      %dma_wait3A_102 = arith.constant 0 : i32
      %dma_wait3A_103 = tpu.memref_slice %arg2[%dma_wait3A_102] : memref<4718592xf32, #tpu.memory_space<hbm>> -> memref<24576xf32, #tpu.memory_space<hbm>>
      %dma_wait3A_104 = arith.constant 0 : i32
      %dma_wait3A_105 = tpu.memref_slice %arg2[%dma_wait3A_104] : memref<4718592xf32, #tpu.memory_space<hbm>> -> memref<24576xf32, #tpu.memory_space<hbm>>
      tpu.wait_dma2 semaphore(%arg12 : memref<!tpu.dma_semaphore, #tpu.memory_space<semaphore_mem>>) src(%dma_wait3A_105 : memref<24576xf32, #tpu.memory_space<hbm>>) dst(%arg9 : memref<24576xf32, #tpu.memory_space<vmem>>)
    } else {
    }
    return
  }
}

module attributes {stable_mosaic.version = 14 : i64} {
  func.func @_audio_body(%arg0: memref<8x512xf32, #tpu.memory_space<vmem>>, %arg1: memref<512x256xf32, #tpu.memory_space<vmem>>, %arg2: memref<1x256xf32, #tpu.memory_space<vmem>>, %arg3: memref<256x128xf32, #tpu.memory_space<vmem>>, %arg4: memref<1x128xf32, #tpu.memory_space<vmem>>, %arg5: memref<128x32xf32, #tpu.memory_space<vmem>>, %arg6: memref<1x32xf32, #tpu.memory_space<vmem>>, %arg7: memref<32x16xf32, #tpu.memory_space<vmem>>, %arg8: memref<32x16xf32, #tpu.memory_space<vmem>>, %arg9: memref<32x16xf32, #tpu.memory_space<vmem>>, %arg10: memref<1x16xf32, #tpu.memory_space<vmem>>, %arg11: memref<16x8xf32, #tpu.memory_space<vmem>>, %arg12: memref<16x8xf32, #tpu.memory_space<vmem>>, %arg13: memref<16x8xf32, #tpu.memory_space<vmem>>, %arg14: memref<1x8xf32, #tpu.memory_space<vmem>>, %arg15: memref<8x4xf32, #tpu.memory_space<vmem>>, %arg16: memref<8x4xf32, #tpu.memory_space<vmem>>, %arg17: memref<8x4xf32, #tpu.memory_space<vmem>>, %arg18: memref<1x4xf32, #tpu.memory_space<vmem>>, %arg19: memref<4x2xf32, #tpu.memory_space<vmem>>, %arg20: memref<4x2xf32, #tpu.memory_space<vmem>>, %arg21: memref<4x2xf32, #tpu.memory_space<vmem>>, %arg22: memref<1x2xf32, #tpu.memory_space<vmem>>, %arg23: memref<2x1xf32, #tpu.memory_space<vmem>>, %arg24: memref<2x1xf32, #tpu.memory_space<vmem>>, %arg25: memref<2x1xf32, #tpu.memory_space<vmem>>, %arg26: memref<1x1xf32, #tpu.memory_space<vmem>>, %arg27: memref<8x8xf32, #tpu.memory_space<vmem>>, %arg28: memref<8x1xf32, #tpu.memory_space<vmem>>, %arg29: memref<1x32xf32, #tpu.memory_space<vmem>>) attributes {dimension_semantics = [], scalar_prefetch = 0 : i64, scratch_operands = 0 : i64, tpu.core_type = #tpu.core_type<tc>} {
    %get3A = arith.constant 0 : index
    %get3A_0 = arith.constant 0 : index
    %get3A_1 = vector.load %arg0[%get3A, %get3A_0] : memref<8x512xf32, #tpu.memory_space<vmem>>, vector<8x512xf32>
    %get3A_2 = arith.constant 0 : index
    %get3A_3 = arith.constant 0 : index
    %get3A_4 = vector.load %arg1[%get3A_2, %get3A_3] : memref<512x256xf32, #tpu.memory_space<vmem>>, vector<512x256xf32>
    %dot_general3A = arith.constant dense<0.000000e+00> : vector<8x256xf32>
    %dot_general3A_5 = tpu.matmul %get3A_1, %get3A_4, %dot_general3A {dimension_numbers = #tpu.dot_dimension_numbers<[1], [0], [0], [1], [0, 0, 1, 1], [], []>, transpose_lhs_hint = false} : vector<8x512xf32>, vector<512x256xf32>, vector<8x256xf32> -> vector<8x256xf32>
    %get3A_6 = arith.constant 0 : index
    %get3A_7 = arith.constant 0 : index
    %get3A_8 = vector.load %arg2[%get3A_6, %get3A_7] : memref<1x256xf32, #tpu.memory_space<vmem>>, vector<1x256xf32>
    %add3A = vector.broadcast %get3A_8 : vector<1x256xf32> to vector<8x256xf32>
    %add3A_9 = arith.addf %dot_general3A_5, %add3A : vector<8x256xf32>
    %ge3A = arith.constant 0.000000e+00 : f32
    %ge3A_10 = vector.broadcast %ge3A : f32 to vector<8x256xf32>
    %ge3A_11 = arith.cmpf oge, %add3A_9, %ge3A_10 : vector<8x256xf32>
    %mul3A = arith.constant 2.000000e-02 : f32
    %mul3A_12 = vector.broadcast %mul3A : f32 to vector<8x256xf32>
    %mul3A_13 = arith.mulf %mul3A_12, %add3A_9 : vector<8x256xf32>
    %select_n3A = arith.select %ge3A_11, %add3A_9, %mul3A_13 : vector<8x256xi1>, vector<8x256xf32>
    %get3A_14 = arith.constant 0 : index
    %get3A_15 = arith.constant 0 : index
    %get3A_16 = vector.load %arg3[%get3A_14, %get3A_15] : memref<256x128xf32, #tpu.memory_space<vmem>>, vector<256x128xf32>
    %dot_general3A_17 = arith.constant dense<0.000000e+00> : vector<8x128xf32>
    %dot_general3A_18 = tpu.matmul %select_n3A, %get3A_16, %dot_general3A_17 {dimension_numbers = #tpu.dot_dimension_numbers<[1], [0], [0], [1], [0, 0, 1, 1], [], []>, transpose_lhs_hint = false} : vector<8x256xf32>, vector<256x128xf32>, vector<8x128xf32> -> vector<8x128xf32>
    %get3A_19 = arith.constant 0 : index
    %get3A_20 = arith.constant 0 : index
    %get3A_21 = vector.load %arg4[%get3A_19, %get3A_20] : memref<1x128xf32, #tpu.memory_space<vmem>>, vector<1x128xf32>
    %add3A_22 = vector.broadcast %get3A_21 : vector<1x128xf32> to vector<8x128xf32>
    %add3A_23 = arith.addf %dot_general3A_18, %add3A_22 : vector<8x128xf32>
    %ge3A_24 = arith.constant 0.000000e+00 : f32
    %ge3A_25 = vector.broadcast %ge3A_24 : f32 to vector<8x128xf32>
    %ge3A_26 = arith.cmpf oge, %add3A_23, %ge3A_25 : vector<8x128xf32>
    %mul3A_27 = arith.constant 2.000000e-02 : f32
    %mul3A_28 = vector.broadcast %mul3A_27 : f32 to vector<8x128xf32>
    %mul3A_29 = arith.mulf %mul3A_28, %add3A_23 : vector<8x128xf32>
    %select_n3A_30 = arith.select %ge3A_26, %add3A_23, %mul3A_29 : vector<8x128xi1>, vector<8x128xf32>
    %get3A_31 = arith.constant 0 : index
    %get3A_32 = arith.constant 0 : index
    %get3A_33 = vector.load %arg5[%get3A_31, %get3A_32] : memref<128x32xf32, #tpu.memory_space<vmem>>, vector<128x32xf32>
    %dot_general3A_34 = arith.constant dense<0.000000e+00> : vector<8x32xf32>
    %dot_general3A_35 = tpu.matmul %select_n3A_30, %get3A_33, %dot_general3A_34 {dimension_numbers = #tpu.dot_dimension_numbers<[1], [0], [0], [1], [0, 0, 1, 1], [], []>, transpose_lhs_hint = false} : vector<8x128xf32>, vector<128x32xf32>, vector<8x32xf32> -> vector<8x32xf32>
    %get3A_36 = arith.constant 0 : index
    %get3A_37 = arith.constant 0 : index
    %get3A_38 = vector.load %arg6[%get3A_36, %get3A_37] : memref<1x32xf32, #tpu.memory_space<vmem>>, vector<1x32xf32>
    %add3A_39 = vector.broadcast %get3A_38 : vector<1x32xf32> to vector<8x32xf32>
    %add3A_40 = arith.addf %dot_general3A_35, %add3A_39 : vector<8x32xf32>
    %broadcast_in_dim3A = arith.constant 0.000000e+00 : f32
    %broadcast_in_dim3A_41 = vector.broadcast %broadcast_in_dim3A : f32 to vector<1x32xf32>
    %concatenate3A = tpu.concatenate %broadcast_in_dim3A_41, %add3A_40, %broadcast_in_dim3A_41 in 0 : vector<1x32xf32>, vector<8x32xf32>, vector<1x32xf32> -> vector<10x32xf32>
    %slice3A = vector.extract_strided_slice %concatenate3A {offsets = [0, 0], sizes = [8, 32], strides = [1, 1]} : vector<10x32xf32> to vector<8x32xf32>
    %get3A_42 = arith.constant 0 : index
    %get3A_43 = arith.constant 0 : index
    %get3A_44 = vector.load %arg7[%get3A_42, %get3A_43] : memref<32x16xf32, #tpu.memory_space<vmem>>, vector<32x16xf32>
    %dot_general3A_45 = arith.constant dense<0.000000e+00> : vector<8x16xf32>
    %dot_general3A_46 = tpu.matmul %slice3A, %get3A_44, %dot_general3A_45 {dimension_numbers = #tpu.dot_dimension_numbers<[1], [0], [0], [1], [0, 0, 1, 1], [], []>, transpose_lhs_hint = false} : vector<8x32xf32>, vector<32x16xf32>, vector<8x16xf32> -> vector<8x16xf32>
    %slice3A_47 = vector.extract_strided_slice %concatenate3A {offsets = [1, 0], sizes = [8, 32], strides = [1, 1]} : vector<10x32xf32> to vector<8x32xf32>
    %get3A_48 = arith.constant 0 : index
    %get3A_49 = arith.constant 0 : index
    %get3A_50 = vector.load %arg8[%get3A_48, %get3A_49] : memref<32x16xf32, #tpu.memory_space<vmem>>, vector<32x16xf32>
    %dot_general3A_51 = arith.constant dense<0.000000e+00> : vector<8x16xf32>
    %dot_general3A_52 = tpu.matmul %slice3A_47, %get3A_50, %dot_general3A_51 {dimension_numbers = #tpu.dot_dimension_numbers<[1], [0], [0], [1], [0, 0, 1, 1], [], []>, transpose_lhs_hint = false} : vector<8x32xf32>, vector<32x16xf32>, vector<8x16xf32> -> vector<8x16xf32>
    %add3A_53 = arith.addf %dot_general3A_46, %dot_general3A_52 : vector<8x16xf32>
    %slice3A_54 = vector.extract_strided_slice %concatenate3A {offsets = [2, 0], sizes = [8, 32], strides = [1, 1]} : vector<10x32xf32> to vector<8x32xf32>
    %get3A_55 = arith.constant 0 : index
    %get3A_56 = arith.constant 0 : index
    %get3A_57 = vector.load %arg9[%get3A_55, %get3A_56] : memref<32x16xf32, #tpu.memory_space<vmem>>, vector<32x16xf32>
    %dot_general3A_58 = arith.constant dense<0.000000e+00> : vector<8x16xf32>
    %dot_general3A_59 = tpu.matmul %slice3A_54, %get3A_57, %dot_general3A_58 {dimension_numbers = #tpu.dot_dimension_numbers<[1], [0], [0], [1], [0, 0, 1, 1], [], []>, transpose_lhs_hint = false} : vector<8x32xf32>, vector<32x16xf32>, vector<8x16xf32> -> vector<8x16xf32>
    %add3A_60 = arith.addf %add3A_53, %dot_general3A_59 : vector<8x16xf32>
    %get3A_61 = arith.constant 0 : index
    %get3A_62 = arith.constant 0 : index
    %get3A_63 = vector.load %arg10[%get3A_61, %get3A_62] : memref<1x16xf32, #tpu.memory_space<vmem>>, vector<1x16xf32>
    %add3A_64 = vector.broadcast %get3A_63 : vector<1x16xf32> to vector<8x16xf32>
    %add3A_65 = arith.addf %add3A_60, %add3A_64 : vector<8x16xf32>
    %ge3A_66 = arith.constant 0.000000e+00 : f32
    %ge3A_67 = vector.broadcast %ge3A_66 : f32 to vector<8x16xf32>
    %ge3A_68 = arith.cmpf oge, %add3A_65, %ge3A_67 : vector<8x16xf32>
    %mul3A_69 = arith.constant 2.000000e-02 : f32
    %mul3A_70 = vector.broadcast %mul3A_69 : f32 to vector<8x16xf32>
    %mul3A_71 = arith.mulf %mul3A_70, %add3A_65 : vector<8x16xf32>
    %select_n3A_72 = arith.select %ge3A_68, %add3A_65, %mul3A_71 : vector<8x16xi1>, vector<8x16xf32>
    %broadcast_in_dim3A_73 = arith.constant 0.000000e+00 : f32
    %broadcast_in_dim3A_74 = vector.broadcast %broadcast_in_dim3A_73 : f32 to vector<1x16xf32>
    %concatenate3A_75 = tpu.concatenate %broadcast_in_dim3A_74, %select_n3A_72, %broadcast_in_dim3A_74 in 0 : vector<1x16xf32>, vector<8x16xf32>, vector<1x16xf32> -> vector<10x16xf32>
    %slice3A_76 = vector.extract_strided_slice %concatenate3A_75 {offsets = [0, 0], sizes = [8, 16], strides = [1, 1]} : vector<10x16xf32> to vector<8x16xf32>
    %get3A_77 = arith.constant 0 : index
    %get3A_78 = arith.constant 0 : index
    %get3A_79 = vector.load %arg11[%get3A_77, %get3A_78] : memref<16x8xf32, #tpu.memory_space<vmem>>, vector<16x8xf32>
    %dot_general3A_80 = arith.constant dense<0.000000e+00> : vector<8x8xf32>
    %dot_general3A_81 = tpu.matmul %slice3A_76, %get3A_79, %dot_general3A_80 {dimension_numbers = #tpu.dot_dimension_numbers<[1], [0], [0], [1], [0, 0, 1, 1], [], []>, transpose_lhs_hint = false} : vector<8x16xf32>, vector<16x8xf32>, vector<8x8xf32> -> vector<8x8xf32>
    %slice3A_82 = vector.extract_strided_slice %concatenate3A_75 {offsets = [1, 0], sizes = [8, 16], strides = [1, 1]} : vector<10x16xf32> to vector<8x16xf32>
    %get3A_83 = arith.constant 0 : index
    %get3A_84 = arith.constant 0 : index
    %get3A_85 = vector.load %arg12[%get3A_83, %get3A_84] : memref<16x8xf32, #tpu.memory_space<vmem>>, vector<16x8xf32>
    %dot_general3A_86 = arith.constant dense<0.000000e+00> : vector<8x8xf32>
    %dot_general3A_87 = tpu.matmul %slice3A_82, %get3A_85, %dot_general3A_86 {dimension_numbers = #tpu.dot_dimension_numbers<[1], [0], [0], [1], [0, 0, 1, 1], [], []>, transpose_lhs_hint = false} : vector<8x16xf32>, vector<16x8xf32>, vector<8x8xf32> -> vector<8x8xf32>
    %add3A_88 = arith.addf %dot_general3A_81, %dot_general3A_87 : vector<8x8xf32>
    %slice3A_89 = vector.extract_strided_slice %concatenate3A_75 {offsets = [2, 0], sizes = [8, 16], strides = [1, 1]} : vector<10x16xf32> to vector<8x16xf32>
    %get3A_90 = arith.constant 0 : index
    %get3A_91 = arith.constant 0 : index
    %get3A_92 = vector.load %arg13[%get3A_90, %get3A_91] : memref<16x8xf32, #tpu.memory_space<vmem>>, vector<16x8xf32>
    %dot_general3A_93 = arith.constant dense<0.000000e+00> : vector<8x8xf32>
    %dot_general3A_94 = tpu.matmul %slice3A_89, %get3A_92, %dot_general3A_93 {dimension_numbers = #tpu.dot_dimension_numbers<[1], [0], [0], [1], [0, 0, 1, 1], [], []>, transpose_lhs_hint = false} : vector<8x16xf32>, vector<16x8xf32>, vector<8x8xf32> -> vector<8x8xf32>
    %add3A_95 = arith.addf %add3A_88, %dot_general3A_94 : vector<8x8xf32>
    %get3A_96 = arith.constant 0 : index
    %get3A_97 = arith.constant 0 : index
    %get3A_98 = vector.load %arg14[%get3A_96, %get3A_97] : memref<1x8xf32, #tpu.memory_space<vmem>>, vector<1x8xf32>
    %add3A_99 = vector.broadcast %get3A_98 : vector<1x8xf32> to vector<8x8xf32>
    %add3A_100 = arith.addf %add3A_95, %add3A_99 : vector<8x8xf32>
    %ge3A_101 = arith.constant 0.000000e+00 : f32
    %ge3A_102 = vector.broadcast %ge3A_101 : f32 to vector<8x8xf32>
    %ge3A_103 = arith.cmpf oge, %add3A_100, %ge3A_102 : vector<8x8xf32>
    %mul3A_104 = arith.constant 2.000000e-02 : f32
    %mul3A_105 = vector.broadcast %mul3A_104 : f32 to vector<8x8xf32>
    %mul3A_106 = arith.mulf %mul3A_105, %add3A_100 : vector<8x8xf32>
    %select_n3A_107 = arith.select %ge3A_103, %add3A_100, %mul3A_106 : vector<8x8xi1>, vector<8x8xf32>
    %broadcast_in_dim3A_108 = arith.constant 0.000000e+00 : f32
    %broadcast_in_dim3A_109 = vector.broadcast %broadcast_in_dim3A_108 : f32 to vector<1x8xf32>
    %concatenate3A_110 = tpu.concatenate %broadcast_in_dim3A_109, %select_n3A_107, %broadcast_in_dim3A_109 in 0 : vector<1x8xf32>, vector<8x8xf32>, vector<1x8xf32> -> vector<10x8xf32>
    %slice3A_111 = vector.extract_strided_slice %concatenate3A_110 {offsets = [0, 0], sizes = [8, 8], strides = [1, 1]} : vector<10x8xf32> to vector<8x8xf32>
    %get3A_112 = arith.constant 0 : index
    %get3A_113 = arith.constant 0 : index
    %get3A_114 = vector.load %arg15[%get3A_112, %get3A_113] : memref<8x4xf32, #tpu.memory_space<vmem>>, vector<8x4xf32>
    %dot_general3A_115 = arith.constant dense<0.000000e+00> : vector<8x4xf32>
    %dot_general3A_116 = tpu.matmul %slice3A_111, %get3A_114, %dot_general3A_115 {dimension_numbers = #tpu.dot_dimension_numbers<[1], [0], [0], [1], [0, 0, 1, 1], [], []>, transpose_lhs_hint = false} : vector<8x8xf32>, vector<8x4xf32>, vector<8x4xf32> -> vector<8x4xf32>
    %slice3A_117 = vector.extract_strided_slice %concatenate3A_110 {offsets = [1, 0], sizes = [8, 8], strides = [1, 1]} : vector<10x8xf32> to vector<8x8xf32>
    %get3A_118 = arith.constant 0 : index
    %get3A_119 = arith.constant 0 : index
    %get3A_120 = vector.load %arg16[%get3A_118, %get3A_119] : memref<8x4xf32, #tpu.memory_space<vmem>>, vector<8x4xf32>
    %dot_general3A_121 = arith.constant dense<0.000000e+00> : vector<8x4xf32>
    %dot_general3A_122 = tpu.matmul %slice3A_117, %get3A_120, %dot_general3A_121 {dimension_numbers = #tpu.dot_dimension_numbers<[1], [0], [0], [1], [0, 0, 1, 1], [], []>, transpose_lhs_hint = false} : vector<8x8xf32>, vector<8x4xf32>, vector<8x4xf32> -> vector<8x4xf32>
    %add3A_123 = arith.addf %dot_general3A_116, %dot_general3A_122 : vector<8x4xf32>
    %slice3A_124 = vector.extract_strided_slice %concatenate3A_110 {offsets = [2, 0], sizes = [8, 8], strides = [1, 1]} : vector<10x8xf32> to vector<8x8xf32>
    %get3A_125 = arith.constant 0 : index
    %get3A_126 = arith.constant 0 : index
    %get3A_127 = vector.load %arg17[%get3A_125, %get3A_126] : memref<8x4xf32, #tpu.memory_space<vmem>>, vector<8x4xf32>
    %dot_general3A_128 = arith.constant dense<0.000000e+00> : vector<8x4xf32>
    %dot_general3A_129 = tpu.matmul %slice3A_124, %get3A_127, %dot_general3A_128 {dimension_numbers = #tpu.dot_dimension_numbers<[1], [0], [0], [1], [0, 0, 1, 1], [], []>, transpose_lhs_hint = false} : vector<8x8xf32>, vector<8x4xf32>, vector<8x4xf32> -> vector<8x4xf32>
    %add3A_130 = arith.addf %add3A_123, %dot_general3A_129 : vector<8x4xf32>
    %get3A_131 = arith.constant 0 : index
    %get3A_132 = arith.constant 0 : index
    %get3A_133 = vector.load %arg18[%get3A_131, %get3A_132] : memref<1x4xf32, #tpu.memory_space<vmem>>, vector<1x4xf32>
    %add3A_134 = vector.broadcast %get3A_133 : vector<1x4xf32> to vector<8x4xf32>
    %add3A_135 = arith.addf %add3A_130, %add3A_134 : vector<8x4xf32>
    %ge3A_136 = arith.constant 0.000000e+00 : f32
    %ge3A_137 = vector.broadcast %ge3A_136 : f32 to vector<8x4xf32>
    %ge3A_138 = arith.cmpf oge, %add3A_135, %ge3A_137 : vector<8x4xf32>
    %mul3A_139 = arith.constant 2.000000e-02 : f32
    %mul3A_140 = vector.broadcast %mul3A_139 : f32 to vector<8x4xf32>
    %mul3A_141 = arith.mulf %mul3A_140, %add3A_135 : vector<8x4xf32>
    %select_n3A_142 = arith.select %ge3A_138, %add3A_135, %mul3A_141 : vector<8x4xi1>, vector<8x4xf32>
    %broadcast_in_dim3A_143 = arith.constant 0.000000e+00 : f32
    %broadcast_in_dim3A_144 = vector.broadcast %broadcast_in_dim3A_143 : f32 to vector<1x4xf32>
    %concatenate3A_145 = tpu.concatenate %broadcast_in_dim3A_144, %select_n3A_142, %broadcast_in_dim3A_144 in 0 : vector<1x4xf32>, vector<8x4xf32>, vector<1x4xf32> -> vector<10x4xf32>
    %slice3A_146 = vector.extract_strided_slice %concatenate3A_145 {offsets = [0, 0], sizes = [8, 4], strides = [1, 1]} : vector<10x4xf32> to vector<8x4xf32>
    %get3A_147 = arith.constant 0 : index
    %get3A_148 = arith.constant 0 : index
    %get3A_149 = vector.load %arg19[%get3A_147, %get3A_148] : memref<4x2xf32, #tpu.memory_space<vmem>>, vector<4x2xf32>
    %dot_general3A_150 = arith.constant dense<0.000000e+00> : vector<8x2xf32>
    %dot_general3A_151 = tpu.matmul %slice3A_146, %get3A_149, %dot_general3A_150 {dimension_numbers = #tpu.dot_dimension_numbers<[1], [0], [0], [1], [0, 0, 1, 1], [], []>, transpose_lhs_hint = false} : vector<8x4xf32>, vector<4x2xf32>, vector<8x2xf32> -> vector<8x2xf32>
    %slice3A_152 = vector.extract_strided_slice %concatenate3A_145 {offsets = [1, 0], sizes = [8, 4], strides = [1, 1]} : vector<10x4xf32> to vector<8x4xf32>
    %get3A_153 = arith.constant 0 : index
    %get3A_154 = arith.constant 0 : index
    %get3A_155 = vector.load %arg20[%get3A_153, %get3A_154] : memref<4x2xf32, #tpu.memory_space<vmem>>, vector<4x2xf32>
    %dot_general3A_156 = arith.constant dense<0.000000e+00> : vector<8x2xf32>
    %dot_general3A_157 = tpu.matmul %slice3A_152, %get3A_155, %dot_general3A_156 {dimension_numbers = #tpu.dot_dimension_numbers<[1], [0], [0], [1], [0, 0, 1, 1], [], []>, transpose_lhs_hint = false} : vector<8x4xf32>, vector<4x2xf32>, vector<8x2xf32> -> vector<8x2xf32>
    %add3A_158 = arith.addf %dot_general3A_151, %dot_general3A_157 : vector<8x2xf32>
    %slice3A_159 = vector.extract_strided_slice %concatenate3A_145 {offsets = [2, 0], sizes = [8, 4], strides = [1, 1]} : vector<10x4xf32> to vector<8x4xf32>
    %get3A_160 = arith.constant 0 : index
    %get3A_161 = arith.constant 0 : index
    %get3A_162 = vector.load %arg21[%get3A_160, %get3A_161] : memref<4x2xf32, #tpu.memory_space<vmem>>, vector<4x2xf32>
    %dot_general3A_163 = arith.constant dense<0.000000e+00> : vector<8x2xf32>
    %dot_general3A_164 = tpu.matmul %slice3A_159, %get3A_162, %dot_general3A_163 {dimension_numbers = #tpu.dot_dimension_numbers<[1], [0], [0], [1], [0, 0, 1, 1], [], []>, transpose_lhs_hint = false} : vector<8x4xf32>, vector<4x2xf32>, vector<8x2xf32> -> vector<8x2xf32>
    %add3A_165 = arith.addf %add3A_158, %dot_general3A_164 : vector<8x2xf32>
    %get3A_166 = arith.constant 0 : index
    %get3A_167 = arith.constant 0 : index
    %get3A_168 = vector.load %arg22[%get3A_166, %get3A_167] : memref<1x2xf32, #tpu.memory_space<vmem>>, vector<1x2xf32>
    %add3A_169 = vector.broadcast %get3A_168 : vector<1x2xf32> to vector<8x2xf32>
    %add3A_170 = arith.addf %add3A_165, %add3A_169 : vector<8x2xf32>
    %ge3A_171 = arith.constant 0.000000e+00 : f32
    %ge3A_172 = vector.broadcast %ge3A_171 : f32 to vector<8x2xf32>
    %ge3A_173 = arith.cmpf oge, %add3A_170, %ge3A_172 : vector<8x2xf32>
    %mul3A_174 = arith.constant 2.000000e-02 : f32
    %mul3A_175 = vector.broadcast %mul3A_174 : f32 to vector<8x2xf32>
    %mul3A_176 = arith.mulf %mul3A_175, %add3A_170 : vector<8x2xf32>
    %select_n3A_177 = arith.select %ge3A_173, %add3A_170, %mul3A_176 : vector<8x2xi1>, vector<8x2xf32>
    %broadcast_in_dim3A_178 = arith.constant 0.000000e+00 : f32
    %broadcast_in_dim3A_179 = vector.broadcast %broadcast_in_dim3A_178 : f32 to vector<1x2xf32>
    %concatenate3A_180 = tpu.concatenate %broadcast_in_dim3A_179, %select_n3A_177, %broadcast_in_dim3A_179 in 0 : vector<1x2xf32>, vector<8x2xf32>, vector<1x2xf32> -> vector<10x2xf32>
    %slice3A_181 = vector.extract_strided_slice %concatenate3A_180 {offsets = [0, 0], sizes = [8, 2], strides = [1, 1]} : vector<10x2xf32> to vector<8x2xf32>
    %get3A_182 = arith.constant 0 : index
    %get3A_183 = arith.constant 0 : index
    %get3A_184 = vector.load %arg23[%get3A_182, %get3A_183] : memref<2x1xf32, #tpu.memory_space<vmem>>, vector<2x1xf32>
    %dot_general3A_185 = arith.constant dense<0.000000e+00> : vector<8x1xf32>
    %dot_general3A_186 = tpu.matmul %slice3A_181, %get3A_184, %dot_general3A_185 {dimension_numbers = #tpu.dot_dimension_numbers<[1], [0], [0], [1], [0, 0, 1, 1], [], []>, transpose_lhs_hint = false} : vector<8x2xf32>, vector<2x1xf32>, vector<8x1xf32> -> vector<8x1xf32>
    %slice3A_187 = vector.extract_strided_slice %concatenate3A_180 {offsets = [1, 0], sizes = [8, 2], strides = [1, 1]} : vector<10x2xf32> to vector<8x2xf32>
    %get3A_188 = arith.constant 0 : index
    %get3A_189 = arith.constant 0 : index
    %get3A_190 = vector.load %arg24[%get3A_188, %get3A_189] : memref<2x1xf32, #tpu.memory_space<vmem>>, vector<2x1xf32>
    %dot_general3A_191 = arith.constant dense<0.000000e+00> : vector<8x1xf32>
    %dot_general3A_192 = tpu.matmul %slice3A_187, %get3A_190, %dot_general3A_191 {dimension_numbers = #tpu.dot_dimension_numbers<[1], [0], [0], [1], [0, 0, 1, 1], [], []>, transpose_lhs_hint = false} : vector<8x2xf32>, vector<2x1xf32>, vector<8x1xf32> -> vector<8x1xf32>
    %add3A_193 = arith.addf %dot_general3A_186, %dot_general3A_192 : vector<8x1xf32>
    %slice3A_194 = vector.extract_strided_slice %concatenate3A_180 {offsets = [2, 0], sizes = [8, 2], strides = [1, 1]} : vector<10x2xf32> to vector<8x2xf32>
    %get3A_195 = arith.constant 0 : index
    %get3A_196 = arith.constant 0 : index
    %get3A_197 = vector.load %arg25[%get3A_195, %get3A_196] : memref<2x1xf32, #tpu.memory_space<vmem>>, vector<2x1xf32>
    %dot_general3A_198 = arith.constant dense<0.000000e+00> : vector<8x1xf32>
    %dot_general3A_199 = tpu.matmul %slice3A_194, %get3A_197, %dot_general3A_198 {dimension_numbers = #tpu.dot_dimension_numbers<[1], [0], [0], [1], [0, 0, 1, 1], [], []>, transpose_lhs_hint = false} : vector<8x2xf32>, vector<2x1xf32>, vector<8x1xf32> -> vector<8x1xf32>
    %add3A_200 = arith.addf %add3A_193, %dot_general3A_199 : vector<8x1xf32>
    %get3A_201 = arith.constant 0 : index
    %get3A_202 = arith.constant 0 : index
    %get3A_203 = vector.load %arg26[%get3A_201, %get3A_202] : memref<1x1xf32, #tpu.memory_space<vmem>>, vector<1x1xf32>
    %add3A_204 = vector.broadcast %get3A_203 : vector<1x1xf32> to vector<8x1xf32>
    %add3A_205 = arith.addf %add3A_200, %add3A_204 : vector<8x1xf32>
    %ge3A_206 = arith.constant 0.000000e+00 : f32
    %ge3A_207 = vector.broadcast %ge3A_206 : f32 to vector<8x1xf32>
    %ge3A_208 = arith.cmpf oge, %add3A_205, %ge3A_207 : vector<8x1xf32>
    %mul3A_209 = arith.constant 2.000000e-02 : f32
    %mul3A_210 = vector.broadcast %mul3A_209 : f32 to vector<8x1xf32>
    %mul3A_211 = arith.mulf %mul3A_210, %add3A_205 : vector<8x1xf32>
    %select_n3A_212 = arith.select %ge3A_208, %add3A_205, %mul3A_211 : vector<8x1xi1>, vector<8x1xf32>
    %get3A_213 = arith.constant 0 : index
    %get3A_214 = arith.constant 0 : index
    %get3A_215 = vector.load %arg27[%get3A_213, %get3A_214] : memref<8x8xf32, #tpu.memory_space<vmem>>, vector<8x8xf32>
    %dot_general3A_216 = arith.constant dense<0.000000e+00> : vector<8x1xf32>
    %dot_general3A_217 = tpu.matmul %get3A_215, %select_n3A_212, %dot_general3A_216 {dimension_numbers = #tpu.dot_dimension_numbers<[1], [0], [0], [1], [0, 0, 1, 1], [], []>, precision = #tpu.contract_precision<fp32>, transpose_lhs_hint = false} : vector<8x8xf32>, vector<8x1xf32>, vector<8x1xf32> -> vector<8x1xf32>
    %get3A_218 = arith.constant 0 : index
    %get3A_219 = arith.constant 0 : index
    %get3A_220 = vector.load %arg28[%get3A_218, %get3A_219] : memref<8x1xf32, #tpu.memory_space<vmem>>, vector<8x1xf32>
    %add3A_221 = arith.addf %dot_general3A_217, %get3A_220 : vector<8x1xf32>
    %reduce_max3A = vector.shape_cast %add3A_221 : vector<8x1xf32> to vector<1x8x1xf32>
    %reduce_max3A_222 = arith.constant dense<0xFF800000> : vector<1xf32>
    %reduce_max3A_223 = vector.multi_reduction <maximumf>, %reduce_max3A, %reduce_max3A_222 [1, 2] : vector<1x8x1xf32> to vector<1xf32>
    %reduce_max3A_224 = vector.shape_cast %reduce_max3A_223 : vector<1xf32> to vector<1x1x1xf32>
    %reduce_max3A_225 = vector.extract %reduce_max3A_224[0, 0, 0] : f32 from vector<1x1x1xf32>
    %sub3A = vector.broadcast %reduce_max3A_225 : f32 to vector<8x1xf32>
    %sub3A_226 = arith.subf %add3A_221, %sub3A : vector<8x1xf32>
    %exp3A = math.exp %sub3A_226 : vector<8x1xf32>
    %reduce_sum3A = vector.shape_cast %exp3A : vector<8x1xf32> to vector<1x8x1xf32>
    %reduce_sum3A_227 = arith.constant dense<0.000000e+00> : vector<1xf32>
    %reduce_sum3A_228 = vector.multi_reduction <add>, %reduce_sum3A, %reduce_sum3A_227 [1, 2] : vector<1x8x1xf32> to vector<1xf32>
    %reduce_sum3A_229 = vector.shape_cast %reduce_sum3A_228 : vector<1xf32> to vector<1x1x1xf32>
    %reduce_sum3A_230 = vector.extract %reduce_sum3A_229[0, 0, 0] : f32 from vector<1x1x1xf32>
    %div3A = vector.broadcast %reduce_sum3A_230 : f32 to vector<8x1xf32>
    %div3A_231 = arith.divf %exp3A, %div3A : vector<8x1xf32>
    %mul3A_232 = vector.broadcast %div3A_231 : vector<8x1xf32> to vector<8x32xf32>
    %mul3A_233 = arith.mulf %mul3A_232, %add3A_40 : vector<8x32xf32>
    %reduce_sum3A_234 = arith.constant dense<0.000000e+00> : vector<32xf32>
    %reduce_sum3A_235 = vector.multi_reduction <add>, %mul3A_233, %reduce_sum3A_234 [0] : vector<8x32xf32> to vector<32xf32>
    %broadcast_in_dim3A_236 = vector.shape_cast %reduce_sum3A_235 : vector<32xf32> to vector<1x32xf32>
    %swap3A = arith.constant 0 : index
    %swap3A_237 = arith.constant 0 : index
    %swap3A_238 = vector.load %arg29[%swap3A, %swap3A_237] : memref<1x32xf32, #tpu.memory_space<vmem>>, vector<1x32xf32>
    tpu.vector_store %arg29[%swap3A, %swap3A_237], %broadcast_in_dim3A_236 {strides = array<i32>} : memref<1x32xf32, #tpu.memory_space<vmem>>, vector<1x32xf32>,
    return
  }
}

module attributes {stable_mosaic.version = 14 : i64} {
  func.func @_mlp_body(%arg0: i32, %arg1: memref<368640xf32, #tpu.memory_space<vmem>>, %arg2: memref<32x71xf32, #tpu.memory_space<vmem>>, %arg3: memref<32x32xf32, #tpu.memory_space<vmem>>, %arg4: memref<7x32xf32, #tpu.memory_space<vmem>>, %arg5: memref<16x39xf32, #tpu.memory_space<vmem>>, %arg6: memref<16x16xf32, #tpu.memory_space<vmem>>, %arg7: memref<1x16xf32, #tpu.memory_space<vmem>>, %arg8: memref<32x1xf32, #tpu.memory_space<vmem>>, %arg9: memref<3x1xf32, #tpu.memory_space<vmem>>, %arg10: memref<3x10240xf32, #tpu.memory_space<vmem>>, %arg11: memref<4x10240xf32, #tpu.memory_space<vmem>>) attributes {dimension_semantics = [#tpu.dimension_semantics<arbitrary>], iteration_bounds = array<i64: 50>, scalar_prefetch = 0 : i64, scratch_operands = 0 : i64, tpu.core_type = #tpu.core_type<tc>, window_params = [{transform_indices = @transform_0, window_bounds = array<i64: 368640>}, {pipeline_mode = #tpu.pipeline_mode<synchronous>, transform_indices = @transform_1, window_bounds = array<i64: 32, 71>}, {pipeline_mode = #tpu.pipeline_mode<synchronous>, transform_indices = @transform_2, window_bounds = array<i64: 32, 32>}, {pipeline_mode = #tpu.pipeline_mode<synchronous>, transform_indices = @transform_3, window_bounds = array<i64: 7, 32>}, {pipeline_mode = #tpu.pipeline_mode<synchronous>, transform_indices = @transform_4, window_bounds = array<i64: 16, 39>}, {pipeline_mode = #tpu.pipeline_mode<synchronous>, transform_indices = @transform_5, window_bounds = array<i64: 16, 16>}, {pipeline_mode = #tpu.pipeline_mode<synchronous>, transform_indices = @transform_6, window_bounds = array<i64: 1, 16>}, {pipeline_mode = #tpu.pipeline_mode<synchronous>, transform_indices = @transform_7, window_bounds = array<i64: 32, 1>}, {pipeline_mode = #tpu.pipeline_mode<synchronous>, transform_indices = @transform_8, window_bounds = array<i64: 3, 1>}, {transform_indices = @transform_9, window_bounds = array<i64: 3, 10240>}, {transform_indices = @transform_10, window_bounds = array<i64: 4, 10240>}]} {
    %get3A = arith.constant 0 : index
    %get3A_0 = vector.load %arg1[%get3A] : memref<368640xf32, #tpu.memory_space<vmem>>, vector<368640xf32>
    %reshape3A = vector.shape_cast %get3A_0 : vector<368640xf32> to vector<5x36x2048xf32>
    %slice3A = vector.extract_strided_slice %reshape3A {offsets = [0, 0, 0], sizes = [1, 36, 2048], strides = [1, 1, 1]} : vector<5x36x2048xf32> to vector<1x36x2048xf32>
    %squeeze3A = vector.shape_cast %slice3A : vector<1x36x2048xf32> to vector<36x2048xf32>
    %slice3A_1 = vector.extract_strided_slice %reshape3A {offsets = [1, 0, 0], sizes = [1, 36, 2048], strides = [1, 1, 1]} : vector<5x36x2048xf32> to vector<1x36x2048xf32>
    %squeeze3A_2 = vector.shape_cast %slice3A_1 : vector<1x36x2048xf32> to vector<36x2048xf32>
    %slice3A_3 = vector.extract_strided_slice %reshape3A {offsets = [2, 0, 0], sizes = [1, 36, 2048], strides = [1, 1, 1]} : vector<5x36x2048xf32> to vector<1x36x2048xf32>
    %squeeze3A_4 = vector.shape_cast %slice3A_3 : vector<1x36x2048xf32> to vector<36x2048xf32>
    %slice3A_5 = vector.extract_strided_slice %reshape3A {offsets = [3, 0, 0], sizes = [1, 36, 2048], strides = [1, 1, 1]} : vector<5x36x2048xf32> to vector<1x36x2048xf32>
    %squeeze3A_6 = vector.shape_cast %slice3A_5 : vector<1x36x2048xf32> to vector<36x2048xf32>
    %slice3A_7 = vector.extract_strided_slice %reshape3A {offsets = [4, 0, 0], sizes = [1, 36, 2048], strides = [1, 1, 1]} : vector<5x36x2048xf32> to vector<1x36x2048xf32>
    %squeeze3A_8 = vector.shape_cast %slice3A_7 : vector<1x36x2048xf32> to vector<36x2048xf32>
    %concatenate3A = tpu.concatenate %squeeze3A, %squeeze3A_2, %squeeze3A_4, %squeeze3A_6, %squeeze3A_8 in 1 : vector<36x2048xf32>, vector<36x2048xf32>, vector<36x2048xf32>, vector<36x2048xf32>, vector<36x2048xf32> -> vector<36x10240xf32>
    %get3A_9 = arith.constant 0 : index
    %get3A_10 = arith.constant 0 : index
    %get3A_11 = vector.load %arg8[%get3A_9, %get3A_10] : memref<32x1xf32, #tpu.memory_space<vmem>>, vector<32x1xf32>
    %broadcast_in_dim3A = vector.shape_cast %get3A_11 : vector<32x1xf32> to vector<32x1xf32>
    %broadcast_in_dim3A_12 = vector.broadcast %broadcast_in_dim3A : vector<32x1xf32> to vector<32x10240xf32>
    %get3A_13 = arith.constant 0 : index
    %get3A_14 = arith.constant 0 : index
    %get3A_15 = vector.load %arg9[%get3A_13, %get3A_14] : memref<3x1xf32, #tpu.memory_space<vmem>>, vector<3x1xf32>
    %broadcast_in_dim3A_16 = vector.shape_cast %get3A_15 : vector<3x1xf32> to vector<3x1xf32>
    %broadcast_in_dim3A_17 = vector.broadcast %broadcast_in_dim3A_16 : vector<3x1xf32> to vector<3x10240xf32>
    %concatenate3A_18 = tpu.concatenate %concatenate3A, %broadcast_in_dim3A_12, %broadcast_in_dim3A_17 in 0 : vector<36x10240xf32>, vector<32x10240xf32>, vector<3x10240xf32> -> vector<71x10240xf32>
    %get3A_19 = arith.constant 0 : index
    %get3A_20 = arith.constant 0 : index
    %get3A_21 = vector.load %arg2[%get3A_19, %get3A_20] : memref<32x71xf32, #tpu.memory_space<vmem>>, vector<32x71xf32>
    %dot_general3A = arith.constant dense<0.000000e+00> : vector<32x10240xf32>
    %dot_general3A_22 = tpu.matmul %get3A_21, %concatenate3A_18, %dot_general3A {dimension_numbers = #tpu.dot_dimension_numbers<[1], [0], [0], [1], [0, 0, 1, 1], [], []>, transpose_lhs_hint = false} : vector<32x71xf32>, vector<71x10240xf32>, vector<32x10240xf32> -> vector<32x10240xf32>
    %max3A = arith.constant 0.000000e+00 : f32
    %max3A_23 = vector.broadcast %max3A : f32 to vector<32x10240xf32>
    %max3A_24 = arith.maximumf %dot_general3A_22, %max3A_23 : vector<32x10240xf32>
    %get3A_25 = arith.constant 0 : index
    %get3A_26 = arith.constant 0 : index
    %get3A_27 = vector.load %arg3[%get3A_25, %get3A_26] : memref<32x32xf32, #tpu.memory_space<vmem>>, vector<32x32xf32>
    %dot_general3A_28 = arith.constant dense<0.000000e+00> : vector<32x10240xf32>
    %dot_general3A_29 = tpu.matmul %get3A_27, %max3A_24, %dot_general3A_28 {dimension_numbers = #tpu.dot_dimension_numbers<[1], [0], [0], [1], [0, 0, 1, 1], [], []>, transpose_lhs_hint = false} : vector<32x32xf32>, vector<32x10240xf32>, vector<32x10240xf32> -> vector<32x10240xf32>
    %max3A_30 = arith.constant 0.000000e+00 : f32
    %max3A_31 = vector.broadcast %max3A_30 : f32 to vector<32x10240xf32>
    %max3A_32 = arith.maximumf %dot_general3A_29, %max3A_31 : vector<32x10240xf32>
    %get3A_33 = arith.constant 0 : index
    %get3A_34 = arith.constant 0 : index
    %get3A_35 = vector.load %arg4[%get3A_33, %get3A_34] : memref<7x32xf32, #tpu.memory_space<vmem>>, vector<7x32xf32>
    %dot_general3A_36 = arith.constant dense<0.000000e+00> : vector<7x10240xf32>
    %dot_general3A_37 = tpu.matmul %get3A_35, %max3A_32, %dot_general3A_36 {dimension_numbers = #tpu.dot_dimension_numbers<[1], [0], [0], [1], [0, 0, 1, 1], [], []>, transpose_lhs_hint = false} : vector<7x32xf32>, vector<32x10240xf32>, vector<7x10240xf32> -> vector<7x10240xf32>
    %concatenate3A_38 = tpu.concatenate %concatenate3A, %broadcast_in_dim3A_17 in 0 : vector<36x10240xf32>, vector<3x10240xf32> -> vector<39x10240xf32>
    %get3A_39 = arith.constant 0 : index
    %get3A_40 = arith.constant 0 : index
    %get3A_41 = vector.load %arg5[%get3A_39, %get3A_40] : memref<16x39xf32, #tpu.memory_space<vmem>>, vector<16x39xf32>
    %dot_general3A_42 = arith.constant dense<0.000000e+00> : vector<16x10240xf32>
    %dot_general3A_43 = tpu.matmul %get3A_41, %concatenate3A_38, %dot_general3A_42 {dimension_numbers = #tpu.dot_dimension_numbers<[1], [0], [0], [1], [0, 0, 1, 1], [], []>, transpose_lhs_hint = false} : vector<16x39xf32>, vector<39x10240xf32>, vector<16x10240xf32> -> vector<16x10240xf32>
    %max3A_44 = arith.constant 0.000000e+00 : f32
    %max3A_45 = vector.broadcast %max3A_44 : f32 to vector<16x10240xf32>
    %max3A_46 = arith.maximumf %dot_general3A_43, %max3A_45 : vector<16x10240xf32>
    %get3A_47 = arith.constant 0 : index
    %get3A_48 = arith.constant 0 : index
    %get3A_49 = vector.load %arg6[%get3A_47, %get3A_48] : memref<16x16xf32, #tpu.memory_space<vmem>>, vector<16x16xf32>
    %dot_general3A_50 = arith.constant dense<0.000000e+00> : vector<16x10240xf32>
    %dot_general3A_51 = tpu.matmul %get3A_49, %max3A_46, %dot_general3A_50 {dimension_numbers = #tpu.dot_dimension_numbers<[1], [0], [0], [1], [0, 0, 1, 1], [], []>, transpose_lhs_hint = false} : vector<16x16xf32>, vector<16x10240xf32>, vector<16x10240xf32> -> vector<16x10240xf32>
    %max3A_52 = arith.constant 0.000000e+00 : f32
    %max3A_53 = vector.broadcast %max3A_52 : f32 to vector<16x10240xf32>
    %max3A_54 = arith.maximumf %dot_general3A_51, %max3A_53 : vector<16x10240xf32>
    %get3A_55 = arith.constant 0 : index
    %get3A_56 = arith.constant 0 : index
    %get3A_57 = vector.load %arg7[%get3A_55, %get3A_56] : memref<1x16xf32, #tpu.memory_space<vmem>>, vector<1x16xf32>
    %dot_general3A_58 = arith.constant dense<0.000000e+00> : vector<1x10240xf32>
    %dot_general3A_59 = tpu.matmul %get3A_57, %max3A_54, %dot_general3A_58 {dimension_numbers = #tpu.dot_dimension_numbers<[1], [0], [0], [1], [0, 0, 1, 1], [], []>, transpose_lhs_hint = false} : vector<1x16xf32>, vector<16x10240xf32>, vector<1x10240xf32> -> vector<1x10240xf32>
    %neg3A = arith.constant 0.000000e+00 : f32
    %neg3A_60 = vector.broadcast %neg3A : f32 to vector<1x10240xf32>
    %neg3A_61 = arith.subf %neg3A_60, %dot_general3A_59 : vector<1x10240xf32>
    %exp3A = math.exp %neg3A_61 : vector<1x10240xf32>
    %add3A = arith.constant 1.000000e+00 : f32
    %add3A_62 = vector.broadcast %add3A : f32 to vector<1x10240xf32>
    %add3A_63 = arith.addf %add3A_62, %exp3A : vector<1x10240xf32>
    %div3A = arith.constant 1.000000e+00 : f32
    %div3A_64 = vector.broadcast %div3A : f32 to vector<1x10240xf32>
    %div3A_65 = arith.divf %div3A_64, %add3A_63 : vector<1x10240xf32>
    %slice3A_66 = vector.extract_strided_slice %dot_general3A_37 {offsets = [0, 0], sizes = [1, 10240], strides = [1, 1]} : vector<7x10240xf32> to vector<1x10240xf32>
    %mul3A = arith.constant 2.000000e-03 : f32
    %mul3A_67 = vector.broadcast %mul3A : f32 to vector<1x10240xf32>
    %mul3A_68 = arith.mulf %slice3A_66, %mul3A_67 : vector<1x10240xf32>
    %slice3A_69 = vector.extract_strided_slice %dot_general3A_37 {offsets = [1, 0], sizes = [1, 10240], strides = [1, 1]} : vector<7x10240xf32> to vector<1x10240xf32>
    %mul3A_70 = arith.constant 0.00999999977 : f32
    %mul3A_71 = vector.broadcast %mul3A_70 : f32 to vector<1x10240xf32>
    %mul3A_72 = arith.mulf %slice3A_69, %mul3A_71 : vector<1x10240xf32>
    %slice3A_73 = vector.extract_strided_slice %dot_general3A_37 {offsets = [2, 0], sizes = [1, 10240], strides = [1, 1]} : vector<7x10240xf32> to vector<1x10240xf32>
    %mul3A_74 = arith.constant 2.000000e-03 : f32
    %mul3A_75 = vector.broadcast %mul3A_74 : f32 to vector<1x10240xf32>
    %mul3A_76 = arith.mulf %slice3A_73, %mul3A_75 : vector<1x10240xf32>
    %concatenate3A_77 = tpu.concatenate %mul3A_68, %mul3A_72, %mul3A_76 in 0 : vector<1x10240xf32>, vector<1x10240xf32>, vector<1x10240xf32> -> vector<3x10240xf32>
    %mul3A_78 = arith.constant 2.000000e+00 : f32
    %mul3A_79 = vector.broadcast %mul3A_78 : f32 to vector<1x10240xf32>
    %mul3A_80 = arith.mulf %div3A_65, %mul3A_79 : vector<1x10240xf32>
    %mul3A_81 = vector.broadcast %mul3A_80 : vector<1x10240xf32> to vector<3x10240xf32>
    %mul3A_82 = arith.mulf %concatenate3A_77, %mul3A_81 : vector<3x10240xf32>
    %swap3A = arith.constant 0 : index
    %swap3A_83 = arith.constant 0 : index
    %swap3A_84 = vector.load %arg10[%swap3A, %swap3A_83] : memref<3x10240xf32, #tpu.memory_space<vmem>>, vector<3x10240xf32>
    tpu.vector_store %arg10[%swap3A, %swap3A_83], %mul3A_82 {strides = array<i32>} : memref<3x10240xf32, #tpu.memory_space<vmem>>, vector<3x10240xf32>,
    %slice3A_85 = vector.extract_strided_slice %dot_general3A_37 {offsets = [3, 0], sizes = [4, 10240], strides = [1, 1]} : vector<7x10240xf32> to vector<4x10240xf32>
    %swap3A_86 = arith.constant 0 : index
    %swap3A_87 = arith.constant 0 : index
    %swap3A_88 = vector.load %arg11[%swap3A_86, %swap3A_87] : memref<4x10240xf32, #tpu.memory_space<vmem>>, vector<4x10240xf32>
    tpu.vector_store %arg11[%swap3A_86, %swap3A_87], %slice3A_85 {strides = array<i32>} : memref<4x10240xf32, #tpu.memory_space<vmem>>, vector<4x10240xf32>,
    return
  }
  func.func @transform_0(%arg0: i32) -> i32 {
    %c0_i32 = arith.constant 0 : i32
    return %arg0 : i32
  }
  func.func @transform_1(%arg0: i32) -> (i32, i32) {
    %c0_i32 = arith.constant 0 : i32
    %c0_i32_0 = arith.constant 0 : i32
    %c0_i32_1 = arith.constant 0 : i32
    return %c0_i32, %c0_i32_0 : i32, i32
  }
  func.func @transform_2(%arg0: i32) -> (i32, i32) {
    %c0_i32 = arith.constant 0 : i32
    %c0_i32_0 = arith.constant 0 : i32
    %c0_i32_1 = arith.constant 0 : i32
    return %c0_i32, %c0_i32_0 : i32, i32
  }
  func.func @transform_3(%arg0: i32) -> (i32, i32) {
    %c0_i32 = arith.constant 0 : i32
    %c0_i32_0 = arith.constant 0 : i32
    %c0_i32_1 = arith.constant 0 : i32
    return %c0_i32, %c0_i32_0 : i32, i32
  }
  func.func @transform_4(%arg0: i32) -> (i32, i32) {
    %c0_i32 = arith.constant 0 : i32
    %c0_i32_0 = arith.constant 0 : i32
    %c0_i32_1 = arith.constant 0 : i32
    return %c0_i32, %c0_i32_0 : i32, i32
  }
  func.func @transform_5(%arg0: i32) -> (i32, i32) {
    %c0_i32 = arith.constant 0 : i32
    %c0_i32_0 = arith.constant 0 : i32
    %c0_i32_1 = arith.constant 0 : i32
    return %c0_i32, %c0_i32_0 : i32, i32
  }
  func.func @transform_6(%arg0: i32) -> (i32, i32) {
    %c0_i32 = arith.constant 0 : i32
    %c0_i32_0 = arith.constant 0 : i32
    %c0_i32_1 = arith.constant 0 : i32
    return %c0_i32, %c0_i32_0 : i32, i32
  }
  func.func @transform_7(%arg0: i32) -> (i32, i32) {
    %c0_i32 = arith.constant 0 : i32
    %c0_i32_0 = arith.constant 0 : i32
    %c0_i32_1 = arith.constant 0 : i32
    return %c0_i32, %c0_i32_0 : i32, i32
  }
  func.func @transform_8(%arg0: i32) -> (i32, i32) {
    %c0_i32 = arith.constant 0 : i32
    %c0_i32_0 = arith.constant 0 : i32
    %c0_i32_1 = arith.constant 0 : i32
    return %c0_i32, %c0_i32_0 : i32, i32
  }
  func.func @transform_9(%arg0: i32) -> (i32, i32) {
    %c0_i32 = arith.constant 0 : i32
    %c0_i32_0 = arith.constant 0 : i32
    return %c0_i32, %arg0 : i32, i32
  }
  func.func @transform_10(%arg0: i32) -> (i32, i32) {
    %c0_i32 = arith.constant 0 : i32
    %c0_i32_0 = arith.constant 0 : i32
    return %c0_i32, %arg0 : i32, i32
  }
}

</mosaic_0001>

<sc_bundles>
// kernel: kernel.5.cloned.1.call-start
scs
__scs_entry_jumppad:
0x0: {  	(pc) =	sbr.rel $0x88, $3  }
0x1: {  	(tag) =	ssettag $0x0;
	lr =	simm.s32 $0x1  }
0x2: {  	[smem:$0x3F83] =	sst lr;
	_ =	strace $0xD0000000  }
0x3: {  	_ = 	snop  }
0x4: {  	_ = 	snop  }
0x5: {  	_ = 	snop  }
0x6: {  	_ = 	snop  }
0x7: {  	_ = 	snop  }
__scs_overlays_trampoline_lowered:
0x8: {  	[smem:$0x3F92] =	sst s0  }
0x9: {  	[smem:$0x3F93] =	sst s1  }
0xa: {  	[smem:$0x3F94] =	sst s2  }
0xb: {  	[smem:$0x3F95] =	sst s3  }
0xc: {  	[smem:$0x3F96] =	sst s4  }
0xd: {  	[smem:$0x3F97] =	sst s5  }
0xe: {  	[smem:$0x3F98] =	sst s6  }
0xf: {  	[smem:$0x3F99] =	sst s7  }
0x10: {  	[smem:$0x3F9A] =	sst s8  }
0x11: {  	[smem:$0x3F9B] =	sst s9;
	s0 =	simm.s32 @!p0 $0x0  }
0x12: {  	s1 =	sld [smem:$0x3F81];
	s0 =	simm.s32 @p0 $0x1  }
0x13: {  	[smem:$0x3F9C] =	sst s0;
	s0 =	simm.s32 @!p1 $0x0  }
0x14: {  	s2 =	sld [smem:$0x3F80];
	s0 =	simm.s32 @p1 $0x1  }
0x15: {  	[smem:$0x3F9D] =	sst s0;
	s0 =	simm.s32 @!p2 $0x0  }
0x16: {  	s3 =	sld [smem:$0x3FDB];
	s0 =	simm.s32 @p2 $0x1  }
0x17: {  	s4 =	simm.s32 $0x1BF5;
	[smem:$0x3F9F] =	sst s0  }
0x18: {  	s0 =	sld [smem:$0x3F82];
	_ =	swait.ge [sflag:s4], $0x0  }
0x19: {  	s7 =	sld [smem:$0x3F83]  }
0x1a: {  	s8 =	sadd.s32 $0xFFFFE003, lr  }
0x1b: {  	s9 =	sadd.s32 $0xFFFFFEF7, lr;
	s5 =	simm.s32 $0xFFFFFFFF;
	p2 =	slt.u32 s8, $0xFFFFF086  }
0x1c: {  	p1 =	slt.u32 s9, $0xF7A;
	s5 =	simm.s32 @!p2 $0x0  }
0x1d: {  	s5 =	simm.s32 @p1 $0x1;
	p0 =	seq.s32 s7, s2  }
0x1e: {  	s7 =	smul.u32 @!p0 $0xF7A, s2;
	p2 =	seq.s32 @!p0 s5, $0x0  }
0x1f: {  	s9 =	smul.u32 $0xF7A, s1;
	s8 =	simm.s32 @!p0 $0x1BF5;
	p2 =	por !p2, p0  }
0x20: {  	[sflag:s8] =	ssyncset.s32 @!p0 $0xFFFFF086;
	s6 =	sadd.s32 @!p0 s3, s7;
	s7 =	simm.s32 @!p0 $0x108  }
0x21: {  	s3 =	sadd.s32 s3, s9;
	s6 =	sadd.s32 @!p0 $0x88, s6;
	s7 =	simm.s32 @p2 $0x1082  }
0x22: {  	[simem:s7], [sflag:s8] =	dma.local @!p0 [hbm:s6], $0xF7A  }
0x23: {  	s9 =	sor.u32 $0xD0000000, s2;
	s6 =	simm.s32 $0x108;
	_ =	swait.ge @!p0 [sflag:s8], $0x0  }
0x24: {  	s3 =	sadd.s32 $0x88, s3;
	s6 =	simm.s32 @!p1 $0x1082;
	[sflag:s4] =	ssyncset.s32 $0xFFFFF086  }
0x25: {  	[simem:s6], [sflag:s4] =	dma.local [hbm:s3], $0xF7A  }
0x26: {  	[smem:$0x3F83] =	sst s1;
	(tag) =	ssettag s2;
	_ =	strace s9  }
0x27: {  	s1 =	sld [smem:$0x3F93]  }
0x28: {  	s2 =	sld [smem:$0x3F94]  }
0x29: {  	s4 =	sld [smem:$0x3F96]  }
0x2a: {  	p0 =	seq.s32 s5, $0x0;
	s5 =	sld [smem:$0x3F97]  }
0x2b: {  	s6 =	sld [smem:$0x3F98]  }
0x2c: {  	s7 =	sld [smem:$0x3F99]  }
0x2d: {  	s3 =	simm.s32 $0x108;
	s8 =	sld [smem:$0x3F9A]  }
0x2e: {  	s3 =	simm.s32 @!p0 $0x1082;
	s9 =	sld [smem:$0x3F9B]  }
0x2f: {  	lr =	sadd.s32 s0, s3;
	s0 =	sld [smem:$0x3F92]  }
0x30: {  	s3 =	sld [smem:$0x3F95]  }
0x31: {  	[smem:$0x3F9E] =	sst s10  }
0x32: {  	s10 =	sld [smem:$0x3F9C];
	_ =	sdelay $0x3  }
0x33: {  	p0 =	seq.s32 s10, $0x1;
	s10 =	sld [smem:$0x3F9E];
	_ =	sdelay $0x3  }
0x34: {  	[smem:$0x3F9E] =	sst s10  }
0x35: {  	s10 =	sld [smem:$0x3F9D];
	_ =	sdelay $0x3  }
0x36: {  	p1 =	seq.s32 s10, $0x1;
	s10 =	sld [smem:$0x3F9E];
	_ =	sdelay $0x3  }
0x37: {  	[smem:$0x3F9E] =	sst s10  }
0x38: {  	s10 =	sld [smem:$0x3F9F]  }
0x39: {  	_ = 	snop;
	(pc) =	sbr.ind lr, $3  }
0x3a: {  	_ = 	snop  }
0x3b: {  	_ = 	snop  }
0x3c: {  	p2 =	seq.s32 s10, $0x1;
	s10 =	sld [smem:$0x3F9E]  }
0x3d: {  	_ =	shalt  }
0x3e: {  	_ =	shalt  }
0x3f: {  	_ =	shalt  }
0x40: {  	_ =	shalt  }
0x41: {  	_ =	shalt  }
0x42: {  	_ =	shalt  }
0x43: {  	_ =	shalt  }
0x44: {  	_ =	shalt  }
0x45: {  	_ =	shalt  }
0x46: {  	_ =	shalt  }
0x47: {  	_ =	shalt  }
0x48: {  	_ =	shalt  }
0x49: {  	_ =	shalt  }
0x4a: {  	_ =	shalt  }
0x4b: {  	_ =	shalt  }
0x4c: {  	_ =	shalt  }
0x4d: {  	_ =	shalt  }
0x4e: {  	_ =	shalt  }
0x4f: {  	_ =	shalt  }
0x50: {  	_ =	shalt  }
0x51: {  	_ =	shalt  }
0x52: {  	_ =	shalt  }
0x53: {  	_ =	shalt  }
0x54: {  	_ =	shalt  }
0x55: {  	_ =	shalt  }
0x56: {  	_ =	shalt  }
0x57: {  	_ =	shalt  }
0x58: {  	_ =	shalt  }
0x59: {  	_ =	shalt  }
0x5a: {  	_ =	shalt  }
0x5b: {  	_ =	shalt  }
0x5c: {  	_ =	shalt  }
0x5d: {  	_ =	shalt  }
0x5e: {  	_ =	shalt  }
0x5f: {  	_ =	shalt  }
0x60: {  	_ =	shalt  }
0x61: {  	_ =	shalt  }
0x62: {  	_ =	shalt  }
0x63: {  	_ =	shalt  }
0x64: {  	_ =	shalt  }
0x65: {  	_ =	shalt  }
0x66: {  	_ =	shalt  }
0x67: {  	_ =	shalt  }
0x68: {  	_ =	shalt  }
0x69: {  	_ =	shalt  }
0x6a: {  	_ =	shalt  }
0x6b: {  	_ =	shalt  }
0x6c: {  	_ =	shalt  }
0x6d: {  	_ =	shalt  }
0x6e: {  	_ =	shalt  }
0x6f: {  	_ =	shalt  }
0x70: {  	_ =	shalt  }
0x71: {  	_ =	shalt  }
0x72: {  	_ =	shalt  }
0x73: {  	_ =	shalt  }
0x74: {  	_ =	shalt  }
0x75: {  	_ =	shalt  }
0x76: {  	_ =	shalt  }
0x77: {  	_ =	shalt  }
0x78: {  	_ =	shalt  }
0x79: {  	_ =	shalt  }
0x7a: {  	_ =	shalt  }
0x7b: {  	_ =	shalt  }
0x7c: {  	_ =	shalt  }
0x7d: {  	_ =	shalt  }
0x7e: {  	_ =	shalt  }
0x7f: {  	_ =	shalt  }
0x80: {  	_ =	shalt  }
0x81: {  	_ =	shalt  }
0x82: {  	_ =	shalt  }
0x83: {  	_ =	shalt  }
0x84: {  	_ =	shalt  }
0x85: {  	_ =	shalt  }
0x86: {  	_ =	shalt  }
0x87: {  	_ =	shalt  }
.Lfunc_end0:
.L_simem_size_0:
called_computation_lowered:
.L_overlay_start_0:
0x88: {  	s2 =	sld [smem:$0x3FD9]  }
0x89: {  	s3 =	sld [smem:$0x3FFE];
	_ =	sdelay $0x1  }
0x8a: {  	s1 =	srdreg.scid  }
0x8b: {  	s0 =	sand.u32 $0x1, s1  }
0x8c: {  	s14 =	sshll.u32 s0, $0xA;
	s2 =	sadd.s32 s3, s2  }
0x8d: {  	s2 =	sadd.s32 s2, s14  }
0x8e: {  	[smem:$0x3FAA] =	sst s2  }
0x8f: {  	_ = 	snop  }
0x90: {  	s2 =	sld [smem:$0x3FD0];
	_ =	sdelay $0x2  }
0x91: {  	s15 =	simm.s32 $0xA;
	s4 =	simm.s32 $0x10  }
0x92: {  	[smem:s4], [sflag:s15] =	dma.local [hbm:s2], $0x1  }
0x93: {  	_ =	swait.eq [sflag:s15], $0x1  }
0x94: {  	[sflag:s15] =	ssyncset.done $0x0  }
0x95: {  	[sflag:s15] =	ssyncadd.s32 $0xFFFFFFFF  }
0x96: {  	s16 =	sld [smem:$0x11];
	(tm) =	ssettm $0x1  }
0x97: {  	s17 =	sld [smem:$0x3FFB];
	_ =	sdelay $0x3  }
0x98: {  	_ =	strace s17  }
0x99: {  	s3 =	sld [smem:$0x3FFC];
	_ =	sdelay $0x3  }
0x9a: {  	_ =	strace s3  }
0x9b: {  	s3 =	sld [smem:$0x3FFD];
	_ =	sdelay $0x3  }
0x9c: {  	_ =	strace s3  }
0x9d: {  	_ =	strace $0x8FFFFFFF  }
0x9e: {  	s18 =	sld [smem:$0x3FDB];
	_ =	sdelay $0x1  }
0x9f: {  	s19 =	simm.s32 $_scs_section_size  }
0xa0: {  	s5 =	simm.s32 $_size__tile_overlayer_lowered;
	s6 =	simm.s32 $_tile_overlayer_lowered  }
0xa1: {  	s22 =	simm.s32 $0x1BFF;
	s21 =	sshll.u32 s6, $0x1;
	s3 =	sadd.s32 s19, s18  }
0xa2: {  	s7 =	simm.s32 $0x0;
	s20 =	sshll.u32 s5, $0x1;
	s5 =	sadd.s32 s21, s3  }
0xa3: {  	[timem:s7], [sflag:s22] =	dma.local [hbm:s5], s20  }
0xa4: {  	_ =	swait.ge [sflag:s22], s20  }
0xa5: {  	s4 =	ssub.s32 $0x0, s20;
	[sflag:s22] =	ssyncset.done $0x0  }
0xa6: {  	[sflag:s22] =	ssyncadd.s32 s4;
	_ =	sdelay $0x1  }
0xa7: {  	s23 =	simm.s32 $0x1B8B  }
0xa8: {  	_ =	swait.ge [sflag:s23], $0x1  }
0xa9: {  	[sflag:s23] =	ssyncset.done $0x0  }
0xaa: {  	s25 =	simm.s32 $0x1B8E;
	s24 =	sld [smem:$0x3FFE];
	[sflag:s23] =	ssyncadd.s32 $0xFFFFFFFF  }
0xab: {  	s26 =	simm.s32 $execute0_lowered;
	[smem:$0x3FD2] =	sst s25  }
0xac: {  	s5 =	sshll.u32 s26, $0x1;
	_ =	strace $0x80000046;
	[dreg:$0x1] =	wrdreg $0xFFFFFFFF  }
0xad: {  	s28 =	simm.s32 $_size_execute0_lowered;
	s3 =	sadd.s32 s3, s5;
	[dreg:$0x0] =	wrdreg $0x0  }
0xae: {  	s5 =	sshll.u32 s28, $0x1;
	[dreg:$0x2] =	wrdreg s3  }
0xaf: {  	[dreg:$0x3] =	wrdreg s5  }
0xb0: {  	[dreg:$0x4] =	wrdreg $0xC0  }
0xb1: {  	_ =	task [dreg:s7], $0x5FFFF  }
0xb2: {  	[dreg:$0x1] =	wrdreg $0xFFFFFFFF  }
0xb3: {  	[dreg:$0x0] =	wrdreg $0x60  }
0xb4: {  	[dreg:$0x2] =	wrdreg s24  }
0xb5: {  	[dreg:$0x3] =	wrdreg s16  }
0xb6: {  	[dreg:$0x4] =	wrdreg $0x9  }
0xb7: {  	_ =	task.clear_ibuf [dreg:s7], $0x5FFFF;
	_ =	strace $0x90000046  }
0xb8: {  	s29 =	simm.s32 $0x9;
	_ =	strace $0x80000048  }
0xb9: {  	_ =	swait.ge [sflag:s29], $0x1  }
0xba: {  	[sflag:s29] =	ssyncadd.s32 $0xFFFFFFFF  }
0xbb: {  	_ =	strace $0x90000048  }
0xbc: {  	_ =	sfence  }
0xbd: {  	s30 =	sld [smem:$0x0];
	_ =	sdelay $0x2  }
0xbe: {  	s31 =	sshll.u32 s1, $0xD;
	s1 =	sshrl.u32 s1, $0x2  }
0xbf: {  	s3 =	sand.u32 $0x4000, s31;
	s1 =	sadd.s32 s1, s30  }
0xc0: {  	s0 =	sor.u32 s3, s0;
	s1 =	sshll.u32 s1, $0x11  }
0xc1: {  	s0 =	sor.u32 s1, s0  }
0xc2: {  	s0 =	sadd.s32 $0x8F2B, s0  }
0xc3: {  	[sflag:s0] =	ssyncadd.remote.s32 $0x1  }
0xc4: {  	_ =	sfence.sel $0xFFFF  }
0xc5: {  	[dreg:$0x0] =	wrdreg $0xFFFFFFFF;
	(pc) =	sbr.abs _section_cstart, $3  }
0xc6: {  	[dreg:$0x1] =	wrdreg $0xFFFFFFFF  }
0xc7: {  	_ =	task.clear_ibuf [dreg:s7], $0x2FFFF;
	_ =	strace $0x9FFFFFFF  }
0xc8: {  	(tm) =	ssettm $0x7FFFFFFF  }
0xc9: {  	_ =	shalt  }
tec
execute0_lowered:
.L_overlay_start_1:
0x0: {  	(tag) =	ssettag $0x1  }
0x1: {  	s2 =	rddreg [dreg:$0x0];
	s1 =	simm.s32 $0x0  }
0x2: {  	[smem:$0x7FF] =	sst s1  }
0x3: {  	s0 =	rddreg [dreg:$0x1];
	v0 =	vimm.f32 $3.000000120e-01;
	_ =	strace $0x80000047  }
0x4: {  	(erf) = vrcp.f32 v0;
	_ =	sdelay $0x2  }
0x5: {  	s3 =	stileid.u32  }
0x6: {  	p0 =	seq.s32 s3, $0xF  }
.Ltmp0:
0x7: {  	_ = 	snop;
	(pc) =	sbr.rel @p0 .LBB2_9-.Ltmp0, $2  }
0x8: {  	_ =	sdelay $0x2  }
0x9: {  	v0 =	vpop (erf)  }
0xa: {  	s3 =	srdreg.scid;
	s5 =	stileid.u32  }
0xb: {  	s8 =	sand.u32 $0x1, s3;
	s24 =	sshll.u32 s5, $0x1  }
0xc: {  	s3 =	sor.u32 s8, s24  }
0xd: {  	s15 =	simm.s32 $0x4;
	s4 =	smul.u32 $0x1A, s3  }
0xe: {  	s16 =	simm.s32 $0x80;
	s17 =	simm.s32 $0xB080;
	s28 =	simm.s32 $0xB780  }
0xf: {  	s29 =	simm.s32 $0x780;
	s5 =	smul.u32 $0x34, s5;
	s4 =	sshrl.u32 s4, $0x8  }
0x10: {  	s30 =	simm.s32 $0xB800;
	s31 =	simm.s32 $0x1;
	s4 =	smul.u32 $0xA, s4  }
0x11: {  	s13 =	simm.s32 $0x2;
	s14 =	simm.s32 $0x18100;
	s9 =	sshrl.u32 s5, $0x8  }
0x12: {  	s18 =	simm.s32 $0x3;
	s10 =	smul.u32 $0x7D000, s9;
	s3 =	ssub.s32 s3, s4  }
0x13: {  	s19 =	simm.s32 $0x0;
	s26 =	smul.u32 $0x1610, s9;
	s7 =	sand.u32 $0xFF, s3  }
0x14: {  	s25 =	ssub.s32 $0x2, s8;
	s5 =	sadd.s32 $0xF1A00, s2;
	s6 =	smul.u32 $0xC800, s7  }
0x15: {  	s12 =	sshrl.u32 s25, $0x1;
	s8 =	smul.u32 $0xC, s9;
	s4 =	sadd.s32 $0x93E00, s2  }
0x16: {  	s3 =	sadd.s32 $0x3E00, s2;
	s2 =	ssub.s32 s25, s12;
	s6 =	sadd.s32 s10, s6  }
0x17: {  	s7 =	smul.u32 $0x19, s7;
	s12 =	smax.u32 s2, $0x1;
	s11 =	sshrl.u32 s6, $0x3  }
0x18: {  	s2 =	simm.s32 $0x16080;
	s10 =	sadd.s32 s0, s26;
	s9 =	sadd.s32 s4, s11  }
0x19: {  	s26 =	simm.s32 $0x700;
	s0 =	simm.s32 $0xB000;
	s11 =	sadd.s32 $0x2EE00, s9  }
.LBB2_2:
0x1a: {  	s20 =	simm.s32 $0x0;
	s21 =	simm.s32 $0x16100  }
0x1b: {  	[tilespmem:s21], [sflag:$0x2] =	stream.linear.gather [hbm4b:s9+s20], $0x800, $0x38;
	[tilespmem:$0x1E100] =	vst v63  }
0x1c: {  	s25 =	simm.s32 $0x16900  }
0x1d: {  	[tilespmem:s25], [sflag:$0x2] =	stream.linear.gather [hbm4b:s11+s20], $0x800, $0x38;
	[tilespmem:$0x1E100] =	vst v63  }
0x1e: {  	_ = 	snop  }
0x1f: {  	[tilespmem:s20], [sflag:$0x4] =	stream.linear.gather [hbm4b:s10+s20], $0xB080, $0x38;
	[tilespmem:$0x1E100] =	vst v63  }
0x20: {  	_ =	swait.ge [sflag:s15], $0xB080  }
0x21: {  	[sflag:s15] =	ssyncset.done $0x0  }
0x22: {  	[sflag:s15] =	ssyncadd.s32 $0xFFFF4F80  }
0x23: {  	[tilespmem:s17], [sflag:$0x1] =	stream.indirect.gather [hbm4b:s3+s16], $0x1, s20, s16, $0xb8;
	[tilespmem:$0x1E100] =	vst v63  }
0x24: {  	s21 =	simm.s32 $0xB100  }
0x25: {  	[tilespmem:s21], [sflag:$0x1] =	stream.indirect.gather [hbm4b:s3+s16], $0x1, s16, s16, $0xb8;
	[tilespmem:$0x1E100] =	vst v63  }
0x26: {  	s22 =	simm.s32 $0x100;
	s23 =	simm.s32 $0xB180  }
0x27: {  	[tilespmem:s23], [sflag:$0x1] =	stream.indirect.gather [hbm4b:s3+s16], $0x1, s22, s16, $0xb8;
	[tilespmem:$0x1E100] =	vst v63  }
0x28: {  	s24 =	simm.s32 $0x180;
	s25 =	simm.s32 $0xB200  }
0x29: {  	[tilespmem:s25], [sflag:$0x1] =	stream.indirect.gather [hbm4b:s3+s16], $0x1, s24, s16, $0xb8;
	[tilespmem:$0x1E100] =	vst v63  }
0x2a: {  	s22 =	simm.s32 $0x200;
	s23 =	simm.s32 $0xB280  }
0x2b: {  	[tilespmem:s23], [sflag:$0x1] =	stream.indirect.gather [hbm4b:s3+s16], $0x1, s22, s16, $0xb8;
	[tilespmem:$0x1E100] =	vst v63  }
0x2c: {  	s24 =	simm.s32 $0x280;
	s25 =	simm.s32 $0xB300  }
0x2d: {  	[tilespmem:s25], [sflag:$0x1] =	stream.indirect.gather [hbm4b:s3+s16], $0x1, s24, s16, $0xb8;
	[tilespmem:$0x1E100] =	vst v63  }
0x2e: {  	s22 =	simm.s32 $0x300;
	s23 =	simm.s32 $0xB380  }
0x2f: {  	[tilespmem:s23], [sflag:$0x1] =	stream.indirect.gather [hbm4b:s3+s16], $0x1, s22, s16, $0xb8;
	[tilespmem:$0x1E100] =	vst v63  }
0x30: {  	s24 =	simm.s32 $0x380;
	s25 =	simm.s32 $0xB400  }
0x31: {  	[tilespmem:s25], [sflag:$0x1] =	stream.indirect.gather [hbm4b:s3+s16], $0x1, s24, s16, $0xb8;
	[tilespmem:$0x1E100] =	vst v63  }
0x32: {  	s22 =	simm.s32 $0x400;
	s23 =	simm.s32 $0xB480  }
0x33: {  	[tilespmem:s23], [sflag:$0x1] =	stream.indirect.gather [hbm4b:s3+s16], $0x1, s22, s16, $0xb8;
	[tilespmem:$0x1E100] =	vst v63  }
0x34: {  	s24 =	simm.s32 $0x480;
	s25 =	simm.s32 $0xB500  }
0x35: {  	[tilespmem:s25], [sflag:$0x1] =	stream.indirect.gather [hbm4b:s3+s16], $0x1, s24, s16, $0xb8;
	[tilespmem:$0x1E100] =	vst v63  }
0x36: {  	s22 =	simm.s32 $0x500;
	s23 =	simm.s32 $0xB580  }
0x37: {  	[tilespmem:s23], [sflag:$0x1] =	stream.indirect.gather [hbm4b:s3+s16], $0x1, s22, s16, $0xb8;
	[tilespmem:$0x1E100] =	vst v63  }
0x38: {  	s24 =	simm.s32 $0x580;
	s25 =	simm.s32 $0xB600  }
0x39: {  	[tilespmem:s25], [sflag:$0x1] =	stream.indirect.gather [hbm4b:s3+s16], $0x1, s24, s16, $0xb8;
	[tilespmem:$0x1E100] =	vst v63  }
0x3a: {  	s22 =	simm.s32 $0x600;
	s23 =	simm.s32 $0xB680  }
0x3b: {  	[tilespmem:s23], [sflag:$0x1] =	stream.indirect.gather [hbm4b:s3+s16], $0x1, s22, s16, $0xb8;
	[tilespmem:$0x1E100] =	vst v63  }
0x3c: {  	s24 =	simm.s32 $0x680;
	s25 =	simm.s32 $0xB700  }
0x3d: {  	[tilespmem:s25], [sflag:$0x1] =	stream.indirect.gather [hbm4b:s3+s16], $0x1, s24, s16, $0xb8;
	[tilespmem:$0x1E100] =	vst v63  }
0x3e: {  	_ = 	snop  }
0x3f: {  	[tilespmem:s28], [sflag:$0x1] =	stream.indirect.gather [hbm4b:s3+s16], $0x1, s26, s16, $0xb8;
	[tilespmem:$0x1E100] =	vst v63  }
0x40: {  	_ = 	snop  }
0x41: {  	[tilespmem:s30], [sflag:$0x1] =	stream.indirect.gather [hbm4b:s3+s16], $0x1, s29, s16, $0xb8;
	[tilespmem:$0x1E100] =	vst v63  }
0x42: {  	s22 =	simm.s32 $0xB880;
	s23 =	simm.s32 $0x800  }
0x43: {  	[tilespmem:s22], [sflag:$0x1] =	stream.indirect.gather [hbm4b:s3+s16], $0x1, s23, s16, $0xb8;
	[tilespmem:$0x1E100] =	vst v63  }
0x44: {  	s24 =	simm.s32 $0xB900;
	s25 =	simm.s32 $0x880  }
0x45: {  	[tilespmem:s24], [sflag:$0x1] =	stream.indirect.gather [hbm4b:s3+s16], $0x1, s25, s16, $0xb8;
	[tilespmem:$0x1E100] =	vst v63  }
0x46: {  	s22 =	simm.s32 $0xB980;
	s23 =	simm.s32 $0x900  }
0x47: {  	[tilespmem:s22], [sflag:$0x1] =	stream.indirect.gather [hbm4b:s3+s16], $0x1, s23, s16, $0xb8;
	[tilespmem:$0x1E100] =	vst v63  }
0x48: {  	s24 =	simm.s32 $0xBA00;
	s25 =	simm.s32 $0x980  }
0x49: {  	[tilespmem:s24], [sflag:$0x1] =	stream.indirect.gather [hbm4b:s3+s16], $0x1, s25, s16, $0xb8;
	[tilespmem:$0x1E100] =	vst v63  }
0x4a: {  	s22 =	simm.s32 $0xBA80;
	s23 =	simm.s32 $0xA00  }
0x4b: {  	[tilespmem:s22], [sflag:$0x1] =	stream.indirect.gather [hbm4b:s3+s16], $0x1, s23, s16, $0xb8;
	[tilespmem:$0x1E100] =	vst v63  }
0x4c: {  	s24 =	simm.s32 $0xBB00;
	s25 =	simm.s32 $0xA80  }
0x4d: {  	[tilespmem:s24], [sflag:$0x1] =	stream.indirect.gather [hbm4b:s3+s16], $0x1, s25, s16, $0xb8;
	[tilespmem:$0x1E100] =	vst v63  }
0x4e: {  	s22 =	simm.s32 $0xBB80;
	s23 =	simm.s32 $0xB00  }
0x4f: {  	[tilespmem:s22], [sflag:$0x1] =	stream.indirect.gather [hbm4b:s3+s16], $0x1, s23, s16, $0xb8;
	[tilespmem:$0x1E100] =	vst v63  }
0x50: {  	s24 =	simm.s32 $0xBC00;
	s25 =	simm.s32 $0xB80  }
0x51: {  	[tilespmem:s24], [sflag:$0x1] =	stream.indirect.gather [hbm4b:s3+s16], $0x1, s25, s16, $0xb8;
	[tilespmem:$0x1E100] =	vst v63  }
0x52: {  	s22 =	simm.s32 $0xBC80;
	s23 =	simm.s32 $0xC00  }
0x53: {  	[tilespmem:s22], [sflag:$0x1] =	stream.indirect.gather [hbm4b:s3+s16], $0x1, s23, s16, $0xb8;
	[tilespmem:$0x1E100] =	vst v63  }
0x54: {  	s24 =	simm.s32 $0xBD00;
	s25 =	simm.s32 $0xC80  }
0x55: {  	[tilespmem:s24], [sflag:$0x1] =	stream.indirect.gather [hbm4b:s3+s16], $0x1, s25, s16, $0xb8;
	[tilespmem:$0x1E100] =	vst v63  }
0x56: {  	s22 =	simm.s32 $0xBD80;
	s23 =	simm.s32 $0xD00  }
0x57: {  	[tilespmem:s22], [sflag:$0x1] =	stream.indirect.gather [hbm4b:s3+s16], $0x1, s23, s16, $0xb8;
	[tilespmem:$0x1E100] =	vst v63  }
0x58: {  	s24 =	simm.s32 $0xBE00;
	s25 =	simm.s32 $0xD80  }
0x59: {  	[tilespmem:s24], [sflag:$0x1] =	stream.indirect.gather [hbm4b:s3+s16], $0x1, s25, s16, $0xb8;
	[tilespmem:$0x1E100] =	vst v63  }
0x5a: {  	s22 =	simm.s32 $0xBE80;
	s23 =	simm.s32 $0xE00  }
0x5b: {  	[tilespmem:s22], [sflag:$0x1] =	stream.indirect.gather [hbm4b:s3+s16], $0x1, s23, s16, $0xb8;
	[tilespmem:$0x1E100] =	vst v63  }
0x5c: {  	s24 =	simm.s32 $0xBF00;
	s25 =	simm.s32 $0xE80  }
0x5d: {  	[tilespmem:s24], [sflag:$0x1] =	stream.indirect.gather [hbm4b:s3+s16], $0x1, s25, s16, $0xb8;
	[tilespmem:$0x1E100] =	vst v63  }
0x5e: {  	s22 =	simm.s32 $0xBF80;
	s23 =	simm.s32 $0xF00  }
0x5f: {  	[tilespmem:s22], [sflag:$0x1] =	stream.indirect.gather [hbm4b:s3+s16], $0x1, s23, s16, $0xb8;
	[tilespmem:$0x1E100] =	vst v63  }
0x60: {  	s24 =	simm.s32 $0xC000;
	s25 =	simm.s32 $0xF80  }
0x61: {  	[tilespmem:s24], [sflag:$0x1] =	stream.indirect.gather [hbm4b:s3+s16], $0x1, s25, s16, $0xb8;
	[tilespmem:$0x1E100] =	vst v63  }
0x62: {  	_ =	swait.ge [sflag:s31], $0x800  }
0x63: {  	s20 =	simm.s32 $0x2000;
	s23 =	simm.s32 $0x4000;
	[sflag:s31] =	ssyncset.done $0x0  }
.LBB2_3:
0x64: {  	s22 =	sshra.s32 s20, $0x2  }
0x65: {  	[sflag:s31] =	ssyncadd.s32 $0xFFFFF800;
	s20 =	smov.u32 s23;
	s21 =	sadd.s32 $0x2000, s23  }
0x66: {  	p0 =	sne.s32 s23, $0x28000;
	s23 =	sadd.s32 $0xB880, s22;
	s24 =	sadd.s32 $0x800, s22  }
0x67: {  	[tilespmem:s23], [sflag:$0x1] =	stream.indirect.gather [hbm4b:s3+s16], $0x1, s24, s16, $0xb8;
	[tilespmem:$0x1E100] =	vst v63  }
0x68: {  	s23 =	sadd.s32 $0xB900, s22;
	s24 =	sadd.s32 $0x880, s22  }
0x69: {  	[tilespmem:s23], [sflag:$0x1] =	stream.indirect.gather [hbm4b:s3+s16], $0x1, s24, s16, $0xb8;
	[tilespmem:$0x1E100] =	vst v63  }
0x6a: {  	s23 =	sadd.s32 $0xB980, s22;
	s24 =	sadd.s32 $0x900, s22  }
0x6b: {  	[tilespmem:s23], [sflag:$0x1] =	stream.indirect.gather [hbm4b:s3+s16], $0x1, s24, s16, $0xb8;
	[tilespmem:$0x1E100] =	vst v63  }
0x6c: {  	s23 =	sadd.s32 $0xBA00, s22;
	s24 =	sadd.s32 $0x980, s22  }
0x6d: {  	[tilespmem:s23], [sflag:$0x1] =	stream.indirect.gather [hbm4b:s3+s16], $0x1, s24, s16, $0xb8;
	[tilespmem:$0x1E100] =	vst v63  }
0x6e: {  	s23 =	sadd.s32 $0xBA80, s22;
	s24 =	sadd.s32 $0xA00, s22  }
0x6f: {  	[tilespmem:s23], [sflag:$0x1] =	stream.indirect.gather [hbm4b:s3+s16], $0x1, s24, s16, $0xb8;
	[tilespmem:$0x1E100] =	vst v63  }
0x70: {  	s23 =	sadd.s32 $0xBB00, s22;
	s24 =	sadd.s32 $0xA80, s22  }
0x71: {  	[tilespmem:s23], [sflag:$0x1] =	stream.indirect.gather [hbm4b:s3+s16], $0x1, s24, s16, $0xb8;
	[tilespmem:$0x1E100] =	vst v63  }
0x72: {  	s23 =	sadd.s32 $0xBB80, s22;
	s24 =	sadd.s32 $0xB00, s22  }
0x73: {  	[tilespmem:s23], [sflag:$0x1] =	stream.indirect.gather [hbm4b:s3+s16], $0x1, s24, s16, $0xb8;
	[tilespmem:$0x1E100] =	vst v63  }
0x74: {  	s23 =	sadd.s32 $0xBC00, s22;
	s24 =	sadd.s32 $0xB80, s22  }
0x75: {  	[tilespmem:s23], [sflag:$0x1] =	stream.indirect.gather [hbm4b:s3+s16], $0x1, s24, s16, $0xb8;
	[tilespmem:$0x1E100] =	vst v63  }
0x76: {  	s23 =	sadd.s32 $0xBC80, s22;
	s24 =	sadd.s32 $0xC00, s22  }
0x77: {  	[tilespmem:s23], [sflag:$0x1] =	stream.indirect.gather [hbm4b:s3+s16], $0x1, s24, s16, $0xb8;
	[tilespmem:$0x1E100] =	vst v63  }
0x78: {  	s23 =	sadd.s32 $0xBD00, s22;
	s24 =	sadd.s32 $0xC80, s22  }
0x79: {  	[tilespmem:s23], [sflag:$0x1] =	stream.indirect.gather [hbm4b:s3+s16], $0x1, s24, s16, $0xb8;
	[tilespmem:$0x1E100] =	vst v63  }
0x7a: {  	s23 =	sadd.s32 $0xBD80, s22;
	s24 =	sadd.s32 $0xD00, s22  }
0x7b: {  	[tilespmem:s23], [sflag:$0x1] =	stream.indirect.gather [hbm4b:s3+s16], $0x1, s24, s16, $0xb8;
	[tilespmem:$0x1E100] =	vst v63  }
0x7c: {  	s23 =	sadd.s32 $0xBE00, s22;
	s24 =	sadd.s32 $0xD80, s22  }
0x7d: {  	[tilespmem:s23], [sflag:$0x1] =	stream.indirect.gather [hbm4b:s3+s16], $0x1, s24, s16, $0xb8;
	[tilespmem:$0x1E100] =	vst v63  }
0x7e: {  	s23 =	sadd.s32 $0xBE80, s22;
	s24 =	sadd.s32 $0xE00, s22  }
0x7f: {  	[tilespmem:s23], [sflag:$0x1] =	stream.indirect.gather [hbm4b:s3+s16], $0x1, s24, s16, $0xb8;
	[tilespmem:$0x1E100] =	vst v63  }
0x80: {  	s23 =	sadd.s32 $0xBF00, s22;
	s24 =	sadd.s32 $0xE80, s22  }
0x81: {  	[tilespmem:s23], [sflag:$0x1] =	stream.indirect.gather [hbm4b:s3+s16], $0x1, s24, s16, $0xb8;
	[tilespmem:$0x1E100] =	vst v63  }
0x82: {  	s23 =	sadd.s32 $0xBF80, s22;
	s24 =	sadd.s32 $0xF00, s22  }
0x83: {  	[tilespmem:s23], [sflag:$0x1] =	stream.indirect.gather [hbm4b:s3+s16], $0x1, s24, s16, $0xb8;
	[tilespmem:$0x1E100] =	vst v63  }
.Ltmp1:
0x84: {  	_ = 	snop;
	(pc) =	sbr.rel @p0 .LBB2_3-.Ltmp1, $4  }
0x85: {  	s23 =	sadd.s32 $0xC000, s22;
	s22 =	sadd.s32 $0xF80, s22  }
0x86: {  	[tilespmem:s23], [sflag:$0x1] =	stream.indirect.gather [hbm4b:s3+s16], $0x1, s22, s16, $0xb8;
	[tilespmem:$0x1E100] =	vst v63  }
0x87: {  	_ =	swait.ge [sflag:s31], $0x800  }
0x88: {  	s23 =	smov.u32 s21;
	[sflag:s31] =	ssyncset.done $0x0  }
0x89: {  	s20 =	sshra.s32 s20, $0x2  }
0x8a: {  	[sflag:s31] =	ssyncadd.s32 $0xFFFFF800;
	s21 =	sadd.s32 $0xB880, s20;
	s22 =	sadd.s32 $0x800, s20  }
0x8b: {  	[tilespmem:s21], [sflag:$0x1] =	stream.indirect.gather [hbm4b:s3+s16], $0x1, s22, s16, $0xb8;
	[tilespmem:$0x1E100] =	vst v63  }
0x8c: {  	s24 =	sadd.s32 $0xB900, s20;
	s25 =	sadd.s32 $0x880, s20  }
0x8d: {  	[tilespmem:s24], [sflag:$0x1] =	stream.indirect.gather [hbm4b:s3+s16], $0x1, s25, s16, $0xb8;
	[tilespmem:$0x1E100] =	vst v63  }
0x8e: {  	s23 =	sadd.s32 $0x900, s20;
	s22 =	sadd.s32 $0xB980, s20  }
0x8f: {  	[tilespmem:s22], [sflag:$0x1] =	stream.indirect.gather [hbm4b:s3+s16], $0x1, s23, s16, $0xb8;
	[tilespmem:$0x1E100] =	vst v63  }
0x90: {  	s24 =	sadd.s32 $0xBA00, s20;
	s25 =	sadd.s32 $0x980, s20  }
0x91: {  	[tilespmem:s24], [sflag:$0x1] =	stream.indirect.gather [hbm4b:s3+s16], $0x1, s25, s16, $0xb8;
	[tilespmem:$0x1E100] =	vst v63  }
0x92: {  	s22 =	sadd.s32 $0xBA80, s20;
	s23 =	sadd.s32 $0xA00, s20  }
0x93: {  	[tilespmem:s22], [sflag:$0x1] =	stream.indirect.gather [hbm4b:s3+s16], $0x1, s23, s16, $0xb8;
	[tilespmem:$0x1E100] =	vst v63  }
0x94: {  	s24 =	sadd.s32 $0xBB00, s20;
	s25 =	sadd.s32 $0xA80, s20  }
0x95: {  	[tilespmem:s24], [sflag:$0x1] =	stream.indirect.gather [hbm4b:s3+s16], $0x1, s25, s16, $0xb8;
	[tilespmem:$0x1E100] =	vst v63  }
0x96: {  	s22 =	sadd.s32 $0xBB80, s20;
	s23 =	sadd.s32 $0xB00, s20  }
0x97: {  	[tilespmem:s22], [sflag:$0x1] =	stream.indirect.gather [hbm4b:s3+s16], $0x1, s23, s16, $0xb8;
	[tilespmem:$0x1E100] =	vst v63  }
0x98: {  	s24 =	sadd.s32 $0xBC00, s20;
	s25 =	sadd.s32 $0xB80, s20  }
0x99: {  	[tilespmem:s24], [sflag:$0x1] =	stream.indirect.gather [hbm4b:s3+s16], $0x1, s25, s16, $0xb8;
	[tilespmem:$0x1E100] =	vst v63  }
0x9a: {  	s22 =	sadd.s32 $0xBC80, s20;
	s23 =	sadd.s32 $0xC00, s20  }
0x9b: {  	[tilespmem:s22], [sflag:$0x1] =	stream.indirect.gather [hbm4b:s3+s16], $0x1, s23, s16, $0xb8;
	[tilespmem:$0x1E100] =	vst v63  }
0x9c: {  	s24 =	sadd.s32 $0xBD00, s20;
	s25 =	sadd.s32 $0xC80, s20  }
0x9d: {  	[tilespmem:s24], [sflag:$0x1] =	stream.indirect.gather [hbm4b:s3+s16], $0x1, s25, s16, $0xb8;
	[tilespmem:$0x1E100] =	vst v63  }
0x9e: {  	s22 =	sadd.s32 $0xBD80, s20;
	s23 =	sadd.s32 $0xD00, s20  }
0x9f: {  	[tilespmem:s22], [sflag:$0x1] =	stream.indirect.gather [hbm4b:s3+s16], $0x1, s23, s16, $0xb8;
	[tilespmem:$0x1E100] =	vst v63  }
0xa0: {  	s24 =	sadd.s32 $0xBE00, s20;
	s25 =	sadd.s32 $0xD80, s20  }
0xa1: {  	[tilespmem:s24], [sflag:$0x1] =	stream.indirect.gather [hbm4b:s3+s16], $0x1, s25, s16, $0xb8;
	[tilespmem:$0x1E100] =	vst v63  }
0xa2: {  	s22 =	sadd.s32 $0xBE80, s20;
	s23 =	sadd.s32 $0xE00, s20  }
0xa3: {  	[tilespmem:s22], [sflag:$0x1] =	stream.indirect.gather [hbm4b:s3+s16], $0x1, s23, s16, $0xb8;
	[tilespmem:$0x1E100] =	vst v63  }
0xa4: {  	s24 =	sadd.s32 $0xBF00, s20;
	s25 =	sadd.s32 $0xE80, s20  }
0xa5: {  	[tilespmem:s24], [sflag:$0x1] =	stream.indirect.gather [hbm4b:s3+s16], $0x1, s25, s16, $0xb8;
	[tilespmem:$0x1E100] =	vst v63  }
0xa6: {  	s23 =	sadd.s32 $0xBF80, s20;
	s24 =	sadd.s32 $0xF00, s20  }
0xa7: {  	[tilespmem:s23], [sflag:$0x1] =	stream.indirect.gather [hbm4b:s3+s16], $0x1, s24, s16, $0xb8;
	[tilespmem:$0x1E100] =	vst v63  }
0xa8: {  	s25 =	sadd.s32 $0xC000, s20;
	s20 =	sadd.s32 $0xF80, s20  }
0xa9: {  	[tilespmem:s25], [sflag:$0x1] =	stream.indirect.gather [hbm4b:s3+s16], $0x1, s20, s16, $0xb8;
	[tilespmem:$0x1E100] =	vst v63  }
0xaa: {  	_ =	swait.ge [sflag:s31], $0x800  }
0xab: {  	[sflag:s31] =	ssyncset.done $0x0  }
0xac: {  	[sflag:s31] =	ssyncadd.s32 $0xFFFFF800  }
0xad: {  	[tilespmem:s2], [sflag:$0x1] =	stream.indirect.gather [hbm4b:s3+s16], $0x1, s0, s16, $0xb8;
	[tilespmem:$0x1E100] =	vst v63  }
0xae: {  	_ =	swait.ge [sflag:s31], $0x800  }
0xaf: {  	[sflag:s31] =	ssyncset.done $0x0  }
0xb0: {  	[sflag:s31] =	ssyncadd.s32 $0xFFFFF800  }
0xb1: {  	_ =	swait.ge [sflag:s31], $0x80  }
0xb2: {  	[sflag:s31] =	ssyncset.done $0x0  }
0xb3: {  	p0 =	por $0x0, $0x0;
	s20 =	simm.s32 $0x0;
	[sflag:s31] =	ssyncadd.s32 $0xFFFFFF80  }
.LBB2_5:
0xb4: {  	s21 =	sadd.s32 $0x1, s20;
	p1 =	seq.s32 s20, $0x18  }
0xb5: {  	s22 =	sshll.u32 @!p1 s21, $0xB  }
0xb6: {  	s23 =	sshll.u32 @!p1 s21, $0xC;
	s22 =	sadd.s32 @!p1 s6, s22  }
0xb7: {  	s23 =	sand.u32 @!p1 $0x1000, s23;
	s22 =	sshrl.u32 @!p1 s22, $0x3  }
0xb8: {  	s25 =	simm.s32 @!p1 $0x0;
	s24 =	sor.u32 @!p1 $0x16100, s23;
	s22 =	sadd.s32 @!p1 s4, s22  }
0xb9: {  	[tilespmem:s24], [sflag:$0x2] =	stream.linear.gather @!p1 [hbm4b:s22+s25], $0x800, $0x38;
	[tilespmem:$0x1E100] =	vst v63  }
0xba: {  	s23 =	sor.u32 @!p1 $0x16900, s23;
	s22 =	sadd.s32 @!p1 $0x2EE00, s22  }
0xbb: {  	[tilespmem:s23], [sflag:$0x2] =	stream.linear.gather @!p1 [hbm4b:s22+s25], $0x800, $0x38;
	[tilespmem:$0x1E100] =	vst v63  }
0xbc: {  	_ =	swait.ge [sflag:s13], $0x800  }
0xbd: {  	s22 =	simm.s32 $0x1;
	[sflag:s13] =	ssyncset.done $0x0  }
0xbe: {  	s22 =	simm.s32 @!p0 $0x0;
	[sflag:s13] =	ssyncadd.s32 $0xFFFFF800  }
0xbf: {  	s22 =	sshll.u32 s22, $0xC;
	_ =	swait.ge [sflag:s13], $0x800  }
0xc0: {  	p1 =	seq.s32 s20, $0x0;
	s25 =	sor.u32 $0x16970, s22;
	[sflag:s13] =	ssyncset.done $0x0  }
0xc1: {  	s23 =	simm.s32 @!p1 $0x3;
	v1 =	vmov s25;
	[sflag:s13] =	ssyncadd.s32 $0xFFFFF800  }
0xc2: {  	_ =	swait.ge @!p1 [sflag:s23], $0x6000  }
0xc3: {  	[sflag:s23] =	ssyncset.done @!p1 $0x0  }
0xc4: {  	s22 =	simm.s32 $0xFFFFFFF8;
	[sflag:s23] =	ssyncadd.s32 @!p1 $0xFFFFA000;
	s23 =	simm.s32 $0x0  }
.LBB2_6:
0xc5: {  	s24 =	sshra.s32 s23, $0x2  }
0xc6: {  	v2 =	vld.idx.msk [tilespmem:v1+s24+$0xFFFFFF90 ss:$0x1], $0xffff  }
0xc7: {  	v3 =	vld.idx.msk [tilespmem:v1+s24+$0xFFFFF790 ss:$0x1], $0xffff;
	_ =	sdelay $0x3  }
0xc8: {  	v2 =	vadd.f32 $1.500000060e-01, v2  }
0xc9: {  	v3 =	vadd.f32 $1.500000060e-01, v3  }
0xca: {  	v2 =	vmul.f32 v2, v0  }
0xcb: {  	v3 =	vmul.f32 v3, v0  }
0xcc: {  	v2 =	vmax.f32 v2, $0.0e+00  }
0xcd: {  	v3 =	vmax.f32 v3, $0.0e+00;
	v2 =	vmin.f32 v2, $1.000000000e+00  }
0xce: {  	v4 =	vmin.f32 v3, $1.000000000e+00;
	v3 =	vmul.f32 $6.300000000e+01, v2  }
0xcf: {  	v5 =	vmul.f32 $6.300000000e+01, v4  }
0xd0: {  	v6 =	vtrunc.f32 v3  }
0xd1: {  	v7 =	vtrunc.f32 v5;
	v6 =	vcvt.f32.s32 v6  }
0xd2: {  	v7 =	vcvt.f32.s32 v7  }
0xd3: {  	vm0 =	vgt.s32 v6, $0x0  }
0xd4: {  	vm13 =	vgt.s32 v7, $0x0;
	v6 =	vnsel vm0, $0x0, v6  }
0xd5: {  	v7 =	vnsel vm13, $0x0, v7;
	v6 =	vmin.u32 v6, $0x3E  }
0xd6: {  	v7 =	vmin.u32 v7, $0x3E;
	v8 =	vshll.u32 v6, $0x6  }
0xd7: {  	v8 =	vor.u32 v7, v8  }
0xd8: {  	v9 =	vadd.s32 $0x40, v8  }
0xd9: {  	v10 =	vand.u32 $0x7, v7;
	v9 =	vand.u32 $0x1FF8, v9  }
0xda: {  	v9 =	vor.u32 v10, v9;
	_ =	sdelay $0x1  }
0xdb: {  	v6 =	vcvt.s32.f32 v6;
	v7 =	vcvt.s32.f32 v7;
	v11 =	vadd.s32 $0x1, v8;
	_ =	sdelay $0x1  }
0xdc: {  	v3 =	vsub.f32 v3, v6;
	v52 =	vadd.s32 $0x41, v8;
	v5 =	vsub.f32 v5, v7;
	v50 =	vld.idx.msk [tilespmem:v8+s17+$0x0], $0xffff  }
0xdd: {  	v51 =	vld.idx.msk [tilespmem:v9+s17+$0x0], $0xffff  }
0xde: {  	v13 =	vsub.f32 $1.000000000e+00, v3;
	v12 =	vsub.f32 $1.000000000e+00, v5  }
0xdf: {  	v11 =	vld.idx.msk [tilespmem:v11+s17+$0x0], $0xffff  }
0xe0: {  	v14 =	vmul.f32 v13, v12;
	v12 =	vmul.f32 v3, v12  }
0xe1: {  	v13 =	vmul.f32 v13, v5;
	v9 =	vld.idx.msk [tilespmem:v52+s17+$0x0], $0xffff  }
0xe2: {  	v6 =	vmul.f32 v14, v50;
	v7 =	vmul.f32 v12, v51  }
0xe3: {  	v54 =	vand.u32 $0xFF8, v8;
	v3 =	vmul.f32 v3, v5  }
0xe4: {  	v5 =	vor.u32 v54, v10;
	v53 =	vmul.f32 v13, v11;
	v6 =	vadd.f32 v6, v7  }
0xe5: {  	v55 =	vadd.s32 $0x1040, v8;
	v5 =	vor.u32 $0x1000, v5  }
0xe6: {  	v9 =	vmul.f32 v3, v9;
	v7 =	vand.u32 $0x3FF8, v55;
	v6 =	vadd.f32 v6, v53  }
0xe7: {  	v7 =	vor.u32 v10, v7  }
0xe8: {  	v6 =	vadd.f32 v6, v9  }
0xe9: {  	v56 =	vadd.s32 $0x1001, v8  }
0xea: {  	v57 =	vmul.f32 $6.200000000e+01, v2;
	[tilespmem:s24+$0x18100] =	vst v6  }
0xeb: {  	v58 =	vmul.f32 $6.200000000e+01, v4;
	v8 =	vadd.s32 $0x1041, v8;
	v5 =	vld.idx.msk [tilespmem:v5+s17+$0x0], $0xffff  }
0xec: {  	v59 =	vtrunc.f32 v57;
	v7 =	vld.idx.msk [tilespmem:v7+s17+$0x0], $0xffff  }
0xed: {  	v15 =	vtrunc.f32 v58;
	v11 =	vcvt.f32.s32 v59  }
0xee: {  	v15 =	vcvt.f32.s32 v15;
	v9 =	vld.idx.msk [tilespmem:v56+s17+$0x0], $0xffff  }
0xef: {  	vm14 =	vgt.s32 v11, $0x0  }
0xf0: {  	vm15 =	vgt.s32 v15, $0x0;
	v11 =	vnsel vm14, $0x0, v11;
	v8 =	vld.idx.msk [tilespmem:v8+s17+$0x0], $0xffff  }
0xf1: {  	v11 =	vmin.u32 v11, $0x3D;
	v5 =	vmul.f32 v14, v5;
	v7 =	vmul.f32 v12, v7  }
0xf2: {  	v60 =	vnsel vm15, $0x0, v15;
	v61 =	vmul.u32 $0x3F, v11  }
0xf3: {  	v63 =	vmin.u32 v60, $0x3D;
	v62 =	vmul.f32 v13, v9;
	v5 =	vadd.f32 v5, v7  }
0xf4: {  	v12 =	vadd.s32 v63, v61  }
0xf5: {  	v3 =	vmul.f32 v3, v8;
	v15 =	vor.u32 $0x2000, v12;
	v5 =	vadd.f32 v5, v62  }
0xf6: {  	v16 =	vadd.s32 $0x203F, v12  }
0xf7: {  	v17 =	vcvt.s32.f32 v63;
	v3 =	vadd.f32 v5, v3  }
0xf8: {  	v18 =	vcvt.s32.f32 v11;
	v19 =	vadd.s32 $0x2001, v12;
	v21 =	vadd.s32 $0x2040, v12  }
0xf9: {  	v22 =	vand.u32 $0x7, v12;
	v6 =	vand.u32 $0x7FF8, v21;
	[tilespmem:s24+$0x18900] =	vst v3  }
0xfa: {  	v20 =	vsub.f32 v57, v18;
	v6 =	vor.u32 v22, v6;
	v3 =	vsub.f32 v58, v17;
	v7 =	vld.idx.msk [tilespmem:v15+s17+$0x0], $0xffff  }
0xfb: {  	v8 =	vld.idx.msk [tilespmem:v16+s17+$0x0], $0xffff  }
0xfc: {  	v23 =	vsub.f32 $1.000000000e+00, v20;
	v10 =	vsub.f32 $1.000000000e+00, v3  }
0xfd: {  	v11 =	vld.idx.msk [tilespmem:v19+s17+$0x0], $0xffff  }
0xfe: {  	v24 =	vmul.f32 v23, v10;
	v10 =	vmul.f32 v20, v10  }
0xff: {  	v6 =	vld.idx.msk [tilespmem:v6+s17+$0x0], $0xffff;
	v13 =	vmul.f32 v23, v3  }
0x100: {  	v7 =	vmul.f32 v24, v7;
	v8 =	vmul.f32 v8, v10;
	_ =	sdelay $0x1  }
0x101: {  	v3 =	vmul.f32 v20, v3;
	v25 =	vmul.f32 v11, v13;
	v7 =	vadd.f32 v8, v7  }
0x102: {  	v27 =	vadd.s32 $0x2FC0, v12;
	v28 =	vadd.s32 $0x2F81, v12  }
0x103: {  	v6 =	vmul.f32 v6, v3;
	v26 =	vadd.f32 v25, v7;
	v7 =	vand.u32 $0x7FF8, v27  }
0x104: {  	v7 =	vor.u32 v22, v7  }
0x105: {  	v30 =	vmul.f32 $6.100000000e+01, v2;
	v5 =	vadd.f32 v6, v26  }
0x106: {  	v29 =	vadd.s32 $0x2F82, v12  }
0x107: {  	v33 =	vtrunc.f32 v30;
	[tilespmem:s24+$0x19100] =	vst v5  }
0x108: {  	v32 =	vmul.f32 $6.100000000e+01, v4;
	v31 =	vadd.s32 $0x2FC1, v12;
	v12 =	vcvt.f32.s32 v33;
	v8 =	vld.idx.msk [tilespmem:v28+s17+$0x0], $0xffff  }
0x109: {  	v7 =	vld.idx.msk [tilespmem:v7+s17+$0x0], $0xffff  }
0x10a: {  	v34 =	vtrunc.f32 v32;
	vm4 =	vgt.s32 v12, $0x0  }
0x10b: {  	v12 =	vnsel vm4, $0x0, v12;
	v15 =	vcvt.f32.s32 v34;
	v6 =	vld.idx.msk [tilespmem:v29+s17+$0x0], $0xffff  }
0x10c: {  	v35 =	vmin.u32 v12, $0x3C  }
0x10d: {  	v37 =	vmul.u32 $0x3E, v35;
	vm5 =	vgt.s32 v15, $0x0;
	v9 =	vld.idx.msk [tilespmem:v31+s17+$0x0], $0xffff  }
0x10e: {  	v36 =	vnsel vm5, $0x0, v15;
	v8 =	vmul.f32 v8, v24;
	v7 =	vmul.f32 v7, v10  }
0x10f: {  	v38 =	vmin.u32 v36, $0x3C  }
0x110: {  	v12 =	vadd.s32 v38, v37;
	v6 =	vmul.f32 v6, v13;
	v7 =	vadd.f32 v7, v8  }
0x111: {  	v39 =	vadd.s32 $0x3F40, v12;
	v40 =	vadd.s32 $0x3F02, v12;
	v41 =	vand.u32 $0x7, v12  }
0x112: {  	v3 =	vmul.f32 v9, v3;
	v6 =	vadd.f32 v6, v7;
	v7 =	vand.u32 $0x7FF8, v39  }
0x113: {  	v7 =	vor.u32 v41, v7  }
0x114: {  	v3 =	vadd.f32 v3, v6  }
0x115: {  	v43 =	vcvt.s32.f32 v35;
	v42 =	vcvt.s32.f32 v38;
	v44 =	vadd.s32 $0x3F03, v12  }
0x116: {  	[tilespmem:s24+$0x19900] =	vst v3  }
0x117: {  	v46 =	vadd.s32 $0x3F41, v12;
	v5 =	vsub.f32 v30, v43;
	v3 =	vsub.f32 v32, v42;
	v45 =	vld.idx.msk [tilespmem:v40+s17+$0x0], $0xffff  }
0x118: {  	v7 =	vld.idx.msk [tilespmem:v7+s17+$0x0], $0xffff  }
0x119: {  	v48 =	vsub.f32 $1.000000000e+00, v5;
	v47 =	vsub.f32 $1.000000000e+00, v3  }
0x11a: {  	v10 =	vld.idx.msk [tilespmem:v44+s17+$0x0], $0xffff  }
0x11b: {  	v49 =	vmul.f32 v48, v47;
	v9 =	vmul.f32 v5, v47  }
0x11c: {  	v8 =	vld.idx.msk [tilespmem:v46+s17+$0x0], $0xffff;
	v11 =	vmul.f32 v48, v3  }
0x11d: {  	v6 =	vmul.f32 v45, v49;
	v7 =	vmul.f32 v7, v9;
	_ =	sdelay $0x1  }
0x11e: {  	v51 =	vld.idx.msk [tilespmem:v1+s24+$0xFFFFFFA0 ss:$0x1], $0xffff;
	v3 =	vmul.f32 v5, v3;
	v50 =	vmul.f32 v10, v11;
	v6 =	vadd.f32 v7, v6;
	_ =	sdelay $0x1  }
0x11f: {  	v54 =	vld.idx.msk [tilespmem:v1+s24+$0xFFFFF7A0 ss:$0x1], $0xffff;
	v53 =	vadd.s32 $0x4E06, v12;
	v52 =	vmul.f32 v8, v3;
	v6 =	vadd.f32 v50, v6  }
0x120: {  	v14 =	vadd.s32 $0x4E44, v12  }
0x121: {  	v55 =	vadd.s32 $0x4E07, v12;
	v6 =	vadd.f32 v52, v6  }
0x122: {  	v5 =	vadd.f32 $1.500000060e-01, v51  }
0x123: {  	[tilespmem:s24+$0x1A100] =	vst v6  }
0x124: {  	v56 =	vadd.f32 $1.500000060e-01, v54;
	v5 =	vmul.f32 v5, v0;
	v6 =	vld.idx.msk [tilespmem:v53+s17+$0x0], $0xffff  }
0x125: {  	v57 =	vld.idx.msk [tilespmem:v14+s17+$0x0], $0xffff  }
0x126: {  	v63 =	vmul.f32 $6.000000000e+01, v2;
	v8 =	vmul.f32 v56, v0;
	v5 =	vmax.f32 v5, $0.0e+00;
	v7 =	vld.idx.msk [tilespmem:v55+s17+$0x0], $0xffff  }
0x127: {  	v62 =	vmul.f32 $6.000000000e+01, v4;
	v5 =	vmin.f32 v5, $1.000000000e+00  }
0x128: {  	v16 =	vtrunc.f32 v63;
	v8 =	vmax.f32 v8, $0.0e+00;
	v58 =	vmul.f32 $6.300000000e+01, v5  }
0x129: {  	v16 =	vcvt.f32.s32 v16;
	v13 =	vmul.f32 v6, v49;
	v6 =	vmin.f32 v8, $1.000000000e+00  }
0x12a: {  	v60 =	vtrunc.f32 v58;
	v59 =	vmul.f32 $6.300000000e+01, v6  }
0x12b: {  	v12 =	vadd.s32 $0x4E45, v12;
	v9 =	vmul.f32 v57, v9;
	v7 =	vmul.f32 v7, v11  }
0x12c: {  	vm9 =	vgt.s32 v16, $0x0;
	v11 =	vcvt.f32.s32 v60;
	v61 =	vtrunc.f32 v59  }
0x12d: {  	v16 =	vnsel vm9, $0x0, v16;
	v9 =	vadd.f32 v9, v13;
	v13 =	vcvt.f32.s32 v61  }
0x12e: {  	v16 =	vmin.u32 v16, $0x3B;
	vm6 =	vgt.s32 v11, $0x0  }
0x12f: {  	v27 =	vtrunc.f32 v62;
	v11 =	vnsel vm6, $0x0, v11;
	vm7 =	vgt.s32 v13, $0x0  }
0x130: {  	v15 =	vcvt.f32.s32 v27;
	v12 =	vld.idx.msk [tilespmem:v12+s17+$0x0], $0xffff;
	v11 =	vmin.u32 v11, $0x3E;
	v13 =	vnsel vm7, $0x0, v13  }
0x131: {  	v20 =	vmul.u32 $0x3D, v16;
	v17 =	vshll.u32 v11, $0x6;
	v13 =	vmin.u32 v13, $0x3E  }
0x132: {  	vm8 =	vgt.s32 v15, $0x0;
	v50 =	vmul.f32 $5.900000000e+01, v2;
	v17 =	vor.u32 v13, v17  }
0x133: {  	v16 =	vcvt.s32.f32 v16;
	v28 =	vnsel vm8, $0x0, v15;
	v29 =	vadd.s32 $0x40, v17  }
0x134: {  	v56 =	vtrunc.f32 v50;
	v18 =	vand.u32 $0x7, v13;
	v15 =	vand.u32 $0x1FF8, v29  }
0x135: {  	v3 =	vmul.f32 v12, v3;
	v12 =	vmin.u32 v28, $0x3B;
	v15 =	vor.u32 v18, v15  }
0x136: {  	v49 =	vmul.f32 $5.900000000e+01, v4;
	v19 =	vcvt.s32.f32 v12;
	v31 =	vadd.s32 v12, v20  }
0x137: {  	v11 =	vcvt.s32.f32 v11;
	v13 =	vcvt.s32.f32 v13;
	v21 =	vadd.s32 $0x1, v17  }
0x138: {  	v51 =	vmul.f32 $6.200000000e+01, v6;
	v20 =	vadd.s32 $0x5D0A, v31;
	v22 =	vadd.s32 $0x5D47, v31  }
0x139: {  	v8 =	vsub.f32 v58, v11;
	v34 =	vadd.s32 $0x41, v17;
	v10 =	vsub.f32 v59, v13;
	v32 =	vld.idx.msk [tilespmem:v17+s17+$0x0], $0xffff  }
0x13a: {  	v23 =	vadd.s32 $0x5D0B, v31;
	v24 =	vadd.s32 $0x5D48, v31;
	v7 =	vadd.f32 v7, v9;
	v33 =	vld.idx.msk [tilespmem:v15+s17+$0x0], $0xffff  }
0x13b: {  	v53 =	vtrunc.f32 v49;
	v36 =	vsub.f32 $1.000000000e+00, v8;
	v35 =	vsub.f32 $1.000000000e+00, v10  }
0x13c: {  	v30 =	vsub.f32 v62, v19;
	v24 =	vand.u32 $0x7FF8, v24;
	v3 =	vadd.f32 v3, v7;
	v21 =	vld.idx.msk [tilespmem:v21+s17+$0x0], $0xffff  }
0x13d: {  	v9 =	vsub.f32 v63, v16;
	v25 =	vmul.f32 v36, v35;
	v15 =	vmul.f32 v8, v35  }
0x13e: {  	v54 =	vcvt.f32.s32 v53;
	v39 =	vsub.f32 $1.000000000e+00, v30;
	[tilespmem:s24+$0x1A900] =	vst v3;
	v37 =	vmul.f32 v36, v10;
	v3 =	vld.idx.msk [tilespmem:v34+s17+$0x0], $0xffff  }
0x13f: {  	v40 =	vsub.f32 $1.000000000e+00, v9;
	v12 =	vmul.f32 v25, v32;
	v13 =	vmul.f32 v15, v33  }
0x140: {  	v11 =	vand.u32 $0x7, v31;
	v44 =	vand.u32 $0xFF8, v17;
	v8 =	vmul.f32 v8, v10  }
0x141: {  	v10 =	vor.u32 v44, v18;
	v41 =	vmul.f32 v37, v21;
	v12 =	vadd.f32 v12, v13  }
0x142: {  	v11 =	vor.u32 v11, v24;
	v38 =	vld.idx.msk [tilespmem:v20+s17+$0x0], $0xffff;
	v45 =	vadd.s32 $0x1040, v17;
	v10 =	vor.u32 $0x1000, v10  }
0x143: {  	v22 =	vld.idx.msk [tilespmem:v22+s17+$0x0], $0xffff;
	v3 =	vmul.f32 v8, v3;
	v13 =	vand.u32 $0x3FF8, v45;
	v12 =	vadd.f32 v12, v41  }
0x144: {  	v55 =	vtrunc.f32 v51;
	v53 =	vmul.f32 $6.100000000e+01, v5;
	v13 =	vor.u32 v18, v13  }
0x145: {  	v7 =	vmul.f32 v9, v30;
	v43 =	vmul.f32 v40, v39;
	v42 =	vld.idx.msk [tilespmem:v23+s17+$0x0], $0xffff;
	v3 =	vadd.f32 v12, v3  }
0x146: {  	v19 =	vmul.f32 v9, v39;
	v20 =	vmul.f32 v40, v30;
	v48 =	vadd.s32 $0x1001, v17  }
0x147: {  	v11 =	vld.idx.msk [tilespmem:v11+s17+$0x0], $0xffff;
	v16 =	vmul.f32 v38, v43;
	[tilespmem:s24+$0x18110] =	vst v3;
	v3 =	vmul.f32 $6.200000000e+01, v5  }
0x148: {  	v46 =	vmul.f32 v22, v19;
	v17 =	vadd.s32 $0x1041, v17;
	v22 =	vcvt.f32.s32 v56;
	v10 =	vld.idx.msk [tilespmem:v10+s17+$0x0], $0xffff  }
0x149: {  	vm13 =	vgt.s32 v54, $0x0;
	v21 =	vcvt.f32.s32 v55;
	v13 =	vld.idx.msk [tilespmem:v13+s17+$0x0], $0xffff;
	v52 =	vtrunc.f32 v3  }
0x14a: {  	v47 =	vmul.f32 v42, v20;
	vm12 =	vgt.s32 v22, $0x0;
	v20 =	vcvt.f32.s32 v52  }
0x14b: {  	v9 =	vadd.f32 v46, v16;
	v62 =	vnsel vm12, $0x0, v22;
	vm11 =	vgt.s32 v21, $0x0;
	v18 =	vld.idx.msk [tilespmem:v48+s17+$0x0], $0xffff  }
0x14c: {  	v7 =	vmul.f32 v11, v7;
	v58 =	vnsel vm11, $0x0, v21;
	vm10 =	vgt.s32 v20, $0x0  }
0x14d: {  	v9 =	vadd.f32 v47, v9;
	v61 =	vmin.u32 v58, $0x3D;
	v17 =	vld.idx.msk [tilespmem:v17+s17+$0x0], $0xffff;
	v20 =	vnsel vm10, $0x0, v20  }
0x14e: {  	v10 =	vmul.f32 v25, v10;
	v13 =	vmul.f32 v15, v13;
	v57 =	vmin.u32 v20, $0x3D  }
0x14f: {  	v24 =	vmin.u32 v62, $0x3A;
	v26 =	vcvt.s32.f32 v61;
	v59 =	vmul.u32 $0x3F, v57  }
0x150: {  	v28 =	vmul.u32 $0x3C, v24;
	v60 =	vmul.f32 v37, v18;
	v10 =	vadd.f32 v10, v13  }
0x151: {  	v7 =	vadd.f32 v7, v9;
	v29 =	vsub.f32 v51, v26;
	v20 =	vadd.s32 v61, v59  }
0x152: {  	v8 =	vmul.f32 v8, v17;
	v10 =	vadd.f32 v10, v60;
	v63 =	vor.u32 $0x2000, v20  }
0x153: {  	v58 =	vtrunc.f32 v53;
	v12 =	vnsel vm13, $0x0, v54;
	v25 =	vadd.s32 $0x203F, v20  }
0x154: {  	v12 =	vmin.u32 v12, $0x3A;
	v33 =	vsub.f32 $1.000000000e+00, v29;
	v8 =	vadd.f32 v10, v8  }
0x155: {  	v27 =	vcvt.s32.f32 v57;
	v21 =	vadd.s32 $0x2001, v20;
	v30 =	vadd.s32 $0x2040, v20  }
0x156: {  	v14 =	vadd.s32 v12, v28;
	v31 =	vand.u32 $0x7, v20;
	v10 =	vand.u32 $0x7FF8, v30;
	[tilespmem:s24+$0x18910] =	vst v8  }
0x157: {  	v12 =	vcvt.s32.f32 v12;
	v3 =	vsub.f32 v3, v27;
	v10 =	vor.u32 v31, v10;
	v13 =	vld.idx.msk [tilespmem:v63+s17+$0x0], $0xffff  }
0x158: {  	v35 =	vadd.s32 $0x6B93, v14;
	v36 =	vadd.s32 $0x6BCF, v14;
	v40 =	vadd.s32 $0x6B94, v14;
	v32 =	vld.idx.msk [tilespmem:v25+s17+$0x0], $0xffff  }
0x159: {  	v41 =	vadd.s32 $0x6BD0, v14;
	v23 =	vand.u32 $0x7, v14;
	v34 =	vsub.f32 $1.000000000e+00, v3  }
0x15a: {  	v62 =	vadd.s32 $0x79A3, v14;
	v11 =	vsub.f32 v49, v12;
	v17 =	vcvt.s32.f32 v24;
	v21 =	vld.idx.msk [tilespmem:v21+s17+$0x0], $0xffff  }
0x15b: {  	[tilespmem:s24+$0x1B100] =	vst v7;
	v42 =	vand.u32 $0xFFF8, v41;
	v39 =	vmul.f32 v3, v33;
	v37 =	vmul.f32 v34, v33  }
0x15c: {  	v7 =	vor.u32 v23, v42;
	v38 =	vsub.f32 v50, v17;
	v43 =	vmul.f32 v34, v29;
	v10 =	vld.idx.msk [tilespmem:v10+s17+$0x0], $0xffff  }
0x15d: {  	v45 =	vsub.f32 $1.000000000e+00, v11;
	v13 =	vmul.f32 v37, v13;
	v16 =	vmul.f32 v32, v39  }
0x15e: {  	v9 =	vld.idx.msk [tilespmem:v36+s17+$0x0], $0xffff;
	v36 =	vadd.s32 $0x79A4, v14;
	v57 =	vmul.f32 $6.100000000e+01, v6;
	v26 =	vsub.f32 $1.000000000e+00, v38  }
0x15f: {  	v44 =	vld.idx.msk [tilespmem:v35+s17+$0x0], $0xffff;
	v3 =	vmul.f32 v3, v29;
	v46 =	vmul.f32 v21, v43;
	v13 =	vadd.f32 v16, v13  }
0x160: {  	v48 =	vmul.f32 v38, v45;
	v49 =	vadd.s32 $0x2FC0, v20;
	v50 =	vadd.s32 $0x2F81, v20  }
0x161: {  	v10 =	vmul.f32 v10, v3;
	v16 =	vand.u32 $0x7FF8, v49;
	v13 =	vadd.f32 v46, v13  }
0x162: {  	v18 =	vld.idx.msk [tilespmem:v40+s17+$0x0], $0xffff;
	v59 =	vcvt.f32.s32 v58;
	v47 =	vmul.f32 v26, v45;
	v15 =	vor.u32 v31, v16  }
0x163: {  	v60 =	vtrunc.f32 v57;
	v52 =	vadd.s32 $0x2F82, v20;
	v10 =	vadd.f32 v10, v13  }
0x164: {  	v7 =	vld.idx.msk [tilespmem:v7+s17+$0x0], $0xffff;
	v56 =	vadd.s32 $0x2FC1, v20;
	v9 =	vmul.f32 v9, v48;
	v51 =	vmul.f32 v44, v47  }
0x165: {  	v61 =	vcvt.f32.s32 v60;
	vm14 =	vgt.s32 v59, $0x0;
	v13 =	vmul.f32 v26, v11;
	[tilespmem:s24+$0x19110] =	vst v10  }
0x166: {  	v45 =	vmul.f32 $5.800000000e+01, v2;
	v2 =	vmul.f32 $5.700000000e+01, v2;
	v9 =	vadd.f32 v9, v51;
	v55 =	vld.idx.msk [tilespmem:v50+s17+$0x0], $0xffff  }
0x167: {  	v16 =	vnsel vm14, $0x0, v59;
	v11 =	vmul.f32 v38, v11;
	v54 =	vmul.f32 v18, v13;
	v15 =	vld.idx.msk [tilespmem:v15+s17+$0x0], $0xffff  }
0x168: {  	v63 =	vadd.s32 $0x79DF, v14;
	v14 =	vadd.s32 $0x79E0, v14;
	v16 =	vmin.u32 v16, $0x3C;
	v22 =	vld.idx.msk [tilespmem:v52+s17+$0x0], $0xffff  }
0x169: {  	v38 =	vcvt.s32.f32 v16;
	v7 =	vmul.f32 v7, v11;
	v18 =	vld.idx.msk [tilespmem:v56+s17+$0x0], $0xffff;
	v9 =	vadd.f32 v54, v9  }
0x16a: {  	vm15 =	vgt.s32 v61, $0x0;
	v41 =	vand.u32 $0xFFF8, v14;
	v49 =	vtrunc.f32 v45  }
0x16b: {  	v28 =	vmul.u32 $0x3E, v16;
	v40 =	vsub.f32 v53, v38;
	v7 =	vadd.f32 v7, v9  }
0x16c: {  	v9 =	vnsel vm15, $0x0, v61;
	v12 =	vmul.f32 v55, v37;
	v15 =	vmul.f32 v15, v39  }
0x16d: {  	v46 =	vsub.f32 $1.000000000e+00, v40;
	v9 =	vmin.u32 v9, $0x3C;
	v29 =	vmul.f32 v22, v43  }
0x16e: {  	v30 =	vadd.s32 v9, v28;
	[tilespmem:s24+$0x1B900] =	vst v7;
	v3 =	vmul.f32 v18, v3;
	v12 =	vadd.f32 v15, v12  }
0x16f: {  	v37 =	vcvt.s32.f32 v9;
	v32 =	vadd.s32 $0x3F40, v30;
	v33 =	vld.idx.msk [tilespmem:v62+s17+$0x0], $0xffff;
	v34 =	vadd.s32 $0x3F02, v30  }
0x170: {  	v35 =	vand.u32 $0x7, v30;
	v17 =	vld.idx.msk [tilespmem:v63+s17+$0x0], $0xffff;
	v31 =	vadd.f32 v29, v12;
	v12 =	vand.u32 $0x7FF8, v32  }
0x171: {  	v9 =	vor.u32 v23, v41;
	v23 =	vcvt.f32.s32 v49;
	v12 =	vor.u32 v35, v12  }
0x172: {  	v39 =	vadd.s32 $0x3F03, v30;
	v44 =	vadd.s32 $0x3F41, v30;
	v3 =	vadd.f32 v3, v31  }
0x173: {  	v59 =	vadd.s32 $0x4E44, v30;
	v61 =	vadd.s32 $0x4E07, v30;
	v63 =	vmul.f32 $6.000000000e+01, v5  }
0x174: {  	v28 =	vadd.s32 $0x4E45, v30;
	vm4 =	vgt.s32 v23, $0x0;
	v42 =	vmul.f32 v33, v47;
	[tilespmem:s24+$0x19910] =	vst v3  }
0x175: {  	v8 =	vmul.f32 v17, v48;
	v48 =	vmul.f32 $5.800000000e+01, v4;
	v3 =	vsub.f32 v57, v37;
	v43 =	vld.idx.msk [tilespmem:v34+s17+$0x0], $0xffff  }
0x176: {  	v52 =	vnsel vm4, $0x0, v23;
	v31 =	vtrunc.f32 v63;
	v4 =	vmul.f32 $5.700000000e+01, v4;
	v12 =	vld.idx.msk [tilespmem:v12+s17+$0x0], $0xffff  }
0x177: {  	v9 =	vld.idx.msk [tilespmem:v9+s17+$0x0], $0xffff;
	v32 =	vcvt.f32.s32 v31;
	v51 =	vtrunc.f32 v48;
	v20 =	vsub.f32 $1.000000000e+00, v3  }
0x178: {  	v57 =	vadd.s32 $0x4E06, v30;
	v30 =	vmul.f32 $6.000000000e+01, v6;
	v16 =	vld.idx.msk [tilespmem:v39+s17+$0x0], $0xffff;
	v10 =	vcvt.f32.s32 v51  }
0x179: {  	v55 =	vmin.u32 v52, $0x39;
	v47 =	vld.idx.msk [tilespmem:v36+s17+$0x0], $0xffff;
	v50 =	vmul.f32 v46, v20;
	v20 =	vmul.f32 v40, v20  }
0x17a: {  	v58 =	vmul.u32 $0x3B, v55;
	v15 =	vld.idx.msk [tilespmem:v44+s17+$0x0], $0xffff;
	v21 =	vmul.f32 v46, v3;
	v3 =	vmul.f32 v40, v3  }
0x17b: {  	v8 =	vadd.f32 v8, v42;
	v14 =	vmul.f32 v43, v50;
	v12 =	vmul.f32 v12, v20  }
0x17c: {  	vm6 =	vgt.s32 v32, $0x0;
	v9 =	vmul.f32 v9, v11;
	v35 =	vtrunc.f32 v30  }
0x17d: {  	v17 =	vnsel vm6, $0x0, v32;
	v53 =	vmul.f32 v16, v21;
	v12 =	vadd.f32 v12, v14  }
0x17e: {  	v13 =	vmul.f32 v47, v13;
	vm5 =	vgt.s32 v10, $0x0;
	v17 =	vmin.u32 v17, $0x3B  }
0x17f: {  	v10 =	vnsel vm5, $0x0, v10;
	v56 =	vmul.f32 v15, v3;
	v12 =	vadd.f32 v53, v12  }
0x180: {  	v18 =	vcvt.f32.s32 v35;
	v39 =	vmul.u32 $0x3D, v17;
	v10 =	vmin.u32 v10, $0x39  }
0x181: {  	v54 =	vadd.f32 v13, v8;
	v60 =	vadd.f32 v56, v12;
	v12 =	vadd.s32 v10, v58  }
0x182: {  	v8 =	vcvt.s32.f32 v55;
	vm7 =	vgt.s32 v18, $0x0;
	v62 =	vadd.s32 $0x87B3, v12  }
0x183: {  	v18 =	vnsel vm7, $0x0, v18;
	v10 =	vcvt.s32.f32 v10;
	v29 =	vadd.s32 $0x87EE, v12;
	[tilespmem:s24+$0x1A110] =	vst v60  }
0x184: {  	v7 =	vadd.f32 v9, v54;
	v33 =	vsub.f32 v45, v8;
	v40 =	vmin.u32 v18, $0x3B;
	v14 =	vld.idx.msk [tilespmem:v57+s17+$0x0], $0xffff  }
0x185: {  	v45 =	vcvt.s32.f32 v17;
	v34 =	vadd.s32 $0x87B4, v12;
	v10 =	vsub.f32 v48, v10;
	v16 =	vld.idx.msk [tilespmem:v59+s17+$0x0], $0xffff  }
0x186: {  	v24 =	vadd.s32 v40, v39;
	v43 =	vcvt.s32.f32 v40;
	[tilespmem:s24+$0x1C100] =	vst v7;
	v38 =	vsub.f32 $1.000000000e+00, v33;
	v13 =	vld.idx.msk [tilespmem:v61+s17+$0x0], $0xffff  }
0x187: {  	v41 =	vadd.s32 $0x5D0A, v24;
	v47 =	vsub.f32 v63, v45;
	v37 =	vsub.f32 $1.000000000e+00, v10;
	v9 =	vld.idx.msk [tilespmem:v62+s17+$0x0], $0xffff  }
0x188: {  	v49 =	vadd.s32 $0x5D47, v24;
	v51 =	vadd.s32 $0x5D0B, v24;
	v36 =	vadd.s32 $0x87EF, v12;
	v19 =	vld.idx.msk [tilespmem:v29+s17+$0x0], $0xffff  }
0x189: {  	v52 =	vand.u32 $0x7, v24;
	v63 =	vmul.f32 $5.900000000e+01, v6;
	v15 =	vld.idx.msk [tilespmem:v28+s17+$0x0], $0xffff;
	v18 =	vmul.f32 v38, v37  }
0x18a: {  	v56 =	vsub.f32 $1.000000000e+00, v47;
	v8 =	vld.idx.msk [tilespmem:v34+s17+$0x0], $0xffff;
	v14 =	vmul.f32 v14, v50;
	v16 =	vmul.f32 v16, v20  }
0x18b: {  	v58 =	vadd.s32 $0x954C, v12;
	v13 =	vmul.f32 v13, v21;
	v21 =	vmul.f32 v33, v37  }
0x18c: {  	v54 =	vld.idx.msk [tilespmem:v1+s24+$0xFFFFF7B0 ss:$0x1], $0xffff;
	v60 =	vadd.s32 $0x954D, v12;
	v14 =	vadd.f32 v16, v14;
	v9 =	vmul.f32 v9, v18  }
0x18d: {  	v59 =	vadd.s32 $0x9587, v12;
	v44 =	vld.idx.msk [tilespmem:v36+s17+$0x0], $0xffff;
	v42 =	vmul.f32 v19, v21;
	v19 =	vmul.f32 v38, v10  }
0x18e: {  	v53 =	vld.idx.msk [tilespmem:v1+s24+$0xFFFFFFB0 ss:$0x1], $0xffff;
	v61 =	vadd.s32 $0x9588, v12;
	v3 =	vmul.f32 v15, v3;
	v13 =	vadd.f32 v13, v14  }
0x18f: {  	v50 =	vadd.s32 $0x5D48, v24;
	v9 =	vadd.f32 v42, v9;
	v46 =	vmul.f32 v8, v19  }
0x190: {  	v8 =	vmul.f32 v33, v10;
	v3 =	vadd.f32 v3, v13;
	v13 =	vand.u32 $0x7FF8, v50  }
0x191: {  	v12 =	vand.u32 $0x7, v12;
	v15 =	vadd.f32 $1.500000060e-01, v54;
	v13 =	vor.u32 v52, v13  }
0x192: {  	v38 =	vtrunc.f32 v63;
	v9 =	vadd.f32 v46, v9;
	v16 =	vmul.f32 v44, v8;
	[tilespmem:s24+$0x1A910] =	vst v3  }
0x193: {  	v34 =	vmul.f32 $5.900000000e+01, v5;
	v20 =	vadd.f32 $1.500000060e-01, v53;
	v26 =	vcvt.f32.s32 v38;
	v48 =	vld.idx.msk [tilespmem:v41+s17+$0x0], $0xffff  }
0x194: {  	v15 =	vmul.f32 v15, v0;
	v3 =	vsub.f32 v30, v43;
	v9 =	vadd.f32 v16, v9;
	v11 =	vld.idx.msk [tilespmem:v49+s17+$0x0], $0xffff  }
0x195: {  	v37 =	vtrunc.f32 v34;
	v20 =	vmul.f32 v20, v0;
	vm11 =	vgt.s32 v26, $0x0;
	v14 =	vld.idx.msk [tilespmem:v51+s17+$0x0], $0xffff  }
0x196: {  	v15 =	vmax.f32 v15, $0.0e+00;
	v26 =	vnsel vm11, $0x0, v26;
	v55 =	vsub.f32 $1.000000000e+00, v3;
	[tilespmem:s24+$0x1C900] =	vst v9;
	v13 =	vld.idx.msk [tilespmem:v13+s17+$0x0], $0xffff  }
0x197: {  	v22 =	vmul.f32 v56, v3;
	v7 =	vmul.f32 v47, v3;
	v3 =	vmax.f32 v20, $0.0e+00;
	v23 =	vld.idx.msk [tilespmem:v58+s17+$0x0], $0xffff  }
0x198: {  	v3 =	vmin.f32 v3, $1.000000000e+00;
	v57 =	vmul.f32 v56, v55;
	v17 =	vmul.f32 v47, v55;
	v24 =	vld.idx.msk [tilespmem:v59+s17+$0x0], $0xffff  }
0x199: {  	v26 =	vmin.u32 v26, $0x3A;
	v62 =	vmul.f32 $6.300000000e+01, v3;
	v25 =	vld.idx.msk [tilespmem:v60+s17+$0x0], $0xffff;
	v55 =	vtrunc.f32 v4  }
0x19a: {  	v16 =	vand.u32 $0xBFF8, v61;
	v10 =	vmul.f32 v48, v57;
	v11 =	vmul.f32 v11, v17  }
0x19b: {  	v12 =	vor.u32 v12, v16;
	v14 =	vmul.f32 v14, v22;
	v35 =	vtrunc.f32 v62  }
0x19c: {  	v22 =	vcvt.f32.s32 v35;
	v10 =	vadd.f32 v11, v10;
	v13 =	vmul.f32 v13, v7  }
0x19d: {  	v7 =	vmin.f32 v15, $1.000000000e+00;
	v18 =	vmul.f32 v23, v18;
	v44 =	vmul.f32 v24, v21  }
0x19e: {  	vm8 =	vgt.s32 v22, $0x0;
	v19 =	vmul.f32 v25, v19;
	v33 =	vmul.f32 $6.300000000e+01, v7  }
0x19f: {  	v10 =	vadd.f32 v14, v10;
	v14 =	vcvt.f32.s32 v37;
	v22 =	vnsel vm8, $0x0, v22  }
0x1a0: {  	v12 =	vld.idx.msk [tilespmem:v12+s17+$0x0], $0xffff;
	v61 =	vmul.f32 $6.200000000e+01, v7;
	v22 =	vmin.u32 v22, $0x3E;
	v36 =	vtrunc.f32 v33  }
0x1a1: {  	v18 =	vadd.f32 v44, v18;
	vm10 =	vgt.s32 v14, $0x0;
	v16 =	vcvt.f32.s32 v36  }
0x1a2: {  	v27 =	vshll.u32 v22, $0x6;
	v10 =	vadd.f32 v13, v10;
	v14 =	vnsel vm10, $0x0, v14  }
0x1a3: {  	v22 =	vcvt.s32.f32 v22;
	v39 =	vmin.u32 v14, $0x3A;
	vm9 =	vgt.s32 v16, $0x0  }
0x1a4: {  	v35 =	vtrunc.f32 v61;
	v41 =	vmul.u32 $0x3C, v39;
	v16 =	vnsel vm9, $0x0, v16  }
0x1a5: {  	v12 =	vmul.f32 v12, v8;
	v37 =	vcvt.f32.s32 v35;
	v16 =	vmin.u32 v16, $0x3E  }
0x1a6: {  	v15 =	vsub.f32 v62, v22;
	v13 =	vadd.s32 v26, v41;
	v40 =	vor.u32 v16, v27  }
0x1a7: {  	v9 =	vcvt.s32.f32 v39;
	v43 =	vadd.s32 $0x6B93, v13;
	v28 =	vadd.s32 $0x40, v40  }
0x1a8: {  	v29 =	vand.u32 $0x7, v16;
	v51 =	vadd.s32 $0x6BCF, v13;
	v28 =	vand.u32 $0x1FF8, v28  }
0x1a9: {  	v49 =	vsub.f32 $1.000000000e+00, v15;
	v26 =	vcvt.s32.f32 v26;
	v42 =	vor.u32 v29, v28  }
0x1aa: {  	v9 =	vsub.f32 v34, v9;
	v16 =	vcvt.s32.f32 v16;
	v31 =	vadd.s32 $0x6B94, v13  }
0x1ab: {  	[tilespmem:s24+$0x1B110] =	vst v10;
	v32 =	vadd.s32 $0x6BD0, v13;
	v34 =	vand.u32 $0x7, v13;
	v30 =	vadd.s32 $0x1, v40;
	v45 =	vld.idx.msk [tilespmem:v40+s17+$0x0], $0xffff  }
0x1ac: {  	v17 =	vsub.f32 v63, v26;
	v47 =	vadd.s32 $0x41, v40;
	v52 =	vsub.f32 $1.000000000e+00, v9;
	v50 =	vld.idx.msk [tilespmem:v43+s17+$0x0], $0xffff  }
0x1ad: {  	v32 =	vand.u32 $0xFFF8, v32;
	v63 =	vmul.f32 $6.200000000e+01, v3;
	v16 =	vsub.f32 v33, v16;
	v24 =	vld.idx.msk [tilespmem:v51+s17+$0x0], $0xffff  }
0x1ae: {  	v32 =	vor.u32 v34, v32;
	v26 =	vsub.f32 $1.000000000e+00, v17;
	v27 =	vmul.f32 v52, v17;
	v46 =	vld.idx.msk [tilespmem:v42+s17+$0x0], $0xffff  }
0x1af: {  	v38 =	vtrunc.f32 v63;
	v17 =	vmul.f32 v9, v17;
	v48 =	vsub.f32 $1.000000000e+00, v16;
	v57 =	vld.idx.msk [tilespmem:v31+s17+$0x0], $0xffff  }
0x1b0: {  	v18 =	vadd.f32 v19, v18;
	v23 =	vmul.f32 v49, v16;
	v41 =	vcvt.f32.s32 v38;
	v53 =	vld.idx.msk [tilespmem:v30+s17+$0x0], $0xffff  }
0x1b1: {  	vm12 =	vgt.s32 v37, $0x0;
	v54 =	vmul.f32 v49, v48;
	v22 =	vmul.f32 v15, v48;
	v21 =	vld.idx.msk [tilespmem:v47+s17+$0x0], $0xffff  }
0x1b2: {  	v58 =	vand.u32 $0xFF8, v40;
	v33 =	vmul.f32 v52, v26;
	v26 =	vmul.f32 v9, v26  }
0x1b3: {  	v60 =	vadd.s32 $0x1040, v40;
	v11 =	vmul.f32 v54, v45;
	v10 =	vmul.f32 v22, v46  }
0x1b4: {  	v59 =	vor.u32 v58, v29;
	v15 =	vmul.f32 v15, v16;
	v62 =	vld.idx.msk [tilespmem:v32+s17+$0x0], $0xffff;
	v20 =	vmul.f32 v50, v33  }
0x1b5: {  	v24 =	vmul.f32 v24, v26;
	v56 =	vmul.f32 v23, v53;
	v10 =	vadd.f32 v11, v10  }
0x1b6: {  	v16 =	vand.u32 $0x3FF8, v60;
	v28 =	vmul.f32 v57, v27;
	v21 =	vmul.f32 v15, v21  }
0x1b7: {  	v20 =	vadd.f32 v24, v20;
	v11 =	vor.u32 $0x1000, v59;
	v10 =	vadd.f32 v10, v56  }
0x1b8: {  	vm13 =	vgt.s32 v41, $0x0;
	v47 =	vadd.s32 $0x79A3, v13;
	v16 =	vor.u32 v29, v16  }
0x1b9: {  	v43 =	vmul.f32 v62, v17;
	v20 =	vadd.f32 v28, v20;
	v10 =	vadd.f32 v10, v21  }
0x1ba: {  	v36 =	vadd.s32 $0x1001, v40;
	v48 =	vadd.s32 $0x79DF, v13;
	v14 =	vnsel vm13, $0x0, v41  }
0x1bb: {  	v46 =	vadd.s32 $0x79E0, v13;
	v13 =	vadd.s32 $0x79A4, v13;
	v45 =	vadd.f32 v43, v20;
	[tilespmem:s24+$0x18120] =	vst v10  }
0x1bc: {  	v40 =	vadd.s32 $0x1041, v40;
	v42 =	vcvt.f32.s32 v55;
	v14 =	vmin.u32 v14, $0x3D;
	v39 =	vld.idx.msk [tilespmem:v11+s17+$0x0], $0xffff  }
0x1bd: {  	v49 =	vmul.u32 $0x3F, v14;
	v14 =	vcvt.s32.f32 v14;
	v20 =	vand.u32 $0xFFF8, v46;
	[tilespmem:s24+$0x1B910] =	vst v45;
	v16 =	vld.idx.msk [tilespmem:v16+s17+$0x0], $0xffff  }
0x1be: {  	vm14 =	vgt.s32 v42, $0x0;
	v20 =	vor.u32 v34, v20;
	v34 =	vmul.f32 $5.800000000e+01, v6;
	v52 =	vld.idx.msk [tilespmem:v47+s17+$0x0], $0xffff  }
0x1bf: {  	v50 =	vnsel vm14, $0x0, v42;
	v58 =	vsub.f32 v63, v14;
	v10 =	vnsel vm12, $0x0, v37;
	v44 =	vld.idx.msk [tilespmem:v36+s17+$0x0], $0xffff  }
0x1c0: {  	v13 =	vld.idx.msk [tilespmem:v13+s17+$0x0], $0xffff;
	v38 =	vtrunc.f32 v34;
	v10 =	vmin.u32 v10, $0x3D;
	v36 =	vmul.f32 $5.800000000e+01, v5  }
0x1c1: {  	v11 =	vld.idx.msk [tilespmem:v40+s17+$0x0], $0xffff;
	v40 =	vcvt.f32.s32 v38;
	v51 =	vadd.s32 v10, v49;
	v10 =	vcvt.s32.f32 v10  }
0x1c2: {  	v63 =	vsub.f32 $1.000000000e+00, v58;
	v9 =	vmul.f32 v54, v39;
	v16 =	vmul.f32 v22, v16  }
0x1c3: {  	v53 =	vor.u32 $0x2000, v51;
	v56 =	vadd.s32 $0x203F, v51;
	v57 =	vadd.s32 $0x2001, v51  }
0x1c4: {  	v55 =	vld.idx.msk [tilespmem:v48+s17+$0x0], $0xffff;
	v59 =	vadd.s32 $0x2040, v51;
	v8 =	vmul.f32 v23, v44;
	v9 =	vadd.f32 v9, v16  }
0x1c5: {  	v20 =	vld.idx.msk [tilespmem:v20+s17+$0x0], $0xffff;
	v60 =	vmul.f32 v52, v33;
	v13 =	vmul.f32 v13, v27;
	v42 =	vadd.s32 $0x2FC0, v51  }
0x1c6: {  	v43 =	vadd.s32 $0x2F81, v51;
	v11 =	vmul.f32 v15, v11;
	v8 =	vadd.f32 v9, v8  }
0x1c7: {  	v48 =	vadd.s32 $0x2F82, v51;
	v19 =	vadd.s32 $0x2FC1, v51;
	v10 =	vsub.f32 v61, v10  }
0x1c8: {  	v61 =	vand.u32 $0x7, v51;
	v51 =	vmul.f32 $6.100000000e+01, v7;
	v11 =	vadd.f32 v8, v11  }
0x1c9: {  	v14 =	vand.u32 $0x7FF8, v59;
	v54 =	vtrunc.f32 v2;
	v23 =	vmul.f32 v55, v26  }
0x1ca: {  	v14 =	vor.u32 v61, v14;
	v17 =	vmul.f32 v20, v17;
	v37 =	vmul.f32 v63, v10;
	[tilespmem:s24+$0x18920] =	vst v11  }
0x1cb: {  	v62 =	vsub.f32 $1.000000000e+00, v10;
	v39 =	vtrunc.f32 v36;
	v10 =	vmul.f32 v58, v10;
	v15 =	vld.idx.msk [tilespmem:v53+s17+$0x0], $0xffff  }
0x1cc: {  	v12 =	vadd.f32 v12, v18;
	v55 =	vtrunc.f32 v51;
	v29 =	vcvt.f32.s32 v39;
	v24 =	vld.idx.msk [tilespmem:v56+s17+$0x0], $0xffff  }
0x1cd: {  	vm5 =	vgt.s32 v40, $0x0;
	v30 =	vcvt.f32.s32 v55;
	v16 =	vcvt.f32.s32 v54  }
0x1ce: {  	v33 =	vmul.f32 v63, v62;
	v35 =	vmul.f32 v58, v62;
	v21 =	vadd.f32 v23, v60;
	v32 =	vld.idx.msk [tilespmem:v57+s17+$0x0], $0xffff  }
0x1cf: {  	vm4 =	vgt.s32 v29, $0x0;
	vm7 =	vgt.s32 v30, $0x0;
	v9 =	vmin.u32 v50, $0x38  }
0x1d0: {  	vm15 =	vgt.s32 v16, $0x0;
	v13 =	vadd.f32 v13, v21;
	v44 =	vnsel vm4, $0x0, v29;
	v14 =	vld.idx.msk [tilespmem:v14+s17+$0x0], $0xffff  }
0x1d1: {  	v21 =	vnsel vm5, $0x0, v40;
	v15 =	vmul.f32 v33, v15;
	v24 =	vmul.f32 v24, v35  }
0x1d2: {  	v50 =	vmul.f32 $6.100000000e+01, v3;
	v60 =	vnsel vm7, $0x0, v30;
	v16 =	vnsel vm15, $0x0, v16  }
0x1d3: {  	v45 =	vmin.u32 v44, $0x39;
	v18 =	vmul.f32 v32, v37;
	v15 =	vadd.f32 v24, v15  }
0x1d4: {  	v46 =	vmin.u32 v21, $0x39;
	v63 =	vmin.u32 v60, $0x3C;
	v8 =	vcvt.s32.f32 v9  }
0x1d5: {  	v14 =	vmul.f32 v14, v10;
	v41 =	vadd.f32 v18, v15;
	v15 =	vand.u32 $0x7FF8, v42  }
0x1d6: {  	v16 =	vmin.u32 v16, $0x38;
	v47 =	vmul.u32 $0x3B, v45;
	v15 =	vor.u32 v61, v15  }
0x1d7: {  	v49 =	vcvt.s32.f32 v46;
	v39 =	vmul.u32 $0x3A, v16;
	v11 =	vadd.f32 v14, v41  }
0x1d8: {  	v13 =	vadd.f32 v17, v13;
	v22 =	vcvt.s32.f32 v45;
	v52 =	vtrunc.f32 v50  }
0x1d9: {  	v29 =	vcvt.f32.s32 v52;
	v17 =	vsub.f32 v34, v49;
	v9 =	vadd.s32 v9, v39;
	[tilespmem:s24+$0x19120] =	vst v11  }
0x1da: {  	v16 =	vcvt.s32.f32 v16;
	v22 =	vsub.f32 v36, v22;
	v49 =	vadd.s32 $0xA2E6, v9;
	v18 =	vld.idx.msk [tilespmem:v43+s17+$0x0], $0xffff  }
0x1db: {  	v4 =	vsub.f32 v4, v8;
	vm6 =	vgt.s32 v29, $0x0;
	v57 =	vsub.f32 $1.000000000e+00, v17;
	v15 =	vld.idx.msk [tilespmem:v15+s17+$0x0], $0xffff  }
0x1dc: {  	v58 =	vnsel vm6, $0x0, v29;
	v59 =	vsub.f32 $1.000000000e+00, v22;
	v14 =	vadd.s32 v46, v47  }
0x1dd: {  	[tilespmem:s24+$0x1D100] =	vst v12;
	v26 =	vadd.s32 $0xA2E5, v9;
	v20 =	vmin.u32 v58, $0x3C;
	v21 =	vadd.s32 $0x87B3, v14;
	v23 =	vld.idx.msk [tilespmem:v48+s17+$0x0], $0xffff  }
0x1de: {  	[tilespmem:s24+$0x1C110] =	vst v13;
	v28 =	vmul.f32 v59, v57;
	v13 =	vmul.f32 v22, v57;
	v53 =	vadd.s32 $0x87EE, v14;
	v19 =	vld.idx.msk [tilespmem:v19+s17+$0x0], $0xffff  }
0x1df: {  	v58 =	vld.idx.msk [tilespmem:v49+s17+$0x0], $0xffff;
	v49 =	vmul.f32 $6.000000000e+01, v7;
	v61 =	vmul.u32 $0x3E, v20;
	v20 =	vcvt.s32.f32 v20  }
0x1e0: {  	v54 =	vadd.s32 $0x87B4, v14;
	v18 =	vmul.f32 v18, v33;
	v15 =	vmul.f32 v15, v35  }
0x1e1: {  	v47 =	vadd.s32 $0xA31F, v9;
	v56 =	vadd.s32 $0x87EF, v14;
	v29 =	vadd.s32 v63, v61  }
0x1e2: {  	v52 =	vadd.s32 $0x9587, v14;
	v21 =	vld.idx.msk [tilespmem:v21+s17+$0x0], $0xffff;
	v62 =	vmul.f32 v23, v37;
	v15 =	vadd.f32 v15, v18  }
0x1e3: {  	v30 =	vand.u32 $0x7, v29;
	v25 =	vld.idx.msk [tilespmem:v53+s17+$0x0], $0xffff;
	v10 =	vmul.f32 v19, v10;
	v33 =	vadd.s32 $0x3F40, v29  }
0x1e4: {  	v35 =	vadd.s32 $0x3F02, v29;
	v18 =	vand.u32 $0x7FF8, v33;
	v15 =	vadd.f32 v62, v15  }
0x1e5: {  	v38 =	vadd.s32 $0x3F03, v29;
	v11 =	vsub.f32 v50, v20;
	v34 =	vld.idx.msk [tilespmem:v54+s17+$0x0], $0xffff;
	v18 =	vor.u32 v30, v18  }
0x1e6: {  	v61 =	vadd.s32 $0x4E06, v29;
	v43 =	vadd.s32 $0x3F41, v29;
	v10 =	vadd.f32 v10, v15  }
0x1e7: {  	v45 =	vsub.f32 $1.000000000e+00, v11;
	v36 =	vld.idx.msk [tilespmem:v56+s17+$0x0], $0xffff;
	v37 =	vcvt.s32.f32 v63;
	v23 =	vmul.f32 v59, v17  }
0x1e8: {  	v53 =	vadd.s32 $0x9588, v14;
	v21 =	vmul.f32 v21, v28;
	v25 =	vmul.f32 v25, v13;
	[tilespmem:s24+$0x19920] =	vst v10  }
0x1e9: {  	v54 =	vadd.s32 $0x954D, v14;
	v56 =	vsub.f32 v2, v16;
	v40 =	vsub.f32 v51, v37;
	v42 =	vld.idx.msk [tilespmem:v35+s17+$0x0], $0xffff  }
0x1ea: {  	v17 =	vmul.f32 v22, v17;
	v41 =	vmul.f32 v34, v23;
	v21 =	vadd.f32 v25, v21;
	v18 =	vld.idx.msk [tilespmem:v18+s17+$0x0], $0xffff  }
0x1eb: {  	v63 =	vsub.f32 $1.000000000e+00, v56;
	v51 =	vadd.s32 $0x954C, v14;
	v44 =	vsub.f32 $1.000000000e+00, v40  }
0x1ec: {  	v14 =	vand.u32 $0x7, v14;
	v46 =	vmul.f32 v36, v17;
	v15 =	vadd.f32 v41, v21;
	v25 =	vld.idx.msk [tilespmem:v38+s17+$0x0], $0xffff  }
0x1ed: {  	v37 =	vadd.s32 $0x4E07, v29;
	v48 =	vmul.f32 v45, v44;
	v50 =	vmul.f32 v11, v44  }
0x1ee: {  	v33 =	vand.u32 $0xBFF8, v53;
	v24 =	vmul.f32 v45, v40;
	v15 =	vadd.f32 v46, v15;
	v20 =	vld.idx.msk [tilespmem:v43+s17+$0x0], $0xffff  }
0x1ef: {  	v26 =	vld.idx.msk [tilespmem:v26+s17+$0x0], $0xffff;
	v57 =	vor.u32 v14, v33;
	v19 =	vmul.f32 v42, v48;
	v18 =	vmul.f32 v18, v50  }
0x1f0: {  	v34 =	vadd.s32 $0x4E44, v29;
	v53 =	vtrunc.f32 v49;
	v62 =	vsub.f32 $1.000000000e+00, v4;
	v46 =	vld.idx.msk [tilespmem:v1+s24+$0xFFFFFFC0 ss:$0x1], $0xffff;
	[tilespmem:s24+$0x1C910] =	vst v15  }
0x1f1: {  	v33 =	vld.idx.msk [tilespmem:v51+s17+$0x0], $0xffff;
	v55 =	vmul.f32 v25, v24;
	v25 =	vmul.f32 v11, v40;
	v18 =	vadd.f32 v18, v19  }
0x1f2: {  	v44 =	vadd.s32 $0x4E45, v29;
	v45 =	vand.u32 $0x7, v9;
	v36 =	vmul.f32 v63, v62;
	v35 =	vld.idx.msk [tilespmem:v52+s17+$0x0], $0xffff  }
0x1f3: {  	v21 =	vcvt.f32.s32 v53;
	v12 =	vld.idx.msk [tilespmem:v54+s17+$0x0], $0xffff;
	v60 =	vmul.f32 v20, v25;
	v59 =	vadd.f32 v55, v18  }
0x1f4: {  	v53 =	vmul.f32 $5.900000000e+01, v7;
	v38 =	vmul.f32 v26, v36;
	v10 =	vld.idx.msk [tilespmem:v57+s17+$0x0], $0xffff;
	v40 =	vadd.s32 $0xA320, v9  }
0x1f5: {  	v2 =	vld.idx.msk [tilespmem:v47+s17+$0x0], $0xffff;
	v11 =	vmul.f32 $5.700000000e+01, v6;
	v9 =	vmul.f32 $5.700000000e+01, v5;
	v14 =	vadd.f32 v60, v59  }
0x1f6: {  	vm8 =	vgt.s32 v21, $0x0;
	v19 =	vmul.f32 v63, v4;
	v4 =	vmul.f32 v56, v4  }
0x1f7: {  	v21 =	vnsel vm8, $0x0, v21;
	v42 =	vmul.f32 v33, v28;
	v13 =	vmul.f32 v35, v13;
	[tilespmem:s24+$0x1A120] =	vst v14  }
0x1f8: {  	v21 =	vmin.u32 v21, $0x3B;
	v20 =	vmul.f32 v12, v23;
	v18 =	vmul.f32 v56, v62;
	v16 =	vld.idx.msk [tilespmem:v61+s17+$0x0], $0xffff  }
0x1f9: {  	v5 =	vadd.f32 $1.500000060e-01, v46;
	v12 =	vmul.f32 v10, v17;
	v47 =	vtrunc.f32 v11;
	v41 =	vld.idx.msk [tilespmem:v34+s17+$0x0], $0xffff  }
0x1fa: {  	v17 =	vcvt.f32.s32 v47;
	v39 =	vmul.f32 v2, v18;
	v18 =	vand.u32 $0xFFF8, v40  }
0x1fb: {  	v5 =	vmul.f32 v5, v0;
	v55 =	vtrunc.f32 v9;
	v10 =	vor.u32 v45, v18;
	v43 =	vld.idx.msk [tilespmem:v37+s17+$0x0], $0xffff  }
0x1fc: {  	v15 =	vadd.f32 v13, v42;
	v13 =	vcvt.f32.s32 v55;
	vm12 =	vgt.s32 v17, $0x0  }
0x1fd: {  	v5 =	vmax.f32 v5, $0.0e+00;
	v17 =	vnsel vm12, $0x0, v17;
	v16 =	vmul.f32 v16, v48;
	v48 =	vld.idx.msk [tilespmem:v1+s24+$0xFFFFF7C0 ss:$0x1], $0xffff  }
0x1fe: {  	vm5 =	vgt.s32 v13, $0x0;
	v8 =	vmul.f32 v41, v50;
	v50 =	vmul.f32 $6.000000000e+01, v3  }
0x1ff: {  	v2 =	vmul.f32 v58, v19;
	v17 =	vmin.u32 v17, $0x38;
	v13 =	vnsel vm5, $0x0, v13;
	v51 =	vld.idx.msk [tilespmem:v44+s17+$0x0], $0xffff  }
0x200: {  	v10 =	vld.idx.msk [tilespmem:v10+s17+$0x0], $0xffff;
	v52 =	vmul.f32 v43, v24;
	v8 =	vadd.f32 v8, v16;
	v54 =	vtrunc.f32 v50  }
0x201: {  	v6 =	vadd.f32 v39, v38;
	v13 =	vmin.u32 v13, $0x38;
	v22 =	vcvt.f32.s32 v54  }
0x202: {  	v16 =	vadd.f32 v52, v8;
	v8 =	vmin.f32 v5, $1.000000000e+00;
	v18 =	vadd.f32 $1.500000060e-01, v48  }
0x203: {  	v2 =	vadd.f32 v2, v6;
	vm9 =	vgt.s32 v22, $0x0;
	v61 =	vmul.f32 $6.300000000e+01, v8  }
0x204: {  	v57 =	vmul.f32 v51, v25;
	v58 =	vnsel vm9, $0x0, v22;
	v56 =	vmul.f32 v18, v0  }
0x205: {  	v4 =	vmul.f32 v10, v4;
	v22 =	vmin.u32 v58, $0x3B;
	v31 =	vtrunc.f32 v61  }
0x206: {  	v60 =	vmul.u32 $0x3D, v22;
	v24 =	vcvt.f32.s32 v31;
	v59 =	vmax.f32 v56, $0.0e+00  }
0x207: {  	v16 =	vadd.f32 v57, v16;
	v22 =	vcvt.s32.f32 v22;
	v5 =	vmin.f32 v59, $1.000000000e+00  }
0x208: {  	v63 =	vadd.s32 v21, v60;
	v21 =	vcvt.s32.f32 v21;
	vm10 =	vgt.s32 v24, $0x0  }
0x209: {  	v37 =	vsub.f32 v50, v22;
	v59 =	vmul.f32 $5.900000000e+01, v3;
	v60 =	vtrunc.f32 v53  }
0x20a: {  	v62 =	vmul.f32 $6.300000000e+01, v5;
	v32 =	vadd.s32 $0x5D0A, v63;
	v34 =	vadd.s32 $0x5D47, v63  }
0x20b: {  	v35 =	vadd.s32 $0x5D0B, v63;
	v36 =	vnsel vm10, $0x0, v24;
	v40 =	vadd.s32 $0x5D48, v63  }
0x20c: {  	v18 =	vand.u32 $0x7, v63;
	v21 =	vsub.f32 v49, v21;
	v14 =	vmin.u32 v36, $0x3E  }
0x20d: {  	v44 =	vsub.f32 $1.000000000e+00, v37;
	v24 =	vand.u32 $0x7FF8, v40;
	v33 =	vtrunc.f32 v62  }
0x20e: {  	v63 =	vtrunc.f32 v59;
	v41 =	vshll.u32 v14, $0x6;
	v27 =	vcvt.f32.s32 v33  }
0x20f: {  	v18 =	vor.u32 v18, v24;
	v14 =	vcvt.s32.f32 v14;
	v43 =	vsub.f32 $1.000000000e+00, v21  }
0x210: {  	v30 =	vmul.f32 v44, v21;
	v52 =	vmul.f32 v37, v21;
	vm11 =	vgt.s32 v27, $0x0  }
0x211: {  	[tilespmem:s24+$0x1A920] =	vst v16;
	v51 =	vsub.f32 v61, v14;
	v14 =	vadd.f32 v20, v15;
	v38 =	vnsel vm11, $0x0, v27  }
0x212: {  	v61 =	vcvt.f32.s32 v60;
	v39 =	vld.idx.msk [tilespmem:v32+s17+$0x0], $0xffff;
	v46 =	vmul.f32 v44, v43;
	v19 =	vmin.u32 v38, $0x3E  }
0x213: {  	v29 =	vld.idx.msk [tilespmem:v35+s17+$0x0], $0xffff;
	v28 =	vmul.f32 v37, v43;
	v35 =	vcvt.f32.s32 v63;
	v26 =	vor.u32 v19, v41  }
0x214: {  	v42 =	vld.idx.msk [tilespmem:v34+s17+$0x0], $0xffff;
	v58 =	vsub.f32 $1.000000000e+00, v51;
	vm13 =	vgt.s32 v61, $0x0;
	v45 =	vadd.s32 $0x40, v26  }
0x215: {  	v14 =	vadd.f32 v12, v14;
	v47 =	vand.u32 $0x7, v19;
	v31 =	vand.u32 $0x1FF8, v45  }
0x216: {  	v36 =	vnsel vm13, $0x0, v61;
	vm14 =	vgt.s32 v35, $0x0;
	v31 =	vor.u32 v47, v31  }
0x217: {  	v19 =	vcvt.s32.f32 v19;
	v37 =	vnsel vm14, $0x0, v35;
	v49 =	vadd.s32 $0x1, v26  }
0x218: {  	v18 =	vld.idx.msk [tilespmem:v18+s17+$0x0], $0xffff;
	v56 =	vadd.s32 $0x41, v26;
	v24 =	vmin.u32 v37, $0x3A;
	v41 =	vadd.s32 $0x1040, v26  }
0x219: {  	v44 =	vadd.s32 $0x1001, v26;
	v22 =	vmul.f32 v39, v46;
	v48 =	vmul.f32 v42, v28  }
0x21a: {  	v50 =	vmul.f32 v29, v30;
	v19 =	vsub.f32 v62, v19;
	v39 =	vand.u32 $0xFF8, v26;
	v54 =	vld.idx.msk [tilespmem:v26+s17+$0x0], $0xffff  }
0x21b: {  	v23 =	vand.u32 $0x3FF8, v41;
	v42 =	vmul.u32 $0x3C, v24;
	v24 =	vcvt.s32.f32 v24;
	v55 =	vld.idx.msk [tilespmem:v31+s17+$0x0], $0xffff  }
0x21c: {  	v46 =	vmul.f32 $6.200000000e+01, v8;
	v40 =	vor.u32 v39, v47;
	v57 =	vsub.f32 $1.000000000e+00, v19  }
0x21d: {  	v23 =	vor.u32 v47, v23;
	v30 =	vmul.f32 v58, v19;
	v15 =	vmul.f32 v18, v52;
	v27 =	vld.idx.msk [tilespmem:v49+s17+$0x0], $0xffff  }
0x21e: {  	v22 =	vadd.f32 v48, v22;
	v62 =	vmul.f32 v58, v57;
	v29 =	vmul.f32 v51, v57  }
0x21f: {  	v19 =	vmul.f32 v51, v19;
	v18 =	vmin.u32 v36, $0x3A;
	v48 =	vmul.f32 $6.200000000e+01, v5;
	v25 =	vld.idx.msk [tilespmem:v56+s17+$0x0], $0xffff  }
0x220: {  	v24 =	vsub.f32 v59, v24;
	v20 =	vmul.f32 v62, v54;
	v21 =	vmul.f32 v29, v55  }
0x221: {  	v43 =	vcvt.s32.f32 v18;
	v18 =	vadd.s32 v18, v42;
	v26 =	vadd.s32 $0x1041, v26  }
0x222: {  	v22 =	vadd.f32 v50, v22;
	v38 =	vmul.f32 v30, v27;
	v20 =	vadd.f32 v20, v21  }
0x223: {  	v45 =	vadd.s32 $0x6B93, v18;
	v47 =	vadd.s32 $0x6BD0, v18;
	v49 =	vtrunc.f32 v46  }
0x224: {  	v25 =	vmul.f32 v19, v25;
	v21 =	vor.u32 $0x1000, v40;
	v20 =	vadd.f32 v20, v38  }
0x225: {  	v34 =	vand.u32 $0x7, v18;
	v50 =	vadd.s32 $0x6B94, v18;
	v37 =	vsub.f32 $1.000000000e+00, v24  }
0x226: {  	v51 =	vtrunc.f32 v48;
	v16 =	vsub.f32 v53, v43;
	v20 =	vadd.f32 v20, v25  }
0x227: {  	v28 =	vand.u32 $0xFFF8, v47;
	v33 =	vcvt.f32.s32 v49;
	v35 =	vcvt.f32.s32 v51  }
0x228: {  	v49 =	vcvt.s32.f32 v17;
	v15 =	vadd.f32 v15, v22;
	v28 =	vor.u32 v34, v28;
	[tilespmem:s24+$0x18130] =	vst v20  }
0x229: {  	v36 =	vsub.f32 $1.000000000e+00, v16;
	vm15 =	vgt.s32 v33, $0x0;
	vm4 =	vgt.s32 v35, $0x0;
	v21 =	vld.idx.msk [tilespmem:v21+s17+$0x0], $0xffff  }
0x22a: {  	v11 =	vsub.f32 v11, v49;
	[tilespmem:s24+$0x1B120] =	vst v15;
	v52 =	vnsel vm15, $0x0, v33;
	v54 =	vnsel vm4, $0x0, v35;
	v23 =	vld.idx.msk [tilespmem:v23+s17+$0x0], $0xffff  }
0x22b: {  	v27 =	vadd.s32 $0x6BCF, v18;
	v22 =	vld.idx.msk [tilespmem:v45+s17+$0x0], $0xffff;
	v53 =	vmin.u32 v52, $0x3D;
	v57 =	vmin.u32 v54, $0x3D  }
0x22c: {  	v32 =	vmul.f32 v37, v36;
	v54 =	vadd.s32 $0x79A4, v18;
	v60 =	vcvt.s32.f32 v57;
	v25 =	vld.idx.msk [tilespmem:v44+s17+$0x0], $0xffff  }
0x22d: {  	v61 =	vcvt.s32.f32 v53;
	v55 =	vmul.u32 $0x3F, v53;
	v53 =	vcvt.s32.f32 v13  }
0x22e: {  	v13 =	vmul.u32 $0x3A, v13;
	v63 =	vsub.f32 v48, v60;
	v48 =	vadd.s32 $0x79DF, v18;
	v26 =	vld.idx.msk [tilespmem:v26+s17+$0x0], $0xffff  }
0x22f: {  	v33 =	vadd.s32 v57, v55;
	v21 =	vmul.f32 v62, v21;
	v23 =	vmul.f32 v29, v23  }
0x230: {  	v12 =	vsub.f32 v9, v53;
	v27 =	vld.idx.msk [tilespmem:v27+s17+$0x0], $0xffff;
	v22 =	vmul.f32 v22, v32;
	v58 =	vor.u32 $0x2000, v33  }
0x231: {  	v35 =	vadd.s32 $0x203F, v33;
	v56 =	vmul.f32 v30, v25;
	v21 =	vadd.f32 v21, v23  }
0x232: {  	v15 =	vld.idx.msk [tilespmem:v50+s17+$0x0], $0xffff;
	v40 =	vadd.s32 $0x2040, v33;
	v41 =	vand.u32 $0x7, v33;
	v43 =	vsub.f32 $1.000000000e+00, v63  }
0x233: {  	v30 =	vmul.f32 v24, v36;
	v19 =	vmul.f32 v19, v26;
	v21 =	vadd.f32 v21, v56  }
0x234: {  	v28 =	vld.idx.msk [tilespmem:v28+s17+$0x0], $0xffff;
	v57 =	vadd.s32 $0x2FC0, v33;
	v39 =	vadd.s32 $0x2FC1, v33;
	v20 =	vsub.f32 v46, v61  }
0x235: {  	v59 =	vmul.f32 v27, v30;
	v27 =	vmul.f32 v37, v16;
	v19 =	vadd.f32 v21, v19  }
0x236: {  	v46 =	vadd.s32 $0x79A3, v18;
	v62 =	vadd.s32 $0x2001, v33;
	v16 =	vmul.f32 v24, v16  }
0x237: {  	v22 =	vadd.f32 v59, v22;
	v15 =	vmul.f32 v15, v27;
	v21 =	vand.u32 $0x7FF8, v40;
	[tilespmem:s24+$0x18930] =	vst v19  }
0x238: {  	v18 =	vadd.s32 $0x79E0, v18;
	v44 =	vsub.f32 $1.000000000e+00, v20;
	v21 =	vor.u32 v41, v21;
	v23 =	vld.idx.msk [tilespmem:v58+s17+$0x0], $0xffff  }
0x239: {  	v18 =	vand.u32 $0xFFF8, v18;
	v45 =	vmul.f32 v28, v16;
	v15 =	vadd.f32 v15, v22;
	v42 =	vld.idx.msk [tilespmem:v35+s17+$0x0], $0xffff  }
0x23a: {  	v18 =	vor.u32 v34, v18;
	v47 =	vmul.f32 v44, v43;
	v52 =	vmul.f32 v44, v63  }
0x23b: {  	v29 =	vmul.f32 v20, v43;
	v40 =	vmul.f32 $6.100000000e+01, v5;
	v15 =	vadd.f32 v45, v15;
	v26 =	vld.idx.msk [tilespmem:v62+s17+$0x0], $0xffff  }
0x23c: {  	v37 =	vmul.f32 $6.100000000e+01, v8;
	v22 =	vand.u32 $0x7FF8, v57;
	v19 =	vmul.f32 v20, v63  }
0x23d: {  	v57 =	vadd.s32 v17, v13;
	v20 =	vmul.f32 $5.800000000e+01, v7;
	v43 =	vtrunc.f32 v40;
	[tilespmem:s24+$0x1B920] =	vst v15;
	v50 =	vld.idx.msk [tilespmem:v21+s17+$0x0], $0xffff  }
0x23e: {  	v22 =	vor.u32 v41, v22;
	v28 =	vld.idx.msk [tilespmem:v46+s17+$0x0], $0xffff;
	v23 =	vmul.f32 v47, v23;
	v51 =	vmul.f32 v42, v29  }
0x23f: {  	v63 =	vadd.s32 $0x2F82, v33;
	v58 =	vadd.s32 $0x2F81, v33;
	v33 =	vcvt.f32.s32 v43  }
0x240: {  	v61 =	vtrunc.f32 v20;
	v56 =	vld.idx.msk [tilespmem:v48+s17+$0x0], $0xffff;
	v55 =	vmul.f32 v26, v52;
	v21 =	vadd.f32 v51, v23  }
0x241: {  	v41 =	vtrunc.f32 v37;
	v13 =	vadd.s32 $0xA2E6, v57;
	v60 =	vld.idx.msk [tilespmem:v54+s17+$0x0], $0xffff;
	v62 =	vcvt.f32.s32 v61  }
0x242: {  	vm9 =	vgt.s32 v33, $0x0;
	v18 =	vld.idx.msk [tilespmem:v18+s17+$0x0], $0xffff;
	v15 =	vmul.f32 v50, v19;
	v21 =	vadd.f32 v55, v21  }
0x243: {  	v33 =	vnsel vm9, $0x0, v33;
	v59 =	vmul.f32 v28, v32;
	v28 =	vmul.f32 $5.800000000e+01, v3  }
0x244: {  	vm6 =	vgt.s32 v62, $0x0;
	v42 =	vcvt.f32.s32 v41;
	v15 =	vadd.f32 v15, v21  }
0x245: {  	v41 =	vadd.s32 $0xA31F, v57;
	v9 =	vmul.f32 v56, v30;
	v36 =	vtrunc.f32 v28  }
0x246: {  	v24 =	vmul.f32 v60, v27;
	vm8 =	vgt.s32 v42, $0x0;
	v38 =	vcvt.f32.s32 v36;
	[tilespmem:s24+$0x19130] =	vst v15  }
0x247: {  	v16 =	vmul.f32 v18, v16;
	v27 =	vnsel vm8, $0x0, v42;
	v9 =	vadd.f32 v9, v59;
	v23 =	vld.idx.msk [tilespmem:v58+s17+$0x0], $0xffff  }
0x248: {  	v3 =	vmul.f32 $5.700000000e+01, v3;
	v27 =	vmin.u32 v27, $0x3C;
	vm7 =	vgt.s32 v38, $0x0;
	v22 =	vld.idx.msk [tilespmem:v22+s17+$0x0], $0xffff  }
0x249: {  	v45 =	vmul.u32 $0x3E, v27;
	v9 =	vadd.f32 v24, v9;
	v26 =	vnsel vm7, $0x0, v38  }
0x24a: {  	v53 =	vcvt.s32.f32 v27;
	v21 =	vnsel vm6, $0x0, v62;
	v30 =	vld.idx.msk [tilespmem:v63+s17+$0x0], $0xffff;
	v26 =	vmin.u32 v26, $0x39  }
0x24b: {  	v21 =	vmin.u32 v21, $0x39;
	v9 =	vadd.f32 v16, v9;
	v31 =	vld.idx.msk [tilespmem:v39+s17+$0x0], $0xffff;
	v44 =	vmul.u32 $0x3B, v26  }
0x24c: {  	v15 =	vsub.f32 v37, v53;
	v58 =	vcvt.s32.f32 v21;
	v61 =	vcvt.s32.f32 v26  }
0x24d: {  	v24 =	vadd.s32 v21, v44;
	v23 =	vmul.f32 v23, v47;
	v22 =	vmul.f32 v22, v29  }
0x24e: {  	v63 =	vsub.f32 $1.000000000e+00, v15;
	v51 =	vadd.s32 $0x87B3, v24;
	v47 =	vmin.u32 v33, $0x3C  }
0x24f: {  	v46 =	vmul.f32 v30, v52;
	v29 =	vadd.s32 v47, v45;
	v22 =	vadd.f32 v22, v23  }
0x250: {  	v19 =	vmul.f32 v31, v19;
	v48 =	vadd.s32 $0x3F40, v29;
	v49 =	vadd.s32 $0x3F02, v29  }
0x251: {  	v50 =	vand.u32 $0x7, v29;
	v23 =	vand.u32 $0x7FF8, v48;
	v22 =	vadd.f32 v46, v22  }
0x252: {  	[tilespmem:s24+$0x1C120] =	vst v9;
	v20 =	vsub.f32 v20, v58;
	v9 =	vsub.f32 v28, v61;
	v23 =	vor.u32 v50, v23  }
0x253: {  	v55 =	vadd.s32 $0x87EE, v24;
	v42 =	vadd.s32 $0x87B4, v24;
	v19 =	vadd.f32 v19, v22  }
0x254: {  	v44 =	vsub.f32 $1.000000000e+00, v20;
	v52 =	vcvt.s32.f32 v47;
	v54 =	vadd.s32 $0x3F03, v29  }
0x255: {  	v43 =	vadd.s32 $0x87EF, v24;
	v33 =	vmul.f32 $6.000000000e+01, v5;
	v45 =	vsub.f32 $1.000000000e+00, v9;
	v18 =	vld.idx.msk [tilespmem:v51+s17+$0x0], $0xffff;
	[tilespmem:s24+$0x19930] =	vst v19  }
0x256: {  	v34 =	vmul.f32 v9, v44;
	v60 =	vadd.s32 $0x3F41, v29;
	v56 =	vsub.f32 v40, v52;
	v59 =	vld.idx.msk [tilespmem:v49+s17+$0x0], $0xffff  }
0x257: {  	v47 =	vsub.f32 $1.000000000e+00, v11;
	v38 =	vadd.s32 $0x4E44, v29;
	v39 =	vtrunc.f32 v33;
	v23 =	vld.idx.msk [tilespmem:v23+s17+$0x0], $0xffff  }
0x258: {  	v40 =	vadd.s32 $0xA2E5, v57;
	v37 =	vmul.f32 v45, v44;
	v27 =	vld.idx.msk [tilespmem:v55+s17+$0x0], $0xffff;
	v62 =	vsub.f32 $1.000000000e+00, v56  }
0x259: {  	v35 =	vmul.f32 v45, v20;
	v46 =	vadd.s32 $0xA320, v57;
	v50 =	vadd.s32 $0x4E06, v29;
	v16 =	vld.idx.msk [tilespmem:v54+s17+$0x0], $0xffff  }
0x25a: {  	v28 =	vld.idx.msk [tilespmem:v42+s17+$0x0], $0xffff;
	v51 =	vand.u32 $0x7, v57;
	v32 =	vmul.f32 v63, v62;
	v25 =	vmul.f32 v15, v62  }
0x25b: {  	[tilespmem:s24+$0x1D110] =	vst v14;
	v42 =	vcvt.f32.s32 v39;
	v26 =	vmul.f32 v63, v56;
	v36 =	vand.u32 $0xFFF8, v46;
	v21 =	vld.idx.msk [tilespmem:v60+s17+$0x0], $0xffff  }
0x25c: {  	v55 =	vld.idx.msk [tilespmem:v41+s17+$0x0], $0xffff;
	v14 =	vor.u32 v51, v36;
	v17 =	vmul.f32 v59, v32;
	v23 =	vmul.f32 v23, v25  }
0x25d: {  	vm11 =	vgt.s32 v42, $0x0;
	v62 =	vadd.s32 $0x9587, v24;
	v19 =	vmul.f32 v15, v56  }
0x25e: {  	v15 =	vmul.f32 v12, v47;
	v16 =	vmul.f32 v16, v26;
	v17 =	vadd.f32 v23, v17  }
0x25f: {  	v63 =	vadd.s32 $0x954D, v24;
	v18 =	vmul.f32 v18, v37;
	v48 =	vmul.f32 v27, v34;
	v49 =	vld.idx.msk [tilespmem:v43+s17+$0x0], $0xffff  }
0x260: {  	v53 =	vmul.f32 v28, v35;
	v21 =	vmul.f32 v21, v19;
	v16 =	vadd.f32 v16, v17  }
0x261: {  	v52 =	vld.idx.msk [tilespmem:v40+s17+$0x0], $0xffff;
	v54 =	vadd.s32 $0x4E07, v29;
	v29 =	vadd.s32 $0x4E45, v29;
	v15 =	vmul.f32 v55, v15  }
0x262: {  	v55 =	vld.idx.msk [tilespmem:v1+s24+$0xFFFFF7D0 ss:$0x1], $0xffff;
	v18 =	vadd.f32 v48, v18;
	v21 =	vadd.f32 v21, v16;
	v16 =	vmul.f32 v9, v20  }
0x263: {  	v13 =	vld.idx.msk [tilespmem:v13+s17+$0x0], $0xffff;
	v28 =	vnsel vm11, $0x0, v42;
	v48 =	vadd.s32 $0x9588, v24;
	v17 =	vsub.f32 $1.000000000e+00, v12  }
0x264: {  	v14 =	vld.idx.msk [tilespmem:v14+s17+$0x0], $0xffff;
	v18 =	vadd.f32 v53, v18;
	v59 =	vadd.s32 $0x954C, v24;
	[tilespmem:s24+$0x1A130] =	vst v21;
	v57 =	vmul.f32 v49, v16  }
0x265: {  	v51 =	vand.u32 $0xBFF8, v48;
	v56 =	vmul.f32 v17, v47;
	v21 =	vmul.f32 $6.000000000e+01, v8;
	v58 =	vld.idx.msk [tilespmem:v50+s17+$0x0], $0xffff  }
0x266: {  	v17 =	vmul.f32 v17, v11;
	v11 =	vmul.f32 v12, v11;
	v60 =	vld.idx.msk [tilespmem:v38+s17+$0x0], $0xffff;
	v18 =	vadd.f32 v57, v18  }
0x267: {  	v40 =	vadd.f32 $1.500000060e-01, v55;
	v22 =	vmul.f32 v52, v56;
	v9 =	vld.idx.msk [tilespmem:v54+s17+$0x0], $0xffff;
	v61 =	vtrunc.f32 v21  }
0x268: {  	v12 =	vmul.f32 $5.700000000e+01, v5;
	v43 =	vld.idx.msk [tilespmem:v29+s17+$0x0], $0xffff;
	v50 =	vmin.u32 v28, $0x3B;
	v36 =	vcvt.f32.s32 v61;
	[tilespmem:s24+$0x1C920] =	vst v18  }
0x269: {  	v13 =	vmul.f32 v13, v17;
	v15 =	vadd.f32 v15, v22;
	v57 =	vcvt.s32.f32 v50;
	v46 =	vld.idx.msk [tilespmem:v59+s17+$0x0], $0xffff  }
0x26a: {  	v56 =	vand.u32 $0x7, v24;
	v11 =	vmul.f32 v14, v11;
	vm10 =	vgt.s32 v36, $0x0;
	v47 =	vld.idx.msk [tilespmem:v62+s17+$0x0], $0xffff  }
0x26b: {  	v13 =	vadd.f32 v13, v15;
	v23 =	vld.idx.msk [tilespmem:v63+s17+$0x0], $0xffff;
	v62 =	vsub.f32 v33, v57;
	v45 =	vnsel vm10, $0x0, v36  }
0x26c: {  	v53 =	vld.idx.msk [tilespmem:v1+s24+$0xFFFFFFD0 ss:$0x1], $0xffff;
	v44 =	vmul.f32 v58, v32;
	v25 =	vmul.f32 v60, v25;
	v27 =	vmin.u32 v45, $0x3B  }
0x26d: {  	v9 =	vmul.f32 v9, v26;
	v18 =	vmul.f32 v43, v19;
	v49 =	vmul.u32 $0x3D, v27  }
0x26e: {  	v19 =	vor.u32 v56, v51;
	v41 =	vsub.f32 $1.000000000e+00, v62;
	v20 =	vadd.f32 v25, v44  }
0x26f: {  	v59 =	vcvt.s32.f32 v27;
	v52 =	vadd.s32 v50, v49;
	v60 =	vmul.f32 v46, v37  }
0x270: {  	v9 =	vadd.f32 v9, v20;
	v61 =	vmul.f32 v47, v34;
	v20 =	vmul.f32 v23, v35  }
0x271: {  	v63 =	vsub.f32 v21, v59;
	v37 =	vadd.f32 $1.500000060e-01, v53;
	v53 =	vmul.f32 $5.900000000e+01, v8  }
0x272: {  	v54 =	vadd.s32 $0x5D0A, v52;
	v58 =	vadd.s32 $0x5D47, v52;
	v39 =	vadd.s32 $0x5D0B, v52  }
0x273: {  	v47 =	vadd.s32 $0x5D48, v52;
	v26 =	vand.u32 $0x7, v52;
	v52 =	vmul.f32 $5.900000000e+01, v5  }
0x274: {  	v9 =	vadd.f32 v18, v9;
	v18 =	vmul.f32 $5.700000000e+01, v7;
	v42 =	vsub.f32 $1.000000000e+00, v63  }
0x275: {  	v21 =	vadd.f32 v61, v60;
	v7 =	vmul.f32 v40, v0;
	v30 =	vmul.f32 v63, v41  }
0x276: {  	v19 =	vld.idx.msk [tilespmem:v19+s17+$0x0], $0xffff;
	v32 =	vand.u32 $0x7FF8, v47;
	v56 =	vtrunc.f32 v53;
	v23 =	vmul.f32 v63, v62  }
0x277: {  	v26 =	vor.u32 v26, v32;
	v35 =	vcvt.f32.s32 v56;
	[tilespmem:s24+$0x1A930] =	vst v9;
	v9 =	vmul.f32 v37, v0  }
0x278: {  	v43 =	vtrunc.f32 v18;
	v44 =	vmul.f32 v42, v41;
	v45 =	vmax.f32 v7, $0.0e+00  }
0x279: {  	v31 =	vmul.f32 v42, v62;
	v22 =	vcvt.f32.s32 v43;
	vm15 =	vgt.s32 v35, $0x0  }
0x27a: {  	v38 =	vld.idx.msk [tilespmem:v54+s17+$0x0], $0xffff;
	v9 =	vmax.f32 v9, $0.0e+00;
	v54 =	vtrunc.f32 v52;
	v35 =	vnsel vm15, $0x0, v35  }
0x27b: {  	v16 =	vmul.f32 v19, v16;
	v7 =	vmin.f32 v9, $1.000000000e+00;
	v9 =	vmin.f32 v45, $1.000000000e+00  }
0x27c: {  	v24 =	vld.idx.msk [tilespmem:v58+s17+$0x0], $0xffff;
	v34 =	vcvt.f32.s32 v54;
	v35 =	vmin.u32 v35, $0x3A;
	v46 =	vmul.f32 $6.300000000e+01, v7  }
0x27d: {  	v20 =	vadd.f32 v20, v21;
	v29 =	vld.idx.msk [tilespmem:v39+s17+$0x0], $0xffff;
	v48 =	vmul.f32 $6.300000000e+01, v9;
	v47 =	vcvt.s32.f32 v35  }
0x27e: {  	vm4 =	vgt.s32 v22, $0x0;
	v56 =	vmul.f32 $6.200000000e+01, v9;
	v49 =	vtrunc.f32 v46  }
0x27f: {  	v63 =	vmul.u32 $0x3C, v35;
	v50 =	vtrunc.f32 v48;
	v33 =	vcvt.f32.s32 v49  }
0x280: {  	v22 =	vnsel vm4, $0x0, v22;
	v39 =	vadd.f32 v16, v20;
	v51 =	vcvt.f32.s32 v50  }
0x281: {  	v25 =	vmul.f32 v38, v44;
	v24 =	vmul.f32 v24, v30;
	vm12 =	vgt.s32 v33, $0x0  }
0x282: {  	v29 =	vmul.f32 v29, v31;
	vm13 =	vgt.s32 v51, $0x0;
	v33 =	vnsel vm12, $0x0, v33  }
0x283: {  	v24 =	vadd.f32 v24, v25;
	v25 =	vnsel vm13, $0x0, v51;
	v33 =	vmin.u32 v33, $0x3E  }
0x284: {  	v26 =	vld.idx.msk [tilespmem:v26+s17+$0x0], $0xffff;
	v16 =	vmul.f32 $5.800000000e+01, v5;
	v25 =	vmin.u32 v25, $0x3E;
	v55 =	vshll.u32 v33, $0x6  }
0x285: {  	vm14 =	vgt.s32 v34, $0x0;
	v24 =	vadd.f32 v29, v24;
	v29 =	vor.u32 v25, v55  }
0x286: {  	v22 =	vmin.u32 v22, $0x38;
	v59 =	vnsel vm14, $0x0, v34;
	v57 =	vadd.s32 $0x40, v29  }
0x287: {  	v27 =	vmin.u32 v59, $0x3A;
	v58 =	vand.u32 $0x7, v25;
	v36 =	vand.u32 $0x1FF8, v57  }
0x288: {  	v62 =	vcvt.s32.f32 v27;
	v27 =	vadd.s32 v27, v63;
	v60 =	vor.u32 v58, v36  }
0x289: {  	v23 =	vmul.f32 v26, v23;
	v30 =	vadd.s32 $0x6B93, v27;
	v50 =	vadd.s32 $0x6BCF, v27  }
0x28a: {  	v33 =	vcvt.s32.f32 v33;
	v25 =	vcvt.s32.f32 v25;
	v61 =	vadd.s32 $0x1, v29  }
0x28b: {  	v41 =	vadd.s32 $0x6BD0, v27;
	v63 =	vadd.s32 $0x79A3, v27;
	v26 =	vsub.f32 v52, v62  }
0x28c: {  	v28 =	vsub.f32 v46, v33;
	v45 =	vadd.s32 $0x41, v29;
	v25 =	vsub.f32 v48, v25;
	v44 =	vld.idx.msk [tilespmem:v29+s17+$0x0], $0xffff  }
0x28d: {  	v52 =	vadd.s32 $0x6B94, v27;
	v42 =	vsub.f32 $1.000000000e+00, v26;
	v23 =	vadd.f32 v23, v24;
	v34 =	vld.idx.msk [tilespmem:v60+s17+$0x0], $0xffff  }
0x28e: {  	v41 =	vand.u32 $0xFFF8, v41;
	v40 =	vsub.f32 $1.000000000e+00, v28;
	v46 =	vsub.f32 $1.000000000e+00, v25  }
0x28f: {  	v24 =	vsub.f32 v53, v47;
	v47 =	vadd.s32 $0x79A4, v27;
	v53 =	vand.u32 $0xFF8, v29;
	v48 =	vld.idx.msk [tilespmem:v61+s17+$0x0], $0xffff  }
0x290: {  	v54 =	vadd.s32 $0x1040, v29;
	v49 =	vmul.f32 v40, v46;
	v51 =	vmul.f32 v28, v46  }
0x291: {  	[tilespmem:s24+$0x1B130] =	vst v23;
	v23 =	vand.u32 $0x7, v27;
	v38 =	vld.idx.msk [tilespmem:v45+s17+$0x0], $0xffff;
	v40 =	vmul.f32 v40, v25;
	v45 =	vmul.f32 $6.200000000e+01, v7  }
0x292: {  	v43 =	vsub.f32 $1.000000000e+00, v24;
	v33 =	vmul.f32 v49, v44;
	v34 =	vmul.f32 v51, v34  }
0x293: {  	v57 =	vadd.s32 $0x1001, v29;
	v41 =	vor.u32 v23, v41;
	v25 =	vmul.f32 v28, v25  }
0x294: {  	v30 =	vld.idx.msk [tilespmem:v30+s17+$0x0], $0xffff;
	v46 =	vtrunc.f32 v45;
	v31 =	vmul.f32 v40, v48;
	v33 =	vadd.f32 v33, v34  }
0x295: {  	v32 =	vld.idx.msk [tilespmem:v50+s17+$0x0], $0xffff;
	v29 =	vadd.s32 $0x1041, v29;
	v28 =	vor.u32 v53, v58;
	v46 =	vcvt.f32.s32 v46  }
0x296: {  	v28 =	vor.u32 $0x1000, v28;
	v38 =	vmul.f32 v25, v38;
	v31 =	vadd.f32 v33, v31  }
0x297: {  	v55 =	vld.idx.msk [tilespmem:v52+s17+$0x0], $0xffff;
	vm6 =	vgt.s32 v46, $0x0;
	v34 =	vmul.f32 v43, v42;
	v33 =	vand.u32 $0x3FF8, v54  }
0x298: {  	v42 =	vmul.f32 v24, v42;
	v33 =	vor.u32 v58, v33;
	v31 =	vadd.f32 v31, v38  }
0x299: {  	v41 =	vld.idx.msk [tilespmem:v41+s17+$0x0], $0xffff;
	v44 =	vtrunc.f32 v3;
	v61 =	vnsel vm6, $0x0, v46;
	v43 =	vmul.f32 v43, v26  }
0x29a: {  	v21 =	vmin.u32 v61, $0x3D;
	v30 =	vmul.f32 v30, v34;
	v32 =	vmul.f32 v32, v42;
	[tilespmem:s24+$0x18140] =	vst v31  }
0x29b: {  	v44 =	vcvt.f32.s32 v44;
	v46 =	vmul.u32 $0x3F, v21;
	v21 =	vcvt.s32.f32 v21;
	v28 =	vld.idx.msk [tilespmem:v28+s17+$0x0], $0xffff  }
0x29c: {  	v24 =	vmul.f32 v24, v26;
	v59 =	vmul.f32 v55, v43;
	v30 =	vadd.f32 v32, v30;
	v60 =	vld.idx.msk [tilespmem:v57+s17+$0x0], $0xffff  }
0x29d: {  	vm7 =	vgt.s32 v44, $0x0;
	v21 =	vsub.f32 v45, v21;
	v58 =	vtrunc.f32 v56;
	v33 =	vld.idx.msk [tilespmem:v33+s17+$0x0], $0xffff  }
0x29e: {  	v62 =	vmul.f32 v41, v24;
	v31 =	vcvt.f32.s32 v58;
	v30 =	vadd.f32 v59, v30;
	v29 =	vld.idx.msk [tilespmem:v29+s17+$0x0], $0xffff  }
0x29f: {  	v41 =	vadd.s32 $0x79DF, v27;
	v27 =	vadd.s32 $0x79E0, v27;
	v57 =	vcvt.s32.f32 v22  }
0x2a0: {  	v27 =	vand.u32 $0xFFF8, v27;
	vm5 =	vgt.s32 v31, $0x0;
	v30 =	vadd.f32 v62, v30  }
0x2a1: {  	v23 =	vor.u32 v23, v27;
	v31 =	vnsel vm5, $0x0, v31;
	v18 =	vsub.f32 v18, v57  }
0x2a2: {  	v31 =	vmin.u32 v31, $0x3D;
	[tilespmem:s24+$0x1B930] =	vst v30;
	v28 =	vmul.f32 v49, v28;
	v33 =	vmul.f32 v51, v33  }
0x2a3: {  	v30 =	vld.idx.msk [tilespmem:v63+s17+$0x0], $0xffff;
	v26 =	vmul.f32 v40, v60;
	v25 =	vmul.f32 v25, v29;
	v49 =	vnsel vm7, $0x0, v44  }
0x2a4: {  	v53 =	vld.idx.msk [tilespmem:v41+s17+$0x0], $0xffff;
	v60 =	vsub.f32 $1.000000000e+00, v21;
	v51 =	vcvt.s32.f32 v31;
	v28 =	vadd.f32 v28, v33  }
0x2a5: {  	v32 =	vld.idx.msk [tilespmem:v47+s17+$0x0], $0xffff;
	v52 =	vmin.u32 v49, $0x38;
	v49 =	vtrunc.f32 v16;
	v33 =	vadd.s32 v31, v46  }
0x2a6: {  	v40 =	vcvt.f32.s32 v49;
	v48 =	vor.u32 $0x2000, v33;
	v26 =	vadd.f32 v28, v26  }
0x2a7: {  	v23 =	vld.idx.msk [tilespmem:v23+s17+$0x0], $0xffff;
	v55 =	vsub.f32 v56, v51;
	v31 =	vmul.u32 $0x3A, v52;
	v50 =	vadd.s32 $0x203F, v33  }
0x2a8: {  	v54 =	vadd.s32 $0x2001, v33;
	v56 =	vadd.s32 $0x2040, v33;
	v25 =	vadd.f32 v26, v25  }
0x2a9: {  	v37 =	vand.u32 $0x7, v33;
	v30 =	vmul.f32 v30, v34;
	v61 =	vmul.f32 v53, v42  }
0x2aa: {  	v63 =	vmul.f32 v32, v43;
	v53 =	vadd.s32 $0x2FC0, v33;
	v19 =	vand.u32 $0x7FF8, v56;
	[tilespmem:s24+$0x18940] =	vst v25  }
0x2ab: {  	vm8 =	vgt.s32 v40, $0x0;
	v59 =	vsub.f32 $1.000000000e+00, v55;
	v58 =	vor.u32 v37, v19;
	v28 =	vld.idx.msk [tilespmem:v48+s17+$0x0], $0xffff  }
0x2ac: {  	v23 =	vmul.f32 v23, v24;
	v57 =	vadd.s32 $0x2F82, v33;
	v47 =	vmul.f32 v60, v55;
	v29 =	vld.idx.msk [tilespmem:v50+s17+$0x0], $0xffff  }
0x2ad: {  	v19 =	vcvt.s32.f32 v52;
	v30 =	vadd.f32 v61, v30;
	v36 =	vmul.f32 v60, v59  }
0x2ae: {  	v22 =	vadd.s32 v22, v31;
	v32 =	vmul.f32 v21, v59;
	v59 =	vmul.f32 $6.100000000e+01, v7;
	v62 =	vld.idx.msk [tilespmem:v54+s17+$0x0], $0xffff  }
0x2af: {  	v21 =	vmul.f32 v21, v55;
	v55 =	vnsel vm8, $0x0, v40;
	v27 =	vadd.f32 v63, v30  }
0x2b0: {  	v3 =	vsub.f32 v3, v19;
	v63 =	vtrunc.f32 v59;
	v48 =	vmul.f32 $5.800000000e+01, v8;
	v45 =	vld.idx.msk [tilespmem:v58+s17+$0x0], $0xffff  }
0x2b1: {  	v54 =	vadd.s32 $0x2F81, v33;
	v44 =	vmul.f32 v36, v28;
	v46 =	vmul.f32 v29, v32  }
0x2b2: {  	v33 =	vadd.s32 $0x2FC1, v33;
	v23 =	vadd.f32 v23, v27;
	v40 =	vcvt.f32.s32 v63  }
0x2b3: {  	v51 =	vtrunc.f32 v48;
	v50 =	vmul.f32 v62, v47;
	v20 =	vadd.f32 v46, v44  }
0x2b4: {  	v8 =	vmul.f32 $5.700000000e+01, v8;
	v58 =	vmin.u32 v55, $0x39;
	v52 =	vcvt.f32.s32 v51  }
0x2b5: {  	v28 =	vand.u32 $0x7FF8, v53;
	v26 =	vmul.f32 v45, v21;
	v20 =	vadd.f32 v50, v20  }
0x2b6: {  	v60 =	vcvt.s32.f32 v58;
	vm10 =	vgt.s32 v40, $0x0;
	v28 =	vor.u32 v37, v28  }
0x2b7: {  	v27 =	vnsel vm10, $0x0, v40;
	vm9 =	vgt.s32 v52, $0x0;
	v20 =	vadd.f32 v26, v20  }
0x2b8: {  	v16 =	vsub.f32 v16, v60;
	v27 =	vmin.u32 v27, $0x3C;
	v56 =	vnsel vm9, $0x0, v52  }
0x2b9: {  	v62 =	vmul.f32 $6.100000000e+01, v9;
	v51 =	vcvt.s32.f32 v27;
	v24 =	vmin.u32 v56, $0x39;
	[tilespmem:s24+$0x19140] =	vst v20  }
0x2ba: {  	v53 =	vadd.s32 $0xA31F, v22;
	v61 =	vcvt.s32.f32 v24;
	v24 =	vmul.u32 $0x3B, v24;
	v34 =	vld.idx.msk [tilespmem:v54+s17+$0x0], $0xffff  }
0x2bb: {  	v52 =	vadd.s32 $0xA2E5, v22;
	v41 =	vtrunc.f32 v62;
	v44 =	vmul.u32 $0x3E, v27;
	v28 =	vld.idx.msk [tilespmem:v28+s17+$0x0], $0xffff  }
0x2bc: {  	v56 =	vsub.f32 v59, v51;
	v42 =	vcvt.f32.s32 v41;
	v20 =	vadd.s32 v58, v24  }
0x2bd: {  	v50 =	vsub.f32 $1.000000000e+00, v16;
	v35 =	vsub.f32 v48, v61;
	v25 =	vld.idx.msk [tilespmem:v57+s17+$0x0], $0xffff;
	v26 =	vadd.s32 $0x87B3, v20  }
0x2be: {  	v60 =	vsub.f32 $1.000000000e+00, v56;
	vm11 =	vgt.s32 v42, $0x0;
	v33 =	vld.idx.msk [tilespmem:v33+s17+$0x0], $0xffff;
	v43 =	vadd.s32 $0x87EE, v20  }
0x2bf: {  	v61 =	vadd.s32 $0xA320, v22;
	v38 =	vsub.f32 $1.000000000e+00, v35;
	v24 =	vnsel vm11, $0x0, v42  }
0x2c0: {  	v45 =	vadd.s32 $0x87B4, v20;
	v34 =	vmul.f32 v34, v36;
	v28 =	vmul.f32 v28, v32  }
0x2c1: {  	[tilespmem:s24+$0x1C130] =	vst v23;
	v30 =	vmul.f32 v35, v50;
	v24 =	vmin.u32 v24, $0x3C;
	v46 =	vadd.s32 $0x87EF, v20  }
0x2c2: {  	v25 =	vmul.f32 v25, v47;
	v36 =	vadd.s32 v24, v44;
	v26 =	vld.idx.msk [tilespmem:v26+s17+$0x0], $0xffff;
	v28 =	vadd.f32 v28, v34  }
0x2c3: {  	v21 =	vmul.f32 v33, v21;
	v32 =	vld.idx.msk [tilespmem:v43+s17+$0x0], $0xffff;
	v47 =	vadd.s32 $0x3F40, v36;
	v48 =	vadd.s32 $0x3F02, v36  }
0x2c4: {  	v49 =	vand.u32 $0x7, v36;
	v25 =	vadd.f32 v25, v28;
	v28 =	vand.u32 $0x7FF8, v47  }
0x2c5: {  	v41 =	vmul.f32 v38, v50;
	v57 =	vadd.s32 $0xA2E6, v22;
	v29 =	vld.idx.msk [tilespmem:v45+s17+$0x0], $0xffff;
	v28 =	vor.u32 v49, v28  }
0x2c6: {  	v38 =	vmul.f32 v38, v16;
	v22 =	vand.u32 $0x7, v22;
	v21 =	vadd.f32 v21, v25  }
0x2c7: {  	v16 =	vmul.f32 v35, v16;
	v24 =	vcvt.s32.f32 v24;
	v54 =	vadd.s32 $0x3F03, v36;
	v34 =	vld.idx.msk [tilespmem:v46+s17+$0x0], $0xffff  }
0x2c8: {  	v63 =	vadd.s32 $0x9587, v20;
	v26 =	vmul.f32 v26, v41;
	v32 =	vmul.f32 v32, v30;
	[tilespmem:s24+$0x19940] =	vst v21  }
0x2c9: {  	v50 =	vsub.f32 $1.000000000e+00, v3;
	v58 =	vadd.s32 $0x3F41, v36;
	v55 =	vsub.f32 v62, v24;
	v23 =	vld.idx.msk [tilespmem:v48+s17+$0x0], $0xffff  }
0x2ca: {  	v43 =	vand.u32 $0xFFF8, v61;
	v29 =	vmul.f32 v29, v38;
	v26 =	vadd.f32 v32, v26;
	v28 =	vld.idx.msk [tilespmem:v28+s17+$0x0], $0xffff  }
0x2cb: {  	v61 =	vadd.s32 $0x9588, v20;
	v22 =	vor.u32 v22, v43;
	v59 =	vsub.f32 $1.000000000e+00, v55  }
0x2cc: {  	v62 =	vadd.s32 $0x954C, v20;
	v34 =	vmul.f32 v34, v16;
	v40 =	vld.idx.msk [tilespmem:v54+s17+$0x0], $0xffff;
	v26 =	vadd.f32 v29, v26  }
0x2cd: {  	v35 =	vld.idx.msk [tilespmem:v1+s24+$0xFFFFF7E0 ss:$0x1], $0xffff;
	v43 =	vadd.s32 $0x954D, v20;
	v44 =	vmul.f32 v60, v59;
	v32 =	vmul.f32 v56, v59  }
0x2ce: {  	[tilespmem:s24+$0x1D120] =	vst v39;
	v17 =	vand.u32 $0xBFF8, v61;
	v31 =	vld.idx.msk [tilespmem:v58+s17+$0x0], $0xffff;
	v29 =	vmul.f32 v60, v55;
	v42 =	vadd.f32 v34, v26  }
0x2cf: {  	v46 =	vadd.s32 $0x4E06, v36;
	v25 =	vld.idx.msk [tilespmem:v57+s17+$0x0], $0xffff;
	v23 =	vmul.f32 v23, v44;
	v28 =	vmul.f32 v28, v32  }
0x2d0: {  	v49 =	vadd.s32 $0x4E44, v36;
	v47 =	vld.idx.msk [tilespmem:v22+s17+$0x0], $0xffff;
	v21 =	vmul.f32 v56, v55;
	v56 =	vmul.f32 v50, v18;
	[tilespmem:s24+$0x1C930] =	vst v42  }
0x2d1: {  	v48 =	vsub.f32 $1.000000000e+00, v18;
	v39 =	vmul.f32 v40, v29;
	v51 =	vld.idx.msk [tilespmem:v62+s17+$0x0], $0xffff;
	v23 =	vadd.f32 v28, v23  }
0x2d2: {  	v55 =	vadd.s32 $0x4E45, v36;
	v18 =	vmul.f32 v3, v18;
	v60 =	vmul.f32 $6.000000000e+01, v7  }
0x2d3: {  	v27 =	vld.idx.msk [tilespmem:v52+s17+$0x0], $0xffff;
	v54 =	vmul.f32 v50, v48;
	v45 =	vmul.f32 v31, v21;
	v23 =	vadd.f32 v39, v23  }
0x2d4: {  	v22 =	vmul.f32 v3, v48;
	v3 =	vadd.f32 v4, v2;
	v10 =	vmul.f32 v25, v56;
	v40 =	vld.idx.msk [tilespmem:v53+s17+$0x0], $0xffff  }
0x2d5: {  	v6 =	vmul.f32 v47, v18;
	v52 =	vld.idx.msk [tilespmem:v63+s17+$0x0], $0xffff;
	v53 =	vadd.s32 $0x4E07, v36;
	v23 =	vadd.f32 v45, v23  }
0x2d6: {  	v34 =	vtrunc.f32 v60;
	v26 =	vld.idx.msk [tilespmem:v43+s17+$0x0], $0xffff;
	v14 =	vmul.f32 v51, v41;
	v41 =	vadd.f32 $1.500000060e-01, v35  }
0x2d7: {  	v33 =	vld.idx.msk [tilespmem:v1+s24+$0xFFFFFFE0 ss:$0x1], $0xffff;
	v18 =	vand.u32 $0x7, v20;
	v37 =	vcvt.f32.s32 v34;
	v63 =	vmul.f32 $6.000000000e+01, v9;
	[tilespmem:s24+$0x1A140] =	vst v23  }
0x2d8: {  	v2 =	vadd.f32 v11, v13;
	v17 =	vor.u32 v18, v17;
	v45 =	vmul.f32 v41, v0;
	v31 =	vld.idx.msk [tilespmem:v46+s17+$0x0], $0xffff  }
0x2d9: {  	v27 =	vmul.f32 v27, v54;
	vm12 =	vgt.s32 v37, $0x0;
	v36 =	vtrunc.f32 v63;
	v57 =	vld.idx.msk [tilespmem:v49+s17+$0x0], $0xffff  }
0x2da: {  	v20 =	vcvt.f32.s32 v36;
	v19 =	vmul.f32 v40, v22;
	v24 =	vmax.f32 v45, $0.0e+00;
	v58 =	vld.idx.msk [tilespmem:v53+s17+$0x0], $0xffff  }
0x2db: {  	v15 =	vmul.f32 v52, v30;
	v13 =	vmul.f32 v26, v38;
	v59 =	vld.idx.msk [tilespmem:v55+s17+$0x0], $0xffff;
	v5 =	vmin.f32 v24, $1.000000000e+00  }
0x2dc: {  	v39 =	vnsel vm12, $0x0, v37;
	vm13 =	vgt.s32 v20, $0x0;
	v49 =	vmul.f32 $6.300000000e+01, v5  }
0x2dd: {  	v40 =	vadd.f32 $1.500000060e-01, v33;
	v20 =	vnsel vm13, $0x0, v20;
	v11 =	vadd.f32 v19, v27  }
0x2de: {  	v14 =	vadd.f32 v15, v14;
	v53 =	vtrunc.f32 v49;
	v62 =	vmul.f32 v31, v44  }
0x2df: {  	v20 =	vmin.u32 v20, $0x3B;
	v22 =	vmul.f32 v57, v32;
	v4 =	vmul.f32 v58, v29  }
0x2e0: {  	v13 =	vadd.f32 v13, v14;
	v19 =	vmul.f32 v59, v21;
	v44 =	vcvt.s32.f32 v20  }
0x2e1: {  	v21 =	vmin.u32 v39, $0x3B;
	v29 =	vcvt.f32.s32 v53;
	v59 =	vmul.f32 $5.900000000e+01, v7  }
0x2e2: {  	v42 =	vmul.u32 $0x3D, v21;
	v21 =	vcvt.s32.f32 v21;
	v38 =	vadd.f32 v22, v62  }
0x2e3: {  	v22 =	vmul.f32 v40, v0;
	v25 =	vsub.f32 v63, v44;
	vm15 =	vgt.s32 v29, $0x0  }
0x2e4: {  	v62 =	vtrunc.f32 v59;
	v63 =	vmul.f32 $5.900000000e+01, v9;
	v20 =	vadd.s32 v20, v42  }
0x2e5: {  	v21 =	vsub.f32 v60, v21;
	v29 =	vnsel vm15, $0x0, v29;
	v33 =	vcvt.f32.s32 v62  }
0x2e6: {  	v43 =	vadd.f32 v4, v38;
	v46 =	vmax.f32 v22, $0.0e+00;
	v47 =	vadd.s32 $0x5D0A, v20  }
0x2e7: {  	v26 =	vadd.s32 $0x5D47, v20;
	v50 =	vadd.s32 $0x5D0B, v20;
	v52 =	vadd.s32 $0x5D48, v20  }
0x2e8: {  	v20 =	vand.u32 $0x7, v20;
	v4 =	vmin.f32 v46, $1.000000000e+00;
	v19 =	vadd.f32 v19, v43  }
0x2e9: {  	v54 =	vsub.f32 $1.000000000e+00, v25;
	v29 =	vmin.u32 v29, $0x3E;
	v48 =	vmul.f32 $6.300000000e+01, v4  }
0x2ea: {  	v17 =	vld.idx.msk [tilespmem:v17+s17+$0x0], $0xffff;
	v40 =	vtrunc.f32 v63;
	v55 =	vsub.f32 $1.000000000e+00, v21;
	v39 =	vcvt.s32.f32 v29;
	[tilespmem:s24+$0x1A940] =	vst v19  }
0x2eb: {  	v34 =	vand.u32 $0x7, v29;
	v42 =	vcvt.f32.s32 v40;
	v51 =	vtrunc.f32 v48;
	v22 =	vld.idx.msk [tilespmem:v47+s17+$0x0], $0xffff  }
0x2ec: {  	vm4 =	vgt.s32 v33, $0x0;
	v30 =	vmul.f32 v21, v54;
	v28 =	vcvt.f32.s32 v51;
	v26 =	vld.idx.msk [tilespmem:v26+s17+$0x0], $0xffff  }
0x2ed: {  	v43 =	vnsel vm4, $0x0, v33;
	v21 =	vmul.f32 v21, v25;
	v57 =	vmul.f32 v55, v54  }
0x2ee: {  	v60 =	vmul.f32 v55, v25;
	v19 =	vand.u32 $0x7FF8, v52;
	v23 =	vld.idx.msk [tilespmem:v50+s17+$0x0], $0xffff;
	vm14 =	vgt.s32 v28, $0x0  }
0x2ef: {  	vm5 =	vgt.s32 v42, $0x0;
	v19 =	vor.u32 v20, v19;
	v56 =	vnsel vm14, $0x0, v28  }
0x2f0: {  	v24 =	vmin.u32 v43, $0x3A;
	v43 =	vmul.f32 v17, v16;
	v20 =	vmin.u32 v56, $0x3E  }
0x2f1: {  	v58 =	vshll.u32 v20, $0x6;
	v22 =	vmul.f32 v22, v57;
	v26 =	vmul.f32 v26, v30  }
0x2f2: {  	v13 =	vadd.f32 v43, v13;
	v20 =	vcvt.s32.f32 v20;
	v32 =	vor.u32 v29, v58  }
0x2f3: {  	v23 =	vmul.f32 v23, v60;
	v61 =	vadd.s32 $0x40, v32;
	v22 =	vadd.f32 v26, v22  }
0x2f4: {  	v19 =	vld.idx.msk [tilespmem:v19+s17+$0x0], $0xffff;
	v41 =	vadd.s32 $0x1, v32;
	v26 =	vsub.f32 v49, v39;
	v31 =	vand.u32 $0x1FF8, v61  }
0x2f5: {  	v20 =	vsub.f32 v48, v20;
	v46 =	vadd.s32 $0x41, v32;
	v31 =	vor.u32 v34, v31  }
0x2f6: {  	v49 =	vmul.u32 $0x3C, v24;
	v24 =	vcvt.s32.f32 v24;
	v56 =	vand.u32 $0xFF8, v32  }
0x2f7: {  	v58 =	vor.u32 v56, v34;
	v47 =	vsub.f32 $1.000000000e+00, v26;
	v48 =	vsub.f32 $1.000000000e+00, v20  }
0x2f8: {  	v22 =	vadd.f32 v23, v22;
	v23 =	vnsel vm5, $0x0, v42;
	v24 =	vsub.f32 v59, v24  }
0x2f9: {  	v19 =	vmul.f32 v19, v21;
	v50 =	vmin.u32 v23, $0x3A;
	v44 =	vld.idx.msk [tilespmem:v32+s17+$0x0], $0xffff;
	v37 =	vmul.f32 v48, v47  }
0x2fa: {  	v59 =	vadd.s32 $0x1040, v32;
	v23 =	vmul.f32 v20, v47;
	v51 =	vcvt.s32.f32 v50;
	v45 =	vld.idx.msk [tilespmem:v31+s17+$0x0], $0xffff  }
0x2fb: {  	v21 =	vadd.s32 v50, v49;
	v36 =	vmul.f32 v48, v26;
	v20 =	vmul.f32 v20, v26  }
0x2fc: {  	v26 =	vand.u32 $0x3FF8, v59;
	v62 =	vsub.f32 $1.000000000e+00, v24;
	v47 =	vmul.f32 $6.200000000e+01, v4;
	v30 =	vld.idx.msk [tilespmem:v41+s17+$0x0], $0xffff  }
0x2fd: {  	v48 =	vmul.f32 $6.200000000e+01, v5;
	v53 =	vadd.s32 $0x6B93, v21;
	v19 =	vadd.f32 v19, v22;
	v31 =	vld.idx.msk [tilespmem:v46+s17+$0x0], $0xffff  }
0x2fe: {  	v54 =	vadd.s32 $0x6BCF, v21;
	v26 =	vor.u32 v34, v26;
	v38 =	vand.u32 $0x7, v21  }
0x2ff: {  	v59 =	vadd.s32 $0x79A3, v21;
	v52 =	vmul.f32 v37, v44;
	v29 =	vmul.f32 v23, v45  }
0x300: {  	v22 =	vsub.f32 v63, v51;
	v49 =	vtrunc.f32 v47;
	v46 =	vadd.s32 $0x1001, v32  }
0x301: {  	v51 =	vcvt.f32.s32 v49;
	v55 =	vmul.f32 v36, v30;
	v25 =	vadd.f32 v52, v29  }
0x302: {  	v61 =	vsub.f32 $1.000000000e+00, v22;
	v44 =	vadd.s32 $0x6B94, v21;
	v60 =	vmul.f32 v20, v31  }
0x303: {  	[tilespmem:s24+$0x1B140] =	vst v19;
	v45 =	vadd.s32 $0x6BD0, v21;
	v57 =	vadd.f32 v25, v55;
	v25 =	vor.u32 $0x1000, v58  }
0x304: {  	v27 =	vld.idx.msk [tilespmem:v53+s17+$0x0], $0xffff;
	v34 =	vmul.f32 v62, v61;
	v53 =	vtrunc.f32 v48;
	v28 =	vand.u32 $0xFFF8, v45  }
0x305: {  	v63 =	vld.idx.msk [tilespmem:v54+s17+$0x0], $0xffff;
	v30 =	vmul.f32 v62, v22;
	v28 =	vor.u32 v38, v28;
	v19 =	vadd.f32 v57, v60  }
0x306: {  	v32 =	vadd.s32 $0x1041, v32;
	v22 =	vmul.f32 v24, v22;
	v54 =	vcvt.f32.s32 v53  }
0x307: {  	vm6 =	vgt.s32 v51, $0x0;
	v53 =	vmul.f32 $5.800000000e+01, v7;
	v29 =	vmul.f32 v24, v61;
	v50 =	vld.idx.msk [tilespmem:v44+s17+$0x0], $0xffff;
	[tilespmem:s24+$0x18150] =	vst v19  }
0x308: {  	v33 =	vnsel vm6, $0x0, v51;
	v52 =	vtrunc.f32 v12;
	v44 =	vtrunc.f32 v8;
	v25 =	vld.idx.msk [tilespmem:v25+s17+$0x0], $0xffff  }
0x309: {  	v62 =	vadd.s32 $0x79DF, v21;
	v27 =	vmul.f32 v27, v34;
	v15 =	vcvt.f32.s32 v52;
	v26 =	vld.idx.msk [tilespmem:v26+s17+$0x0], $0xffff  }
0x30a: {  	v16 =	vcvt.f32.s32 v44;
	v31 =	vmul.f32 v63, v29;
	v55 =	vmin.u32 v33, $0x3D;
	v28 =	vld.idx.msk [tilespmem:v28+s17+$0x0], $0xffff  }
0x30b: {  	vm7 =	vgt.s32 v54, $0x0;
	v33 =	vmul.u32 $0x3F, v55;
	vm8 =	vgt.s32 v15, $0x0;
	v35 =	vld.idx.msk [tilespmem:v46+s17+$0x0], $0xffff  }
0x30c: {  	vm9 =	vgt.s32 v16, $0x0;
	v27 =	vadd.f32 v31, v27;
	v31 =	vnsel vm7, $0x0, v54  }
0x30d: {  	v15 =	vnsel vm8, $0x0, v15;
	v16 =	vnsel vm9, $0x0, v16;
	v18 =	vmul.f32 v50, v30;
	v32 =	vld.idx.msk [tilespmem:v32+s17+$0x0], $0xffff  }
0x30e: {  	v31 =	vmin.u32 v31, $0x3D;
	v25 =	vmul.f32 v37, v25;
	v23 =	vmul.f32 v23, v26  }
0x30f: {  	v15 =	vmin.u32 v15, $0x38;
	v24 =	vadd.s32 v31, v33;
	v18 =	vadd.f32 v18, v27  }
0x310: {  	v58 =	vmul.f32 v28, v22;
	v56 =	vmul.f32 v36, v35;
	v23 =	vadd.f32 v25, v23  }
0x311: {  	v14 =	vmin.u32 v16, $0x38;
	v61 =	vcvt.s32.f32 v31;
	v57 =	vor.u32 $0x2000, v24  }
0x312: {  	v20 =	vmul.f32 v20, v32;
	v18 =	vadd.f32 v58, v18;
	v23 =	vadd.f32 v23, v56  }
0x313: {  	v16 =	vcvt.s32.f32 v15;
	v60 =	vadd.s32 $0x203F, v24;
	v63 =	vadd.s32 $0x2001, v24  }
0x314: {  	v39 =	vand.u32 $0x7, v24;
	v26 =	vcvt.s32.f32 v55;
	[tilespmem:s24+$0x1B940] =	vst v18;
	v20 =	vadd.f32 v23, v20  }
0x315: {  	v36 =	vsub.f32 v48, v61;
	v37 =	vadd.s32 $0x2040, v24;
	v48 =	vadd.s32 $0x79A4, v21;
	v45 =	vld.idx.msk [tilespmem:v59+s17+$0x0], $0xffff  }
0x316: {  	v58 =	vmul.f32 $6.100000000e+01, v4;
	v19 =	vsub.f32 v47, v26;
	v27 =	vld.idx.msk [tilespmem:v62+s17+$0x0], $0xffff;
	v23 =	vand.u32 $0x7FF8, v37;
	[tilespmem:s24+$0x18950] =	vst v20  }
0x317: {  	v51 =	vadd.s32 $0x2FC0, v24;
	v41 =	vsub.f32 $1.000000000e+00, v36;
	v23 =	vor.u32 v39, v23;
	v25 =	vld.idx.msk [tilespmem:v57+s17+$0x0], $0xffff  }
0x318: {  	v52 =	vadd.s32 $0x2F81, v24;
	v61 =	vtrunc.f32 v58;
	v42 =	vsub.f32 $1.000000000e+00, v19;
	v40 =	vld.idx.msk [tilespmem:v60+s17+$0x0], $0xffff  }
0x319: {  	v21 =	vadd.s32 $0x79E0, v21;
	v32 =	vmul.f32 v19, v41;
	v19 =	vmul.f32 v19, v36  }
0x31a: {  	v21 =	vand.u32 $0xFFF8, v21;
	v47 =	vmul.f32 v42, v41;
	v33 =	vmul.f32 v42, v36;
	v46 =	vld.idx.msk [tilespmem:v63+s17+$0x0], $0xffff  }
0x31b: {  	v21 =	vor.u32 v38, v21;
	v50 =	vld.idx.msk [tilespmem:v48+s17+$0x0], $0xffff;
	v17 =	vmul.f32 v45, v34;
	v27 =	vmul.f32 v27, v29  }
0x31c: {  	v12 =	vsub.f32 v12, v16;
	v20 =	vmul.f32 $5.800000000e+01, v9;
	v34 =	vcvt.f32.s32 v61;
	v23 =	vld.idx.msk [tilespmem:v23+s17+$0x0], $0xffff  }
0x31d: {  	v56 =	vadd.s32 $0x2F82, v24;
	v25 =	vmul.f32 v47, v25;
	v18 =	vmul.f32 v40, v32  }
0x31e: {  	v24 =	vadd.s32 $0x2FC1, v24;
	v57 =	vtrunc.f32 v53;
	v60 =	vmul.f32 $6.100000000e+01, v5  }
0x31f: {  	v54 =	vtrunc.f32 v20;
	v49 =	vmul.f32 v46, v33;
	v18 =	vadd.f32 v18, v25  }
0x320: {  	v21 =	vld.idx.msk [tilespmem:v21+s17+$0x0], $0xffff;
	v17 =	vadd.f32 v27, v17;
	v55 =	vmul.f32 v50, v30;
	v59 =	vcvt.f32.s32 v57  }
0x321: {  	v25 =	vand.u32 $0x7FF8, v51;
	v23 =	vmul.f32 v23, v19;
	v18 =	vadd.f32 v49, v18  }
0x322: {  	vm12 =	vgt.s32 v34, $0x0;
	v50 =	vmul.u32 $0x3A, v14;
	v25 =	vor.u32 v39, v25  }
0x323: {  	v14 =	vcvt.s32.f32 v14;
	v62 =	vtrunc.f32 v60;
	v18 =	vadd.f32 v23, v18  }
0x324: {  	v27 =	vcvt.f32.s32 v54;
	v37 =	vnsel vm12, $0x0, v34;
	v35 =	vcvt.f32.s32 v62  }
0x325: {  	v17 =	vadd.f32 v55, v17;
	vm11 =	vgt.s32 v59, $0x0;
	v21 =	vmul.f32 v21, v22;
	[tilespmem:s24+$0x19150] =	vst v18  }
0x326: {  	v31 =	vmin.u32 v37, $0x3C;
	vm10 =	vgt.s32 v27, $0x0;
	vm13 =	vgt.s32 v35, $0x0;
	v29 =	vld.idx.msk [tilespmem:v52+s17+$0x0], $0xffff  }
0x327: {  	v27 =	vnsel vm10, $0x0, v27;
	v17 =	vadd.f32 v21, v17;
	v38 =	vnsel vm13, $0x0, v35;
	v25 =	vld.idx.msk [tilespmem:v25+s17+$0x0], $0xffff  }
0x328: {  	v27 =	vmin.u32 v27, $0x39;
	v40 =	vmin.u32 v38, $0x3C;
	v23 =	vnsel vm11, $0x0, v59;
	v28 =	vld.idx.msk [tilespmem:v56+s17+$0x0], $0xffff  }
0x329: {  	v48 =	vcvt.s32.f32 v27;
	v46 =	vcvt.s32.f32 v40;
	v23 =	vmin.u32 v23, $0x39;
	v24 =	vld.idx.msk [tilespmem:v24+s17+$0x0], $0xffff  }
0x32a: {  	v8 =	vsub.f32 v8, v14;
	v38 =	vsub.f32 $1.000000000e+00, v12;
	v63 =	vmul.u32 $0x3B, v23  }
0x32b: {  	[tilespmem:s24+$0x1C140] =	vst v17;
	v39 =	vmul.u32 $0x3E, v31;
	v17 =	vsub.f32 v20, v48;
	v51 =	vsub.f32 v60, v46  }
0x32c: {  	v23 =	vcvt.s32.f32 v23;
	v25 =	vmul.f32 v25, v32;
	v32 =	vadd.s32 v27, v63  }
0x32d: {  	v29 =	vmul.f32 v29, v47;
	v28 =	vmul.f32 v28, v33;
	v41 =	vadd.s32 $0x87B3, v32  }
0x32e: {  	v33 =	vadd.s32 v40, v39;
	v19 =	vmul.f32 v24, v19;
	v45 =	vadd.s32 $0x87EE, v32  }
0x32f: {  	v47 =	vcvt.s32.f32 v31;
	v55 =	vadd.s32 $0x87B4, v32;
	v25 =	vadd.f32 v25, v29  }
0x330: {  	v42 =	vadd.s32 $0x3F40, v33;
	v43 =	vadd.s32 $0x3F02, v33;
	v59 =	vadd.s32 $0x87EF, v32  }
0x331: {  	v44 =	vand.u32 $0x7, v33;
	v24 =	vand.u32 $0x7FF8, v42;
	v25 =	vadd.f32 v28, v25  }
0x332: {  	v57 =	vsub.f32 $1.000000000e+00, v17;
	v52 =	vsub.f32 v53, v23;
	v24 =	vor.u32 v44, v24;
	v22 =	vld.idx.msk [tilespmem:v41+s17+$0x0], $0xffff  }
0x333: {  	v49 =	vadd.s32 $0x3F03, v33;
	v18 =	vsub.f32 v58, v47;
	v19 =	vadd.f32 v19, v25;
	v21 =	vld.idx.msk [tilespmem:v45+s17+$0x0], $0xffff  }
0x334: {  	v15 =	vadd.s32 v15, v50;
	v56 =	vsub.f32 $1.000000000e+00, v51;
	v58 =	vsub.f32 $1.000000000e+00, v52;
	v63 =	vld.idx.msk [tilespmem:v55+s17+$0x0], $0xffff  }
0x335: {  	v50 =	vmul.f32 v8, v38;
	v30 =	vmul.f32 v52, v57;
	v29 =	vsub.f32 $1.000000000e+00, v18;
	v40 =	vld.idx.msk [tilespmem:v59+s17+$0x0], $0xffff;
	[tilespmem:s24+$0x19950] =	vst v19  }
0x336: {  	v37 =	vmul.f32 v58, v57;
	v28 =	vmul.f32 v18, v56;
	v53 =	vld.idx.msk [tilespmem:v43+s17+$0x0], $0xffff  }
0x337: {  	v54 =	vadd.s32 $0x3F41, v33;
	v60 =	vmul.f32 v29, v56;
	v25 =	vmul.f32 v29, v51;
	v24 =	vld.idx.msk [tilespmem:v24+s17+$0x0], $0xffff  }
0x338: {  	v61 =	vadd.s32 $0xA2E5, v15;
	v29 =	vmul.f32 v58, v17;
	v17 =	vmul.f32 v52, v17;
	v27 =	vld.idx.msk [tilespmem:v49+s17+$0x0], $0xffff  }
0x339: {  	v46 =	vadd.s32 $0xA31F, v15;
	v39 =	vmul.f32 v22, v37;
	v21 =	vmul.f32 v21, v30  }
0x33a: {  	v57 =	vadd.s32 $0x954D, v32;
	v52 =	vadd.s32 $0x954C, v32;
	v55 =	vadd.s32 $0x9587, v32  }
0x33b: {  	[tilespmem:s24+$0x1D130] =	vst v13;
	v14 =	vmul.f32 v63, v29;
	v22 =	vmul.f32 v40, v17;
	v13 =	vadd.f32 v21, v39  }
0x33c: {  	v56 =	vadd.s32 $0x9588, v32;
	v62 =	vld.idx.msk [tilespmem:v54+s17+$0x0], $0xffff;
	v23 =	vmul.f32 v53, v60;
	v24 =	vmul.f32 v24, v28  }
0x33d: {  	v41 =	vmul.f32 v27, v25;
	v27 =	vsub.f32 $1.000000000e+00, v8;
	v14 =	vadd.f32 v14, v13  }
0x33e: {  	v32 =	vand.u32 $0x7, v32;
	v19 =	vmul.f32 v18, v51;
	v23 =	vadd.f32 v24, v23  }
0x33f: {  	v47 =	vmul.f32 v27, v38;
	v38 =	vand.u32 $0xBFF8, v56;
	v14 =	vadd.f32 v22, v14  }
0x340: {  	v42 =	vld.idx.msk [tilespmem:v61+s17+$0x0], $0xffff;
	v59 =	vor.u32 v32, v38  }
0x341: {  	v44 =	vadd.s32 $0x4E06, v33;
	v16 =	vmul.f32 v62, v19;
	v24 =	vld.idx.msk [tilespmem:v46+s17+$0x0], $0xffff;
	v43 =	vadd.f32 v41, v23;
	[tilespmem:s24+$0x1C940] =	vst v14  }
0x342: {  	v45 =	vadd.s32 $0x4E44, v33;
	v23 =	vld.idx.msk [tilespmem:v52+s17+$0x0], $0xffff  }
0x343: {  	v48 =	vadd.s32 $0x4E07, v33;
	v49 =	vmul.f32 $6.000000000e+01, v4;
	v21 =	vadd.f32 v16, v43;
	v63 =	vld.idx.msk [tilespmem:v55+s17+$0x0], $0xffff  }
0x344: {  	v51 =	vadd.s32 $0x4E45, v33;
	v53 =	vmul.f32 $6.000000000e+01, v5;
	v36 =	vld.idx.msk [tilespmem:v57+s17+$0x0], $0xffff  }
0x345: {  	v54 =	vtrunc.f32 v49;
	[tilespmem:s24+$0x1A150] =	vst v21;
	v14 =	vld.idx.msk [tilespmem:v59+s17+$0x0], $0xffff  }
0x346: {  	v33 =	vcvt.f32.s32 v54;
	v58 =	vtrunc.f32 v53;
	v21 =	vld.idx.msk [tilespmem:v44+s17+$0x0], $0xffff  }
0x347: {  	v40 =	vcvt.f32.s32 v58;
	v20 =	vld.idx.msk [tilespmem:v45+s17+$0x0], $0xffff  }
0x348: {  	vm14 =	vgt.s32 v33, $0x0;
	v34 =	vld.idx.msk [tilespmem:v48+s17+$0x0], $0xffff  }
0x349: {  	v13 =	vadd.s32 $0xA2E6, v15;
	vm15 =	vgt.s32 v40, $0x0;
	v16 =	vmul.f32 v42, v47;
	v22 =	vld.idx.msk [tilespmem:v51+s17+$0x0], $0xffff  }
0x34a: {  	v62 =	vnsel vm15, $0x0, v40;
	v40 =	vadd.s32 $0xA320, v15;
	v18 =	vmul.f32 v24, v50;
	v44 =	vld.idx.msk [tilespmem:v1+s24+$0xFFFFF7F0 ss:$0x1], $0xffff  }
0x34b: {  	v15 =	vand.u32 $0x7, v15;
	v23 =	vmul.f32 v23, v37;
	v30 =	vmul.f32 v63, v30  }
0x34c: {  	v24 =	vmin.u32 v62, $0x3B;
	v29 =	vmul.f32 v36, v29;
	v63 =	vmul.f32 $5.900000000e+01, v4  }
0x34d: {  	v14 =	vmul.f32 v14, v17;
	v23 =	vadd.f32 v30, v23;
	v21 =	vmul.f32 v21, v60  }
0x34e: {  	v41 =	vld.idx.msk [tilespmem:v1+s24+$0xFFFFFFF0 ss:$0x1], $0xffff;
	v60 =	vnsel vm14, $0x0, v33;
	v20 =	vmul.f32 v20, v28;
	v25 =	vmul.f32 v34, v25  }
0x34f: {  	v19 =	vmul.f32 v22, v19;
	v51 =	vadd.f32 $1.500000060e-01, v44;
	v61 =	vmin.u32 v60, $0x3B  }
0x350: {  	v32 =	vmul.u32 $0x3D, v61;
	v35 =	vadd.f32 v20, v21;
	v21 =	vmul.f32 v27, v12  }
0x351: {  	v23 =	vadd.f32 v29, v23;
	v20 =	vmul.f32 v8, v12;
	v42 =	vcvt.s32.f32 v61  }
0x352: {  	v12 =	vmul.f32 $5.700000000e+01, v9;
	v38 =	vadd.s32 v24, v32;
	v25 =	vadd.f32 v25, v35  }
0x353: {  	v24 =	vcvt.s32.f32 v24;
	v32 =	vadd.f32 $1.500000060e-01, v41;
	v41 =	vmul.f32 $5.900000000e+01, v5  }
0x354: {  	v39 =	vadd.s32 $0x5D0A, v38;
	v43 =	vadd.s32 $0x5D47, v38;
	v45 =	vadd.s32 $0x5D0B, v38  }
0x355: {  	v46 =	vadd.s32 $0x5D48, v38;
	v19 =	vadd.f32 v19, v25;
	v24 =	vsub.f32 v53, v24  }
0x356: {  	v25 =	vsub.f32 v49, v42;
	v8 =	vand.u32 $0x7FF8, v46;
	v32 =	vmul.f32 v32, v0  }
0x357: {  	v49 =	vand.u32 $0x7, v38;
	v53 =	vtrunc.f32 v12;
	v42 =	vtrunc.f32 v63  }
0x358: {  	v44 =	vtrunc.f32 v41;
	v22 =	vor.u32 v49, v8;
	v8 =	vmul.f32 v51, v0  }
0x359: {  	v27 =	vand.u32 $0xFFF8, v40;
	v28 =	vcvt.f32.s32 v53;
	v29 =	vcvt.f32.s32 v42  }
0x35a: {  	[tilespmem:s24+$0x1A950] =	vst v19;
	v48 =	vsub.f32 $1.000000000e+00, v24;
	v31 =	vsub.f32 $1.000000000e+00, v25;
	v54 =	vmax.f32 v32, $0.0e+00  }
0x35b: {  	v55 =	vmax.f32 v8, $0.0e+00;
	v8 =	vmin.f32 v54, $1.000000000e+00;
	vm6 =	vgt.s32 v29, $0x0;
	v47 =	vld.idx.msk [tilespmem:v39+s17+$0x0], $0xffff  }
0x35c: {  	vm8 =	vgt.s32 v28, $0x0;
	v50 =	vld.idx.msk [tilespmem:v43+s17+$0x0], $0xffff;
	v52 =	vmul.f32 v31, v48;
	v19 =	vmul.f32 v25, v48  }
0x35d: {  	v26 =	vld.idx.msk [tilespmem:v45+s17+$0x0], $0xffff;
	v31 =	vmul.f32 v31, v24;
	v9 =	vmin.f32 v55, $1.000000000e+00;
	v57 =	vmul.f32 $6.300000000e+01, v8  }
0x35e: {  	v45 =	vcvt.f32.s32 v44;
	v29 =	vnsel vm6, $0x0, v29;
	v59 =	vmul.f32 $6.300000000e+01, v9  }
0x35f: {  	v24 =	vmul.f32 v25, v24;
	v29 =	vmin.u32 v29, $0x3A;
	v22 =	vld.idx.msk [tilespmem:v22+s17+$0x0], $0xffff;
	v60 =	vtrunc.f32 v57  }
0x360: {  	vm7 =	vgt.s32 v45, $0x0;
	v61 =	vtrunc.f32 v59;
	v25 =	vcvt.f32.s32 v60  }
0x361: {  	v17 =	vmul.f32 v47, v52;
	v56 =	vmul.f32 v50, v19;
	v19 =	vor.u32 v15, v27  }
0x362: {  	v58 =	vmul.f32 v26, v31;
	v27 =	vcvt.f32.s32 v61;
	vm4 =	vgt.s32 v25, $0x0  }
0x363: {  	v47 =	vmul.u32 $0x3C, v29;
	v29 =	vcvt.s32.f32 v29;
	v40 =	vnsel vm4, $0x0, v25  }
0x364: {  	v17 =	vadd.f32 v56, v17;
	v62 =	vmul.f32 v22, v24;
	vm5 =	vgt.s32 v27, $0x0  }
0x365: {  	v24 =	vmin.u32 v40, $0x3E;
	v54 =	vsub.f32 v63, v29;
	v22 =	vadd.f32 v14, v23  }
0x366: {  	v27 =	vnsel vm5, $0x0, v27;
	v43 =	vshll.u32 v24, $0x6;
	v24 =	vcvt.s32.f32 v24  }
0x367: {  	v15 =	vadd.f32 v58, v17;
	v27 =	vmin.u32 v27, $0x3E;
	v17 =	vnsel vm7, $0x0, v45  }
0x368: {  	v61 =	vsub.f32 $1.000000000e+00, v54;
	v30 =	vor.u32 v27, v43;
	v33 =	vand.u32 $0x7, v27  }
0x369: {  	v27 =	vcvt.s32.f32 v27;
	v17 =	vmin.u32 v17, $0x3A;
	v46 =	vadd.s32 $0x40, v30  }
0x36a: {  	v24 =	vsub.f32 v57, v24;
	v15 =	vadd.f32 v62, v15;
	v31 =	vand.u32 $0x1FF8, v46  }
0x36b: {  	v48 =	vadd.s32 $0x1, v30;
	v49 =	vcvt.s32.f32 v17;
	v31 =	vor.u32 v33, v31  }
0x36c: {  	v17 =	vadd.s32 v17, v47;
	v51 =	vadd.s32 $0x41, v30;
	v47 =	vadd.s32 $0x1040, v30  }
0x36d: {  	v26 =	vsub.f32 v59, v27;
	v53 =	vsub.f32 $1.000000000e+00, v24;
	v55 =	vadd.s32 $0x6B93, v17  }
0x36e: {  	v56 =	vadd.s32 $0x6BCF, v17;
	v57 =	vadd.s32 $0x6BD0, v17;
	v58 =	vadd.s32 $0x6B94, v17  }
0x36f: {  	v42 =	vand.u32 $0x7, v17;
	v46 =	vand.u32 $0xFF8, v30;
	v25 =	vsub.f32 v41, v49;
	v50 =	vld.idx.msk [tilespmem:v30+s17+$0x0], $0xffff  }
0x370: {  	v59 =	vand.u32 $0xFFF8, v57;
	v41 =	vmul.f32 $5.700000000e+01, v7;
	v52 =	vsub.f32 $1.000000000e+00, v26;
	v31 =	vld.idx.msk [tilespmem:v31+s17+$0x0], $0xffff  }
0x371: {  	[tilespmem:s24+$0x1B150] =	vst v15;
	v37 =	vmul.f32 v53, v26;
	v63 =	vor.u32 v42, v59;
	v15 =	vmul.f32 v61, v25  }
0x372: {  	v60 =	vsub.f32 $1.000000000e+00, v25;
	v25 =	vmul.f32 v54, v25;
	v35 =	vld.idx.msk [tilespmem:v48+s17+$0x0], $0xffff;
	v39 =	vmul.f32 v53, v52  }
0x373: {  	v36 =	vmul.f32 v24, v52;
	v34 =	vld.idx.msk [tilespmem:v51+s17+$0x0], $0xffff;
	v24 =	vmul.f32 v24, v26;
	v26 =	vor.u32 v46, v33  }
0x374: {  	v48 =	vnsel vm8, $0x0, v28;
	v52 =	vmul.f32 $6.200000000e+01, v8;
	v44 =	vld.idx.msk [tilespmem:v56+s17+$0x0], $0xffff;
	v56 =	vmul.f32 $6.200000000e+01, v9  }
0x375: {  	v51 =	vadd.s32 $0x1001, v30;
	v62 =	vld.idx.msk [tilespmem:v55+s17+$0x0], $0xffff;
	v32 =	vmul.f32 v39, v50;
	v31 =	vmul.f32 v36, v31  }
0x376: {  	v38 =	vmul.f32 v61, v60;
	v40 =	vld.idx.msk [tilespmem:v58+s17+$0x0], $0xffff;
	v26 =	vor.u32 $0x1000, v26;
	v57 =	vtrunc.f32 v52  }
0x377: {  	v59 =	vtrunc.f32 v56;
	v45 =	vmul.f32 v37, v35;
	v31 =	vadd.f32 v32, v31  }
0x378: {  	v58 =	vadd.s32 $0x79A3, v17;
	v50 =	vtrunc.f32 v41;
	v35 =	vmul.f32 v54, v60  }
0x379: {  	v23 =	vld.idx.msk [tilespmem:v63+s17+$0x0], $0xffff;
	v34 =	vmul.f32 v24, v34;
	v32 =	vand.u32 $0x3FF8, v47;
	v31 =	vadd.f32 v31, v45  }
0x37a: {  	v54 =	vadd.s32 $0x1041, v30;
	v30 =	vcvt.f32.s32 v57;
	v49 =	vor.u32 v33, v32  }
0x37b: {  	v14 =	vmul.f32 v62, v38;
	v53 =	vmul.f32 v40, v15;
	v31 =	vadd.f32 v31, v34  }
0x37c: {  	v61 =	vadd.s32 $0x79DF, v17;
	v40 =	vcvt.f32.s32 v59;
	v29 =	vmul.f32 v44, v35  }
0x37d: {  	v57 =	vadd.s32 $0x79E0, v17;
	v59 =	vmul.f32 $5.800000000e+01, v4;
	vm10 =	vgt.s32 v30, $0x0;
	[tilespmem:s24+$0x18160] =	vst v31  }
0x37e: {  	v23 =	vmul.f32 v23, v25;
	vm11 =	vgt.s32 v40, $0x0;
	v29 =	vadd.f32 v29, v14;
	v26 =	vld.idx.msk [tilespmem:v26+s17+$0x0], $0xffff  }
0x37f: {  	v60 =	vnsel vm10, $0x0, v30;
	v14 =	vmin.u32 v48, $0x38;
	v62 =	vnsel vm11, $0x0, v40;
	v55 =	vld.idx.msk [tilespmem:v49+s17+$0x0], $0xffff  }
0x380: {  	v32 =	vcvt.f32.s32 v50;
	v30 =	vmin.u32 v62, $0x3D;
	v29 =	vadd.f32 v53, v29  }
0x381: {  	v43 =	vcvt.s32.f32 v14;
	v45 =	vadd.s32 $0x79A4, v17;
	v47 =	vcvt.s32.f32 v30;
	v33 =	vld.idx.msk [tilespmem:v51+s17+$0x0], $0xffff  }
0x382: {  	vm9 =	vgt.s32 v32, $0x0;
	v23 =	vadd.f32 v23, v29;
	v29 =	vmin.u32 v60, $0x3D;
	v27 =	vld.idx.msk [tilespmem:v54+s17+$0x0], $0xffff  }
0x383: {  	v32 =	vnsel vm9, $0x0, v32;
	v63 =	vmul.u32 $0x3F, v29;
	v29 =	vcvt.s32.f32 v29  }
0x384: {  	v32 =	vmin.u32 v32, $0x38;
	v26 =	vmul.f32 v39, v26;
	v7 =	vmul.f32 v36, v55  }
0x385: {  	v50 =	vsub.f32 v56, v47;
	[tilespmem:s24+$0x1B950] =	vst v23;
	v48 =	vcvt.s32.f32 v32;
	v51 =	vsub.f32 v52, v29  }
0x386: {  	v34 =	vld.idx.msk [tilespmem:v58+s17+$0x0], $0xffff;
	v40 =	vmul.f32 v37, v33;
	v36 =	vadd.s32 v30, v63;
	v7 =	vadd.f32 v26, v7  }
0x387: {  	v23 =	vld.idx.msk [tilespmem:v61+s17+$0x0], $0xffff;
	v61 =	vtrunc.f32 v59;
	v24 =	vmul.f32 v24, v27;
	v44 =	vor.u32 $0x2000, v36  }
0x388: {  	v26 =	vadd.f32 v7, v40;
	v7 =	vsub.f32 v12, v43;
	v12 =	vand.u32 $0xFFF8, v57  }
0x389: {  	v29 =	vmul.f32 $5.800000000e+01, v5;
	v62 =	vcvt.f32.s32 v61;
	v42 =	vor.u32 v42, v12  }
0x38a: {  	v54 =	vsub.f32 $1.000000000e+00, v50;
	v56 =	vld.idx.msk [tilespmem:v45+s17+$0x0], $0xffff;
	v46 =	vadd.s32 $0x203F, v36;
	v24 =	vadd.f32 v26, v24  }
0x38b: {  	v60 =	vtrunc.f32 v29;
	vm12 =	vgt.s32 v62, $0x0;
	v34 =	vmul.f32 v34, v38  }
0x38c: {  	v55 =	vsub.f32 $1.000000000e+00, v51;
	v49 =	vadd.s32 $0x2001, v36;
	v52 =	vadd.s32 $0x2040, v36;
	[tilespmem:s24+$0x18960] =	vst v24  }
0x38d: {  	v58 =	vmul.f32 v23, v35;
	v53 =	vand.u32 $0x7, v36;
	v28 =	vand.u32 $0x7FF8, v52;
	v27 =	vld.idx.msk [tilespmem:v44+s17+$0x0], $0xffff  }
0x38e: {  	v63 =	vcvt.f32.s32 v60;
	v28 =	vor.u32 v53, v28;
	v12 =	vsub.f32 v41, v48;
	v41 =	vld.idx.msk [tilespmem:v42+s17+$0x0], $0xffff  }
0x38f: {  	v38 =	vmul.f32 v51, v54;
	v15 =	vmul.f32 v56, v15;
	v30 =	vnsel vm12, $0x0, v62;
	v33 =	vld.idx.msk [tilespmem:v46+s17+$0x0], $0xffff  }
0x390: {  	v17 =	vadd.f32 v58, v34;
	vm13 =	vgt.s32 v63, $0x0;
	v42 =	vmin.u32 v30, $0x39  }
0x391: {  	v39 =	vmul.f32 v55, v50;
	v34 =	vnsel vm13, $0x0, v63;
	v37 =	vld.idx.msk [tilespmem:v49+s17+$0x0], $0xffff;
	v46 =	vmul.u32 $0x3B, v42  }
0x392: {  	v43 =	vmul.f32 v55, v54;
	v15 =	vadd.f32 v15, v17;
	v47 =	vmin.u32 v34, $0x39  }
0x393: {  	v24 =	vmul.f32 v51, v50;
	v28 =	vld.idx.msk [tilespmem:v28+s17+$0x0], $0xffff;
	v48 =	vmul.f32 v41, v25;
	v25 =	vadd.s32 v47, v46  }
0x394: {  	v27 =	vmul.f32 v43, v27;
	v33 =	vmul.f32 v33, v38;
	v50 =	vadd.s32 $0x87B3, v25  }
0x395: {  	v45 =	vadd.s32 $0x2F81, v36;
	v55 =	vadd.s32 $0x87EE, v25  }
0x396: {  	v40 =	vmul.f32 v37, v39;
	v27 =	vadd.f32 v33, v27;
	v15 =	vadd.f32 v48, v15  }
0x397: {  	v13 =	vld.idx.msk [tilespmem:v13+s17+$0x0], $0xffff;
	v17 =	vcvt.s32.f32 v47;
	v44 =	vadd.s32 $0x2FC0, v36;
	v57 =	vadd.s32 $0x87EF, v25  }
0x398: {  	v30 =	vand.u32 $0x7FF8, v44;
	v28 =	vmul.f32 v28, v24;
	v27 =	vadd.f32 v40, v27;
	[tilespmem:s24+$0x1C150] =	vst v15  }
0x399: {  	v29 =	vsub.f32 v29, v17;
	v30 =	vor.u32 v53, v30;
	v34 =	vld.idx.msk [tilespmem:v50+s17+$0x0], $0xffff  }
0x39a: {  	v49 =	vadd.s32 $0x2F82, v36;
	v26 =	vcvt.s32.f32 v42;
	v27 =	vadd.f32 v28, v27;
	v63 =	vld.idx.msk [tilespmem:v55+s17+$0x0], $0xffff  }
0x39b: {  	v16 =	vadd.f32 v18, v16;
	[tilespmem:s24+$0x1D140] =	vst v22;
	v52 =	vadd.s32 $0x2FC1, v36;
	v50 =	vld.idx.msk [tilespmem:v1+s24+$0xFFFFF800 ss:$0x1], $0xffff  }
0x39c: {  	v22 =	vmul.f32 v13, v21;
	v23 =	vsub.f32 v59, v26;
	v59 =	vsub.f32 $1.000000000e+00, v29;
	v36 =	vld.idx.msk [tilespmem:v57+s17+$0x0], $0xffff;
	[tilespmem:s24+$0x19160] =	vst v27  }
0x39d: {  	v27 =	vmul.f32 $6.100000000e+01, v8;
	v51 =	vld.idx.msk [tilespmem:v45+s17+$0x0], $0xffff  }
0x39e: {  	v16 =	vadd.f32 v22, v16;
	v26 =	vmul.f32 v23, v59;
	v53 =	vld.idx.msk [tilespmem:v30+s17+$0x0], $0xffff;
	v30 =	vmul.f32 $6.100000000e+01, v9  }
0x39f: {  	v60 =	vsub.f32 $1.000000000e+00, v23;
	v23 =	vmul.f32 v23, v29;
	v31 =	vld.idx.msk [tilespmem:v49+s17+$0x0], $0xffff;
	v54 =	vtrunc.f32 v27  }
0x3a0: {  	v32 =	vmul.u32 $0x3A, v32;
	v33 =	vld.idx.msk [tilespmem:v52+s17+$0x0], $0xffff;
	v35 =	vcvt.f32.s32 v54;
	v58 =	vtrunc.f32 v30  }
0x3a1: {  	v56 =	vadd.s32 $0x87B4, v25;
	v28 =	vmul.f32 v60, v59;
	v37 =	vcvt.f32.s32 v58  }
0x3a2: {  	v55 =	vmul.f32 v63, v26;
	v57 =	vadd.f32 $1.500000060e-01, v50;
	vm14 =	vgt.s32 v35, $0x0  }
0x3a3: {  	v48 =	vld.idx.msk [tilespmem:v1+s24+$0x0 ss:$0x1], $0xffff;
	v36 =	vmul.f32 v36, v23;
	v61 =	vmul.f32 v51, v43;
	v62 =	vnsel vm14, $0x0, v35  }
0x3a4: {  	v17 =	vmul.f32 v53, v38;
	vm15 =	vgt.s32 v37, $0x0;
	v31 =	vmul.f32 v31, v39  }
0x3a5: {  	v33 =	vmul.f32 v33, v24;
	v35 =	vmin.u32 v62, $0x3C;
	v45 =	vnsel vm15, $0x0, v37  }
0x3a6: {  	v46 =	vmul.u32 $0x3E, v35;
	v42 =	vadd.f32 v17, v61;
	v47 =	vmin.u32 v45, $0x3C  }
0x3a7: {  	v17 =	vadd.s32 v14, v32;
	v32 =	vmul.f32 v34, v28;
	v54 =	vcvt.s32.f32 v35  }
0x3a8: {  	v14 =	vadd.f32 $1.500000060e-01, v48;
	v39 =	vcvt.s32.f32 v47;
	v31 =	vadd.f32 v31, v42  }
0x3a9: {  	v15 =	vld.idx.msk [tilespmem:v56+s17+$0x0], $0xffff;
	v34 =	vadd.s32 v47, v46;
	v27 =	vsub.f32 v27, v54;
	v32 =	vadd.f32 v55, v32  }
0x3aa: {  	v49 =	vadd.s32 $0x3F40, v34;
	v51 =	vadd.s32 $0x3F02, v34;
	v52 =	vand.u32 $0x7, v34  }
0x3ab: {  	v30 =	vsub.f32 v30, v39;
	v59 =	vadd.s32 $0x3F03, v34;
	v24 =	vand.u32 $0x7FF8, v49  }
0x3ac: {  	v31 =	vadd.f32 v33, v31;
	v53 =	vor.u32 v52, v24;
	v24 =	vmul.f32 v60, v29  }
0x3ad: {  	v14 =	vmul.f32 v14, v0;
	v62 =	vsub.f32 $1.000000000e+00, v27;
	v61 =	vsub.f32 $1.000000000e+00, v30  }
0x3ae: {  	v63 =	vadd.s32 $0x3F41, v34;
	v56 =	vmul.f32 v15, v24;
	v15 =	vmul.f32 v57, v0  }
0x3af: {  	v55 =	vadd.s32 $0x954C, v25;
	[tilespmem:s24+$0x19960] =	vst v31;
	v41 =	vmul.f32 v62, v61;
	v37 =	vmul.f32 v27, v61;
	v61 =	vld.idx.msk [tilespmem:v19+s17+$0x0], $0xffff  }
0x3b0: {  	v47 =	vsub.f32 $1.000000000e+00, v7;
	v14 =	vmax.f32 v14, $0.0e+00;
	v49 =	vadd.s32 $0xA2E5, v17;
	v58 =	vld.idx.msk [tilespmem:v51+s17+$0x0], $0xffff  }
0x3b1: {  	v39 =	vmul.f32 v62, v30;
	v31 =	vld.idx.msk [tilespmem:v59+s17+$0x0], $0xffff;
	v48 =	vmax.f32 v15, $0.0e+00;
	v15 =	vmin.f32 v14, $1.000000000e+00  }
0x3b2: {  	v32 =	vadd.f32 v56, v32;
	v60 =	vld.idx.msk [tilespmem:v53+s17+$0x0], $0xffff;
	v14 =	vmin.f32 v48, $1.000000000e+00;
	v42 =	vmul.f32 $6.300000000e+01, v15  }
0x3b3: {  	v30 =	vmul.f32 v27, v30;
	v19 =	vsub.f32 $1.000000000e+00, v12;
	v53 =	vld.idx.msk [tilespmem:v63+s17+$0x0], $0xffff;
	v44 =	vmul.f32 $6.300000000e+01, v14  }
0x3b4: {  	v62 =	vadd.f32 v36, v32;
	v50 =	vtrunc.f32 v42;
	v13 =	vmul.f32 v61, v20  }
0x3b5: {  	v51 =	vadd.s32 $0xA31F, v17;
	v29 =	vmul.f32 v58, v41;
	v52 =	vtrunc.f32 v44  }
0x3b6: {  	v63 =	vadd.s32 $0x4E44, v34;
	v35 =	vcvt.f32.s32 v50;
	v31 =	vmul.f32 v31, v39;
	[tilespmem:s24+$0x1C950] =	vst v62  }
0x3b7: {  	v54 =	vcvt.f32.s32 v52;
	v46 =	vld.idx.msk [tilespmem:v55+s17+$0x0], $0xffff;
	v55 =	vadd.s32 $0x4E07, v34;
	v33 =	vmul.f32 v60, v37  }
0x3b8: {  	vm4 =	vgt.s32 v35, $0x0;
	v59 =	vmul.f32 v53, v30;
	v60 =	vadd.s32 $0x4E06, v34  }
0x3b9: {  	v56 =	vnsel vm4, $0x0, v35;
	vm5 =	vgt.s32 v54, $0x0;
	v29 =	vadd.f32 v33, v29  }
0x3ba: {  	v34 =	vadd.s32 $0x4E45, v34;
	v57 =	vnsel vm5, $0x0, v54;
	v33 =	vmin.u32 v56, $0x3E  }
0x3bb: {  	v56 =	vmul.f32 v19, v47;
	v19 =	vmul.f32 v19, v7;
	v29 =	vadd.f32 v31, v29  }
0x3bc: {  	v7 =	vmul.f32 v12, v7;
	v27 =	vmin.u32 v57, $0x3E;
	v58 =	vshll.u32 v33, $0x6  }
0x3bd: {  	v53 =	vld.idx.msk [tilespmem:v49+s17+$0x0], $0xffff;
	v33 =	vcvt.s32.f32 v33;
	v31 =	vor.u32 v27, v58;
	v29 =	vadd.f32 v59, v29  }
0x3be: {  	v43 =	vand.u32 $0x7, v27;
	v27 =	vcvt.s32.f32 v27;
	v20 =	vmul.f32 v46, v28  }
0x3bf: {  	v45 =	vld.idx.msk [tilespmem:v51+s17+$0x0], $0xffff;
	v28 =	vmul.f32 $6.200000000e+01, v15;
	v52 =	vadd.s32 $0x40, v31;
	v48 =	vadd.s32 $0x1, v31;
	[tilespmem:s24+$0x1A160] =	vst v29  }
0x3c0: {  	v61 =	vadd.s32 $0x41, v31;
	v54 =	vand.u32 $0x1FF8, v52;
	v58 =	vsub.f32 v44, v27;
	v38 =	vld.idx.msk [tilespmem:v60+s17+$0x0], $0xffff  }
0x3c1: {  	v33 =	vsub.f32 v42, v33;
	v27 =	vadd.f32 v10, v11;
	v35 =	vor.u32 v43, v54;
	v57 =	vld.idx.msk [tilespmem:v63+s17+$0x0], $0xffff  }
0x3c2: {  	v10 =	vmul.f32 v53, v56;
	v59 =	vmul.f32 v12, v47;
	v62 =	vsub.f32 $1.000000000e+00, v58;
	v60 =	vld.idx.msk [tilespmem:v31+s17+$0x0], $0xffff  }
0x3c3: {  	v52 =	vadd.s32 $0x9588, v25;
	v53 =	vand.u32 $0x7, v25;
	v32 =	vmul.f32 v33, v58;
	v29 =	vld.idx.msk [tilespmem:v55+s17+$0x0], $0xffff  }
0x3c4: {  	v42 =	vsub.f32 $1.000000000e+00, v33;
	v34 =	vld.idx.msk [tilespmem:v34+s17+$0x0], $0xffff;
	v40 =	vmul.f32 v33, v62;
	v33 =	vmul.f32 $6.000000000e+01, v8  }
0x3c5: {  	v11 =	vmul.f32 v45, v59;
	v45 =	vand.u32 $0xBFF8, v52;
	v63 =	vadd.s32 $0x9587, v25;
	v36 =	vld.idx.msk [tilespmem:v61+s17+$0x0], $0xffff  }
0x3c6: {  	v25 =	vadd.s32 $0x954D, v25;
	v49 =	vmul.f32 v42, v62;
	v35 =	vld.idx.msk [tilespmem:v35+s17+$0x0], $0xffff;
	v47 =	vtrunc.f32 v33  }
0x3c7: {  	v6 =	vadd.f32 v6, v27;
	v48 =	vld.idx.msk [tilespmem:v48+s17+$0x0], $0xffff;
	v38 =	vmul.f32 v38, v41;
	v37 =	vmul.f32 v57, v37  }
0x3c8: {  	v45 =	vor.u32 v53, v45;
	v21 =	vmul.f32 v49, v60;
	v41 =	vmul.f32 v42, v58  }
0x3c9: {  	v29 =	vmul.f32 v29, v39;
	v58 =	vand.u32 $0xFF8, v31;
	v60 =	vadd.s32 $0x1040, v31  }
0x3ca: {  	v30 =	vmul.f32 v34, v30;
	v59 =	vor.u32 v58, v43;
	v36 =	vmul.f32 v32, v36  }
0x3cb: {  	v25 =	vld.idx.msk [tilespmem:v25+s17+$0x0], $0xffff;
	v62 =	vand.u32 $0x3FF8, v60;
	v54 =	vadd.f32 v37, v38;
	v35 =	vmul.f32 v40, v35  }
0x3cc: {  	v55 =	vld.idx.msk [tilespmem:v63+s17+$0x0], $0xffff;
	v37 =	vmul.f32 $6.000000000e+01, v9;
	v56 =	vmul.f32 v41, v48;
	v61 =	vor.u32 $0x1000, v59  }
0x3cd: {  	v43 =	vor.u32 v43, v62;
	v48 =	vadd.s32 $0x1001, v31;
	v21 =	vadd.f32 v21, v35  }
0x3ce: {  	v31 =	vadd.s32 $0x1041, v31;
	v63 =	vadd.f32 v29, v54;
	v29 =	vcvt.f32.s32 v47  }
0x3cf: {  	v57 =	vtrunc.f32 v37;
	v54 =	vmul.f32 $6.200000000e+01, v14;
	v35 =	vadd.f32 v21, v56  }
0x3d0: {  	v39 =	vcvt.f32.s32 v57;
	v24 =	vmul.f32 v25, v24;
	vm7 =	vgt.s32 v29, $0x0  }
0x3d1: {  	v58 =	vtrunc.f32 v54;
	v21 =	vmul.f32 v55, v26;
	v46 =	vadd.f32 v35, v36  }
0x3d2: {  	vm6 =	vgt.s32 v39, $0x0;
	v55 =	vtrunc.f32 v28;
	v29 =	vnsel vm7, $0x0, v29  }
0x3d3: {  	v26 =	vadd.f32 v30, v63;
	v50 =	vnsel vm6, $0x0, v39;
	v42 =	vcvt.f32.s32 v55;
	[tilespmem:s24+$0x18170] =	vst v46  }
0x3d4: {  	v29 =	vmin.u32 v29, $0x3B;
	v51 =	vmin.u32 v50, $0x3B;
	v35 =	vcvt.f32.s32 v58;
	v52 =	vld.idx.msk [tilespmem:v61+s17+$0x0], $0xffff  }
0x3d5: {  	v59 =	vmul.u32 $0x3D, v29;
	v29 =	vcvt.s32.f32 v29;
	v20 =	vadd.f32 v21, v20;
	v53 =	vld.idx.msk [tilespmem:v43+s17+$0x0], $0xffff  }
0x3d6: {  	v21 =	vmul.f32 $5.700000000e+01, v4;
	v56 =	vcvt.s32.f32 v51;
	vm8 =	vgt.s32 v42, $0x0  }
0x3d7: {  	v42 =	vnsel vm8, $0x0, v42;
	vm9 =	vgt.s32 v35, $0x0;
	v34 =	vadd.s32 v51, v59;
	v57 =	vld.idx.msk [tilespmem:v48+s17+$0x0], $0xffff  }
0x3d8: {  	v29 =	vsub.f32 v33, v29;
	v37 =	vsub.f32 v37, v56;
	v60 =	vmin.u32 v42, $0x3D  }
0x3d9: {  	v31 =	vld.idx.msk [tilespmem:v31+s17+$0x0], $0xffff;
	v35 =	vnsel vm9, $0x0, v35;
	v61 =	vadd.s32 $0x5D0A, v34;
	v63 =	vadd.s32 $0x5D47, v34  }
0x3da: {  	v50 =	vadd.s32 $0x5D0B, v34;
	v36 =	vmul.f32 v49, v52;
	v38 =	vmul.f32 v40, v53  }
0x3db: {  	v42 =	vmul.u32 $0x3F, v60;
	v35 =	vmin.u32 v35, $0x3D;
	v48 =	vcvt.s32.f32 v60  }
0x3dc: {  	v55 =	vsub.f32 $1.000000000e+00, v29;
	v30 =	vmul.f32 v41, v57;
	v36 =	vadd.f32 v36, v38  }
0x3dd: {  	[tilespmem:s24+$0x1A960] =	vst v26;
	v47 =	vcvt.s32.f32 v35;
	v28 =	vsub.f32 v28, v48;
	v41 =	vadd.s32 v35, v42  }
0x3de: {  	v31 =	vmul.f32 v32, v31;
	v59 =	vld.idx.msk [tilespmem:v63+s17+$0x0], $0xffff;
	v62 =	vor.u32 $0x2000, v41;
	v30 =	vadd.f32 v36, v30  }
0x3df: {  	v51 =	vsub.f32 $1.000000000e+00, v37;
	v53 =	vsub.f32 v54, v47;
	v46 =	vadd.s32 $0x203F, v41  }
0x3e0: {  	v60 =	vadd.s32 $0x5D48, v34;
	v58 =	vsub.f32 $1.000000000e+00, v28;
	v30 =	vadd.f32 v30, v31  }
0x3e1: {  	v49 =	vld.idx.msk [tilespmem:v45+s17+$0x0], $0xffff;
	v63 =	vmul.f32 v29, v51;
	v52 =	vadd.s32 $0x2001, v41;
	v54 =	vadd.s32 $0x2040, v41  }
0x3e2: {  	v56 =	vand.u32 $0x7, v41;
	v38 =	vld.idx.msk [tilespmem:v61+s17+$0x0], $0xffff;
	v57 =	vsub.f32 $1.000000000e+00, v53;
	v31 =	vand.u32 $0x7FF8, v54;
	[tilespmem:s24+$0x18970] =	vst v30  }
0x3e3: {  	v18 =	vmul.f32 v59, v63;
	v63 =	vmul.f32 $6.100000000e+01, v14;
	v31 =	vor.u32 v56, v31;
	v32 =	vld.idx.msk [tilespmem:v62+s17+$0x0], $0xffff  }
0x3e4: {  	v33 =	vand.u32 $0x7FF8, v60;
	v60 =	vmul.f32 $6.100000000e+01, v15;
	v61 =	vmul.f32 v55, v51;
	v36 =	vld.idx.msk [tilespmem:v46+s17+$0x0], $0xffff  }
0x3e5: {  	v20 =	vadd.f32 v24, v20;
	v26 =	vld.idx.msk [tilespmem:v50+s17+$0x0], $0xffff;
	v47 =	vmul.f32 v58, v57;
	v45 =	vtrunc.f32 v63  }
0x3e6: {  	v34 =	vand.u32 $0x7, v34;
	v22 =	vmul.f32 v49, v23;
	v39 =	vcvt.f32.s32 v45;
	v43 =	vld.idx.msk [tilespmem:v52+s17+$0x0], $0xffff  }
0x3e7: {  	v33 =	vor.u32 v34, v33;
	v62 =	vmul.f32 v38, v61;
	v38 =	vmul.f32 v28, v57  }
0x3e8: {  	v51 =	vadd.s32 $0x2FC0, v41;
	v46 =	vmul.f32 v55, v37;
	v42 =	vld.idx.msk [tilespmem:v31+s17+$0x0], $0xffff;
	v32 =	vmul.f32 v47, v32  }
0x3e9: {  	v30 =	vand.u32 $0x7FF8, v51;
	v44 =	vmul.f32 v36, v38;
	v36 =	vmul.f32 v58, v53  }
0x3ea: {  	v54 =	vor.u32 v56, v30;
	v30 =	vmul.f32 $5.900000000e+01, v8;
	v25 =	vmul.f32 v26, v46  }
0x3eb: {  	v26 =	vmul.f32 v28, v53;
	v48 =	vadd.f32 v44, v32;
	v49 =	vmul.f32 v43, v36  }
0x3ec: {  	v50 =	vld.idx.msk [tilespmem:v33+s17+$0x0], $0xffff;
	v52 =	vadd.s32 $0x2F81, v41;
	v57 =	vadd.s32 $0x2F82, v41;
	v28 =	vmul.f32 $5.900000000e+01, v9  }
0x3ed: {  	v59 =	vtrunc.f32 v30;
	v27 =	vmul.f32 v42, v26;
	v23 =	vadd.f32 v49, v48  }
0x3ee: {  	vm13 =	vgt.s32 v39, $0x0;
	v18 =	vadd.f32 v18, v62;
	v61 =	vcvt.f32.s32 v59  }
0x3ef: {  	v55 =	vtrunc.f32 v28;
	v53 =	vmul.f32 v29, v37;
	v23 =	vadd.f32 v27, v23  }
0x3f0: {  	v62 =	vadd.s32 $0x2FC1, v41;
	v56 =	vcvt.f32.s32 v55;
	v44 =	vtrunc.f32 v60  }
0x3f1: {  	v18 =	vadd.f32 v25, v18;
	v25 =	vmul.f32 v50, v53;
	v37 =	vcvt.f32.s32 v44;
	[tilespmem:s24+$0x19170] =	vst v23  }
0x3f2: {  	v39 =	vnsel vm13, $0x0, v39;
	vm11 =	vgt.s32 v61, $0x0;
	vm10 =	vgt.s32 v56, $0x0;
	v31 =	vld.idx.msk [tilespmem:v52+s17+$0x0], $0xffff  }
0x3f3: {  	v18 =	vadd.f32 v25, v18;
	v25 =	vnsel vm11, $0x0, v61;
	vm12 =	vgt.s32 v37, $0x0;
	v29 =	vld.idx.msk [tilespmem:v54+s17+$0x0], $0xffff  }
0x3f4: {  	v49 =	vmin.u32 v39, $0x3C;
	v25 =	vmin.u32 v25, $0x3A;
	v37 =	vnsel vm12, $0x0, v37;
	v32 =	vld.idx.msk [tilespmem:v57+s17+$0x0], $0xffff  }
0x3f5: {  	v46 =	vmul.u32 $0x3C, v25;
	v25 =	vcvt.s32.f32 v25;
	v37 =	vmin.u32 v37, $0x3C;
	v34 =	vld.idx.msk [tilespmem:v62+s17+$0x0], $0xffff  }
0x3f6: {  	v27 =	vnsel vm10, $0x0, v56;
	v55 =	vcvt.s32.f32 v37;
	v54 =	vcvt.s32.f32 v49  }
0x3f7: {  	v58 =	vadd.s32 $0xA320, v17;
	v27 =	vmin.u32 v27, $0x3A;
	v25 =	vsub.f32 v30, v25  }
0x3f8: {  	v57 =	vand.u32 $0xFFF8, v58;
	v23 =	vsub.f32 v60, v55;
	v59 =	vsub.f32 v63, v54  }
0x3f9: {  	v31 =	vmul.f32 v31, v47;
	v29 =	vmul.f32 v29, v38;
	v47 =	vmul.u32 $0x3E, v37  }
0x3fa: {  	v38 =	vadd.s32 v27, v46;
	v48 =	vmul.f32 v32, v36;
	v26 =	vmul.f32 v34, v26  }
0x3fb: {  	v50 =	vadd.s32 $0x6B93, v38;
	v29 =	vadd.f32 v29, v31;
	v39 =	vadd.s32 v49, v47  }
0x3fc: {  	v53 =	vadd.s32 $0x6BCF, v38;
	v51 =	vadd.s32 $0x3F40, v39;
	v52 =	vadd.s32 $0x3F02, v39  }
0x3fd: {  	v40 =	vand.u32 $0x7, v39;
	v29 =	vadd.f32 v48, v29;
	v31 =	vand.u32 $0x7FF8, v51  }
0x3fe: {  	v27 =	vcvt.s32.f32 v27;
	v60 =	vadd.s32 $0x6B94, v38;
	v31 =	vor.u32 v40, v31  }
0x3ff: {  	[tilespmem:s24+$0x1B160] =	vst v18;
	v61 =	vadd.s32 $0x6BD0, v38;
	v41 =	vand.u32 $0x7, v38;
	v26 =	vadd.f32 v26, v29  }
0x400: {  	v27 =	vsub.f32 v28, v27;
	v47 =	vand.u32 $0xFFF8, v61;
	v56 =	vadd.s32 $0x3F03, v39;
	v58 =	vld.idx.msk [tilespmem:v50+s17+$0x0], $0xffff  }
0x401: {  	v49 =	vsub.f32 $1.000000000e+00, v23;
	v35 =	vor.u32 v41, v47;
	v48 =	vsub.f32 $1.000000000e+00, v59;
	v50 =	vld.idx.msk [tilespmem:v53+s17+$0x0], $0xffff;
	[tilespmem:s24+$0x19970] =	vst v26  }
0x402: {  	v63 =	vadd.s32 $0x3F41, v39;
	v51 =	vsub.f32 $1.000000000e+00, v27;
	v62 =	vld.idx.msk [tilespmem:v52+s17+$0x0], $0xffff;
	v52 =	vsub.f32 $1.000000000e+00, v25  }
0x403: {  	v20 =	vadd.f32 v22, v20;
	v18 =	vmul.f32 $5.700000000e+01, v5;
	v44 =	vmul.f32 v49, v48;
	v31 =	vld.idx.msk [tilespmem:v31+s17+$0x0], $0xffff  }
0x404: {  	v43 =	vadd.s32 $0x79E0, v38;
	v36 =	vmul.f32 v23, v48;
	v29 =	vld.idx.msk [tilespmem:v60+s17+$0x0], $0xffff;
	v45 =	vmul.f32 v52, v51  }
0x405: {  	v53 =	vand.u32 $0x7, v17;
	v42 =	vmul.f32 v25, v51;
	v26 =	vmul.f32 v23, v59;
	v28 =	vld.idx.msk [tilespmem:v56+s17+$0x0], $0xffff  }
0x406: {  	v17 =	vadd.s32 $0xA2E6, v17;
	v23 =	vmul.f32 v25, v27;
	v56 =	vmul.f32 v58, v45;
	v58 =	vld.idx.msk [tilespmem:v35+s17+$0x0], $0xffff  }
0x407: {  	v5 =	vor.u32 v53, v57;
	v54 =	vld.idx.msk [tilespmem:v63+s17+$0x0], $0xffff;
	v57 =	vmul.f32 v50, v42;
	v33 =	vmul.f32 v52, v27  }
0x408: {  	v61 =	vadd.s32 $0x4E06, v39;
	v32 =	vmul.f32 v62, v44;
	v55 =	vmul.f32 v31, v36  }
0x409: {  	v29 =	vmul.f32 v29, v33;
	v31 =	vmul.f32 v49, v59;
	v24 =	vadd.f32 v57, v56  }
0x40a: {  	v48 =	vadd.s32 $0x4E07, v39;
	v50 =	vadd.s32 $0x79A3, v38;
	v30 =	vadd.f32 v55, v32  }
0x40b: {  	v28 =	vmul.f32 v28, v31;
	v24 =	vadd.f32 v29, v24;
	v47 =	vmul.f32 v58, v23  }
0x40c: {  	v51 =	vmul.f32 $6.000000000e+01, v15;
	v17 =	vld.idx.msk [tilespmem:v17+s17+$0x0], $0xffff;
	v60 =	vmul.f32 v54, v26;
	v54 =	vadd.s32 $0x79DF, v38  }
0x40d: {  	v53 =	vadd.s32 $0x4E45, v39;
	v28 =	vadd.f32 v28, v30;
	v24 =	vadd.f32 v47, v24  }
0x40e: {  	v5 =	vld.idx.msk [tilespmem:v5+s17+$0x0], $0xffff;
	v62 =	vadd.s32 $0x4E44, v39;
	v59 =	vtrunc.f32 v18;
	v56 =	vtrunc.f32 v51  }
0x40f: {  	v63 =	vcvt.f32.s32 v59;
	v55 =	vmul.f32 $6.000000000e+01, v14;
	v46 =	vadd.f32 v60, v28;
	[tilespmem:s24+$0x1B960] =	vst v24  }
0x410: {  	v49 =	vtrunc.f32 v21;
	v57 =	vadd.s32 $0x79A4, v38;
	v39 =	vcvt.f32.s32 v56;
	v32 =	vld.idx.msk [tilespmem:v50+s17+$0x0], $0xffff  }
0x411: {  	v17 =	vmul.f32 v17, v19;
	vm14 =	vgt.s32 v63, $0x0;
	v59 =	vtrunc.f32 v55;
	[tilespmem:s24+$0x1A170] =	vst v46;
	v35 =	vld.idx.msk [tilespmem:v54+s17+$0x0], $0xffff  }
0x412: {  	v30 =	vcvt.f32.s32 v49;
	v4 =	vnsel vm14, $0x0, v63;
	v29 =	vcvt.f32.s32 v59;
	v52 =	vld.idx.msk [tilespmem:v61+s17+$0x0], $0xffff  }
0x413: {  	v5 =	vmul.f32 v5, v7;
	vm4 =	vgt.s32 v39, $0x0;
	v22 =	vmin.u32 v4, $0x38;
	v25 =	vld.idx.msk [tilespmem:v62+s17+$0x0], $0xffff  }
0x414: {  	vm15 =	vgt.s32 v30, $0x0;
	v60 =	vnsel vm4, $0x0, v39;
	vm5 =	vgt.s32 v29, $0x0;
	v58 =	vld.idx.msk [tilespmem:v48+s17+$0x0], $0xffff  }
0x415: {  	v30 =	vnsel vm15, $0x0, v30;
	v29 =	vnsel vm5, $0x0, v29;
	v54 =	vmul.f32 $5.900000000e+01, v15;
	v34 =	vld.idx.msk [tilespmem:v53+s17+$0x0], $0xffff  }
0x416: {  	v30 =	vmin.u32 v30, $0x38;
	v61 =	vmin.u32 v60, $0x3B;
	v62 =	vld.idx.msk [tilespmem:v57+s17+$0x0], $0xffff;
	v57 =	vmul.f32 $5.900000000e+01, v14  }
0x417: {  	v40 =	vmin.u32 v29, $0x3B;
	v29 =	vand.u32 $0xFFF8, v43;
	v50 =	vcvt.s32.f32 v61  }
0x418: {  	v63 =	vmul.u32 $0x3D, v61;
	v60 =	vtrunc.f32 v57;
	v48 =	vmul.f32 v35, v42  }
0x419: {  	v29 =	vor.u32 v41, v29;
	v28 =	vmul.f32 v52, v44;
	v25 =	vmul.f32 v25, v36  }
0x41a: {  	v51 =	vsub.f32 v51, v50;
	v24 =	vmul.f32 v58, v31;
	v44 =	vmul.f32 v32, v45  }
0x41b: {  	v45 =	vadd.s32 v40, v63;
	v46 =	vmul.f32 v34, v26;
	v4 =	vmul.f32 v62, v33  }
0x41c: {  	v33 =	vmul.f32 $5.800000000e+01, v9;
	v36 =	vmul.f32 $5.800000000e+01, v8;
	v25 =	vadd.f32 v25, v28  }
0x41d: {  	v56 =	vsub.f32 $1.000000000e+00, v51;
	v58 =	vtrunc.f32 v54;
	v34 =	vcvt.f32.s32 v60  }
0x41e: {  	v60 =	vcvt.s32.f32 v22;
	v47 =	vadd.s32 $0x5D0A, v45;
	v24 =	vadd.f32 v24, v25  }
0x41f: {  	v9 =	vmul.f32 $5.700000000e+01, v9;
	v8 =	vmul.f32 $5.700000000e+01, v8;
	v49 =	vadd.s32 $0x5D47, v45  }
0x420: {  	v52 =	vadd.s32 $0x5D0B, v45;
	v53 =	vadd.s32 $0x5D48, v45;
	v24 =	vadd.f32 v46, v24  }
0x421: {  	v32 =	vand.u32 $0x7, v45;
	v28 =	vcvt.s32.f32 v40;
	v27 =	vand.u32 $0x7FF8, v53  }
0x422: {  	v29 =	vld.idx.msk [tilespmem:v29+s17+$0x0], $0xffff;
	v40 =	vcvt.f32.s32 v58;
	v31 =	vadd.f32 v48, v44;
	v61 =	vtrunc.f32 v36;
	[tilespmem:s24+$0x1A970] =	vst v24  }
0x423: {  	vm7 =	vgt.s32 v34, $0x0;
	v27 =	vor.u32 v32, v27;
	v28 =	vsub.f32 v55, v28;
	v26 =	vld.idx.msk [tilespmem:v47+s17+$0x0], $0xffff  }
0x424: {  	v43 =	vtrunc.f32 v33;
	v41 =	vtrunc.f32 v8;
	v63 =	vnsel vm7, $0x0, v34;
	v35 =	vld.idx.msk [tilespmem:v49+s17+$0x0], $0xffff  }
0x425: {  	v44 =	vcvt.f32.s32 v61;
	vm6 =	vgt.s32 v40, $0x0;
	v55 =	vsub.f32 $1.000000000e+00, v28  }
0x426: {  	v42 =	vmin.u32 v63, $0x3A;
	v4 =	vadd.f32 v4, v31;
	v38 =	vmul.f32 v56, v28;
	v25 =	vld.idx.msk [tilespmem:v52+s17+$0x0], $0xffff  }
0x427: {  	v62 =	vnsel vm6, $0x0, v40;
	v59 =	vmul.f32 v56, v55;
	v32 =	vmul.f32 v51, v55  }
0x428: {  	vm8 =	vgt.s32 v44, $0x0;
	v46 =	vcvt.f32.s32 v43;
	v23 =	vmul.f32 v29, v23;
	v27 =	vld.idx.msk [tilespmem:v27+s17+$0x0], $0xffff  }
0x429: {  	v26 =	vmul.f32 v26, v59;
	v32 =	vmul.f32 v35, v32;
	v35 =	vmin.u32 v62, $0x3A  }
0x42a: {  	v24 =	vmul.f32 v51, v28;
	v28 =	vcvt.s32.f32 v42;
	v40 =	vmul.u32 $0x3C, v35  }
0x42b: {  	vm9 =	vgt.s32 v46, $0x0;
	v25 =	vmul.f32 v25, v38;
	v26 =	vadd.f32 v32, v26  }
0x42c: {  	v4 =	vadd.f32 v23, v4;
	v28 =	vsub.f32 v57, v28;
	v34 =	vadd.s32 v42, v40  }
0x42d: {  	v24 =	vmul.f32 v27, v24;
	v25 =	vadd.f32 v25, v26;
	v45 =	vadd.s32 $0x6B93, v34  }
0x42e: {  	v38 =	vnsel vm8, $0x0, v44;
	v27 =	vnsel vm9, $0x0, v46;
	v47 =	vadd.s32 $0x6BCF, v34  }
0x42f: {  	v48 =	vcvt.s32.f32 v35;
	v38 =	vmin.u32 v38, $0x39;
	v24 =	vadd.f32 v24, v25  }
0x430: {  	v27 =	vmin.u32 v27, $0x39;
	v49 =	vadd.s32 $0x6B94, v34;
	v50 =	vadd.s32 $0x6BD0, v34  }
0x431: {  	v55 =	vmul.u32 $0x3B, v38;
	v37 =	vand.u32 $0x7, v34;
	v52 =	vand.u32 $0xFFF8, v50;
	[tilespmem:s24+$0x1B170] =	vst v24  }
0x432: {  	v38 =	vcvt.s32.f32 v38;
	v51 =	vsub.f32 v54, v48;
	v25 =	vor.u32 v37, v52;
	v26 =	vld.idx.msk [tilespmem:v45+s17+$0x0], $0xffff  }
0x433: {  	[tilespmem:s24+$0x1C160] =	vst v4;
	v4 =	vsub.f32 v18, v60;
	v53 =	vsub.f32 $1.000000000e+00, v28;
	v31 =	vadd.s32 v27, v55;
	v32 =	vld.idx.msk [tilespmem:v47+s17+$0x0], $0xffff  }
0x434: {  	v27 =	vcvt.s32.f32 v27;
	v61 =	vsub.f32 v36, v38;
	v54 =	vsub.f32 $1.000000000e+00, v51  }
0x435: {  	v63 =	vadd.s32 $0x79A3, v34;
	v46 =	vadd.s32 $0x79DF, v34;
	v39 =	vmul.f32 v51, v53;
	v56 =	vld.idx.msk [tilespmem:v49+s17+$0x0], $0xffff  }
0x436: {  	v57 =	vadd.s32 $0x87B3, v31;
	v58 =	vadd.s32 $0x87EE, v31;
	v35 =	vmul.f32 v54, v53  }
0x437: {  	v59 =	vadd.s32 $0x87B4, v31;
	v48 =	vadd.s32 $0x87EF, v31;
	v40 =	vmul.f32 v54, v28;
	v25 =	vld.idx.msk [tilespmem:v25+s17+$0x0], $0xffff  }
0x438: {  	v27 =	vsub.f32 v33, v27;
	v26 =	vmul.f32 v26, v35;
	v32 =	vmul.f32 v32, v39  }
0x439: {  	v43 =	vadd.s32 $0x9587, v31;
	v36 =	vsub.f32 $1.000000000e+00, v61;
	v24 =	vmul.f32 v51, v28  }
0x43a: {  	v33 =	vsub.f32 $1.000000000e+00, v27;
	v29 =	vmul.f32 v56, v40;
	v26 =	vadd.f32 v32, v26  }
0x43b: {  	v51 =	vadd.s32 $0x79A4, v34;
	v28 =	vmul.f32 v36, v27;
	v34 =	vadd.s32 $0x79E0, v34;
	v23 =	vld.idx.msk [tilespmem:v57+s17+$0x0], $0xffff  }
0x43c: {  	v27 =	vmul.f32 v61, v27;
	v45 =	vld.idx.msk [tilespmem:v58+s17+$0x0], $0xffff;
	v25 =	vmul.f32 v25, v24;
	v62 =	vadd.f32 v29, v26  }
0x43d: {  	v47 =	vcvt.s32.f32 v30;
	v49 =	vmul.u32 $0x3A, v30;
	v42 =	vmul.f32 v36, v33  }
0x43e: {  	v50 =	vld.idx.msk [tilespmem:v59+s17+$0x0], $0xffff;
	v33 =	vmul.f32 v61, v33;
	v58 =	vmul.f32 $5.800000000e+01, v15;
	v25 =	vadd.f32 v25, v62  }
0x43f: {  	v57 =	vand.u32 $0xFFF8, v34;
	v59 =	vmul.f32 $5.800000000e+01, v14;
	v18 =	vsub.f32 v21, v47  }
0x440: {  	v21 =	vadd.s32 v22, v49;
	v60 =	vtrunc.f32 v58;
	v56 =	vld.idx.msk [tilespmem:v48+s17+$0x0], $0xffff;
	v52 =	vmul.f32 v23, v42;
	[tilespmem:s24+$0x1B970] =	vst v25  }
0x441: {  	v54 =	vmul.f32 v45, v33;
	v32 =	vor.u32 v37, v57;
	v37 =	vcvt.f32.s32 v60;
	v53 =	vld.idx.msk [tilespmem:v63+s17+$0x0], $0xffff  }
0x442: {  	v15 =	vmul.f32 $5.700000000e+01, v15;
	v14 =	vmul.f32 $5.700000000e+01, v14;
	v61 =	vadd.s32 $0xA2E5, v21;
	v55 =	vld.idx.msk [tilespmem:v46+s17+$0x0], $0xffff  }
0x443: {  	v30 =	vmul.f32 v50, v28;
	v22 =	vadd.f32 v54, v52;
	vm10 =	vgt.s32 v37, $0x0  }
0x444: {  	v38 =	vand.u32 $0x7, v21;
	v37 =	vnsel vm10, $0x0, v37;
	v62 =	vtrunc.f32 v59;
	v25 =	vld.idx.msk [tilespmem:v51+s17+$0x0], $0xffff  }
0x445: {  	v22 =	vadd.f32 v30, v22;
	v37 =	vmin.u32 v37, $0x39;
	v30 =	vcvt.f32.s32 v62  }
0x446: {  	v54 =	vadd.s32 $0xA31F, v21;
	v36 =	vmul.f32 v56, v27;
	v44 =	vmul.u32 $0x3B, v37;
	v32 =	vld.idx.msk [tilespmem:v32+s17+$0x0], $0xffff  }
0x447: {  	vm11 =	vgt.s32 v30, $0x0;
	v23 =	vmul.f32 v53, v35;
	v29 =	vmul.f32 v55, v39  }
0x448: {  	v62 =	vadd.s32 $0xA320, v21;
	v21 =	vadd.s32 $0xA2E6, v21;
	v30 =	vnsel vm11, $0x0, v30  }
0x449: {  	v30 =	vmin.u32 v30, $0x39;
	v25 =	vmul.f32 v25, v40;
	v23 =	vadd.f32 v29, v23  }
0x44a: {  	v47 =	vsub.f32 $1.000000000e+00, v4;
	v45 =	vadd.f32 v36, v22;
	v36 =	vadd.s32 v30, v44  }
0x44b: {  	[tilespmem:s24+$0x1D150] =	vst v20;
	v48 =	vadd.s32 $0x87B3, v36;
	v24 =	vmul.f32 v32, v24;
	v23 =	vadd.f32 v25, v23  }
0x44c: {  	v20 =	vsub.f32 $1.000000000e+00, v18;
	v56 =	vadd.s32 $0x9588, v31;
	[tilespmem:s24+$0x1C960] =	vst v45;
	v50 =	vadd.s32 $0x87EE, v36  }
0x44d: {  	v37 =	vcvt.s32.f32 v37;
	v46 =	vadd.s32 $0x954D, v31;
	v52 =	vld.idx.msk [tilespmem:v43+s17+$0x0], $0xffff;
	v23 =	vadd.f32 v24, v23  }
0x44e: {  	v26 =	vand.u32 $0xBFF8, v56;
	v30 =	vcvt.s32.f32 v30;
	v21 =	vld.idx.msk [tilespmem:v21+s17+$0x0], $0xffff;
	v53 =	vadd.s32 $0x87B4, v36  }
0x44f: {  	v63 =	vadd.s32 $0x954C, v31;
	v51 =	vmul.f32 v20, v47;
	v57 =	vsub.f32 v58, v37;
	v35 =	vld.idx.msk [tilespmem:v61+s17+$0x0], $0xffff;
	[tilespmem:s24+$0x1C170] =	vst v23  }
0x450: {  	v31 =	vand.u32 $0x7, v31;
	v58 =	vadd.s32 $0x87EF, v36;
	v55 =	vsub.f32 v59, v30;
	v32 =	vld.idx.msk [tilespmem:v48+s17+$0x0], $0xffff  }
0x451: {  	v20 =	vmul.f32 v20, v4;
	v4 =	vmul.f32 v18, v4;
	v26 =	vor.u32 v31, v26;
	v19 =	vld.idx.msk [tilespmem:v50+s17+$0x0], $0xffff  }
0x452: {  	v60 =	vsub.f32 $1.000000000e+00, v57;
	v44 =	vcvt.f32.s32 v41;
	v22 =	vld.idx.msk [tilespmem:v46+s17+$0x0], $0xffff;
	v59 =	vsub.f32 $1.000000000e+00, v55  }
0x453: {  	v31 =	vand.u32 $0xFFF8, v62;
	v39 =	vtrunc.f32 v9;
	v29 =	vmul.f32 v52, v33;
	v61 =	vld.idx.msk [tilespmem:v53+s17+$0x0], $0xffff  }
0x454: {  	v43 =	vadd.s32 $0x954C, v36;
	v49 =	vld.idx.msk [tilespmem:v63+s17+$0x0], $0xffff;
	v63 =	vmul.f32 v60, v59;
	v33 =	vmul.f32 v57, v59  }
0x455: {  	v45 =	vadd.s32 $0x9587, v36;
	v7 =	vmul.f32 v35, v51;
	v35 =	vmul.f32 v60, v55;
	v34 =	vld.idx.msk [tilespmem:v58+s17+$0x0], $0xffff  }
0x456: {  	v30 =	vor.u32 v38, v31;
	v26 =	vld.idx.msk [tilespmem:v26+s17+$0x0], $0xffff;
	v32 =	vmul.f32 v32, v63;
	v19 =	vmul.f32 v19, v33  }
0x457: {  	vm13 =	vgt.s32 v44, $0x0;
	v40 =	vcvt.f32.s32 v39;
	v22 =	vmul.f32 v22, v28  }
0x458: {  	v24 =	vmul.f32 v57, v55;
	v28 =	vmul.f32 v61, v35;
	v19 =	vadd.f32 v19, v32  }
0x459: {  	vm12 =	vgt.s32 v40, $0x0;
	v20 =	vmul.f32 v21, v20;
	v25 =	vmul.f32 v18, v47  }
0x45a: {  	v12 =	vmul.f32 v49, v42;
	v42 =	vmul.f32 v34, v24;
	v19 =	vadd.f32 v28, v19  }
0x45b: {  	v47 =	vnsel vm12, $0x0, v40;
	v51 =	vadd.s32 $0x9588, v36;
	v46 =	vmul.f32 v26, v27  }
0x45c: {  	v26 =	vmin.u32 v47, $0x38;
	v55 =	vtrunc.f32 v15;
	v23 =	vld.idx.msk [tilespmem:v54+s17+$0x0], $0xffff;
	v19 =	vadd.f32 v42, v19  }
0x45d: {  	v12 =	vadd.f32 v29, v12;
	v49 =	vcvt.s32.f32 v26;
	v48 =	vadd.s32 $0x954D, v36  }
0x45e: {  	v29 =	vand.u32 $0xBFF8, v51;
	v27 =	vcvt.f32.s32 v55;
	v53 =	vand.u32 $0x7, v36;
	[tilespmem:s24+$0x1C970] =	vst v19  }
0x45f: {  	v57 =	vtrunc.f32 v14;
	v12 =	vadd.f32 v22, v12;
	v54 =	vor.u32 v53, v29;
	v50 =	vld.idx.msk [tilespmem:v43+s17+$0x0], $0xffff  }
0x460: {  	v9 =	vsub.f32 v9, v49;
	vm14 =	vgt.s32 v27, $0x0;
	v29 =	vcvt.f32.s32 v57;
	v31 =	vld.idx.msk [tilespmem:v45+s17+$0x0], $0xffff  }
0x461: {  	v27 =	vnsel vm14, $0x0, v27;
	v23 =	vmul.f32 v23, v25;
	v25 =	vnsel vm13, $0x0, v44  }
0x462: {  	v12 =	vadd.f32 v46, v12;
	v27 =	vmin.u32 v27, $0x38;
	v25 =	vmin.u32 v25, $0x38;
	v19 =	vld.idx.msk [tilespmem:v48+s17+$0x0], $0xffff  }
0x463: {  	vm15 =	vgt.s32 v29, $0x0;
	v52 =	vcvt.s32.f32 v25;
	v25 =	vmul.u32 $0x3A, v25  }
0x464: {  	v38 =	vsub.f32 $1.000000000e+00, v9;
	v29 =	vnsel vm15, $0x0, v29;
	v61 =	vmul.u32 $0x3A, v27;
	v22 =	vld.idx.msk [tilespmem:v54+s17+$0x0], $0xffff  }
0x465: {  	v25 =	vadd.s32 v26, v25;
	v28 =	vmul.f32 v50, v63;
	v56 =	vmul.f32 v31, v33  }
0x466: {  	v29 =	vmin.u32 v29, $0x38;
	v8 =	vsub.f32 v8, v52;
	v58 =	vadd.s32 $0xA2E5, v25  }
0x467: {  	v59 =	vadd.s32 $0xA31F, v25;
	v19 =	vmul.f32 v19, v35;
	v26 =	vadd.f32 v56, v28  }
0x468: {  	v60 =	vadd.s32 $0xA2E6, v25;
	v62 =	vadd.s32 $0xA320, v25;
	v63 =	vadd.s32 v29, v61  }
0x469: {  	v22 =	vmul.f32 v22, v24;
	v33 =	vadd.s32 $0xA2E5, v63;
	v19 =	vadd.f32 v19, v26  }
0x46a: {  	v37 =	vld.idx.msk [tilespmem:v30+s17+$0x0], $0xffff;
	v25 =	vand.u32 $0x7, v25;
	v42 =	vsub.f32 $1.000000000e+00, v8;
	v36 =	vadd.s32 $0xA31F, v63  }
0x46b: {  	[tilespmem:s24+$0x1D160] =	vst v12;
	v29 =	vcvt.s32.f32 v29;
	v35 =	vcvt.s32.f32 v27;
	v19 =	vadd.f32 v22, v19  }
0x46c: {  	v39 =	vld.idx.msk [tilespmem:v58+s17+$0x0], $0xffff;
	v40 =	vadd.s32 $0xA2E6, v63;
	v41 =	vadd.s32 $0xA320, v63;
	v26 =	vand.u32 $0xFFF8, v62  }
0x46d: {  	v24 =	vand.u32 $0x7, v63;
	v28 =	vld.idx.msk [tilespmem:v59+s17+$0x0], $0xffff;
	v30 =	vand.u32 $0xFFF8, v41;
	v25 =	vor.u32 v25, v26;
	[tilespmem:s24+$0x1D170] =	vst v19  }
0x46e: {  	v14 =	vsub.f32 v14, v29;
	v15 =	vsub.f32 v15, v35;
	v44 =	vor.u32 v24, v30;
	v43 =	vld.idx.msk [tilespmem:v33+s17+$0x0], $0xffff  }
0x46f: {  	v13 =	vadd.f32 v13, v16;
	v4 =	vmul.f32 v37, v4;
	v45 =	vmul.f32 v42, v38;
	v27 =	vld.idx.msk [tilespmem:v36+s17+$0x0], $0xffff  }
0x470: {  	v49 =	vmul.f32 v8, v38;
	v48 =	vld.idx.msk [tilespmem:v60+s17+$0x0], $0xffff;
	v46 =	vsub.f32 $1.000000000e+00, v14;
	v47 =	vsub.f32 $1.000000000e+00, v15  }
0x471: {  	v10 =	vadd.f32 v11, v10;
	v55 =	vmul.f32 v42, v9;
	v50 =	vmul.f32 v39, v45;
	v22 =	vld.idx.msk [tilespmem:v40+s17+$0x0], $0xffff  }
0x472: {  	v7 =	vadd.f32 v23, v7;
	v51 =	vmul.f32 v47, v46;
	v53 =	vmul.f32 v15, v46;
	v52 =	vld.idx.msk [tilespmem:v25+s17+$0x0], $0xffff  }
0x473: {  	v10 =	vadd.f32 v17, v10;
	v58 =	vmul.f32 v47, v14;
	v16 =	vmul.f32 v28, v49;
	v56 =	vld.idx.msk [tilespmem:v44+s17+$0x0], $0xffff  }
0x474: {  	v7 =	vadd.f32 v20, v7;
	v54 =	vmul.f32 v43, v51;
	v57 =	vmul.f32 v27, v53  }
0x475: {  	[tilespmem:s24+$0x1D900] =	vst v3;
	v8 =	vmul.f32 v8, v9;
	v59 =	vmul.f32 v48, v55;
	v3 =	vadd.f32 v16, v50  }
0x476: {  	s22 =	sadd.s32 $0x8, s22;
	[tilespmem:s24+$0x1D910] =	vst v2;
	v61 =	vmul.f32 v15, v14;
	v60 =	vmul.f32 v22, v58;
	v2 =	vadd.f32 v57, v54  }
0x477: {  	p1 =	slt.u32 s22, $0x78;
	[tilespmem:s24+$0x1D930] =	vst v13;
	v5 =	vadd.f32 v5, v10;
	v3 =	vadd.f32 v59, v3;
	v62 =	vmul.f32 v52, v8  }
.Ltmp2:
0x478: {  	[tilespmem:s24+$0x1D920] =	vst v6;
	v4 =	vadd.f32 v4, v7;
	v63 =	vmul.f32 v56, v61;
	v2 =	vadd.f32 v60, v2;
	(pc) =	sbr.rel @p1 .LBB2_6-.Ltmp2, $4  }
0x479: {  	[tilespmem:s24+$0x1D940] =	vst v5;
	v3 =	vadd.f32 v62, v3  }
0x47a: {  	[tilespmem:s24+$0x1D950] =	vst v4;
	v2 =	vadd.f32 v63, v2  }
0x47b: {  	[tilespmem:s24+$0x1D960] =	vst v3  }
0x47c: {  	s23 =	sadd.s32 $0x200, s23;
	[tilespmem:s24+$0x1D970] =	vst v2  }
0x47d: {  	s20 =	sadd.s32 s7, s20  }
0x47e: {  	s20 =	smul.u32 $0x24, s20;
	_ =	sdelay $0x1  }
0x47f: {  	p1 =	sne.s32 s21, $0x19;
	s20 =	sadd.s32 s8, s20  }
.Ltmp3:
0x480: {  	s20 =	sshll.u32 s20, $0x8;
	(pc) =	sbr.rel @p1 .LBB2_5-.Ltmp3, $4  }
0x481: {  	s20 =	sand.u32 $0x1FFFFC00, s20  }
0x482: {  	s20 =	sadd.s32 s5, s20  }
0x483: {  	[hbm4b:s20+s1] =	stream.linear.scatter [tilespmem:s14], [sflag:$0x3], $0x6000, $0x38;
	[tilespmem:$0x1E100] =	vst v63  }
0x484: {  	p0 =	por !p0, !p0;
	s20 =	smov.u32 s21  }
0x485: {  	s19 =	sadd.s32 $0x1, s19  }
0x486: {  	p0 =	sne.s32 s19, s12  }
.Ltmp4:
0x487: {  	_ = 	snop;
	(pc) =	sbr.rel @p0 .LBB2_2-.Ltmp4, $4  }
0x488: {  	_ = 	snop  }
0x489: {  	_ =	swait.ge [sflag:s18], $0x6000  }
0x48a: {  	[sflag:s18] =	ssyncset.done $0x0  }
0x48b: {  	[sflag:s18] =	ssyncadd.s32 $0xFFFFA000  }
.LBB2_9:
0x48c: {  	_ =	sfence.sel $0x180000  }
0x48d: {  	[bflag:$0x0] =	sbarrier.arrive $0xFFFF  }
0x48e: {  	_ =	strace $0x90000047  }
0x48f: {  	s0 =	stileid.u32;
	[bflag:$0x2] =	sbarrier.arrive $0xFFFF  }
0x490: {  	p0 =	sne.s32 s0, $0x0;
	s0 =	rddreg [dreg:$0x2]  }
0x491: {  	s0 =	sadd.s32 @!p0 $0x100000, s0  }
0x492: {  	[sflag:s0] =	ssyncadd.tile.s32 @!p0 $0x1;
	_ =	shalt  }
.Lfunc_end2:
_tile_overlayer_lowered:
.L_overlay_start_2:
0x493: {  	(tag) =	ssettag $0x2  }
0x494: {  	s0 =	rddreg [dreg:$0x0];
	s2 =	stileid.u32  }
0x495: {  	s1 =	rddreg [dreg:$0x1];
	p0 =	sne.s32 s2, $0x0  }
0x496: {  	s3 =	rddreg [dreg:$0x2];
	[bflag:$0x3] =	sbarrier.arrive $0xFFFF;
	s2 =	simm.s32 @!p0 $0x1C04  }
0x497: {  	[timem:s3], [sflag:s2] =	dma.local @!p0 [hbm:s0], s1  }
0x498: {  	s0 =	simm.s32 @!p0 $0x4  }
0x499: {  	_ =	swait.ge @!p0 [sflag:s0], s1  }
0x49a: {  	s1 =	ssub.s32 @!p0 $0x0, s1;
	[sflag:s0] =	ssyncset.done @!p0 $0x0  }
0x49b: {  	[sflag:s0] =	ssyncadd.s32 @!p0 s1  }
0x49c: {  	[bflag:$0x3] =	sbarrier.arrive $0xFFFF  }
0x49d: {  	_ =	shalt  }

</sc_bundles>
